<compile_context>
chip_gen: v7x
topology: tpu7x:2x2x1
jax: 0.10.2.dev20260603
libtpu: 0.0.44.dev20260713+nightly
codegen_flags: <defaults>
</compile_context>

<pallas_src>
import jax
import jax.numpy as jnp
from jax import lax
from jax.experimental import pallas as pl
from jax.experimental.pallas import tpu as pltpu
from jax.experimental.pallas import tpu_sc as plsc

BOHR = 0.52917721067121
ZMAX = 92
NC = 2
NS = 16
NW = NC * NS
LANES = 16
BLK = 128
NBLK = 16
CHUNK = NBLK * BLK
UNROLL = 4


def _pad1d(x, mult):
    n = x.shape[0]
    p = (-n) % mult
    if p:
        x = jnp.concatenate([x, jnp.zeros((p,), x.dtype)])
    return x


def _make_sc_call(n_nodes, n_edges, spk_n, tab_n):
    nch = n_edges // CHUNK
    base, rem = nch // NW, nch % NW

    def body(spk_h, csf_h, alf_h, src_h, dst_h, d_h, sw_h, zeros_h,
             out_h,
             spk, csf, alf,
             srcb0, srcb1, dstb0, dstb1, db0, db1, swb0, swb1,
             valb0, valb1, scb0, scb1,
             acc, sem0, sem1, scsem0, scsem1):
        cid = lax.axis_index("c")
        sid = lax.axis_index("s")
        wid = sid * NC + cid
        start = wid * base + jnp.minimum(wid, rem)
        cnt = base + (wid < rem).astype(jnp.int32)

        pltpu.sync_copy(spk_h, spk)
        pltpu.sync_copy(csf_h, csf)
        pltpu.sync_copy(alf_h, alf)

        @pl.when(sid == 0)
        def _():
            pltpu.sync_copy(zeros_h, acc)
        plsc.subcore_barrier()

        ins = (src_h, dst_h, d_h, sw_h)
        bufs0 = (srcb0, dstb0, db0, swb0)
        bufs1 = (srcb1, dstb1, db1, swb1)

        def fire_in(c, bufs, sem):
            row = (start + c) * NBLK
            for h, b in zip(ins, bufs):
                pltpu.async_copy(h.at[pl.ds(row, NBLK)], b, sem)

        def wait_in(bufs, sem):
            for h, b in zip(ins, bufs):
                pltpu.make_async_copy(h.at[pl.ds(0, NBLK)], b, sem).wait()

        def fire_sc(valb, scb, sem):
            for j in range(NBLK):
                pltpu.async_copy(valb.at[pl.ds(j * BLK, BLK)],
                                 acc.at[scb.at[j]], sem, add=True)

        def wait_sc(valb, scb, sem):
            for j in range(NBLK):
                pltpu.make_async_copy(valb.at[pl.ds(j * BLK, BLK)],
                                      acc.at[scb.at[j]], sem).wait()

        half = 0.5 * BOHR

        def compute(srcb, dstb, db, swb, valb, scb):
            @plsc.parallel_loop(0, CHUNK // LANES, 1, unroll=UNROLL)
            def _(g):
                j = lax.shift_right_logical(g, 3)
                sl = pl.ds((g & 7) * LANES, LANES)
                s = srcb[j, sl]
                t = dstb[j, sl]
                zs_p = plsc.load_gather(spk, [lax.shift_right_logical(s, 2)])
                zt_p = plsc.load_gather(spk, [lax.shift_right_logical(t, 2)])
                zs = lax.shift_right_logical(zs_p, (s & 3) * 8) & 255
                zt = lax.shift_right_logical(zt_p, (t & 3) * 8) & 255
                b3 = (zs + ZMAX * zt) * 3
                d = db[j, sl]
                nd = -d
                phi = (plsc.load_gather(csf, [b3])
                       * jnp.exp(plsc.load_gather(alf, [b3]) * nd)
                       + plsc.load_gather(csf, [b3 + 1])
                       * jnp.exp(plsc.load_gather(alf, [b3 + 1]) * nd)
                       + plsc.load_gather(csf, [b3 + 2])
                       * jnp.exp(plsc.load_gather(alf, [b3 + 2]) * nd))
                zz = (zs * zt).astype(jnp.float32)
                scb[j, sl] = s
                valb[pl.ds(g * LANES, LANES)] = zz * phi * swb[j, sl] * half / d

        @pl.when(cnt > 0)
        def _():
            fire_in(0, bufs0, sem0)

        npairs = (cnt + 1) // 2

        def pair(p, carry):
            c1 = 2 * p + 1
            c2 = 2 * p + 2

            @pl.when(c1 < cnt)
            def _():
                fire_in(c1, bufs1, sem1)

            wait_in(bufs0, sem0)

            @pl.when(p > 0)
            def _():
                wait_sc(valb0, scb0, scsem0)
            compute(srcb0, dstb0, db0, swb0, valb0, scb0)
            fire_sc(valb0, scb0, scsem0)

            @pl.when(c2 < cnt)
            def _():
                fire_in(c2, bufs0, sem0)

            @pl.when(c1 < cnt)
            def _():
                wait_in(bufs1, sem1)

                @pl.when(p > 0)
                def _():
                    wait_sc(valb1, scb1, scsem1)
                compute(srcb1, dstb1, db1, swb1, valb1, scb1)
                fire_sc(valb1, scb1, scsem1)
            return carry

        lax.fori_loop(0, npairs, pair, 0)

        @pl.when(cnt >= 1)
        def _():
            wait_sc(valb0, scb0, scsem0)

        @pl.when(cnt >= 2)
        def _():
            wait_sc(valb1, scb1, scsem1)

        plsc.subcore_barrier()

        @pl.when(sid == 0)
        def _():
            pltpu.sync_copy(acc, out_h.at[cid])

    f32 = jnp.float32
    i32 = jnp.int32
    mesh = plsc.VectorSubcoreMesh(core_axis_name="c", subcore_axis_name="s",
                                  num_cores=NC, num_subcores=NS)
    ebuf_i = pltpu.VMEM((NBLK, BLK), i32)
    ebuf_f = pltpu.VMEM((NBLK, BLK), f32)
    vbuf_f = pltpu.VMEM((CHUNK,), f32)
    return pl.kernel(
        body,
        out_type=jax.ShapeDtypeStruct((NC, n_nodes), f32),
        mesh=mesh,
        compiler_params=pltpu.CompilerParams(needs_layout_passes=False),
        scratch_types=[
            pltpu.VMEM((spk_n,), i32),
            pltpu.VMEM((tab_n,), f32),
            pltpu.VMEM((tab_n,), f32),
            ebuf_i, ebuf_i, ebuf_i, ebuf_i, ebuf_f, ebuf_f, ebuf_f, ebuf_f,
            vbuf_f, vbuf_f, ebuf_i, ebuf_i,
            pltpu.VMEM_SHARED((n_nodes,), f32),
            pltpu.SemaphoreType.DMA,
            pltpu.SemaphoreType.DMA,
            pltpu.SemaphoreType.DMA,
            pltpu.SemaphoreType.DMA,
        ],
    )


def kernel(species, edge_src, edge_dst, distances, switch, CS, ALPHAS):
    n_nodes = species.shape[0]
    n_edges = edge_src.shape[0]
    i32 = jnp.int32

    sp = _pad1d(species.astype(i32), 4).reshape(-1, 4)
    packed = (sp[:, 0] | (sp[:, 1] << 8) | (sp[:, 2] << 16) | (sp[:, 3] << 24))
    packed = _pad1d(packed, 16)

    csf = _pad1d(CS.reshape(-1), 32)
    alf = _pad1d(ALPHAS.reshape(-1), 32)

    src2 = edge_src.astype(i32).reshape(-1, BLK)
    dst2 = edge_dst.astype(i32).reshape(-1, BLK)
    d2 = distances.reshape(-1, BLK)
    sw2 = switch.reshape(-1, BLK)
    zeros = jnp.zeros((n_nodes,), jnp.float32)

    call = _make_sc_call(n_nodes, n_edges, packed.shape[0], csf.shape[0])
    out = call(packed, csf, alf, src2, dst2, d2, sw2, zeros)
    return out[0] + out[1]

# --- scband reference (transcript-rebuilt; emitter-appended) ---
"""Pipeline reference for scband-repulsion-nlh-19310172963097 (READ-ONLY COPY).

The authoritative reference and input builder live on the scoring server;
editing this copy changes nothing except your own understanding.
"""

import jax, jax.numpy as jnp
import numpy as np

ZMAX = 92
BOHR = 0.52917721067121
N_NODES = 100000
N_EDGES = 6400000


def setup_inputs(seed: int = 0) -> dict:
    key = jax.random.key(seed)
    k1, k2, k3, k4, k5, k6 = jax.random.split(key, 6)
    species = jax.random.randint(k1, (N_NODES,), 0, 93)
    edge_src = jax.random.randint(k2, (N_EDGES,), 0, N_NODES)
    edge_dst = jax.random.randint(k3, (N_EDGES,), 0, N_NODES)
    # interatomic distances in Angstrom-ish range (avoid r ~ 0)
    distances = jax.random.uniform(k4, (N_EDGES,), minval=0.5, maxval=5.0, dtype=jnp.float32)
    switch = jax.random.uniform(k5, (N_EDGES,), dtype=jnp.float32)
    # Synthesize NLH pair coefficient tables (stand-in for nlh_coeffs.dat):
    # AB reshaped to ((zmax+1)**2, 3, 2) -> CS = AB[:,:,0], ALPHAS = AB[:,:,1]
    kc, ka = jax.random.split(k6)
    CS_raw = jax.random.uniform(kc, ((ZMAX + 1) ** 2, 3), minval=0.05, maxval=1.0, dtype=jnp.float32)
    CS = CS_raw / jnp.sum(CS_raw, axis=1, keepdims=True)
    ALPHAS = jax.random.uniform(ka, ((ZMAX + 1) ** 2, 3), minval=1.0, maxval=5.0, dtype=jnp.float32)
    return {
        'species': species,
        'edge_src': edge_src,
        'edge_dst': edge_dst,
        'distances': distances,
        'switch': switch,
        'CS': CS,
        'ALPHAS': ALPHAS,
    }


def reference(species, edge_src, edge_dst, distances, switch, CS, ALPHAS):
    zmax = ZMAX
    # pair index into the (zmax+1)^2 coefficient tables
    s12 = species[edge_src] + zmax * species[edge_dst]
    cs = CS[s12]          # [E, 3] gather
    alphas = ALPHAS[s12]  # [E, 3] gather
    Z = jnp.where(species > 0, species.astype(distances.dtype), 0.0)
    phi = (cs * jnp.exp(-alphas * distances[:, None])).sum(axis=-1)
    ereppair = Z[edge_src] * Z[edge_dst] * phi * switch / distances
    energy_unit = 1.0  # 'Ha' multiplier
    erep_atomic = energy_unit * 0.5 * BOHR * jax.ops.segment_sum(
        ereppair, edge_src, species.shape[0])
    return erep_atomic

if __name__ == "__main__":
    import jax
    _d = setup_inputs()
    print(jax.jit(kernel)(*tuple(_d.values())))

</pallas_src>

<mosaic_0001>
#map = affine_map<(d0, d1) -> (0)>
#map1 = affine_map<(d0, d1) -> (0, 0)>
module attributes {stable_mosaic.version = 14 : i64} {
  func.func @body(%arg0: i32, %arg1: i32, %arg2: memref<25008xi32, #tpu.memory_space<hbm>>, %arg3: memref<25952xf32, #tpu.memory_space<hbm>>, %arg4: memref<25952xf32, #tpu.memory_space<hbm>>, %arg5: memref<50000x128xi32, #tpu.memory_space<hbm>>, %arg6: memref<50000x128xi32, #tpu.memory_space<hbm>>, %arg7: memref<50000x128xf32, #tpu.memory_space<hbm>>, %arg8: memref<50000x128xf32, #tpu.memory_space<hbm>>, %arg9: memref<100000xf32, #tpu.memory_space<hbm>>, %arg10: memref<2x100000xf32, #tpu.memory_space<hbm>>, %arg11: memref<25008xi32, #tpu.memory_space<vmem>>, %arg12: memref<25952xf32, #tpu.memory_space<vmem>>, %arg13: memref<25952xf32, #tpu.memory_space<vmem>>, %arg14: memref<16x128xi32, #tpu.memory_space<vmem>>, %arg15: memref<16x128xi32, #tpu.memory_space<vmem>>, %arg16: memref<16x128xi32, #tpu.memory_space<vmem>>, %arg17: memref<16x128xi32, #tpu.memory_space<vmem>>, %arg18: memref<16x128xf32, #tpu.memory_space<vmem>>, %arg19: memref<16x128xf32, #tpu.memory_space<vmem>>, %arg20: memref<16x128xf32, #tpu.memory_space<vmem>>, %arg21: memref<16x128xf32, #tpu.memory_space<vmem>>, %arg22: memref<2048xf32, #tpu.memory_space<vmem>>, %arg23: memref<2048xf32, #tpu.memory_space<vmem>>, %arg24: memref<16x128xi32, #tpu.memory_space<vmem>>, %arg25: memref<16x128xi32, #tpu.memory_space<vmem>>, %arg26: memref<100000xf32, #tpu.memory_space<vmem_shared>>, %arg27: memref<!tpu.dma_semaphore, #tpu.memory_space<semaphore_mem>>, %arg28: memref<!tpu.dma_semaphore, #tpu.memory_space<semaphore_mem>>, %arg29: memref<!tpu.dma_semaphore, #tpu.memory_space<semaphore_mem>>, %arg30: memref<!tpu.dma_semaphore, #tpu.memory_space<semaphore_mem>>) attributes {dimension_semantics = [#tpu.dimension_semantics<core_parallel>, #tpu.dimension_semantics<subcore_parallel>], iteration_bounds = array<i64: 2, 16>, scalar_prefetch = 0 : i64, scratch_operands = 20 : i64, tpu.core_type = #tpu.core_type<sc_vector_subcore>, window_params = [{transform_indices = #map}, {transform_indices = #map}, {transform_indices = #map}, {transform_indices = #map1}, {transform_indices = #map1}, {transform_indices = #map1}, {transform_indices = #map1}, {transform_indices = #map}, {transform_indices = #map1}]} {
    %mul3A = arith.constant 2 : i32
    %mul3A_0 = arith.muli %arg1, %mul3A : i32
    %add3A = arith.addi %mul3A_0, %arg0 : i32
    %mul3A_1 = arith.constant 97 : i32
    %mul3A_2 = arith.muli %add3A, %mul3A_1 : i32
    %min3A = arith.constant 21 : i32
    %min3A_3 = arith.minsi %add3A, %min3A : i32
    %add3A_4 = arith.addi %mul3A_2, %min3A_3 : i32
    %lt3A = arith.constant 21 : i32
    %lt3A_5 = arith.cmpi slt, %add3A, %lt3A : i32
    %convert_element_type3A = arith.extui %lt3A_5 : i1 to i32
    %add3A_6 = arith.constant 97 : i32
    %add3A_7 = arith.addi %add3A_6, %convert_element_type3A : i32
    "tpu.region"() ({
      %run_scoped3A = tpu.sem_alloc : memref<!tpu.dma_semaphore, #tpu.memory_space<semaphore_mem>>
      tpu.enqueue_dma source(%arg2 : memref<25008xi32, #tpu.memory_space<hbm>>) target(%arg11 : memref<25008xi32, #tpu.memory_space<vmem>>) target_semaphore(%run_scoped3A : memref<!tpu.dma_semaphore, #tpu.memory_space<semaphore_mem>>)
      tpu.wait_dma2 semaphore(%run_scoped3A : memref<!tpu.dma_semaphore, #tpu.memory_space<semaphore_mem>>) src(%arg2 : memref<25008xi32, #tpu.memory_space<hbm>>) dst(%arg11 : memref<25008xi32, #tpu.memory_space<vmem>>)
      tpu.yield
    }) : () -> ()
    "tpu.region"() ({
      %run_scoped3A = tpu.sem_alloc : memref<!tpu.dma_semaphore, #tpu.memory_space<semaphore_mem>>
      tpu.enqueue_dma source(%arg3 : memref<25952xf32, #tpu.memory_space<hbm>>) target(%arg12 : memref<25952xf32, #tpu.memory_space<vmem>>) target_semaphore(%run_scoped3A : memref<!tpu.dma_semaphore, #tpu.memory_space<semaphore_mem>>)
      tpu.wait_dma2 semaphore(%run_scoped3A : memref<!tpu.dma_semaphore, #tpu.memory_space<semaphore_mem>>) src(%arg3 : memref<25952xf32, #tpu.memory_space<hbm>>) dst(%arg12 : memref<25952xf32, #tpu.memory_space<vmem>>)
      tpu.yield
    }) : () -> ()
    "tpu.region"() ({
      %run_scoped3A = tpu.sem_alloc : memref<!tpu.dma_semaphore, #tpu.memory_space<semaphore_mem>>
      tpu.enqueue_dma source(%arg4 : memref<25952xf32, #tpu.memory_space<hbm>>) target(%arg13 : memref<25952xf32, #tpu.memory_space<vmem>>) target_semaphore(%run_scoped3A : memref<!tpu.dma_semaphore, #tpu.memory_space<semaphore_mem>>)
      tpu.wait_dma2 semaphore(%run_scoped3A : memref<!tpu.dma_semaphore, #tpu.memory_space<semaphore_mem>>) src(%arg4 : memref<25952xf32, #tpu.memory_space<hbm>>) dst(%arg13 : memref<25952xf32, #tpu.memory_space<vmem>>)
      tpu.yield
    }) : () -> ()
    %eq3A = arith.constant 0 : i32
    %eq3A_8 = arith.cmpi eq, %arg1, %eq3A : i32
    %convert_element_type3A_9 = arith.extui %eq3A_8 : i1 to i32
    %cond3A = arith.constant 0 : i32
    %cond3A_10 = arith.cmpi ne, %convert_element_type3A_9, %cond3A : i32
    scf.if %cond3A_10 {
      "tpu.region"() ({
        %run_scoped3A = tpu.sem_alloc : memref<!tpu.dma_semaphore, #tpu.memory_space<semaphore_mem>>
        tpu.enqueue_dma source(%arg9 : memref<100000xf32, #tpu.memory_space<hbm>>) target(%arg26 : memref<100000xf32, #tpu.memory_space<vmem_shared>>) target_semaphore(%run_scoped3A : memref<!tpu.dma_semaphore, #tpu.memory_space<semaphore_mem>>)
        tpu.wait_dma2 semaphore(%run_scoped3A : memref<!tpu.dma_semaphore, #tpu.memory_space<semaphore_mem>>) src(%arg9 : memref<100000xf32, #tpu.memory_space<hbm>>) dst(%arg26 : memref<100000xf32, #tpu.memory_space<vmem_shared>>)
        tpu.yield
      }) : () -> ()
    } else {
    }
    %barrier3A = arith.constant 0 : index
    tpu.barrier barrier_id(%barrier3A)
    %gt3A = arith.constant 0 : i32
    %gt3A_11 = arith.cmpi sgt, %add3A_7, %gt3A : i32
    %convert_element_type3A_12 = arith.extui %gt3A_11 : i1 to i32
    %cond3A_13 = arith.constant 0 : i32
    %cond3A_14 = arith.cmpi ne, %convert_element_type3A_12, %cond3A_13 : i32
    scf.if %cond3A_14 {
      %add3A_57 = arith.constant 0 : i32
      %add3A_58 = arith.addi %add3A_4, %add3A_57 : i32
      %mul3A_59 = arith.constant 16 : i32
      %mul3A_60 = arith.muli %add3A_58, %mul3A_59 : i32
      %dma_start3A = arith.constant 0 : i32
      %dma_start3A_61 = tpu.memref_slice %arg5[%mul3A_60, %dma_start3A] : memref<50000x128xi32, #tpu.memory_space<hbm>> -> memref<16x128xi32, #tpu.memory_space<hbm>>
      %dma_start3A_62 = arith.constant 0 : i32
      %dma_start3A_63 = tpu.memref_slice %arg5[%mul3A_60, %dma_start3A_62] : memref<50000x128xi32, #tpu.memory_space<hbm>> -> memref<16x128xi32, #tpu.memory_space<hbm>>
      tpu.enqueue_dma source(%dma_start3A_63 : memref<16x128xi32, #tpu.memory_space<hbm>>) target(%arg14 : memref<16x128xi32, #tpu.memory_space<vmem>>) target_semaphore(%arg27 : memref<!tpu.dma_semaphore, #tpu.memory_space<semaphore_mem>>)
      %dma_start3A_64 = arith.constant 0 : i32
      %dma_start3A_65 = tpu.memref_slice %arg6[%mul3A_60, %dma_start3A_64] : memref<50000x128xi32, #tpu.memory_space<hbm>> -> memref<16x128xi32, #tpu.memory_space<hbm>>
      %dma_start3A_66 = arith.constant 0 : i32
      %dma_start3A_67 = tpu.memref_slice %arg6[%mul3A_60, %dma_start3A_66] : memref<50000x128xi32, #tpu.memory_space<hbm>> -> memref<16x128xi32, #tpu.memory_space<hbm>>
      tpu.enqueue_dma source(%dma_start3A_67 : memref<16x128xi32, #tpu.memory_space<hbm>>) target(%arg16 : memref<16x128xi32, #tpu.memory_space<vmem>>) target_semaphore(%arg27 : memref<!tpu.dma_semaphore, #tpu.memory_space<semaphore_mem>>)
      %dma_start3A_68 = arith.constant 0 : i32
      %dma_start3A_69 = tpu.memref_slice %arg7[%mul3A_60, %dma_start3A_68] : memref<50000x128xf32, #tpu.memory_space<hbm>> -> memref<16x128xf32, #tpu.memory_space<hbm>>
      %dma_start3A_70 = arith.constant 0 : i32
      %dma_start3A_71 = tpu.memref_slice %arg7[%mul3A_60, %dma_start3A_70] : memref<50000x128xf32, #tpu.memory_space<hbm>> -> memref<16x128xf32, #tpu.memory_space<hbm>>
      tpu.enqueue_dma source(%dma_start3A_71 : memref<16x128xf32, #tpu.memory_space<hbm>>) target(%arg18 : memref<16x128xf32, #tpu.memory_space<vmem>>) target_semaphore(%arg27 : memref<!tpu.dma_semaphore, #tpu.memory_space<semaphore_mem>>)
      %dma_start3A_72 = arith.constant 0 : i32
      %dma_start3A_73 = tpu.memref_slice %arg8[%mul3A_60, %dma_start3A_72] : memref<50000x128xf32, #tpu.memory_space<hbm>> -> memref<16x128xf32, #tpu.memory_space<hbm>>
      %dma_start3A_74 = arith.constant 0 : i32
      %dma_start3A_75 = tpu.memref_slice %arg8[%mul3A_60, %dma_start3A_74] : memref<50000x128xf32, #tpu.memory_space<hbm>> -> memref<16x128xf32, #tpu.memory_space<hbm>>
      tpu.enqueue_dma source(%dma_start3A_75 : memref<16x128xf32, #tpu.memory_space<hbm>>) target(%arg20 : memref<16x128xf32, #tpu.memory_space<vmem>>) target_semaphore(%arg27 : memref<!tpu.dma_semaphore, #tpu.memory_space<semaphore_mem>>)
    } else {
    }
    %add3A_15 = arith.constant 1 : i32
    %add3A_16 = arith.addi %add3A_7, %add3A_15 : i32
    %jit3A = arith.constant 2 : i32
    %div3A = arith.divsi %add3A_16, %jit3A : i32
    %sign3A = arith.constant 0 : i32
    %sign3A_17 = arith.cmpi sgt, %add3A_16, %sign3A : i32
    %sign3A_18 = arith.extui %sign3A_17 : i1 to i32
    %sign3A_19 = arith.constant 0 : i32
    %sign3A_20 = arith.cmpi slt, %add3A_16, %sign3A_19 : i32
    %sign3A_21 = arith.extui %sign3A_20 : i1 to i32
    %sign3A_22 = arith.subi %sign3A_18, %sign3A_21 : i32
    %sign3A_23 = arith.constant 0 : i32
    %sign3A_24 = arith.cmpi sgt, %jit3A, %sign3A_23 : i32
    %sign3A_25 = arith.extui %sign3A_24 : i1 to i32
    %sign3A_26 = arith.constant 0 : i32
    %sign3A_27 = arith.cmpi slt, %jit3A, %sign3A_26 : i32
    %sign3A_28 = arith.extui %sign3A_27 : i1 to i32
    %sign3A_29 = arith.subi %sign3A_25, %sign3A_28 : i32
    %ne3A = arith.cmpi ne, %sign3A_22, %sign3A_29 : i32
    %rem3A = arith.remsi %add3A_16, %jit3A : i32
    %ne3A_30 = arith.constant 0 : i32
    %ne3A_31 = arith.cmpi ne, %rem3A, %ne3A_30 : i32
    %and3A = arith.andi %ne3A, %ne3A_31 : i1
    %sub3A = arith.constant 1 : i32
    %sub3A_32 = arith.subi %div3A, %sub3A : i32
    %select_n3A = arith.select %and3A, %sub3A_32, %div3A : i32
    %while3A = arith.constant 0 : i32
    %while3A_33 = arith.constant 0 : i32
    %while3A_34 = arith.subi %select_n3A, %while3A_33 : i32
    %while3A_35 = arith.addi %while3A_33, %while3A_34 : i32
    %while3A_36 = arith.constant 1 : i32
    %while3A_37 = arith.divsi %while3A_34, %while3A_36 : i32
    %while3A_38 = arith.muli %while3A_37, %while3A_36 : i32
    %while3A_39 = arith.addi %while3A_33, %while3A_38 : i32
    %while3A_40 = arith.constant 1 : i32
    scf.for %while3A_57 = %while3A_33 to %while3A_39 step %while3A_40  : i32 {
      %mul3A_58 = arith.constant 2 : i32
      %mul3A_59 = arith.muli %mul3A_58, %while3A_57 : i32
      %add3A_60 = arith.constant 1 : i32
      %add3A_61 = arith.addi %mul3A_59, %add3A_60 : i32
      %mul3A_62 = arith.constant 2 : i32
      %mul3A_63 = arith.muli %mul3A_62, %while3A_57 : i32
      %add3A_64 = arith.constant 2 : i32
      %add3A_65 = arith.addi %mul3A_63, %add3A_64 : i32
      %lt3A_66 = arith.cmpi slt, %add3A_61, %add3A_7 : i32
      %convert_element_type3A_67 = arith.extui %lt3A_66 : i1 to i32
      %cond3A_68 = arith.constant 0 : i32
      %cond3A_69 = arith.cmpi ne, %convert_element_type3A_67, %cond3A_68 : i32
      scf.if %cond3A_69 {
        %add3A_235 = arith.addi %add3A_4, %add3A_61 : i32
        %mul3A_236 = arith.constant 16 : i32
        %mul3A_237 = arith.muli %add3A_235, %mul3A_236 : i32
        %dma_start3A_238 = arith.constant 0 : i32
        %dma_start3A_239 = tpu.memref_slice %arg5[%mul3A_237, %dma_start3A_238] : memref<50000x128xi32, #tpu.memory_space<hbm>> -> memref<16x128xi32, #tpu.memory_space<hbm>>
        %dma_start3A_240 = arith.constant 0 : i32
        %dma_start3A_241 = tpu.memref_slice %arg5[%mul3A_237, %dma_start3A_240] : memref<50000x128xi32, #tpu.memory_space<hbm>> -> memref<16x128xi32, #tpu.memory_space<hbm>>
        tpu.enqueue_dma source(%dma_start3A_241 : memref<16x128xi32, #tpu.memory_space<hbm>>) target(%arg15 : memref<16x128xi32, #tpu.memory_space<vmem>>) target_semaphore(%arg28 : memref<!tpu.dma_semaphore, #tpu.memory_space<semaphore_mem>>)
        %dma_start3A_242 = arith.constant 0 : i32
        %dma_start3A_243 = tpu.memref_slice %arg6[%mul3A_237, %dma_start3A_242] : memref<50000x128xi32, #tpu.memory_space<hbm>> -> memref<16x128xi32, #tpu.memory_space<hbm>>
        %dma_start3A_244 = arith.constant 0 : i32
        %dma_start3A_245 = tpu.memref_slice %arg6[%mul3A_237, %dma_start3A_244] : memref<50000x128xi32, #tpu.memory_space<hbm>> -> memref<16x128xi32, #tpu.memory_space<hbm>>
        tpu.enqueue_dma source(%dma_start3A_245 : memref<16x128xi32, #tpu.memory_space<hbm>>) target(%arg17 : memref<16x128xi32, #tpu.memory_space<vmem>>) target_semaphore(%arg28 : memref<!tpu.dma_semaphore, #tpu.memory_space<semaphore_mem>>)
        %dma_start3A_246 = arith.constant 0 : i32
        %dma_start3A_247 = tpu.memref_slice %arg7[%mul3A_237, %dma_start3A_246] : memref<50000x128xf32, #tpu.memory_space<hbm>> -> memref<16x128xf32, #tpu.memory_space<hbm>>
        %dma_start3A_248 = arith.constant 0 : i32
        %dma_start3A_249 = tpu.memref_slice %arg7[%mul3A_237, %dma_start3A_248] : memref<50000x128xf32, #tpu.memory_space<hbm>> -> memref<16x128xf32, #tpu.memory_space<hbm>>
        tpu.enqueue_dma source(%dma_start3A_249 : memref<16x128xf32, #tpu.memory_space<hbm>>) target(%arg19 : memref<16x128xf32, #tpu.memory_space<vmem>>) target_semaphore(%arg28 : memref<!tpu.dma_semaphore, #tpu.memory_space<semaphore_mem>>)
        %dma_start3A_250 = arith.constant 0 : i32
        %dma_start3A_251 = tpu.memref_slice %arg8[%mul3A_237, %dma_start3A_250] : memref<50000x128xf32, #tpu.memory_space<hbm>> -> memref<16x128xf32, #tpu.memory_space<hbm>>
        %dma_start3A_252 = arith.constant 0 : i32
        %dma_start3A_253 = tpu.memref_slice %arg8[%mul3A_237, %dma_start3A_252] : memref<50000x128xf32, #tpu.memory_space<hbm>> -> memref<16x128xf32, #tpu.memory_space<hbm>>
        tpu.enqueue_dma source(%dma_start3A_253 : memref<16x128xf32, #tpu.memory_space<hbm>>) target(%arg21 : memref<16x128xf32, #tpu.memory_space<vmem>>) target_semaphore(%arg28 : memref<!tpu.dma_semaphore, #tpu.memory_space<semaphore_mem>>)
      } else {
      }
      %dma_wait3A = arith.constant 0 : i32
      %dma_wait3A_70 = arith.constant 0 : i32
      %dma_wait3A_71 = tpu.memref_slice %arg5[%dma_wait3A, %dma_wait3A_70] : memref<50000x128xi32, #tpu.memory_space<hbm>> -> memref<16x128xi32, #tpu.memory_space<hbm>>
      %dma_wait3A_72 = arith.constant 0 : i32
      %dma_wait3A_73 = arith.constant 0 : i32
      %dma_wait3A_74 = tpu.memref_slice %arg5[%dma_wait3A_72, %dma_wait3A_73] : memref<50000x128xi32, #tpu.memory_space<hbm>> -> memref<16x128xi32, #tpu.memory_space<hbm>>
      tpu.wait_dma2 semaphore(%arg27 : memref<!tpu.dma_semaphore, #tpu.memory_space<semaphore_mem>>) src(%dma_wait3A_74 : memref<16x128xi32, #tpu.memory_space<hbm>>) dst(%arg14 : memref<16x128xi32, #tpu.memory_space<vmem>>)
      %dma_wait3A_75 = arith.constant 0 : i32
      %dma_wait3A_76 = arith.constant 0 : i32
      %dma_wait3A_77 = tpu.memref_slice %arg6[%dma_wait3A_75, %dma_wait3A_76] : memref<50000x128xi32, #tpu.memory_space<hbm>> -> memref<16x128xi32, #tpu.memory_space<hbm>>
      %dma_wait3A_78 = arith.constant 0 : i32
      %dma_wait3A_79 = arith.constant 0 : i32
      %dma_wait3A_80 = tpu.memref_slice %arg6[%dma_wait3A_78, %dma_wait3A_79] : memref<50000x128xi32, #tpu.memory_space<hbm>> -> memref<16x128xi32, #tpu.memory_space<hbm>>
      tpu.wait_dma2 semaphore(%arg27 : memref<!tpu.dma_semaphore, #tpu.memory_space<semaphore_mem>>) src(%dma_wait3A_80 : memref<16x128xi32, #tpu.memory_space<hbm>>) dst(%arg16 : memref<16x128xi32, #tpu.memory_space<vmem>>)
      %dma_wait3A_81 = arith.constant 0 : i32
      %dma_wait3A_82 = arith.constant 0 : i32
      %dma_wait3A_83 = tpu.memref_slice %arg7[%dma_wait3A_81, %dma_wait3A_82] : memref<50000x128xf32, #tpu.memory_space<hbm>> -> memref<16x128xf32, #tpu.memory_space<hbm>>
      %dma_wait3A_84 = arith.constant 0 : i32
      %dma_wait3A_85 = arith.constant 0 : i32
      %dma_wait3A_86 = tpu.memref_slice %arg7[%dma_wait3A_84, %dma_wait3A_85] : memref<50000x128xf32, #tpu.memory_space<hbm>> -> memref<16x128xf32, #tpu.memory_space<hbm>>
      tpu.wait_dma2 semaphore(%arg27 : memref<!tpu.dma_semaphore, #tpu.memory_space<semaphore_mem>>) src(%dma_wait3A_86 : memref<16x128xf32, #tpu.memory_space<hbm>>) dst(%arg18 : memref<16x128xf32, #tpu.memory_space<vmem>>)
      %dma_wait3A_87 = arith.constant 0 : i32
      %dma_wait3A_88 = arith.constant 0 : i32
      %dma_wait3A_89 = tpu.memref_slice %arg8[%dma_wait3A_87, %dma_wait3A_88] : memref<50000x128xf32, #tpu.memory_space<hbm>> -> memref<16x128xf32, #tpu.memory_space<hbm>>
      %dma_wait3A_90 = arith.constant 0 : i32
      %dma_wait3A_91 = arith.constant 0 : i32
      %dma_wait3A_92 = tpu.memref_slice %arg8[%dma_wait3A_90, %dma_wait3A_91] : memref<50000x128xf32, #tpu.memory_space<hbm>> -> memref<16x128xf32, #tpu.memory_space<hbm>>
      tpu.wait_dma2 semaphore(%arg27 : memref<!tpu.dma_semaphore, #tpu.memory_space<semaphore_mem>>) src(%dma_wait3A_92 : memref<16x128xf32, #tpu.memory_space<hbm>>) dst(%arg20 : memref<16x128xf32, #tpu.memory_space<vmem>>)
      %gt3A_93 = arith.constant 0 : i32
      %gt3A_94 = arith.cmpi sgt, %while3A_57, %gt3A_93 : i32
      %convert_element_type3A_95 = arith.extui %gt3A_94 : i1 to i32
      %cond3A_96 = arith.constant 0 : i32
      %cond3A_97 = arith.cmpi ne, %convert_element_type3A_95, %cond3A_96 : i32
      scf.if %cond3A_97 {
        %dma_wait3A_235 = arith.constant 0 : i32
        %dma_wait3A_236 = arith.constant 0 : i32
        %dma_wait3A_237 = tpu.memref_slice %arg22[%dma_wait3A_236] : memref<2048xf32, #tpu.memory_space<vmem>> -> memref<128xf32, #tpu.memory_space<vmem>>
        %dma_wait3A_238 = arith.constant 0 : i32
        %dma_wait3A_239 = tpu.memref_slice %arg24[%dma_wait3A_235, %dma_wait3A_238] : memref<16x128xi32, #tpu.memory_space<vmem>> -> memref<1x128xi32, #tpu.memory_space<vmem>>
        %dma_wait3A_240 = tpu.memref_squeeze %dma_wait3A_239 : memref<1x128xi32, #tpu.memory_space<vmem>> -> memref<128xi32, #tpu.memory_space<vmem>>
        %dma_wait3A_241 = arith.constant 0 : i32
        %dma_wait3A_242 = tpu.memref_slice %arg26[%dma_wait3A_241] : memref<100000xf32, #tpu.memory_space<vmem_shared>> -> memref<100000xf32, #tpu.memory_space<vmem_shared>>
        tpu.wait_indirect_dma semaphore(%arg29 : memref<!tpu.dma_semaphore, #tpu.memory_space<semaphore_mem>>) src(%dma_wait3A_237 : memref<128xf32, #tpu.memory_space<vmem>>) dst(%dma_wait3A_242 : memref<100000xf32, #tpu.memory_space<vmem_shared>>)
        %dma_wait3A_243 = arith.constant 1 : i32
        %dma_wait3A_244 = arith.constant 128 : i32
        %dma_wait3A_245 = tpu.memref_slice %arg22[%dma_wait3A_244] : memref<2048xf32, #tpu.memory_space<vmem>> -> memref<128xf32, #tpu.memory_space<vmem>>
        %dma_wait3A_246 = arith.constant 0 : i32
        %dma_wait3A_247 = tpu.memref_slice %arg24[%dma_wait3A_243, %dma_wait3A_246] : memref<16x128xi32, #tpu.memory_space<vmem>> -> memref<1x128xi32, #tpu.memory_space<vmem>>
        %dma_wait3A_248 = tpu.memref_squeeze %dma_wait3A_247 : memref<1x128xi32, #tpu.memory_space<vmem>> -> memref<128xi32, #tpu.memory_space<vmem>>
        %dma_wait3A_249 = arith.constant 0 : i32
        %dma_wait3A_250 = tpu.memref_slice %arg26[%dma_wait3A_249] : memref<100000xf32, #tpu.memory_space<vmem_shared>> -> memref<100000xf32, #tpu.memory_space<vmem_shared>>
        tpu.wait_indirect_dma semaphore(%arg29 : memref<!tpu.dma_semaphore, #tpu.memory_space<semaphore_mem>>) src(%dma_wait3A_245 : memref<128xf32, #tpu.memory_space<vmem>>) dst(%dma_wait3A_250 : memref<100000xf32, #tpu.memory_space<vmem_shared>>)
        %dma_wait3A_251 = arith.constant 2 : i32
        %dma_wait3A_252 = arith.constant 256 : i32
        %dma_wait3A_253 = tpu.memref_slice %arg22[%dma_wait3A_252] : memref<2048xf32, #tpu.memory_space<vmem>> -> memref<128xf32, #tpu.memory_space<vmem>>
        %dma_wait3A_254 = arith.constant 0 : i32
        %dma_wait3A_255 = tpu.memref_slice %arg24[%dma_wait3A_251, %dma_wait3A_254] : memref<16x128xi32, #tpu.memory_space<vmem>> -> memref<1x128xi32, #tpu.memory_space<vmem>>
        %dma_wait3A_256 = tpu.memref_squeeze %dma_wait3A_255 : memref<1x128xi32, #tpu.memory_space<vmem>> -> memref<128xi32, #tpu.memory_space<vmem>>
        %dma_wait3A_257 = arith.constant 0 : i32
        %dma_wait3A_258 = tpu.memref_slice %arg26[%dma_wait3A_257] : memref<100000xf32, #tpu.memory_space<vmem_shared>> -> memref<100000xf32, #tpu.memory_space<vmem_shared>>
        tpu.wait_indirect_dma semaphore(%arg29 : memref<!tpu.dma_semaphore, #tpu.memory_space<semaphore_mem>>) src(%dma_wait3A_253 : memref<128xf32, #tpu.memory_space<vmem>>) dst(%dma_wait3A_258 : memref<100000xf32, #tpu.memory_space<vmem_shared>>)
        %dma_wait3A_259 = arith.constant 3 : i32
        %dma_wait3A_260 = arith.constant 384 : i32
        %dma_wait3A_261 = tpu.memref_slice %arg22[%dma_wait3A_260] : memref<2048xf32, #tpu.memory_space<vmem>> -> memref<128xf32, #tpu.memory_space<vmem>>
        %dma_wait3A_262 = arith.constant 0 : i32
        %dma_wait3A_263 = tpu.memref_slice %arg24[%dma_wait3A_259, %dma_wait3A_262] : memref<16x128xi32, #tpu.memory_space<vmem>> -> memref<1x128xi32, #tpu.memory_space<vmem>>
        %dma_wait3A_264 = tpu.memref_squeeze %dma_wait3A_263 : memref<1x128xi32, #tpu.memory_space<vmem>> -> memref<128xi32, #tpu.memory_space<vmem>>
        %dma_wait3A_265 = arith.constant 0 : i32
        %dma_wait3A_266 = tpu.memref_slice %arg26[%dma_wait3A_265] : memref<100000xf32, #tpu.memory_space<vmem_shared>> -> memref<100000xf32, #tpu.memory_space<vmem_shared>>
        tpu.wait_indirect_dma semaphore(%arg29 : memref<!tpu.dma_semaphore, #tpu.memory_space<semaphore_mem>>) src(%dma_wait3A_261 : memref<128xf32, #tpu.memory_space<vmem>>) dst(%dma_wait3A_266 : memref<100000xf32, #tpu.memory_space<vmem_shared>>)
        %dma_wait3A_267 = arith.constant 4 : i32
        %dma_wait3A_268 = arith.constant 512 : i32
        %dma_wait3A_269 = tpu.memref_slice %arg22[%dma_wait3A_268] : memref<2048xf32, #tpu.memory_space<vmem>> -> memref<128xf32, #tpu.memory_space<vmem>>
        %dma_wait3A_270 = arith.constant 0 : i32
        %dma_wait3A_271 = tpu.memref_slice %arg24[%dma_wait3A_267, %dma_wait3A_270] : memref<16x128xi32, #tpu.memory_space<vmem>> -> memref<1x128xi32, #tpu.memory_space<vmem>>
        %dma_wait3A_272 = tpu.memref_squeeze %dma_wait3A_271 : memref<1x128xi32, #tpu.memory_space<vmem>> -> memref<128xi32, #tpu.memory_space<vmem>>
        %dma_wait3A_273 = arith.constant 0 : i32
        %dma_wait3A_274 = tpu.memref_slice %arg26[%dma_wait3A_273] : memref<100000xf32, #tpu.memory_space<vmem_shared>> -> memref<100000xf32, #tpu.memory_space<vmem_shared>>
        tpu.wait_indirect_dma semaphore(%arg29 : memref<!tpu.dma_semaphore, #tpu.memory_space<semaphore_mem>>) src(%dma_wait3A_269 : memref<128xf32, #tpu.memory_space<vmem>>) dst(%dma_wait3A_274 : memref<100000xf32, #tpu.memory_space<vmem_shared>>)
        %dma_wait3A_275 = arith.constant 5 : i32
        %dma_wait3A_276 = arith.constant 640 : i32
        %dma_wait3A_277 = tpu.memref_slice %arg22[%dma_wait3A_276] : memref<2048xf32, #tpu.memory_space<vmem>> -> memref<128xf32, #tpu.memory_space<vmem>>
        %dma_wait3A_278 = arith.constant 0 : i32
        %dma_wait3A_279 = tpu.memref_slice %arg24[%dma_wait3A_275, %dma_wait3A_278] : memref<16x128xi32, #tpu.memory_space<vmem>> -> memref<1x128xi32, #tpu.memory_space<vmem>>
        %dma_wait3A_280 = tpu.memref_squeeze %dma_wait3A_279 : memref<1x128xi32, #tpu.memory_space<vmem>> -> memref<128xi32, #tpu.memory_space<vmem>>
        %dma_wait3A_281 = arith.constant 0 : i32
        %dma_wait3A_282 = tpu.memref_slice %arg26[%dma_wait3A_281] : memref<100000xf32, #tpu.memory_space<vmem_shared>> -> memref<100000xf32, #tpu.memory_space<vmem_shared>>
        tpu.wait_indirect_dma semaphore(%arg29 : memref<!tpu.dma_semaphore, #tpu.memory_space<semaphore_mem>>) src(%dma_wait3A_277 : memref<128xf32, #tpu.memory_space<vmem>>) dst(%dma_wait3A_282 : memref<100000xf32, #tpu.memory_space<vmem_shared>>)
        %dma_wait3A_283 = arith.constant 6 : i32
        %dma_wait3A_284 = arith.constant 768 : i32
        %dma_wait3A_285 = tpu.memref_slice %arg22[%dma_wait3A_284] : memref<2048xf32, #tpu.memory_space<vmem>> -> memref<128xf32, #tpu.memory_space<vmem>>
        %dma_wait3A_286 = arith.constant 0 : i32
        %dma_wait3A_287 = tpu.memref_slice %arg24[%dma_wait3A_283, %dma_wait3A_286] : memref<16x128xi32, #tpu.memory_space<vmem>> -> memref<1x128xi32, #tpu.memory_space<vmem>>
        %dma_wait3A_288 = tpu.memref_squeeze %dma_wait3A_287 : memref<1x128xi32, #tpu.memory_space<vmem>> -> memref<128xi32, #tpu.memory_space<vmem>>
        %dma_wait3A_289 = arith.constant 0 : i32
        %dma_wait3A_290 = tpu.memref_slice %arg26[%dma_wait3A_289] : memref<100000xf32, #tpu.memory_space<vmem_shared>> -> memref<100000xf32, #tpu.memory_space<vmem_shared>>
        tpu.wait_indirect_dma semaphore(%arg29 : memref<!tpu.dma_semaphore, #tpu.memory_space<semaphore_mem>>) src(%dma_wait3A_285 : memref<128xf32, #tpu.memory_space<vmem>>) dst(%dma_wait3A_290 : memref<100000xf32, #tpu.memory_space<vmem_shared>>)
        %dma_wait3A_291 = arith.constant 7 : i32
        %dma_wait3A_292 = arith.constant 896 : i32
        %dma_wait3A_293 = tpu.memref_slice %arg22[%dma_wait3A_292] : memref<2048xf32, #tpu.memory_space<vmem>> -> memref<128xf32, #tpu.memory_space<vmem>>
        %dma_wait3A_294 = arith.constant 0 : i32
        %dma_wait3A_295 = tpu.memref_slice %arg24[%dma_wait3A_291, %dma_wait3A_294] : memref<16x128xi32, #tpu.memory_space<vmem>> -> memref<1x128xi32, #tpu.memory_space<vmem>>
        %dma_wait3A_296 = tpu.memref_squeeze %dma_wait3A_295 : memref<1x128xi32, #tpu.memory_space<vmem>> -> memref<128xi32, #tpu.memory_space<vmem>>
        %dma_wait3A_297 = arith.constant 0 : i32
        %dma_wait3A_298 = tpu.memref_slice %arg26[%dma_wait3A_297] : memref<100000xf32, #tpu.memory_space<vmem_shared>> -> memref<100000xf32, #tpu.memory_space<vmem_shared>>
        tpu.wait_indirect_dma semaphore(%arg29 : memref<!tpu.dma_semaphore, #tpu.memory_space<semaphore_mem>>) src(%dma_wait3A_293 : memref<128xf32, #tpu.memory_space<vmem>>) dst(%dma_wait3A_298 : memref<100000xf32, #tpu.memory_space<vmem_shared>>)
        %dma_wait3A_299 = arith.constant 8 : i32
        %dma_wait3A_300 = arith.constant 1024 : i32
        %dma_wait3A_301 = tpu.memref_slice %arg22[%dma_wait3A_300] : memref<2048xf32, #tpu.memory_space<vmem>> -> memref<128xf32, #tpu.memory_space<vmem>>
        %dma_wait3A_302 = arith.constant 0 : i32
        %dma_wait3A_303 = tpu.memref_slice %arg24[%dma_wait3A_299, %dma_wait3A_302] : memref<16x128xi32, #tpu.memory_space<vmem>> -> memref<1x128xi32, #tpu.memory_space<vmem>>
        %dma_wait3A_304 = tpu.memref_squeeze %dma_wait3A_303 : memref<1x128xi32, #tpu.memory_space<vmem>> -> memref<128xi32, #tpu.memory_space<vmem>>
        %dma_wait3A_305 = arith.constant 0 : i32
        %dma_wait3A_306 = tpu.memref_slice %arg26[%dma_wait3A_305] : memref<100000xf32, #tpu.memory_space<vmem_shared>> -> memref<100000xf32, #tpu.memory_space<vmem_shared>>
        tpu.wait_indirect_dma semaphore(%arg29 : memref<!tpu.dma_semaphore, #tpu.memory_space<semaphore_mem>>) src(%dma_wait3A_301 : memref<128xf32, #tpu.memory_space<vmem>>) dst(%dma_wait3A_306 : memref<100000xf32, #tpu.memory_space<vmem_shared>>)
        %dma_wait3A_307 = arith.constant 9 : i32
        %dma_wait3A_308 = arith.constant 1152 : i32
        %dma_wait3A_309 = tpu.memref_slice %arg22[%dma_wait3A_308] : memref<2048xf32, #tpu.memory_space<vmem>> -> memref<128xf32, #tpu.memory_space<vmem>>
        %dma_wait3A_310 = arith.constant 0 : i32
        %dma_wait3A_311 = tpu.memref_slice %arg24[%dma_wait3A_307, %dma_wait3A_310] : memref<16x128xi32, #tpu.memory_space<vmem>> -> memref<1x128xi32, #tpu.memory_space<vmem>>
        %dma_wait3A_312 = tpu.memref_squeeze %dma_wait3A_311 : memref<1x128xi32, #tpu.memory_space<vmem>> -> memref<128xi32, #tpu.memory_space<vmem>>
        %dma_wait3A_313 = arith.constant 0 : i32
        %dma_wait3A_314 = tpu.memref_slice %arg26[%dma_wait3A_313] : memref<100000xf32, #tpu.memory_space<vmem_shared>> -> memref<100000xf32, #tpu.memory_space<vmem_shared>>
        tpu.wait_indirect_dma semaphore(%arg29 : memref<!tpu.dma_semaphore, #tpu.memory_space<semaphore_mem>>) src(%dma_wait3A_309 : memref<128xf32, #tpu.memory_space<vmem>>) dst(%dma_wait3A_314 : memref<100000xf32, #tpu.memory_space<vmem_shared>>)
        %dma_wait3A_315 = arith.constant 10 : i32
        %dma_wait3A_316 = arith.constant 1280 : i32
        %dma_wait3A_317 = tpu.memref_slice %arg22[%dma_wait3A_316] : memref<2048xf32, #tpu.memory_space<vmem>> -> memref<128xf32, #tpu.memory_space<vmem>>
        %dma_wait3A_318 = arith.constant 0 : i32
        %dma_wait3A_319 = tpu.memref_slice %arg24[%dma_wait3A_315, %dma_wait3A_318] : memref<16x128xi32, #tpu.memory_space<vmem>> -> memref<1x128xi32, #tpu.memory_space<vmem>>
        %dma_wait3A_320 = tpu.memref_squeeze %dma_wait3A_319 : memref<1x128xi32, #tpu.memory_space<vmem>> -> memref<128xi32, #tpu.memory_space<vmem>>
        %dma_wait3A_321 = arith.constant 0 : i32
        %dma_wait3A_322 = tpu.memref_slice %arg26[%dma_wait3A_321] : memref<100000xf32, #tpu.memory_space<vmem_shared>> -> memref<100000xf32, #tpu.memory_space<vmem_shared>>
        tpu.wait_indirect_dma semaphore(%arg29 : memref<!tpu.dma_semaphore, #tpu.memory_space<semaphore_mem>>) src(%dma_wait3A_317 : memref<128xf32, #tpu.memory_space<vmem>>) dst(%dma_wait3A_322 : memref<100000xf32, #tpu.memory_space<vmem_shared>>)
        %dma_wait3A_323 = arith.constant 11 : i32
        %dma_wait3A_324 = arith.constant 1408 : i32
        %dma_wait3A_325 = tpu.memref_slice %arg22[%dma_wait3A_324] : memref<2048xf32, #tpu.memory_space<vmem>> -> memref<128xf32, #tpu.memory_space<vmem>>
        %dma_wait3A_326 = arith.constant 0 : i32
        %dma_wait3A_327 = tpu.memref_slice %arg24[%dma_wait3A_323, %dma_wait3A_326] : memref<16x128xi32, #tpu.memory_space<vmem>> -> memref<1x128xi32, #tpu.memory_space<vmem>>
        %dma_wait3A_328 = tpu.memref_squeeze %dma_wait3A_327 : memref<1x128xi32, #tpu.memory_space<vmem>> -> memref<128xi32, #tpu.memory_space<vmem>>
        %dma_wait3A_329 = arith.constant 0 : i32
        %dma_wait3A_330 = tpu.memref_slice %arg26[%dma_wait3A_329] : memref<100000xf32, #tpu.memory_space<vmem_shared>> -> memref<100000xf32, #tpu.memory_space<vmem_shared>>
        tpu.wait_indirect_dma semaphore(%arg29 : memref<!tpu.dma_semaphore, #tpu.memory_space<semaphore_mem>>) src(%dma_wait3A_325 : memref<128xf32, #tpu.memory_space<vmem>>) dst(%dma_wait3A_330 : memref<100000xf32, #tpu.memory_space<vmem_shared>>)
        %dma_wait3A_331 = arith.constant 12 : i32
        %dma_wait3A_332 = arith.constant 1536 : i32
        %dma_wait3A_333 = tpu.memref_slice %arg22[%dma_wait3A_332] : memref<2048xf32, #tpu.memory_space<vmem>> -> memref<128xf32, #tpu.memory_space<vmem>>
        %dma_wait3A_334 = arith.constant 0 : i32
        %dma_wait3A_335 = tpu.memref_slice %arg24[%dma_wait3A_331, %dma_wait3A_334] : memref<16x128xi32, #tpu.memory_space<vmem>> -> memref<1x128xi32, #tpu.memory_space<vmem>>
        %dma_wait3A_336 = tpu.memref_squeeze %dma_wait3A_335 : memref<1x128xi32, #tpu.memory_space<vmem>> -> memref<128xi32, #tpu.memory_space<vmem>>
        %dma_wait3A_337 = arith.constant 0 : i32
        %dma_wait3A_338 = tpu.memref_slice %arg26[%dma_wait3A_337] : memref<100000xf32, #tpu.memory_space<vmem_shared>> -> memref<100000xf32, #tpu.memory_space<vmem_shared>>
        tpu.wait_indirect_dma semaphore(%arg29 : memref<!tpu.dma_semaphore, #tpu.memory_space<semaphore_mem>>) src(%dma_wait3A_333 : memref<128xf32, #tpu.memory_space<vmem>>) dst(%dma_wait3A_338 : memref<100000xf32, #tpu.memory_space<vmem_shared>>)
        %dma_wait3A_339 = arith.constant 13 : i32
        %dma_wait3A_340 = arith.constant 1664 : i32
        %dma_wait3A_341 = tpu.memref_slice %arg22[%dma_wait3A_340] : memref<2048xf32, #tpu.memory_space<vmem>> -> memref<128xf32, #tpu.memory_space<vmem>>
        %dma_wait3A_342 = arith.constant 0 : i32
        %dma_wait3A_343 = tpu.memref_slice %arg24[%dma_wait3A_339, %dma_wait3A_342] : memref<16x128xi32, #tpu.memory_space<vmem>> -> memref<1x128xi32, #tpu.memory_space<vmem>>
        %dma_wait3A_344 = tpu.memref_squeeze %dma_wait3A_343 : memref<1x128xi32, #tpu.memory_space<vmem>> -> memref<128xi32, #tpu.memory_space<vmem>>
        %dma_wait3A_345 = arith.constant 0 : i32
        %dma_wait3A_346 = tpu.memref_slice %arg26[%dma_wait3A_345] : memref<100000xf32, #tpu.memory_space<vmem_shared>> -> memref<100000xf32, #tpu.memory_space<vmem_shared>>
        tpu.wait_indirect_dma semaphore(%arg29 : memref<!tpu.dma_semaphore, #tpu.memory_space<semaphore_mem>>) src(%dma_wait3A_341 : memref<128xf32, #tpu.memory_space<vmem>>) dst(%dma_wait3A_346 : memref<100000xf32, #tpu.memory_space<vmem_shared>>)
        %dma_wait3A_347 = arith.constant 14 : i32
        %dma_wait3A_348 = arith.constant 1792 : i32
        %dma_wait3A_349 = tpu.memref_slice %arg22[%dma_wait3A_348] : memref<2048xf32, #tpu.memory_space<vmem>> -> memref<128xf32, #tpu.memory_space<vmem>>
        %dma_wait3A_350 = arith.constant 0 : i32
        %dma_wait3A_351 = tpu.memref_slice %arg24[%dma_wait3A_347, %dma_wait3A_350] : memref<16x128xi32, #tpu.memory_space<vmem>> -> memref<1x128xi32, #tpu.memory_space<vmem>>
        %dma_wait3A_352 = tpu.memref_squeeze %dma_wait3A_351 : memref<1x128xi32, #tpu.memory_space<vmem>> -> memref<128xi32, #tpu.memory_space<vmem>>
        %dma_wait3A_353 = arith.constant 0 : i32
        %dma_wait3A_354 = tpu.memref_slice %arg26[%dma_wait3A_353] : memref<100000xf32, #tpu.memory_space<vmem_shared>> -> memref<100000xf32, #tpu.memory_space<vmem_shared>>
        tpu.wait_indirect_dma semaphore(%arg29 : memref<!tpu.dma_semaphore, #tpu.memory_space<semaphore_mem>>) src(%dma_wait3A_349 : memref<128xf32, #tpu.memory_space<vmem>>) dst(%dma_wait3A_354 : memref<100000xf32, #tpu.memory_space<vmem_shared>>)
        %dma_wait3A_355 = arith.constant 15 : i32
        %dma_wait3A_356 = arith.constant 1920 : i32
        %dma_wait3A_357 = tpu.memref_slice %arg22[%dma_wait3A_356] : memref<2048xf32, #tpu.memory_space<vmem>> -> memref<128xf32, #tpu.memory_space<vmem>>
        %dma_wait3A_358 = arith.constant 0 : i32
        %dma_wait3A_359 = tpu.memref_slice %arg24[%dma_wait3A_355, %dma_wait3A_358] : memref<16x128xi32, #tpu.memory_space<vmem>> -> memref<1x128xi32, #tpu.memory_space<vmem>>
        %dma_wait3A_360 = tpu.memref_squeeze %dma_wait3A_359 : memref<1x128xi32, #tpu.memory_space<vmem>> -> memref<128xi32, #tpu.memory_space<vmem>>
        %dma_wait3A_361 = arith.constant 0 : i32
        %dma_wait3A_362 = tpu.memref_slice %arg26[%dma_wait3A_361] : memref<100000xf32, #tpu.memory_space<vmem_shared>> -> memref<100000xf32, #tpu.memory_space<vmem_shared>>
        tpu.wait_indirect_dma semaphore(%arg29 : memref<!tpu.dma_semaphore, #tpu.memory_space<semaphore_mem>>) src(%dma_wait3A_357 : memref<128xf32, #tpu.memory_space<vmem>>) dst(%dma_wait3A_362 : memref<100000xf32, #tpu.memory_space<vmem_shared>>)
      } else {
      }
      %parallel_loop3A = arith.constant 0 : i32
      %parallel_loop3A_98 = arith.constant 128 : i32
      %parallel_loop3A_99 = arith.constant 1 : i32
      scf.for %parallel_loop3A_235 = %parallel_loop3A to %parallel_loop3A_98 step %parallel_loop3A_99  : i32 {
        %parallel_loop3A_236 = arith.constant 3 : i32
        %parallel_loop3A_237 = arith.shrui %parallel_loop3A_235, %parallel_loop3A_236 : i32
        %parallel_loop3A_238 = arith.constant 7 : i32
        %parallel_loop3A_239 = arith.andi %parallel_loop3A_235, %parallel_loop3A_238 : i32
        %parallel_loop3A_240 = arith.constant 16 : i32
        %parallel_loop3A_241 = arith.muli %parallel_loop3A_239, %parallel_loop3A_240 : i32
        %parallel_loop3A_242 = arith.index_cast %parallel_loop3A_237 : i32 to index
        %parallel_loop3A_243 = arith.index_cast %parallel_loop3A_241 : i32 to index
        %parallel_loop3A_244 = tpu.vector_load %arg14[%parallel_loop3A_242, %parallel_loop3A_243] {strides = array<i32>} : memref<16x128xi32, #tpu.memory_space<vmem>>, vector<16xi32>,
        %parallel_loop3A_245 = arith.index_cast %parallel_loop3A_237 : i32 to index
        %parallel_loop3A_246 = arith.index_cast %parallel_loop3A_241 : i32 to index
        %parallel_loop3A_247 = tpu.vector_load %arg16[%parallel_loop3A_245, %parallel_loop3A_246] {strides = array<i32>} : memref<16x128xi32, #tpu.memory_space<vmem>>, vector<16xi32>,
        %parallel_loop3A_248 = arith.constant 2 : i32
        %parallel_loop3A_249 = vector.broadcast %parallel_loop3A_248 : i32 to vector<16xi32>
        %parallel_loop3A_250 = arith.shrui %parallel_loop3A_244, %parallel_loop3A_249 : vector<16xi32>
        %parallel_loop3A_251 = tpu.vector_load_idx %arg11[%parallel_loop3A_250] : memref<25008xi32, #tpu.memory_space<vmem>>[vector<16xi32>], vector<16xi32>,
        %parallel_loop3A_252 = arith.constant 2 : i32
        %parallel_loop3A_253 = vector.broadcast %parallel_loop3A_252 : i32 to vector<16xi32>
        %parallel_loop3A_254 = arith.shrui %parallel_loop3A_247, %parallel_loop3A_253 : vector<16xi32>
        %parallel_loop3A_255 = tpu.vector_load_idx %arg11[%parallel_loop3A_254] : memref<25008xi32, #tpu.memory_space<vmem>>[vector<16xi32>], vector<16xi32>,
        %parallel_loop3A_256 = arith.constant 3 : i32
        %parallel_loop3A_257 = vector.broadcast %parallel_loop3A_256 : i32 to vector<16xi32>
        %parallel_loop3A_258 = arith.andi %parallel_loop3A_244, %parallel_loop3A_257 : vector<16xi32>
        %parallel_loop3A_259 = arith.constant 8 : i32
        %parallel_loop3A_260 = vector.broadcast %parallel_loop3A_259 : i32 to vector<16xi32>
        %parallel_loop3A_261 = arith.muli %parallel_loop3A_258, %parallel_loop3A_260 : vector<16xi32>
        %parallel_loop3A_262 = arith.shrui %parallel_loop3A_251, %parallel_loop3A_261 : vector<16xi32>
        %parallel_loop3A_263 = arith.constant 255 : i32
        %parallel_loop3A_264 = vector.broadcast %parallel_loop3A_263 : i32 to vector<16xi32>
        %parallel_loop3A_265 = arith.andi %parallel_loop3A_262, %parallel_loop3A_264 : vector<16xi32>
        %parallel_loop3A_266 = arith.constant 3 : i32
        %parallel_loop3A_267 = vector.broadcast %parallel_loop3A_266 : i32 to vector<16xi32>
        %parallel_loop3A_268 = arith.andi %parallel_loop3A_247, %parallel_loop3A_267 : vector<16xi32>
        %parallel_loop3A_269 = arith.constant 8 : i32
        %parallel_loop3A_270 = vector.broadcast %parallel_loop3A_269 : i32 to vector<16xi32>
        %parallel_loop3A_271 = arith.muli %parallel_loop3A_268, %parallel_loop3A_270 : vector<16xi32>
        %parallel_loop3A_272 = arith.shrui %parallel_loop3A_255, %parallel_loop3A_271 : vector<16xi32>
        %parallel_loop3A_273 = arith.constant 255 : i32
        %parallel_loop3A_274 = vector.broadcast %parallel_loop3A_273 : i32 to vector<16xi32>
        %parallel_loop3A_275 = arith.andi %parallel_loop3A_272, %parallel_loop3A_274 : vector<16xi32>
        %parallel_loop3A_276 = arith.constant 92 : i32
        %parallel_loop3A_277 = vector.broadcast %parallel_loop3A_276 : i32 to vector<16xi32>
        %parallel_loop3A_278 = arith.muli %parallel_loop3A_277, %parallel_loop3A_275 : vector<16xi32>
        %parallel_loop3A_279 = arith.addi %parallel_loop3A_265, %parallel_loop3A_278 : vector<16xi32>
        %parallel_loop3A_280 = arith.constant 3 : i32
        %parallel_loop3A_281 = vector.broadcast %parallel_loop3A_280 : i32 to vector<16xi32>
        %parallel_loop3A_282 = arith.muli %parallel_loop3A_279, %parallel_loop3A_281 : vector<16xi32>
        %parallel_loop3A_283 = arith.index_cast %parallel_loop3A_237 : i32 to index
        %parallel_loop3A_284 = arith.index_cast %parallel_loop3A_241 : i32 to index
        %parallel_loop3A_285 = tpu.vector_load %arg18[%parallel_loop3A_283, %parallel_loop3A_284] {strides = array<i32>} : memref<16x128xf32, #tpu.memory_space<vmem>>, vector<16xf32>,
        %parallel_loop3A_286 = arith.constant 0.000000e+00 : f32
        %parallel_loop3A_287 = vector.broadcast %parallel_loop3A_286 : f32 to vector<16xf32>
        %parallel_loop3A_288 = arith.subf %parallel_loop3A_287, %parallel_loop3A_285 : vector<16xf32>
        %parallel_loop3A_289 = tpu.vector_load_idx %arg12[%parallel_loop3A_282] : memref<25952xf32, #tpu.memory_space<vmem>>[vector<16xi32>], vector<16xf32>,
        %parallel_loop3A_290 = tpu.vector_load_idx %arg13[%parallel_loop3A_282] : memref<25952xf32, #tpu.memory_space<vmem>>[vector<16xi32>], vector<16xf32>,
        %parallel_loop3A_291 = arith.mulf %parallel_loop3A_290, %parallel_loop3A_288 : vector<16xf32>
        %parallel_loop3A_292 = math.exp %parallel_loop3A_291 : vector<16xf32>
        %parallel_loop3A_293 = arith.mulf %parallel_loop3A_289, %parallel_loop3A_292 : vector<16xf32>
        %parallel_loop3A_294 = arith.constant 1 : i32
        %parallel_loop3A_295 = vector.broadcast %parallel_loop3A_294 : i32 to vector<16xi32>
        %parallel_loop3A_296 = arith.addi %parallel_loop3A_282, %parallel_loop3A_295 : vector<16xi32>
        %parallel_loop3A_297 = tpu.vector_load_idx %arg12[%parallel_loop3A_296] : memref<25952xf32, #tpu.memory_space<vmem>>[vector<16xi32>], vector<16xf32>,
        %parallel_loop3A_298 = arith.constant 1 : i32
        %parallel_loop3A_299 = vector.broadcast %parallel_loop3A_298 : i32 to vector<16xi32>
        %parallel_loop3A_300 = arith.addi %parallel_loop3A_282, %parallel_loop3A_299 : vector<16xi32>
        %parallel_loop3A_301 = tpu.vector_load_idx %arg13[%parallel_loop3A_300] : memref<25952xf32, #tpu.memory_space<vmem>>[vector<16xi32>], vector<16xf32>,
        %parallel_loop3A_302 = arith.mulf %parallel_loop3A_301, %parallel_loop3A_288 : vector<16xf32>
        %parallel_loop3A_303 = math.exp %parallel_loop3A_302 : vector<16xf32>
        %parallel_loop3A_304 = arith.mulf %parallel_loop3A_297, %parallel_loop3A_303 : vector<16xf32>
        %parallel_loop3A_305 = arith.addf %parallel_loop3A_293, %parallel_loop3A_304 : vector<16xf32>
        %parallel_loop3A_306 = arith.constant 2 : i32
        %parallel_loop3A_307 = vector.broadcast %parallel_loop3A_306 : i32 to vector<16xi32>
        %parallel_loop3A_308 = arith.addi %parallel_loop3A_282, %parallel_loop3A_307 : vector<16xi32>
        %parallel_loop3A_309 = tpu.vector_load_idx %arg12[%parallel_loop3A_308] : memref<25952xf32, #tpu.memory_space<vmem>>[vector<16xi32>], vector<16xf32>,
        %parallel_loop3A_310 = arith.constant 2 : i32
        %parallel_loop3A_311 = vector.broadcast %parallel_loop3A_310 : i32 to vector<16xi32>
        %parallel_loop3A_312 = arith.addi %parallel_loop3A_282, %parallel_loop3A_311 : vector<16xi32>
        %parallel_loop3A_313 = tpu.vector_load_idx %arg13[%parallel_loop3A_312] : memref<25952xf32, #tpu.memory_space<vmem>>[vector<16xi32>], vector<16xf32>,
        %parallel_loop3A_314 = arith.mulf %parallel_loop3A_313, %parallel_loop3A_288 : vector<16xf32>
        %parallel_loop3A_315 = math.exp %parallel_loop3A_314 : vector<16xf32>
        %parallel_loop3A_316 = arith.mulf %parallel_loop3A_309, %parallel_loop3A_315 : vector<16xf32>
        %parallel_loop3A_317 = arith.addf %parallel_loop3A_305, %parallel_loop3A_316 : vector<16xf32>
        %parallel_loop3A_318 = arith.muli %parallel_loop3A_265, %parallel_loop3A_275 : vector<16xi32>
        %parallel_loop3A_319 = arith.sitofp %parallel_loop3A_318 : vector<16xi32> to vector<16xf32>
        %parallel_loop3A_320 = arith.index_cast %parallel_loop3A_237 : i32 to index
        %parallel_loop3A_321 = arith.index_cast %parallel_loop3A_241 : i32 to index
        %parallel_loop3A_322 = tpu.vector_load %arg24[%parallel_loop3A_320, %parallel_loop3A_321] {strides = array<i32>} : memref<16x128xi32, #tpu.memory_space<vmem>>, vector<16xi32>,
        tpu.vector_store %arg24[%parallel_loop3A_320, %parallel_loop3A_321], %parallel_loop3A_244 {strides = array<i32>} : memref<16x128xi32, #tpu.memory_space<vmem>>, vector<16xi32>,
        %parallel_loop3A_323 = arith.mulf %parallel_loop3A_319, %parallel_loop3A_317 : vector<16xf32>
        %parallel_loop3A_324 = arith.index_cast %parallel_loop3A_237 : i32 to index
        %parallel_loop3A_325 = arith.index_cast %parallel_loop3A_241 : i32 to index
        %parallel_loop3A_326 = tpu.vector_load %arg20[%parallel_loop3A_324, %parallel_loop3A_325] {strides = array<i32>} : memref<16x128xf32, #tpu.memory_space<vmem>>, vector<16xf32>,
        %parallel_loop3A_327 = arith.mulf %parallel_loop3A_323, %parallel_loop3A_326 : vector<16xf32>
        %parallel_loop3A_328 = arith.constant 0.264588594 : f32
        %parallel_loop3A_329 = vector.broadcast %parallel_loop3A_328 : f32 to vector<16xf32>
        %parallel_loop3A_330 = arith.mulf %parallel_loop3A_327, %parallel_loop3A_329 : vector<16xf32>
        %parallel_loop3A_331 = arith.divf %parallel_loop3A_330, %parallel_loop3A_285 : vector<16xf32>
        %parallel_loop3A_332 = arith.constant 16 : i32
        %parallel_loop3A_333 = arith.muli %parallel_loop3A_235, %parallel_loop3A_332 : i32
        %parallel_loop3A_334 = arith.index_cast %parallel_loop3A_333 : i32 to index
        %parallel_loop3A_335 = tpu.vector_load %arg22[%parallel_loop3A_334] {strides = array<i32>} : memref<2048xf32, #tpu.memory_space<vmem>>, vector<16xf32>,
        tpu.vector_store %arg22[%parallel_loop3A_334], %parallel_loop3A_331 {strides = array<i32>} : memref<2048xf32, #tpu.memory_space<vmem>>, vector<16xf32>,
      } {sc.loop_unroll_factor = 4 : i64, sc.parallel_access}
      %dma_start3A = arith.constant 0 : i32
      %dma_start3A_100 = arith.constant 0 : i32
      %dma_start3A_101 = tpu.memref_slice %arg22[%dma_start3A_100] : memref<2048xf32, #tpu.memory_space<vmem>> -> memref<128xf32, #tpu.memory_space<vmem>>
      %dma_start3A_102 = arith.constant 0 : i32
      %dma_start3A_103 = tpu.memref_slice %arg24[%dma_start3A, %dma_start3A_102] : memref<16x128xi32, #tpu.memory_space<vmem>> -> memref<1x128xi32, #tpu.memory_space<vmem>>
      %dma_start3A_104 = tpu.memref_squeeze %dma_start3A_103 : memref<1x128xi32, #tpu.memory_space<vmem>> -> memref<128xi32, #tpu.memory_space<vmem>>
      %dma_start3A_105 = arith.constant 0 : i32
      %dma_start3A_106 = tpu.memref_slice %arg26[%dma_start3A_105] : memref<100000xf32, #tpu.memory_space<vmem_shared>> -> memref<100000xf32, #tpu.memory_space<vmem_shared>>
      tpu.enqueue_indirect_dma source(%dma_start3A_101 : memref<128xf32, #tpu.memory_space<vmem>>) target(%dma_start3A_106 : memref<100000xf32, #tpu.memory_space<vmem_shared>>) offsets(%dma_start3A_104 : memref<128xi32, #tpu.memory_space<vmem>>) semaphore(%arg29 : memref<!tpu.dma_semaphore, #tpu.memory_space<semaphore_mem>>) {add = true}
      %dma_start3A_107 = arith.constant 1 : i32
      %dma_start3A_108 = arith.constant 128 : i32
      %dma_start3A_109 = tpu.memref_slice %arg22[%dma_start3A_108] : memref<2048xf32, #tpu.memory_space<vmem>> -> memref<128xf32, #tpu.memory_space<vmem>>
      %dma_start3A_110 = arith.constant 0 : i32
      %dma_start3A_111 = tpu.memref_slice %arg24[%dma_start3A_107, %dma_start3A_110] : memref<16x128xi32, #tpu.memory_space<vmem>> -> memref<1x128xi32, #tpu.memory_space<vmem>>
      %dma_start3A_112 = tpu.memref_squeeze %dma_start3A_111 : memref<1x128xi32, #tpu.memory_space<vmem>> -> memref<128xi32, #tpu.memory_space<vmem>>
      %dma_start3A_113 = arith.constant 0 : i32
      %dma_start3A_114 = tpu.memref_slice %arg26[%dma_start3A_113] : memref<100000xf32, #tpu.memory_space<vmem_shared>> -> memref<100000xf32, #tpu.memory_space<vmem_shared>>
      tpu.enqueue_indirect_dma source(%dma_start3A_109 : memref<128xf32, #tpu.memory_space<vmem>>) target(%dma_start3A_114 : memref<100000xf32, #tpu.memory_space<vmem_shared>>) offsets(%dma_start3A_112 : memref<128xi32, #tpu.memory_space<vmem>>) semaphore(%arg29 : memref<!tpu.dma_semaphore, #tpu.memory_space<semaphore_mem>>) {add = true}
      %dma_start3A_115 = arith.constant 2 : i32
      %dma_start3A_116 = arith.constant 256 : i32
      %dma_start3A_117 = tpu.memref_slice %arg22[%dma_start3A_116] : memref<2048xf32, #tpu.memory_space<vmem>> -> memref<128xf32, #tpu.memory_space<vmem>>
      %dma_start3A_118 = arith.constant 0 : i32
      %dma_start3A_119 = tpu.memref_slice %arg24[%dma_start3A_115, %dma_start3A_118] : memref<16x128xi32, #tpu.memory_space<vmem>> -> memref<1x128xi32, #tpu.memory_space<vmem>>
      %dma_start3A_120 = tpu.memref_squeeze %dma_start3A_119 : memref<1x128xi32, #tpu.memory_space<vmem>> -> memref<128xi32, #tpu.memory_space<vmem>>
      %dma_start3A_121 = arith.constant 0 : i32
      %dma_start3A_122 = tpu.memref_slice %arg26[%dma_start3A_121] : memref<100000xf32, #tpu.memory_space<vmem_shared>> -> memref<100000xf32, #tpu.memory_space<vmem_shared>>
      tpu.enqueue_indirect_dma source(%dma_start3A_117 : memref<128xf32, #tpu.memory_space<vmem>>) target(%dma_start3A_122 : memref<100000xf32, #tpu.memory_space<vmem_shared>>) offsets(%dma_start3A_120 : memref<128xi32, #tpu.memory_space<vmem>>) semaphore(%arg29 : memref<!tpu.dma_semaphore, #tpu.memory_space<semaphore_mem>>) {add = true}
      %dma_start3A_123 = arith.constant 3 : i32
      %dma_start3A_124 = arith.constant 384 : i32
      %dma_start3A_125 = tpu.memref_slice %arg22[%dma_start3A_124] : memref<2048xf32, #tpu.memory_space<vmem>> -> memref<128xf32, #tpu.memory_space<vmem>>
      %dma_start3A_126 = arith.constant 0 : i32
      %dma_start3A_127 = tpu.memref_slice %arg24[%dma_start3A_123, %dma_start3A_126] : memref<16x128xi32, #tpu.memory_space<vmem>> -> memref<1x128xi32, #tpu.memory_space<vmem>>
      %dma_start3A_128 = tpu.memref_squeeze %dma_start3A_127 : memref<1x128xi32, #tpu.memory_space<vmem>> -> memref<128xi32, #tpu.memory_space<vmem>>
      %dma_start3A_129 = arith.constant 0 : i32
      %dma_start3A_130 = tpu.memref_slice %arg26[%dma_start3A_129] : memref<100000xf32, #tpu.memory_space<vmem_shared>> -> memref<100000xf32, #tpu.memory_space<vmem_shared>>
      tpu.enqueue_indirect_dma source(%dma_start3A_125 : memref<128xf32, #tpu.memory_space<vmem>>) target(%dma_start3A_130 : memref<100000xf32, #tpu.memory_space<vmem_shared>>) offsets(%dma_start3A_128 : memref<128xi32, #tpu.memory_space<vmem>>) semaphore(%arg29 : memref<!tpu.dma_semaphore, #tpu.memory_space<semaphore_mem>>) {add = true}
      %dma_start3A_131 = arith.constant 4 : i32
      %dma_start3A_132 = arith.constant 512 : i32
      %dma_start3A_133 = tpu.memref_slice %arg22[%dma_start3A_132] : memref<2048xf32, #tpu.memory_space<vmem>> -> memref<128xf32, #tpu.memory_space<vmem>>
      %dma_start3A_134 = arith.constant 0 : i32
      %dma_start3A_135 = tpu.memref_slice %arg24[%dma_start3A_131, %dma_start3A_134] : memref<16x128xi32, #tpu.memory_space<vmem>> -> memref<1x128xi32, #tpu.memory_space<vmem>>
      %dma_start3A_136 = tpu.memref_squeeze %dma_start3A_135 : memref<1x128xi32, #tpu.memory_space<vmem>> -> memref<128xi32, #tpu.memory_space<vmem>>
      %dma_start3A_137 = arith.constant 0 : i32
      %dma_start3A_138 = tpu.memref_slice %arg26[%dma_start3A_137] : memref<100000xf32, #tpu.memory_space<vmem_shared>> -> memref<100000xf32, #tpu.memory_space<vmem_shared>>
      tpu.enqueue_indirect_dma source(%dma_start3A_133 : memref<128xf32, #tpu.memory_space<vmem>>) target(%dma_start3A_138 : memref<100000xf32, #tpu.memory_space<vmem_shared>>) offsets(%dma_start3A_136 : memref<128xi32, #tpu.memory_space<vmem>>) semaphore(%arg29 : memref<!tpu.dma_semaphore, #tpu.memory_space<semaphore_mem>>) {add = true}
      %dma_start3A_139 = arith.constant 5 : i32
      %dma_start3A_140 = arith.constant 640 : i32
      %dma_start3A_141 = tpu.memref_slice %arg22[%dma_start3A_140] : memref<2048xf32, #tpu.memory_space<vmem>> -> memref<128xf32, #tpu.memory_space<vmem>>
      %dma_start3A_142 = arith.constant 0 : i32
      %dma_start3A_143 = tpu.memref_slice %arg24[%dma_start3A_139, %dma_start3A_142] : memref<16x128xi32, #tpu.memory_space<vmem>> -> memref<1x128xi32, #tpu.memory_space<vmem>>
      %dma_start3A_144 = tpu.memref_squeeze %dma_start3A_143 : memref<1x128xi32, #tpu.memory_space<vmem>> -> memref<128xi32, #tpu.memory_space<vmem>>
      %dma_start3A_145 = arith.constant 0 : i32
      %dma_start3A_146 = tpu.memref_slice %arg26[%dma_start3A_145] : memref<100000xf32, #tpu.memory_space<vmem_shared>> -> memref<100000xf32, #tpu.memory_space<vmem_shared>>
      tpu.enqueue_indirect_dma source(%dma_start3A_141 : memref<128xf32, #tpu.memory_space<vmem>>) target(%dma_start3A_146 : memref<100000xf32, #tpu.memory_space<vmem_shared>>) offsets(%dma_start3A_144 : memref<128xi32, #tpu.memory_space<vmem>>) semaphore(%arg29 : memref<!tpu.dma_semaphore, #tpu.memory_space<semaphore_mem>>) {add = true}
      %dma_start3A_147 = arith.constant 6 : i32
      %dma_start3A_148 = arith.constant 768 : i32
      %dma_start3A_149 = tpu.memref_slice %arg22[%dma_start3A_148] : memref<2048xf32, #tpu.memory_space<vmem>> -> memref<128xf32, #tpu.memory_space<vmem>>
      %dma_start3A_150 = arith.constant 0 : i32
      %dma_start3A_151 = tpu.memref_slice %arg24[%dma_start3A_147, %dma_start3A_150] : memref<16x128xi32, #tpu.memory_space<vmem>> -> memref<1x128xi32, #tpu.memory_space<vmem>>
      %dma_start3A_152 = tpu.memref_squeeze %dma_start3A_151 : memref<1x128xi32, #tpu.memory_space<vmem>> -> memref<128xi32, #tpu.memory_space<vmem>>
      %dma_start3A_153 = arith.constant 0 : i32
      %dma_start3A_154 = tpu.memref_slice %arg26[%dma_start3A_153] : memref<100000xf32, #tpu.memory_space<vmem_shared>> -> memref<100000xf32, #tpu.memory_space<vmem_shared>>
      tpu.enqueue_indirect_dma source(%dma_start3A_149 : memref<128xf32, #tpu.memory_space<vmem>>) target(%dma_start3A_154 : memref<100000xf32, #tpu.memory_space<vmem_shared>>) offsets(%dma_start3A_152 : memref<128xi32, #tpu.memory_space<vmem>>) semaphore(%arg29 : memref<!tpu.dma_semaphore, #tpu.memory_space<semaphore_mem>>) {add = true}
      %dma_start3A_155 = arith.constant 7 : i32
      %dma_start3A_156 = arith.constant 896 : i32
      %dma_start3A_157 = tpu.memref_slice %arg22[%dma_start3A_156] : memref<2048xf32, #tpu.memory_space<vmem>> -> memref<128xf32, #tpu.memory_space<vmem>>
      %dma_start3A_158 = arith.constant 0 : i32
      %dma_start3A_159 = tpu.memref_slice %arg24[%dma_start3A_155, %dma_start3A_158] : memref<16x128xi32, #tpu.memory_space<vmem>> -> memref<1x128xi32, #tpu.memory_space<vmem>>
      %dma_start3A_160 = tpu.memref_squeeze %dma_start3A_159 : memref<1x128xi32, #tpu.memory_space<vmem>> -> memref<128xi32, #tpu.memory_space<vmem>>
      %dma_start3A_161 = arith.constant 0 : i32
      %dma_start3A_162 = tpu.memref_slice %arg26[%dma_start3A_161] : memref<100000xf32, #tpu.memory_space<vmem_shared>> -> memref<100000xf32, #tpu.memory_space<vmem_shared>>
      tpu.enqueue_indirect_dma source(%dma_start3A_157 : memref<128xf32, #tpu.memory_space<vmem>>) target(%dma_start3A_162 : memref<100000xf32, #tpu.memory_space<vmem_shared>>) offsets(%dma_start3A_160 : memref<128xi32, #tpu.memory_space<vmem>>) semaphore(%arg29 : memref<!tpu.dma_semaphore, #tpu.memory_space<semaphore_mem>>) {add = true}
      %dma_start3A_163 = arith.constant 8 : i32
      %dma_start3A_164 = arith.constant 1024 : i32
      %dma_start3A_165 = tpu.memref_slice %arg22[%dma_start3A_164] : memref<2048xf32, #tpu.memory_space<vmem>> -> memref<128xf32, #tpu.memory_space<vmem>>
      %dma_start3A_166 = arith.constant 0 : i32
      %dma_start3A_167 = tpu.memref_slice %arg24[%dma_start3A_163, %dma_start3A_166] : memref<16x128xi32, #tpu.memory_space<vmem>> -> memref<1x128xi32, #tpu.memory_space<vmem>>
      %dma_start3A_168 = tpu.memref_squeeze %dma_start3A_167 : memref<1x128xi32, #tpu.memory_space<vmem>> -> memref<128xi32, #tpu.memory_space<vmem>>
      %dma_start3A_169 = arith.constant 0 : i32
      %dma_start3A_170 = tpu.memref_slice %arg26[%dma_start3A_169] : memref<100000xf32, #tpu.memory_space<vmem_shared>> -> memref<100000xf32, #tpu.memory_space<vmem_shared>>
      tpu.enqueue_indirect_dma source(%dma_start3A_165 : memref<128xf32, #tpu.memory_space<vmem>>) target(%dma_start3A_170 : memref<100000xf32, #tpu.memory_space<vmem_shared>>) offsets(%dma_start3A_168 : memref<128xi32, #tpu.memory_space<vmem>>) semaphore(%arg29 : memref<!tpu.dma_semaphore, #tpu.memory_space<semaphore_mem>>) {add = true}
      %dma_start3A_171 = arith.constant 9 : i32
      %dma_start3A_172 = arith.constant 1152 : i32
      %dma_start3A_173 = tpu.memref_slice %arg22[%dma_start3A_172] : memref<2048xf32, #tpu.memory_space<vmem>> -> memref<128xf32, #tpu.memory_space<vmem>>
      %dma_start3A_174 = arith.constant 0 : i32
      %dma_start3A_175 = tpu.memref_slice %arg24[%dma_start3A_171, %dma_start3A_174] : memref<16x128xi32, #tpu.memory_space<vmem>> -> memref<1x128xi32, #tpu.memory_space<vmem>>
      %dma_start3A_176 = tpu.memref_squeeze %dma_start3A_175 : memref<1x128xi32, #tpu.memory_space<vmem>> -> memref<128xi32, #tpu.memory_space<vmem>>
      %dma_start3A_177 = arith.constant 0 : i32
      %dma_start3A_178 = tpu.memref_slice %arg26[%dma_start3A_177] : memref<100000xf32, #tpu.memory_space<vmem_shared>> -> memref<100000xf32, #tpu.memory_space<vmem_shared>>
      tpu.enqueue_indirect_dma source(%dma_start3A_173 : memref<128xf32, #tpu.memory_space<vmem>>) target(%dma_start3A_178 : memref<100000xf32, #tpu.memory_space<vmem_shared>>) offsets(%dma_start3A_176 : memref<128xi32, #tpu.memory_space<vmem>>) semaphore(%arg29 : memref<!tpu.dma_semaphore, #tpu.memory_space<semaphore_mem>>) {add = true}
      %dma_start3A_179 = arith.constant 10 : i32
      %dma_start3A_180 = arith.constant 1280 : i32
      %dma_start3A_181 = tpu.memref_slice %arg22[%dma_start3A_180] : memref<2048xf32, #tpu.memory_space<vmem>> -> memref<128xf32, #tpu.memory_space<vmem>>
      %dma_start3A_182 = arith.constant 0 : i32
      %dma_start3A_183 = tpu.memref_slice %arg24[%dma_start3A_179, %dma_start3A_182] : memref<16x128xi32, #tpu.memory_space<vmem>> -> memref<1x128xi32, #tpu.memory_space<vmem>>
      %dma_start3A_184 = tpu.memref_squeeze %dma_start3A_183 : memref<1x128xi32, #tpu.memory_space<vmem>> -> memref<128xi32, #tpu.memory_space<vmem>>
      %dma_start3A_185 = arith.constant 0 : i32
      %dma_start3A_186 = tpu.memref_slice %arg26[%dma_start3A_185] : memref<100000xf32, #tpu.memory_space<vmem_shared>> -> memref<100000xf32, #tpu.memory_space<vmem_shared>>
      tpu.enqueue_indirect_dma source(%dma_start3A_181 : memref<128xf32, #tpu.memory_space<vmem>>) target(%dma_start3A_186 : memref<100000xf32, #tpu.memory_space<vmem_shared>>) offsets(%dma_start3A_184 : memref<128xi32, #tpu.memory_space<vmem>>) semaphore(%arg29 : memref<!tpu.dma_semaphore, #tpu.memory_space<semaphore_mem>>) {add = true}
      %dma_start3A_187 = arith.constant 11 : i32
      %dma_start3A_188 = arith.constant 1408 : i32
      %dma_start3A_189 = tpu.memref_slice %arg22[%dma_start3A_188] : memref<2048xf32, #tpu.memory_space<vmem>> -> memref<128xf32, #tpu.memory_space<vmem>>
      %dma_start3A_190 = arith.constant 0 : i32
      %dma_start3A_191 = tpu.memref_slice %arg24[%dma_start3A_187, %dma_start3A_190] : memref<16x128xi32, #tpu.memory_space<vmem>> -> memref<1x128xi32, #tpu.memory_space<vmem>>
      %dma_start3A_192 = tpu.memref_squeeze %dma_start3A_191 : memref<1x128xi32, #tpu.memory_space<vmem>> -> memref<128xi32, #tpu.memory_space<vmem>>
      %dma_start3A_193 = arith.constant 0 : i32
      %dma_start3A_194 = tpu.memref_slice %arg26[%dma_start3A_193] : memref<100000xf32, #tpu.memory_space<vmem_shared>> -> memref<100000xf32, #tpu.memory_space<vmem_shared>>
      tpu.enqueue_indirect_dma source(%dma_start3A_189 : memref<128xf32, #tpu.memory_space<vmem>>) target(%dma_start3A_194 : memref<100000xf32, #tpu.memory_space<vmem_shared>>) offsets(%dma_start3A_192 : memref<128xi32, #tpu.memory_space<vmem>>) semaphore(%arg29 : memref<!tpu.dma_semaphore, #tpu.memory_space<semaphore_mem>>) {add = true}
      %dma_start3A_195 = arith.constant 12 : i32
      %dma_start3A_196 = arith.constant 1536 : i32
      %dma_start3A_197 = tpu.memref_slice %arg22[%dma_start3A_196] : memref<2048xf32, #tpu.memory_space<vmem>> -> memref<128xf32, #tpu.memory_space<vmem>>
      %dma_start3A_198 = arith.constant 0 : i32
      %dma_start3A_199 = tpu.memref_slice %arg24[%dma_start3A_195, %dma_start3A_198] : memref<16x128xi32, #tpu.memory_space<vmem>> -> memref<1x128xi32, #tpu.memory_space<vmem>>
      %dma_start3A_200 = tpu.memref_squeeze %dma_start3A_199 : memref<1x128xi32, #tpu.memory_space<vmem>> -> memref<128xi32, #tpu.memory_space<vmem>>
      %dma_start3A_201 = arith.constant 0 : i32
      %dma_start3A_202 = tpu.memref_slice %arg26[%dma_start3A_201] : memref<100000xf32, #tpu.memory_space<vmem_shared>> -> memref<100000xf32, #tpu.memory_space<vmem_shared>>
      tpu.enqueue_indirect_dma source(%dma_start3A_197 : memref<128xf32, #tpu.memory_space<vmem>>) target(%dma_start3A_202 : memref<100000xf32, #tpu.memory_space<vmem_shared>>) offsets(%dma_start3A_200 : memref<128xi32, #tpu.memory_space<vmem>>) semaphore(%arg29 : memref<!tpu.dma_semaphore, #tpu.memory_space<semaphore_mem>>) {add = true}
      %dma_start3A_203 = arith.constant 13 : i32
      %dma_start3A_204 = arith.constant 1664 : i32
      %dma_start3A_205 = tpu.memref_slice %arg22[%dma_start3A_204] : memref<2048xf32, #tpu.memory_space<vmem>> -> memref<128xf32, #tpu.memory_space<vmem>>
      %dma_start3A_206 = arith.constant 0 : i32
      %dma_start3A_207 = tpu.memref_slice %arg24[%dma_start3A_203, %dma_start3A_206] : memref<16x128xi32, #tpu.memory_space<vmem>> -> memref<1x128xi32, #tpu.memory_space<vmem>>
      %dma_start3A_208 = tpu.memref_squeeze %dma_start3A_207 : memref<1x128xi32, #tpu.memory_space<vmem>> -> memref<128xi32, #tpu.memory_space<vmem>>
      %dma_start3A_209 = arith.constant 0 : i32
      %dma_start3A_210 = tpu.memref_slice %arg26[%dma_start3A_209] : memref<100000xf32, #tpu.memory_space<vmem_shared>> -> memref<100000xf32, #tpu.memory_space<vmem_shared>>
      tpu.enqueue_indirect_dma source(%dma_start3A_205 : memref<128xf32, #tpu.memory_space<vmem>>) target(%dma_start3A_210 : memref<100000xf32, #tpu.memory_space<vmem_shared>>) offsets(%dma_start3A_208 : memref<128xi32, #tpu.memory_space<vmem>>) semaphore(%arg29 : memref<!tpu.dma_semaphore, #tpu.memory_space<semaphore_mem>>) {add = true}
      %dma_start3A_211 = arith.constant 14 : i32
      %dma_start3A_212 = arith.constant 1792 : i32
      %dma_start3A_213 = tpu.memref_slice %arg22[%dma_start3A_212] : memref<2048xf32, #tpu.memory_space<vmem>> -> memref<128xf32, #tpu.memory_space<vmem>>
      %dma_start3A_214 = arith.constant 0 : i32
      %dma_start3A_215 = tpu.memref_slice %arg24[%dma_start3A_211, %dma_start3A_214] : memref<16x128xi32, #tpu.memory_space<vmem>> -> memref<1x128xi32, #tpu.memory_space<vmem>>
      %dma_start3A_216 = tpu.memref_squeeze %dma_start3A_215 : memref<1x128xi32, #tpu.memory_space<vmem>> -> memref<128xi32, #tpu.memory_space<vmem>>
      %dma_start3A_217 = arith.constant 0 : i32
      %dma_start3A_218 = tpu.memref_slice %arg26[%dma_start3A_217] : memref<100000xf32, #tpu.memory_space<vmem_shared>> -> memref<100000xf32, #tpu.memory_space<vmem_shared>>
      tpu.enqueue_indirect_dma source(%dma_start3A_213 : memref<128xf32, #tpu.memory_space<vmem>>) target(%dma_start3A_218 : memref<100000xf32, #tpu.memory_space<vmem_shared>>) offsets(%dma_start3A_216 : memref<128xi32, #tpu.memory_space<vmem>>) semaphore(%arg29 : memref<!tpu.dma_semaphore, #tpu.memory_space<semaphore_mem>>) {add = true}
      %dma_start3A_219 = arith.constant 15 : i32
      %dma_start3A_220 = arith.constant 1920 : i32
      %dma_start3A_221 = tpu.memref_slice %arg22[%dma_start3A_220] : memref<2048xf32, #tpu.memory_space<vmem>> -> memref<128xf32, #tpu.memory_space<vmem>>
      %dma_start3A_222 = arith.constant 0 : i32
      %dma_start3A_223 = tpu.memref_slice %arg24[%dma_start3A_219, %dma_start3A_222] : memref<16x128xi32, #tpu.memory_space<vmem>> -> memref<1x128xi32, #tpu.memory_space<vmem>>
      %dma_start3A_224 = tpu.memref_squeeze %dma_start3A_223 : memref<1x128xi32, #tpu.memory_space<vmem>> -> memref<128xi32, #tpu.memory_space<vmem>>
      %dma_start3A_225 = arith.constant 0 : i32
      %dma_start3A_226 = tpu.memref_slice %arg26[%dma_start3A_225] : memref<100000xf32, #tpu.memory_space<vmem_shared>> -> memref<100000xf32, #tpu.memory_space<vmem_shared>>
      tpu.enqueue_indirect_dma source(%dma_start3A_221 : memref<128xf32, #tpu.memory_space<vmem>>) target(%dma_start3A_226 : memref<100000xf32, #tpu.memory_space<vmem_shared>>) offsets(%dma_start3A_224 : memref<128xi32, #tpu.memory_space<vmem>>) semaphore(%arg29 : memref<!tpu.dma_semaphore, #tpu.memory_space<semaphore_mem>>) {add = true}
      %lt3A_227 = arith.cmpi slt, %add3A_65, %add3A_7 : i32
      %convert_element_type3A_228 = arith.extui %lt3A_227 : i1 to i32
      %cond3A_229 = arith.constant 0 : i32
      %cond3A_230 = arith.cmpi ne, %convert_element_type3A_228, %cond3A_229 : i32
      scf.if %cond3A_230 {
        %add3A_235 = arith.addi %add3A_4, %add3A_65 : i32
        %mul3A_236 = arith.constant 16 : i32
        %mul3A_237 = arith.muli %add3A_235, %mul3A_236 : i32
        %dma_start3A_238 = arith.constant 0 : i32
        %dma_start3A_239 = tpu.memref_slice %arg5[%mul3A_237, %dma_start3A_238] : memref<50000x128xi32, #tpu.memory_space<hbm>> -> memref<16x128xi32, #tpu.memory_space<hbm>>
        %dma_start3A_240 = arith.constant 0 : i32
        %dma_start3A_241 = tpu.memref_slice %arg5[%mul3A_237, %dma_start3A_240] : memref<50000x128xi32, #tpu.memory_space<hbm>> -> memref<16x128xi32, #tpu.memory_space<hbm>>
        tpu.enqueue_dma source(%dma_start3A_241 : memref<16x128xi32, #tpu.memory_space<hbm>>) target(%arg14 : memref<16x128xi32, #tpu.memory_space<vmem>>) target_semaphore(%arg27 : memref<!tpu.dma_semaphore, #tpu.memory_space<semaphore_mem>>)
        %dma_start3A_242 = arith.constant 0 : i32
        %dma_start3A_243 = tpu.memref_slice %arg6[%mul3A_237, %dma_start3A_242] : memref<50000x128xi32, #tpu.memory_space<hbm>> -> memref<16x128xi32, #tpu.memory_space<hbm>>
        %dma_start3A_244 = arith.constant 0 : i32
        %dma_start3A_245 = tpu.memref_slice %arg6[%mul3A_237, %dma_start3A_244] : memref<50000x128xi32, #tpu.memory_space<hbm>> -> memref<16x128xi32, #tpu.memory_space<hbm>>
        tpu.enqueue_dma source(%dma_start3A_245 : memref<16x128xi32, #tpu.memory_space<hbm>>) target(%arg16 : memref<16x128xi32, #tpu.memory_space<vmem>>) target_semaphore(%arg27 : memref<!tpu.dma_semaphore, #tpu.memory_space<semaphore_mem>>)
        %dma_start3A_246 = arith.constant 0 : i32
        %dma_start3A_247 = tpu.memref_slice %arg7[%mul3A_237, %dma_start3A_246] : memref<50000x128xf32, #tpu.memory_space<hbm>> -> memref<16x128xf32, #tpu.memory_space<hbm>>
        %dma_start3A_248 = arith.constant 0 : i32
        %dma_start3A_249 = tpu.memref_slice %arg7[%mul3A_237, %dma_start3A_248] : memref<50000x128xf32, #tpu.memory_space<hbm>> -> memref<16x128xf32, #tpu.memory_space<hbm>>
        tpu.enqueue_dma source(%dma_start3A_249 : memref<16x128xf32, #tpu.memory_space<hbm>>) target(%arg18 : memref<16x128xf32, #tpu.memory_space<vmem>>) target_semaphore(%arg27 : memref<!tpu.dma_semaphore, #tpu.memory_space<semaphore_mem>>)
        %dma_start3A_250 = arith.constant 0 : i32
        %dma_start3A_251 = tpu.memref_slice %arg8[%mul3A_237, %dma_start3A_250] : memref<50000x128xf32, #tpu.memory_space<hbm>> -> memref<16x128xf32, #tpu.memory_space<hbm>>
        %dma_start3A_252 = arith.constant 0 : i32
        %dma_start3A_253 = tpu.memref_slice %arg8[%mul3A_237, %dma_start3A_252] : memref<50000x128xf32, #tpu.memory_space<hbm>> -> memref<16x128xf32, #tpu.memory_space<hbm>>
        tpu.enqueue_dma source(%dma_start3A_253 : memref<16x128xf32, #tpu.memory_space<hbm>>) target(%arg20 : memref<16x128xf32, #tpu.memory_space<vmem>>) target_semaphore(%arg27 : memref<!tpu.dma_semaphore, #tpu.memory_space<semaphore_mem>>)
      } else {
      }
      %lt3A_231 = arith.cmpi slt, %add3A_61, %add3A_7 : i32
      %convert_element_type3A_232 = arith.extui %lt3A_231 : i1 to i32
      %cond3A_233 = arith.constant 0 : i32
      %cond3A_234 = arith.cmpi ne, %convert_element_type3A_232, %cond3A_233 : i32
      scf.if %cond3A_234 {
        %dma_wait3A_235 = arith.constant 0 : i32
        %dma_wait3A_236 = arith.constant 0 : i32
        %dma_wait3A_237 = tpu.memref_slice %arg5[%dma_wait3A_235, %dma_wait3A_236] : memref<50000x128xi32, #tpu.memory_space<hbm>> -> memref<16x128xi32, #tpu.memory_space<hbm>>
        %dma_wait3A_238 = arith.constant 0 : i32
        %dma_wait3A_239 = arith.constant 0 : i32
        %dma_wait3A_240 = tpu.memref_slice %arg5[%dma_wait3A_238, %dma_wait3A_239] : memref<50000x128xi32, #tpu.memory_space<hbm>> -> memref<16x128xi32, #tpu.memory_space<hbm>>
        tpu.wait_dma2 semaphore(%arg28 : memref<!tpu.dma_semaphore, #tpu.memory_space<semaphore_mem>>) src(%dma_wait3A_240 : memref<16x128xi32, #tpu.memory_space<hbm>>) dst(%arg15 : memref<16x128xi32, #tpu.memory_space<vmem>>)
        %dma_wait3A_241 = arith.constant 0 : i32
        %dma_wait3A_242 = arith.constant 0 : i32
        %dma_wait3A_243 = tpu.memref_slice %arg6[%dma_wait3A_241, %dma_wait3A_242] : memref<50000x128xi32, #tpu.memory_space<hbm>> -> memref<16x128xi32, #tpu.memory_space<hbm>>
        %dma_wait3A_244 = arith.constant 0 : i32
        %dma_wait3A_245 = arith.constant 0 : i32
        %dma_wait3A_246 = tpu.memref_slice %arg6[%dma_wait3A_244, %dma_wait3A_245] : memref<50000x128xi32, #tpu.memory_space<hbm>> -> memref<16x128xi32, #tpu.memory_space<hbm>>
        tpu.wait_dma2 semaphore(%arg28 : memref<!tpu.dma_semaphore, #tpu.memory_space<semaphore_mem>>) src(%dma_wait3A_246 : memref<16x128xi32, #tpu.memory_space<hbm>>) dst(%arg17 : memref<16x128xi32, #tpu.memory_space<vmem>>)
        %dma_wait3A_247 = arith.constant 0 : i32
        %dma_wait3A_248 = arith.constant 0 : i32
        %dma_wait3A_249 = tpu.memref_slice %arg7[%dma_wait3A_247, %dma_wait3A_248] : memref<50000x128xf32, #tpu.memory_space<hbm>> -> memref<16x128xf32, #tpu.memory_space<hbm>>
        %dma_wait3A_250 = arith.constant 0 : i32
        %dma_wait3A_251 = arith.constant 0 : i32
        %dma_wait3A_252 = tpu.memref_slice %arg7[%dma_wait3A_250, %dma_wait3A_251] : memref<50000x128xf32, #tpu.memory_space<hbm>> -> memref<16x128xf32, #tpu.memory_space<hbm>>
        tpu.wait_dma2 semaphore(%arg28 : memref<!tpu.dma_semaphore, #tpu.memory_space<semaphore_mem>>) src(%dma_wait3A_252 : memref<16x128xf32, #tpu.memory_space<hbm>>) dst(%arg19 : memref<16x128xf32, #tpu.memory_space<vmem>>)
        %dma_wait3A_253 = arith.constant 0 : i32
        %dma_wait3A_254 = arith.constant 0 : i32
        %dma_wait3A_255 = tpu.memref_slice %arg8[%dma_wait3A_253, %dma_wait3A_254] : memref<50000x128xf32, #tpu.memory_space<hbm>> -> memref<16x128xf32, #tpu.memory_space<hbm>>
        %dma_wait3A_256 = arith.constant 0 : i32
        %dma_wait3A_257 = arith.constant 0 : i32
        %dma_wait3A_258 = tpu.memref_slice %arg8[%dma_wait3A_256, %dma_wait3A_257] : memref<50000x128xf32, #tpu.memory_space<hbm>> -> memref<16x128xf32, #tpu.memory_space<hbm>>
        tpu.wait_dma2 semaphore(%arg28 : memref<!tpu.dma_semaphore, #tpu.memory_space<semaphore_mem>>) src(%dma_wait3A_258 : memref<16x128xf32, #tpu.memory_space<hbm>>) dst(%arg21 : memref<16x128xf32, #tpu.memory_space<vmem>>)
        %gt3A_259 = arith.constant 0 : i32
        %gt3A_260 = arith.cmpi sgt, %while3A_57, %gt3A_259 : i32
        %convert_element_type3A_261 = arith.extui %gt3A_260 : i1 to i32
        %cond3A_262 = arith.constant 0 : i32
        %cond3A_263 = arith.cmpi ne, %convert_element_type3A_261, %cond3A_262 : i32
        scf.if %cond3A_263 {
          %dma_wait3A_395 = arith.constant 0 : i32
          %dma_wait3A_396 = arith.constant 0 : i32
          %dma_wait3A_397 = tpu.memref_slice %arg23[%dma_wait3A_396] : memref<2048xf32, #tpu.memory_space<vmem>> -> memref<128xf32, #tpu.memory_space<vmem>>
          %dma_wait3A_398 = arith.constant 0 : i32
          %dma_wait3A_399 = tpu.memref_slice %arg25[%dma_wait3A_395, %dma_wait3A_398] : memref<16x128xi32, #tpu.memory_space<vmem>> -> memref<1x128xi32, #tpu.memory_space<vmem>>
          %dma_wait3A_400 = tpu.memref_squeeze %dma_wait3A_399 : memref<1x128xi32, #tpu.memory_space<vmem>> -> memref<128xi32, #tpu.memory_space<vmem>>
          %dma_wait3A_401 = arith.constant 0 : i32
          %dma_wait3A_402 = tpu.memref_slice %arg26[%dma_wait3A_401] : memref<100000xf32, #tpu.memory_space<vmem_shared>> -> memref<100000xf32, #tpu.memory_space<vmem_shared>>
          tpu.wait_indirect_dma semaphore(%arg30 : memref<!tpu.dma_semaphore, #tpu.memory_space<semaphore_mem>>) src(%dma_wait3A_397 : memref<128xf32, #tpu.memory_space<vmem>>) dst(%dma_wait3A_402 : memref<100000xf32, #tpu.memory_space<vmem_shared>>)
          %dma_wait3A_403 = arith.constant 1 : i32
          %dma_wait3A_404 = arith.constant 128 : i32
          %dma_wait3A_405 = tpu.memref_slice %arg23[%dma_wait3A_404] : memref<2048xf32, #tpu.memory_space<vmem>> -> memref<128xf32, #tpu.memory_space<vmem>>
          %dma_wait3A_406 = arith.constant 0 : i32
          %dma_wait3A_407 = tpu.memref_slice %arg25[%dma_wait3A_403, %dma_wait3A_406] : memref<16x128xi32, #tpu.memory_space<vmem>> -> memref<1x128xi32, #tpu.memory_space<vmem>>
          %dma_wait3A_408 = tpu.memref_squeeze %dma_wait3A_407 : memref<1x128xi32, #tpu.memory_space<vmem>> -> memref<128xi32, #tpu.memory_space<vmem>>
          %dma_wait3A_409 = arith.constant 0 : i32
          %dma_wait3A_410 = tpu.memref_slice %arg26[%dma_wait3A_409] : memref<100000xf32, #tpu.memory_space<vmem_shared>> -> memref<100000xf32, #tpu.memory_space<vmem_shared>>
          tpu.wait_indirect_dma semaphore(%arg30 : memref<!tpu.dma_semaphore, #tpu.memory_space<semaphore_mem>>) src(%dma_wait3A_405 : memref<128xf32, #tpu.memory_space<vmem>>) dst(%dma_wait3A_410 : memref<100000xf32, #tpu.memory_space<vmem_shared>>)
          %dma_wait3A_411 = arith.constant 2 : i32
          %dma_wait3A_412 = arith.constant 256 : i32
          %dma_wait3A_413 = tpu.memref_slice %arg23[%dma_wait3A_412] : memref<2048xf32, #tpu.memory_space<vmem>> -> memref<128xf32, #tpu.memory_space<vmem>>
          %dma_wait3A_414 = arith.constant 0 : i32
          %dma_wait3A_415 = tpu.memref_slice %arg25[%dma_wait3A_411, %dma_wait3A_414] : memref<16x128xi32, #tpu.memory_space<vmem>> -> memref<1x128xi32, #tpu.memory_space<vmem>>
          %dma_wait3A_416 = tpu.memref_squeeze %dma_wait3A_415 : memref<1x128xi32, #tpu.memory_space<vmem>> -> memref<128xi32, #tpu.memory_space<vmem>>
          %dma_wait3A_417 = arith.constant 0 : i32
          %dma_wait3A_418 = tpu.memref_slice %arg26[%dma_wait3A_417] : memref<100000xf32, #tpu.memory_space<vmem_shared>> -> memref<100000xf32, #tpu.memory_space<vmem_shared>>
          tpu.wait_indirect_dma semaphore(%arg30 : memref<!tpu.dma_semaphore, #tpu.memory_space<semaphore_mem>>) src(%dma_wait3A_413 : memref<128xf32, #tpu.memory_space<vmem>>) dst(%dma_wait3A_418 : memref<100000xf32, #tpu.memory_space<vmem_shared>>)
          %dma_wait3A_419 = arith.constant 3 : i32
          %dma_wait3A_420 = arith.constant 384 : i32
          %dma_wait3A_421 = tpu.memref_slice %arg23[%dma_wait3A_420] : memref<2048xf32, #tpu.memory_space<vmem>> -> memref<128xf32, #tpu.memory_space<vmem>>
          %dma_wait3A_422 = arith.constant 0 : i32
          %dma_wait3A_423 = tpu.memref_slice %arg25[%dma_wait3A_419, %dma_wait3A_422] : memref<16x128xi32, #tpu.memory_space<vmem>> -> memref<1x128xi32, #tpu.memory_space<vmem>>
          %dma_wait3A_424 = tpu.memref_squeeze %dma_wait3A_423 : memref<1x128xi32, #tpu.memory_space<vmem>> -> memref<128xi32, #tpu.memory_space<vmem>>
          %dma_wait3A_425 = arith.constant 0 : i32
          %dma_wait3A_426 = tpu.memref_slice %arg26[%dma_wait3A_425] : memref<100000xf32, #tpu.memory_space<vmem_shared>> -> memref<100000xf32, #tpu.memory_space<vmem_shared>>
          tpu.wait_indirect_dma semaphore(%arg30 : memref<!tpu.dma_semaphore, #tpu.memory_space<semaphore_mem>>) src(%dma_wait3A_421 : memref<128xf32, #tpu.memory_space<vmem>>) dst(%dma_wait3A_426 : memref<100000xf32, #tpu.memory_space<vmem_shared>>)
          %dma_wait3A_427 = arith.constant 4 : i32
          %dma_wait3A_428 = arith.constant 512 : i32
          %dma_wait3A_429 = tpu.memref_slice %arg23[%dma_wait3A_428] : memref<2048xf32, #tpu.memory_space<vmem>> -> memref<128xf32, #tpu.memory_space<vmem>>
          %dma_wait3A_430 = arith.constant 0 : i32
          %dma_wait3A_431 = tpu.memref_slice %arg25[%dma_wait3A_427, %dma_wait3A_430] : memref<16x128xi32, #tpu.memory_space<vmem>> -> memref<1x128xi32, #tpu.memory_space<vmem>>
          %dma_wait3A_432 = tpu.memref_squeeze %dma_wait3A_431 : memref<1x128xi32, #tpu.memory_space<vmem>> -> memref<128xi32, #tpu.memory_space<vmem>>
          %dma_wait3A_433 = arith.constant 0 : i32
          %dma_wait3A_434 = tpu.memref_slice %arg26[%dma_wait3A_433] : memref<100000xf32, #tpu.memory_space<vmem_shared>> -> memref<100000xf32, #tpu.memory_space<vmem_shared>>
          tpu.wait_indirect_dma semaphore(%arg30 : memref<!tpu.dma_semaphore, #tpu.memory_space<semaphore_mem>>) src(%dma_wait3A_429 : memref<128xf32, #tpu.memory_space<vmem>>) dst(%dma_wait3A_434 : memref<100000xf32, #tpu.memory_space<vmem_shared>>)
          %dma_wait3A_435 = arith.constant 5 : i32
          %dma_wait3A_436 = arith.constant 640 : i32
          %dma_wait3A_437 = tpu.memref_slice %arg23[%dma_wait3A_436] : memref<2048xf32, #tpu.memory_space<vmem>> -> memref<128xf32, #tpu.memory_space<vmem>>
          %dma_wait3A_438 = arith.constant 0 : i32
          %dma_wait3A_439 = tpu.memref_slice %arg25[%dma_wait3A_435, %dma_wait3A_438] : memref<16x128xi32, #tpu.memory_space<vmem>> -> memref<1x128xi32, #tpu.memory_space<vmem>>
          %dma_wait3A_440 = tpu.memref_squeeze %dma_wait3A_439 : memref<1x128xi32, #tpu.memory_space<vmem>> -> memref<128xi32, #tpu.memory_space<vmem>>
          %dma_wait3A_441 = arith.constant 0 : i32
          %dma_wait3A_442 = tpu.memref_slice %arg26[%dma_wait3A_441] : memref<100000xf32, #tpu.memory_space<vmem_shared>> -> memref<100000xf32, #tpu.memory_space<vmem_shared>>
          tpu.wait_indirect_dma semaphore(%arg30 : memref<!tpu.dma_semaphore, #tpu.memory_space<semaphore_mem>>) src(%dma_wait3A_437 : memref<128xf32, #tpu.memory_space<vmem>>) dst(%dma_wait3A_442 : memref<100000xf32, #tpu.memory_space<vmem_shared>>)
          %dma_wait3A_443 = arith.constant 6 : i32
          %dma_wait3A_444 = arith.constant 768 : i32
          %dma_wait3A_445 = tpu.memref_slice %arg23[%dma_wait3A_444] : memref<2048xf32, #tpu.memory_space<vmem>> -> memref<128xf32, #tpu.memory_space<vmem>>
          %dma_wait3A_446 = arith.constant 0 : i32
          %dma_wait3A_447 = tpu.memref_slice %arg25[%dma_wait3A_443, %dma_wait3A_446] : memref<16x128xi32, #tpu.memory_space<vmem>> -> memref<1x128xi32, #tpu.memory_space<vmem>>
          %dma_wait3A_448 = tpu.memref_squeeze %dma_wait3A_447 : memref<1x128xi32, #tpu.memory_space<vmem>> -> memref<128xi32, #tpu.memory_space<vmem>>
          %dma_wait3A_449 = arith.constant 0 : i32
          %dma_wait3A_450 = tpu.memref_slice %arg26[%dma_wait3A_449] : memref<100000xf32, #tpu.memory_space<vmem_shared>> -> memref<100000xf32, #tpu.memory_space<vmem_shared>>
          tpu.wait_indirect_dma semaphore(%arg30 : memref<!tpu.dma_semaphore, #tpu.memory_space<semaphore_mem>>) src(%dma_wait3A_445 : memref<128xf32, #tpu.memory_space<vmem>>) dst(%dma_wait3A_450 : memref<100000xf32, #tpu.memory_space<vmem_shared>>)
          %dma_wait3A_451 = arith.constant 7 : i32
          %dma_wait3A_452 = arith.constant 896 : i32
          %dma_wait3A_453 = tpu.memref_slice %arg23[%dma_wait3A_452] : memref<2048xf32, #tpu.memory_space<vmem>> -> memref<128xf32, #tpu.memory_space<vmem>>
          %dma_wait3A_454 = arith.constant 0 : i32
          %dma_wait3A_455 = tpu.memref_slice %arg25[%dma_wait3A_451, %dma_wait3A_454] : memref<16x128xi32, #tpu.memory_space<vmem>> -> memref<1x128xi32, #tpu.memory_space<vmem>>
          %dma_wait3A_456 = tpu.memref_squeeze %dma_wait3A_455 : memref<1x128xi32, #tpu.memory_space<vmem>> -> memref<128xi32, #tpu.memory_space<vmem>>
          %dma_wait3A_457 = arith.constant 0 : i32
          %dma_wait3A_458 = tpu.memref_slice %arg26[%dma_wait3A_457] : memref<100000xf32, #tpu.memory_space<vmem_shared>> -> memref<100000xf32, #tpu.memory_space<vmem_shared>>
          tpu.wait_indirect_dma semaphore(%arg30 : memref<!tpu.dma_semaphore, #tpu.memory_space<semaphore_mem>>) src(%dma_wait3A_453 : memref<128xf32, #tpu.memory_space<vmem>>) dst(%dma_wait3A_458 : memref<100000xf32, #tpu.memory_space<vmem_shared>>)
          %dma_wait3A_459 = arith.constant 8 : i32
          %dma_wait3A_460 = arith.constant 1024 : i32
          %dma_wait3A_461 = tpu.memref_slice %arg23[%dma_wait3A_460] : memref<2048xf32, #tpu.memory_space<vmem>> -> memref<128xf32, #tpu.memory_space<vmem>>
          %dma_wait3A_462 = arith.constant 0 : i32
          %dma_wait3A_463 = tpu.memref_slice %arg25[%dma_wait3A_459, %dma_wait3A_462] : memref<16x128xi32, #tpu.memory_space<vmem>> -> memref<1x128xi32, #tpu.memory_space<vmem>>
          %dma_wait3A_464 = tpu.memref_squeeze %dma_wait3A_463 : memref<1x128xi32, #tpu.memory_space<vmem>> -> memref<128xi32, #tpu.memory_space<vmem>>
          %dma_wait3A_465 = arith.constant 0 : i32
          %dma_wait3A_466 = tpu.memref_slice %arg26[%dma_wait3A_465] : memref<100000xf32, #tpu.memory_space<vmem_shared>> -> memref<100000xf32, #tpu.memory_space<vmem_shared>>
          tpu.wait_indirect_dma semaphore(%arg30 : memref<!tpu.dma_semaphore, #tpu.memory_space<semaphore_mem>>) src(%dma_wait3A_461 : memref<128xf32, #tpu.memory_space<vmem>>) dst(%dma_wait3A_466 : memref<100000xf32, #tpu.memory_space<vmem_shared>>)
          %dma_wait3A_467 = arith.constant 9 : i32
          %dma_wait3A_468 = arith.constant 1152 : i32
          %dma_wait3A_469 = tpu.memref_slice %arg23[%dma_wait3A_468] : memref<2048xf32, #tpu.memory_space<vmem>> -> memref<128xf32, #tpu.memory_space<vmem>>
          %dma_wait3A_470 = arith.constant 0 : i32
          %dma_wait3A_471 = tpu.memref_slice %arg25[%dma_wait3A_467, %dma_wait3A_470] : memref<16x128xi32, #tpu.memory_space<vmem>> -> memref<1x128xi32, #tpu.memory_space<vmem>>
          %dma_wait3A_472 = tpu.memref_squeeze %dma_wait3A_471 : memref<1x128xi32, #tpu.memory_space<vmem>> -> memref<128xi32, #tpu.memory_space<vmem>>
          %dma_wait3A_473 = arith.constant 0 : i32
          %dma_wait3A_474 = tpu.memref_slice %arg26[%dma_wait3A_473] : memref<100000xf32, #tpu.memory_space<vmem_shared>> -> memref<100000xf32, #tpu.memory_space<vmem_shared>>
          tpu.wait_indirect_dma semaphore(%arg30 : memref<!tpu.dma_semaphore, #tpu.memory_space<semaphore_mem>>) src(%dma_wait3A_469 : memref<128xf32, #tpu.memory_space<vmem>>) dst(%dma_wait3A_474 : memref<100000xf32, #tpu.memory_space<vmem_shared>>)
          %dma_wait3A_475 = arith.constant 10 : i32
          %dma_wait3A_476 = arith.constant 1280 : i32
          %dma_wait3A_477 = tpu.memref_slice %arg23[%dma_wait3A_476] : memref<2048xf32, #tpu.memory_space<vmem>> -> memref<128xf32, #tpu.memory_space<vmem>>
          %dma_wait3A_478 = arith.constant 0 : i32
          %dma_wait3A_479 = tpu.memref_slice %arg25[%dma_wait3A_475, %dma_wait3A_478] : memref<16x128xi32, #tpu.memory_space<vmem>> -> memref<1x128xi32, #tpu.memory_space<vmem>>
          %dma_wait3A_480 = tpu.memref_squeeze %dma_wait3A_479 : memref<1x128xi32, #tpu.memory_space<vmem>> -> memref<128xi32, #tpu.memory_space<vmem>>
          %dma_wait3A_481 = arith.constant 0 : i32
          %dma_wait3A_482 = tpu.memref_slice %arg26[%dma_wait3A_481] : memref<100000xf32, #tpu.memory_space<vmem_shared>> -> memref<100000xf32, #tpu.memory_space<vmem_shared>>
          tpu.wait_indirect_dma semaphore(%arg30 : memref<!tpu.dma_semaphore, #tpu.memory_space<semaphore_mem>>) src(%dma_wait3A_477 : memref<128xf32, #tpu.memory_space<vmem>>) dst(%dma_wait3A_482 : memref<100000xf32, #tpu.memory_space<vmem_shared>>)
          %dma_wait3A_483 = arith.constant 11 : i32
          %dma_wait3A_484 = arith.constant 1408 : i32
          %dma_wait3A_485 = tpu.memref_slice %arg23[%dma_wait3A_484] : memref<2048xf32, #tpu.memory_space<vmem>> -> memref<128xf32, #tpu.memory_space<vmem>>
          %dma_wait3A_486 = arith.constant 0 : i32
          %dma_wait3A_487 = tpu.memref_slice %arg25[%dma_wait3A_483, %dma_wait3A_486] : memref<16x128xi32, #tpu.memory_space<vmem>> -> memref<1x128xi32, #tpu.memory_space<vmem>>
          %dma_wait3A_488 = tpu.memref_squeeze %dma_wait3A_487 : memref<1x128xi32, #tpu.memory_space<vmem>> -> memref<128xi32, #tpu.memory_space<vmem>>
          %dma_wait3A_489 = arith.constant 0 : i32
          %dma_wait3A_490 = tpu.memref_slice %arg26[%dma_wait3A_489] : memref<100000xf32, #tpu.memory_space<vmem_shared>> -> memref<100000xf32, #tpu.memory_space<vmem_shared>>
          tpu.wait_indirect_dma semaphore(%arg30 : memref<!tpu.dma_semaphore, #tpu.memory_space<semaphore_mem>>) src(%dma_wait3A_485 : memref<128xf32, #tpu.memory_space<vmem>>) dst(%dma_wait3A_490 : memref<100000xf32, #tpu.memory_space<vmem_shared>>)
          %dma_wait3A_491 = arith.constant 12 : i32
          %dma_wait3A_492 = arith.constant 1536 : i32
          %dma_wait3A_493 = tpu.memref_slice %arg23[%dma_wait3A_492] : memref<2048xf32, #tpu.memory_space<vmem>> -> memref<128xf32, #tpu.memory_space<vmem>>
          %dma_wait3A_494 = arith.constant 0 : i32
          %dma_wait3A_495 = tpu.memref_slice %arg25[%dma_wait3A_491, %dma_wait3A_494] : memref<16x128xi32, #tpu.memory_space<vmem>> -> memref<1x128xi32, #tpu.memory_space<vmem>>
          %dma_wait3A_496 = tpu.memref_squeeze %dma_wait3A_495 : memref<1x128xi32, #tpu.memory_space<vmem>> -> memref<128xi32, #tpu.memory_space<vmem>>
          %dma_wait3A_497 = arith.constant 0 : i32
          %dma_wait3A_498 = tpu.memref_slice %arg26[%dma_wait3A_497] : memref<100000xf32, #tpu.memory_space<vmem_shared>> -> memref<100000xf32, #tpu.memory_space<vmem_shared>>
          tpu.wait_indirect_dma semaphore(%arg30 : memref<!tpu.dma_semaphore, #tpu.memory_space<semaphore_mem>>) src(%dma_wait3A_493 : memref<128xf32, #tpu.memory_space<vmem>>) dst(%dma_wait3A_498 : memref<100000xf32, #tpu.memory_space<vmem_shared>>)
          %dma_wait3A_499 = arith.constant 13 : i32
          %dma_wait3A_500 = arith.constant 1664 : i32
          %dma_wait3A_501 = tpu.memref_slice %arg23[%dma_wait3A_500] : memref<2048xf32, #tpu.memory_space<vmem>> -> memref<128xf32, #tpu.memory_space<vmem>>
          %dma_wait3A_502 = arith.constant 0 : i32
          %dma_wait3A_503 = tpu.memref_slice %arg25[%dma_wait3A_499, %dma_wait3A_502] : memref<16x128xi32, #tpu.memory_space<vmem>> -> memref<1x128xi32, #tpu.memory_space<vmem>>
          %dma_wait3A_504 = tpu.memref_squeeze %dma_wait3A_503 : memref<1x128xi32, #tpu.memory_space<vmem>> -> memref<128xi32, #tpu.memory_space<vmem>>
          %dma_wait3A_505 = arith.constant 0 : i32
          %dma_wait3A_506 = tpu.memref_slice %arg26[%dma_wait3A_505] : memref<100000xf32, #tpu.memory_space<vmem_shared>> -> memref<100000xf32, #tpu.memory_space<vmem_shared>>
          tpu.wait_indirect_dma semaphore(%arg30 : memref<!tpu.dma_semaphore, #tpu.memory_space<semaphore_mem>>) src(%dma_wait3A_501 : memref<128xf32, #tpu.memory_space<vmem>>) dst(%dma_wait3A_506 : memref<100000xf32, #tpu.memory_space<vmem_shared>>)
          %dma_wait3A_507 = arith.constant 14 : i32
          %dma_wait3A_508 = arith.constant 1792 : i32
          %dma_wait3A_509 = tpu.memref_slice %arg23[%dma_wait3A_508] : memref<2048xf32, #tpu.memory_space<vmem>> -> memref<128xf32, #tpu.memory_space<vmem>>
          %dma_wait3A_510 = arith.constant 0 : i32
          %dma_wait3A_511 = tpu.memref_slice %arg25[%dma_wait3A_507, %dma_wait3A_510] : memref<16x128xi32, #tpu.memory_space<vmem>> -> memref<1x128xi32, #tpu.memory_space<vmem>>
          %dma_wait3A_512 = tpu.memref_squeeze %dma_wait3A_511 : memref<1x128xi32, #tpu.memory_space<vmem>> -> memref<128xi32, #tpu.memory_space<vmem>>
          %dma_wait3A_513 = arith.constant 0 : i32
          %dma_wait3A_514 = tpu.memref_slice %arg26[%dma_wait3A_513] : memref<100000xf32, #tpu.memory_space<vmem_shared>> -> memref<100000xf32, #tpu.memory_space<vmem_shared>>
          tpu.wait_indirect_dma semaphore(%arg30 : memref<!tpu.dma_semaphore, #tpu.memory_space<semaphore_mem>>) src(%dma_wait3A_509 : memref<128xf32, #tpu.memory_space<vmem>>) dst(%dma_wait3A_514 : memref<100000xf32, #tpu.memory_space<vmem_shared>>)
          %dma_wait3A_515 = arith.constant 15 : i32
          %dma_wait3A_516 = arith.constant 1920 : i32
          %dma_wait3A_517 = tpu.memref_slice %arg23[%dma_wait3A_516] : memref<2048xf32, #tpu.memory_space<vmem>> -> memref<128xf32, #tpu.memory_space<vmem>>
          %dma_wait3A_518 = arith.constant 0 : i32
          %dma_wait3A_519 = tpu.memref_slice %arg25[%dma_wait3A_515, %dma_wait3A_518] : memref<16x128xi32, #tpu.memory_space<vmem>> -> memref<1x128xi32, #tpu.memory_space<vmem>>
          %dma_wait3A_520 = tpu.memref_squeeze %dma_wait3A_519 : memref<1x128xi32, #tpu.memory_space<vmem>> -> memref<128xi32, #tpu.memory_space<vmem>>
          %dma_wait3A_521 = arith.constant 0 : i32
          %dma_wait3A_522 = tpu.memref_slice %arg26[%dma_wait3A_521] : memref<100000xf32, #tpu.memory_space<vmem_shared>> -> memref<100000xf32, #tpu.memory_space<vmem_shared>>
          tpu.wait_indirect_dma semaphore(%arg30 : memref<!tpu.dma_semaphore, #tpu.memory_space<semaphore_mem>>) src(%dma_wait3A_517 : memref<128xf32, #tpu.memory_space<vmem>>) dst(%dma_wait3A_522 : memref<100000xf32, #tpu.memory_space<vmem_shared>>)
        } else {
        }
        %parallel_loop3A_264 = arith.constant 0 : i32
        %parallel_loop3A_265 = arith.constant 128 : i32
        %parallel_loop3A_266 = arith.constant 1 : i32
        scf.for %parallel_loop3A_395 = %parallel_loop3A_264 to %parallel_loop3A_265 step %parallel_loop3A_266  : i32 {
          %parallel_loop3A_396 = arith.constant 3 : i32
          %parallel_loop3A_397 = arith.shrui %parallel_loop3A_395, %parallel_loop3A_396 : i32
          %parallel_loop3A_398 = arith.constant 7 : i32
          %parallel_loop3A_399 = arith.andi %parallel_loop3A_395, %parallel_loop3A_398 : i32
          %parallel_loop3A_400 = arith.constant 16 : i32
          %parallel_loop3A_401 = arith.muli %parallel_loop3A_399, %parallel_loop3A_400 : i32
          %parallel_loop3A_402 = arith.index_cast %parallel_loop3A_397 : i32 to index
          %parallel_loop3A_403 = arith.index_cast %parallel_loop3A_401 : i32 to index
          %parallel_loop3A_404 = tpu.vector_load %arg15[%parallel_loop3A_402, %parallel_loop3A_403] {strides = array<i32>} : memref<16x128xi32, #tpu.memory_space<vmem>>, vector<16xi32>,
          %parallel_loop3A_405 = arith.index_cast %parallel_loop3A_397 : i32 to index
          %parallel_loop3A_406 = arith.index_cast %parallel_loop3A_401 : i32 to index
          %parallel_loop3A_407 = tpu.vector_load %arg17[%parallel_loop3A_405, %parallel_loop3A_406] {strides = array<i32>} : memref<16x128xi32, #tpu.memory_space<vmem>>, vector<16xi32>,
          %parallel_loop3A_408 = arith.constant 2 : i32
          %parallel_loop3A_409 = vector.broadcast %parallel_loop3A_408 : i32 to vector<16xi32>
          %parallel_loop3A_410 = arith.shrui %parallel_loop3A_404, %parallel_loop3A_409 : vector<16xi32>
          %parallel_loop3A_411 = tpu.vector_load_idx %arg11[%parallel_loop3A_410] : memref<25008xi32, #tpu.memory_space<vmem>>[vector<16xi32>], vector<16xi32>,
          %parallel_loop3A_412 = arith.constant 2 : i32
          %parallel_loop3A_413 = vector.broadcast %parallel_loop3A_412 : i32 to vector<16xi32>
          %parallel_loop3A_414 = arith.shrui %parallel_loop3A_407, %parallel_loop3A_413 : vector<16xi32>
          %parallel_loop3A_415 = tpu.vector_load_idx %arg11[%parallel_loop3A_414] : memref<25008xi32, #tpu.memory_space<vmem>>[vector<16xi32>], vector<16xi32>,
          %parallel_loop3A_416 = arith.constant 3 : i32
          %parallel_loop3A_417 = vector.broadcast %parallel_loop3A_416 : i32 to vector<16xi32>
          %parallel_loop3A_418 = arith.andi %parallel_loop3A_404, %parallel_loop3A_417 : vector<16xi32>
          %parallel_loop3A_419 = arith.constant 8 : i32
          %parallel_loop3A_420 = vector.broadcast %parallel_loop3A_419 : i32 to vector<16xi32>
          %parallel_loop3A_421 = arith.muli %parallel_loop3A_418, %parallel_loop3A_420 : vector<16xi32>
          %parallel_loop3A_422 = arith.shrui %parallel_loop3A_411, %parallel_loop3A_421 : vector<16xi32>
          %parallel_loop3A_423 = arith.constant 255 : i32
          %parallel_loop3A_424 = vector.broadcast %parallel_loop3A_423 : i32 to vector<16xi32>
          %parallel_loop3A_425 = arith.andi %parallel_loop3A_422, %parallel_loop3A_424 : vector<16xi32>
          %parallel_loop3A_426 = arith.constant 3 : i32
          %parallel_loop3A_427 = vector.broadcast %parallel_loop3A_426 : i32 to vector<16xi32>
          %parallel_loop3A_428 = arith.andi %parallel_loop3A_407, %parallel_loop3A_427 : vector<16xi32>
          %parallel_loop3A_429 = arith.constant 8 : i32
          %parallel_loop3A_430 = vector.broadcast %parallel_loop3A_429 : i32 to vector<16xi32>
          %parallel_loop3A_431 = arith.muli %parallel_loop3A_428, %parallel_loop3A_430 : vector<16xi32>
          %parallel_loop3A_432 = arith.shrui %parallel_loop3A_415, %parallel_loop3A_431 : vector<16xi32>
          %parallel_loop3A_433 = arith.constant 255 : i32
          %parallel_loop3A_434 = vector.broadcast %parallel_loop3A_433 : i32 to vector<16xi32>
          %parallel_loop3A_435 = arith.andi %parallel_loop3A_432, %parallel_loop3A_434 : vector<16xi32>
          %parallel_loop3A_436 = arith.constant 92 : i32
          %parallel_loop3A_437 = vector.broadcast %parallel_loop3A_436 : i32 to vector<16xi32>
          %parallel_loop3A_438 = arith.muli %parallel_loop3A_437, %parallel_loop3A_435 : vector<16xi32>
          %parallel_loop3A_439 = arith.addi %parallel_loop3A_425, %parallel_loop3A_438 : vector<16xi32>
          %parallel_loop3A_440 = arith.constant 3 : i32
          %parallel_loop3A_441 = vector.broadcast %parallel_loop3A_440 : i32 to vector<16xi32>
          %parallel_loop3A_442 = arith.muli %parallel_loop3A_439, %parallel_loop3A_441 : vector<16xi32>
          %parallel_loop3A_443 = arith.index_cast %parallel_loop3A_397 : i32 to index
          %parallel_loop3A_444 = arith.index_cast %parallel_loop3A_401 : i32 to index
          %parallel_loop3A_445 = tpu.vector_load %arg19[%parallel_loop3A_443, %parallel_loop3A_444] {strides = array<i32>} : memref<16x128xf32, #tpu.memory_space<vmem>>, vector<16xf32>,
          %parallel_loop3A_446 = arith.constant 0.000000e+00 : f32
          %parallel_loop3A_447 = vector.broadcast %parallel_loop3A_446 : f32 to vector<16xf32>
          %parallel_loop3A_448 = arith.subf %parallel_loop3A_447, %parallel_loop3A_445 : vector<16xf32>
          %parallel_loop3A_449 = tpu.vector_load_idx %arg12[%parallel_loop3A_442] : memref<25952xf32, #tpu.memory_space<vmem>>[vector<16xi32>], vector<16xf32>,
          %parallel_loop3A_450 = tpu.vector_load_idx %arg13[%parallel_loop3A_442] : memref<25952xf32, #tpu.memory_space<vmem>>[vector<16xi32>], vector<16xf32>,
          %parallel_loop3A_451 = arith.mulf %parallel_loop3A_450, %parallel_loop3A_448 : vector<16xf32>
          %parallel_loop3A_452 = math.exp %parallel_loop3A_451 : vector<16xf32>
          %parallel_loop3A_453 = arith.mulf %parallel_loop3A_449, %parallel_loop3A_452 : vector<16xf32>
          %parallel_loop3A_454 = arith.constant 1 : i32
          %parallel_loop3A_455 = vector.broadcast %parallel_loop3A_454 : i32 to vector<16xi32>
          %parallel_loop3A_456 = arith.addi %parallel_loop3A_442, %parallel_loop3A_455 : vector<16xi32>
          %parallel_loop3A_457 = tpu.vector_load_idx %arg12[%parallel_loop3A_456] : memref<25952xf32, #tpu.memory_space<vmem>>[vector<16xi32>], vector<16xf32>,
          %parallel_loop3A_458 = arith.constant 1 : i32
          %parallel_loop3A_459 = vector.broadcast %parallel_loop3A_458 : i32 to vector<16xi32>
          %parallel_loop3A_460 = arith.addi %parallel_loop3A_442, %parallel_loop3A_459 : vector<16xi32>
          %parallel_loop3A_461 = tpu.vector_load_idx %arg13[%parallel_loop3A_460] : memref<25952xf32, #tpu.memory_space<vmem>>[vector<16xi32>], vector<16xf32>,
          %parallel_loop3A_462 = arith.mulf %parallel_loop3A_461, %parallel_loop3A_448 : vector<16xf32>
          %parallel_loop3A_463 = math.exp %parallel_loop3A_462 : vector<16xf32>
          %parallel_loop3A_464 = arith.mulf %parallel_loop3A_457, %parallel_loop3A_463 : vector<16xf32>
          %parallel_loop3A_465 = arith.addf %parallel_loop3A_453, %parallel_loop3A_464 : vector<16xf32>
          %parallel_loop3A_466 = arith.constant 2 : i32
          %parallel_loop3A_467 = vector.broadcast %parallel_loop3A_466 : i32 to vector<16xi32>
          %parallel_loop3A_468 = arith.addi %parallel_loop3A_442, %parallel_loop3A_467 : vector<16xi32>
          %parallel_loop3A_469 = tpu.vector_load_idx %arg12[%parallel_loop3A_468] : memref<25952xf32, #tpu.memory_space<vmem>>[vector<16xi32>], vector<16xf32>,
          %parallel_loop3A_470 = arith.constant 2 : i32
          %parallel_loop3A_471 = vector.broadcast %parallel_loop3A_470 : i32 to vector<16xi32>
          %parallel_loop3A_472 = arith.addi %parallel_loop3A_442, %parallel_loop3A_471 : vector<16xi32>
          %parallel_loop3A_473 = tpu.vector_load_idx %arg13[%parallel_loop3A_472] : memref<25952xf32, #tpu.memory_space<vmem>>[vector<16xi32>], vector<16xf32>,
          %parallel_loop3A_474 = arith.mulf %parallel_loop3A_473, %parallel_loop3A_448 : vector<16xf32>
          %parallel_loop3A_475 = math.exp %parallel_loop3A_474 : vector<16xf32>
          %parallel_loop3A_476 = arith.mulf %parallel_loop3A_469, %parallel_loop3A_475 : vector<16xf32>
          %parallel_loop3A_477 = arith.addf %parallel_loop3A_465, %parallel_loop3A_476 : vector<16xf32>
          %parallel_loop3A_478 = arith.muli %parallel_loop3A_425, %parallel_loop3A_435 : vector<16xi32>
          %parallel_loop3A_479 = arith.sitofp %parallel_loop3A_478 : vector<16xi32> to vector<16xf32>
          %parallel_loop3A_480 = arith.index_cast %parallel_loop3A_397 : i32 to index
          %parallel_loop3A_481 = arith.index_cast %parallel_loop3A_401 : i32 to index
          %parallel_loop3A_482 = tpu.vector_load %arg25[%parallel_loop3A_480, %parallel_loop3A_481] {strides = array<i32>} : memref<16x128xi32, #tpu.memory_space<vmem>>, vector<16xi32>,
          tpu.vector_store %arg25[%parallel_loop3A_480, %parallel_loop3A_481], %parallel_loop3A_404 {strides = array<i32>} : memref<16x128xi32, #tpu.memory_space<vmem>>, vector<16xi32>,
          %parallel_loop3A_483 = arith.mulf %parallel_loop3A_479, %parallel_loop3A_477 : vector<16xf32>
          %parallel_loop3A_484 = arith.index_cast %parallel_loop3A_397 : i32 to index
          %parallel_loop3A_485 = arith.index_cast %parallel_loop3A_401 : i32 to index
          %parallel_loop3A_486 = tpu.vector_load %arg21[%parallel_loop3A_484, %parallel_loop3A_485] {strides = array<i32>} : memref<16x128xf32, #tpu.memory_space<vmem>>, vector<16xf32>,
          %parallel_loop3A_487 = arith.mulf %parallel_loop3A_483, %parallel_loop3A_486 : vector<16xf32>
          %parallel_loop3A_488 = arith.constant 0.264588594 : f32
          %parallel_loop3A_489 = vector.broadcast %parallel_loop3A_488 : f32 to vector<16xf32>
          %parallel_loop3A_490 = arith.mulf %parallel_loop3A_487, %parallel_loop3A_489 : vector<16xf32>
          %parallel_loop3A_491 = arith.divf %parallel_loop3A_490, %parallel_loop3A_445 : vector<16xf32>
          %parallel_loop3A_492 = arith.constant 16 : i32
          %parallel_loop3A_493 = arith.muli %parallel_loop3A_395, %parallel_loop3A_492 : i32
          %parallel_loop3A_494 = arith.index_cast %parallel_loop3A_493 : i32 to index
          %parallel_loop3A_495 = tpu.vector_load %arg23[%parallel_loop3A_494] {strides = array<i32>} : memref<2048xf32, #tpu.memory_space<vmem>>, vector<16xf32>,
          tpu.vector_store %arg23[%parallel_loop3A_494], %parallel_loop3A_491 {strides = array<i32>} : memref<2048xf32, #tpu.memory_space<vmem>>, vector<16xf32>,
        } {sc.loop_unroll_factor = 4 : i64, sc.parallel_access}
        %dma_start3A_267 = arith.constant 0 : i32
        %dma_start3A_268 = arith.constant 0 : i32
        %dma_start3A_269 = tpu.memref_slice %arg23[%dma_start3A_268] : memref<2048xf32, #tpu.memory_space<vmem>> -> memref<128xf32, #tpu.memory_space<vmem>>
        %dma_start3A_270 = arith.constant 0 : i32
        %dma_start3A_271 = tpu.memref_slice %arg25[%dma_start3A_267, %dma_start3A_270] : memref<16x128xi32, #tpu.memory_space<vmem>> -> memref<1x128xi32, #tpu.memory_space<vmem>>
        %dma_start3A_272 = tpu.memref_squeeze %dma_start3A_271 : memref<1x128xi32, #tpu.memory_space<vmem>> -> memref<128xi32, #tpu.memory_space<vmem>>
        %dma_start3A_273 = arith.constant 0 : i32
        %dma_start3A_274 = tpu.memref_slice %arg26[%dma_start3A_273] : memref<100000xf32, #tpu.memory_space<vmem_shared>> -> memref<100000xf32, #tpu.memory_space<vmem_shared>>
        tpu.enqueue_indirect_dma source(%dma_start3A_269 : memref<128xf32, #tpu.memory_space<vmem>>) target(%dma_start3A_274 : memref<100000xf32, #tpu.memory_space<vmem_shared>>) offsets(%dma_start3A_272 : memref<128xi32, #tpu.memory_space<vmem>>) semaphore(%arg30 : memref<!tpu.dma_semaphore, #tpu.memory_space<semaphore_mem>>) {add = true}
        %dma_start3A_275 = arith.constant 1 : i32
        %dma_start3A_276 = arith.constant 128 : i32
        %dma_start3A_277 = tpu.memref_slice %arg23[%dma_start3A_276] : memref<2048xf32, #tpu.memory_space<vmem>> -> memref<128xf32, #tpu.memory_space<vmem>>
        %dma_start3A_278 = arith.constant 0 : i32
        %dma_start3A_279 = tpu.memref_slice %arg25[%dma_start3A_275, %dma_start3A_278] : memref<16x128xi32, #tpu.memory_space<vmem>> -> memref<1x128xi32, #tpu.memory_space<vmem>>
        %dma_start3A_280 = tpu.memref_squeeze %dma_start3A_279 : memref<1x128xi32, #tpu.memory_space<vmem>> -> memref<128xi32, #tpu.memory_space<vmem>>
        %dma_start3A_281 = arith.constant 0 : i32
        %dma_start3A_282 = tpu.memref_slice %arg26[%dma_start3A_281] : memref<100000xf32, #tpu.memory_space<vmem_shared>> -> memref<100000xf32, #tpu.memory_space<vmem_shared>>
        tpu.enqueue_indirect_dma source(%dma_start3A_277 : memref<128xf32, #tpu.memory_space<vmem>>) target(%dma_start3A_282 : memref<100000xf32, #tpu.memory_space<vmem_shared>>) offsets(%dma_start3A_280 : memref<128xi32, #tpu.memory_space<vmem>>) semaphore(%arg30 : memref<!tpu.dma_semaphore, #tpu.memory_space<semaphore_mem>>) {add = true}
        %dma_start3A_283 = arith.constant 2 : i32
        %dma_start3A_284 = arith.constant 256 : i32
        %dma_start3A_285 = tpu.memref_slice %arg23[%dma_start3A_284] : memref<2048xf32, #tpu.memory_space<vmem>> -> memref<128xf32, #tpu.memory_space<vmem>>
        %dma_start3A_286 = arith.constant 0 : i32
        %dma_start3A_287 = tpu.memref_slice %arg25[%dma_start3A_283, %dma_start3A_286] : memref<16x128xi32, #tpu.memory_space<vmem>> -> memref<1x128xi32, #tpu.memory_space<vmem>>
        %dma_start3A_288 = tpu.memref_squeeze %dma_start3A_287 : memref<1x128xi32, #tpu.memory_space<vmem>> -> memref<128xi32, #tpu.memory_space<vmem>>
        %dma_start3A_289 = arith.constant 0 : i32
        %dma_start3A_290 = tpu.memref_slice %arg26[%dma_start3A_289] : memref<100000xf32, #tpu.memory_space<vmem_shared>> -> memref<100000xf32, #tpu.memory_space<vmem_shared>>
        tpu.enqueue_indirect_dma source(%dma_start3A_285 : memref<128xf32, #tpu.memory_space<vmem>>) target(%dma_start3A_290 : memref<100000xf32, #tpu.memory_space<vmem_shared>>) offsets(%dma_start3A_288 : memref<128xi32, #tpu.memory_space<vmem>>) semaphore(%arg30 : memref<!tpu.dma_semaphore, #tpu.memory_space<semaphore_mem>>) {add = true}
        %dma_start3A_291 = arith.constant 3 : i32
        %dma_start3A_292 = arith.constant 384 : i32
        %dma_start3A_293 = tpu.memref_slice %arg23[%dma_start3A_292] : memref<2048xf32, #tpu.memory_space<vmem>> -> memref<128xf32, #tpu.memory_space<vmem>>
        %dma_start3A_294 = arith.constant 0 : i32
        %dma_start3A_295 = tpu.memref_slice %arg25[%dma_start3A_291, %dma_start3A_294] : memref<16x128xi32, #tpu.memory_space<vmem>> -> memref<1x128xi32, #tpu.memory_space<vmem>>
        %dma_start3A_296 = tpu.memref_squeeze %dma_start3A_295 : memref<1x128xi32, #tpu.memory_space<vmem>> -> memref<128xi32, #tpu.memory_space<vmem>>
        %dma_start3A_297 = arith.constant 0 : i32
        %dma_start3A_298 = tpu.memref_slice %arg26[%dma_start3A_297] : memref<100000xf32, #tpu.memory_space<vmem_shared>> -> memref<100000xf32, #tpu.memory_space<vmem_shared>>
        tpu.enqueue_indirect_dma source(%dma_start3A_293 : memref<128xf32, #tpu.memory_space<vmem>>) target(%dma_start3A_298 : memref<100000xf32, #tpu.memory_space<vmem_shared>>) offsets(%dma_start3A_296 : memref<128xi32, #tpu.memory_space<vmem>>) semaphore(%arg30 : memref<!tpu.dma_semaphore, #tpu.memory_space<semaphore_mem>>) {add = true}
        %dma_start3A_299 = arith.constant 4 : i32
        %dma_start3A_300 = arith.constant 512 : i32
        %dma_start3A_301 = tpu.memref_slice %arg23[%dma_start3A_300] : memref<2048xf32, #tpu.memory_space<vmem>> -> memref<128xf32, #tpu.memory_space<vmem>>
        %dma_start3A_302 = arith.constant 0 : i32
        %dma_start3A_303 = tpu.memref_slice %arg25[%dma_start3A_299, %dma_start3A_302] : memref<16x128xi32, #tpu.memory_space<vmem>> -> memref<1x128xi32, #tpu.memory_space<vmem>>
        %dma_start3A_304 = tpu.memref_squeeze %dma_start3A_303 : memref<1x128xi32, #tpu.memory_space<vmem>> -> memref<128xi32, #tpu.memory_space<vmem>>
        %dma_start3A_305 = arith.constant 0 : i32
        %dma_start3A_306 = tpu.memref_slice %arg26[%dma_start3A_305] : memref<100000xf32, #tpu.memory_space<vmem_shared>> -> memref<100000xf32, #tpu.memory_space<vmem_shared>>
        tpu.enqueue_indirect_dma source(%dma_start3A_301 : memref<128xf32, #tpu.memory_space<vmem>>) target(%dma_start3A_306 : memref<100000xf32, #tpu.memory_space<vmem_shared>>) offsets(%dma_start3A_304 : memref<128xi32, #tpu.memory_space<vmem>>) semaphore(%arg30 : memref<!tpu.dma_semaphore, #tpu.memory_space<semaphore_mem>>) {add = true}
        %dma_start3A_307 = arith.constant 5 : i32
        %dma_start3A_308 = arith.constant 640 : i32
        %dma_start3A_309 = tpu.memref_slice %arg23[%dma_start3A_308] : memref<2048xf32, #tpu.memory_space<vmem>> -> memref<128xf32, #tpu.memory_space<vmem>>
        %dma_start3A_310 = arith.constant 0 : i32
        %dma_start3A_311 = tpu.memref_slice %arg25[%dma_start3A_307, %dma_start3A_310] : memref<16x128xi32, #tpu.memory_space<vmem>> -> memref<1x128xi32, #tpu.memory_space<vmem>>
        %dma_start3A_312 = tpu.memref_squeeze %dma_start3A_311 : memref<1x128xi32, #tpu.memory_space<vmem>> -> memref<128xi32, #tpu.memory_space<vmem>>
        %dma_start3A_313 = arith.constant 0 : i32
        %dma_start3A_314 = tpu.memref_slice %arg26[%dma_start3A_313] : memref<100000xf32, #tpu.memory_space<vmem_shared>> -> memref<100000xf32, #tpu.memory_space<vmem_shared>>
        tpu.enqueue_indirect_dma source(%dma_start3A_309 : memref<128xf32, #tpu.memory_space<vmem>>) target(%dma_start3A_314 : memref<100000xf32, #tpu.memory_space<vmem_shared>>) offsets(%dma_start3A_312 : memref<128xi32, #tpu.memory_space<vmem>>) semaphore(%arg30 : memref<!tpu.dma_semaphore, #tpu.memory_space<semaphore_mem>>) {add = true}
        %dma_start3A_315 = arith.constant 6 : i32
        %dma_start3A_316 = arith.constant 768 : i32
        %dma_start3A_317 = tpu.memref_slice %arg23[%dma_start3A_316] : memref<2048xf32, #tpu.memory_space<vmem>> -> memref<128xf32, #tpu.memory_space<vmem>>
        %dma_start3A_318 = arith.constant 0 : i32
        %dma_start3A_319 = tpu.memref_slice %arg25[%dma_start3A_315, %dma_start3A_318] : memref<16x128xi32, #tpu.memory_space<vmem>> -> memref<1x128xi32, #tpu.memory_space<vmem>>
        %dma_start3A_320 = tpu.memref_squeeze %dma_start3A_319 : memref<1x128xi32, #tpu.memory_space<vmem>> -> memref<128xi32, #tpu.memory_space<vmem>>
        %dma_start3A_321 = arith.constant 0 : i32
        %dma_start3A_322 = tpu.memref_slice %arg26[%dma_start3A_321] : memref<100000xf32, #tpu.memory_space<vmem_shared>> -> memref<100000xf32, #tpu.memory_space<vmem_shared>>
        tpu.enqueue_indirect_dma source(%dma_start3A_317 : memref<128xf32, #tpu.memory_space<vmem>>) target(%dma_start3A_322 : memref<100000xf32, #tpu.memory_space<vmem_shared>>) offsets(%dma_start3A_320 : memref<128xi32, #tpu.memory_space<vmem>>) semaphore(%arg30 : memref<!tpu.dma_semaphore, #tpu.memory_space<semaphore_mem>>) {add = true}
        %dma_start3A_323 = arith.constant 7 : i32
        %dma_start3A_324 = arith.constant 896 : i32
        %dma_start3A_325 = tpu.memref_slice %arg23[%dma_start3A_324] : memref<2048xf32, #tpu.memory_space<vmem>> -> memref<128xf32, #tpu.memory_space<vmem>>
        %dma_start3A_326 = arith.constant 0 : i32
        %dma_start3A_327 = tpu.memref_slice %arg25[%dma_start3A_323, %dma_start3A_326] : memref<16x128xi32, #tpu.memory_space<vmem>> -> memref<1x128xi32, #tpu.memory_space<vmem>>
        %dma_start3A_328 = tpu.memref_squeeze %dma_start3A_327 : memref<1x128xi32, #tpu.memory_space<vmem>> -> memref<128xi32, #tpu.memory_space<vmem>>
        %dma_start3A_329 = arith.constant 0 : i32
        %dma_start3A_330 = tpu.memref_slice %arg26[%dma_start3A_329] : memref<100000xf32, #tpu.memory_space<vmem_shared>> -> memref<100000xf32, #tpu.memory_space<vmem_shared>>
        tpu.enqueue_indirect_dma source(%dma_start3A_325 : memref<128xf32, #tpu.memory_space<vmem>>) target(%dma_start3A_330 : memref<100000xf32, #tpu.memory_space<vmem_shared>>) offsets(%dma_start3A_328 : memref<128xi32, #tpu.memory_space<vmem>>) semaphore(%arg30 : memref<!tpu.dma_semaphore, #tpu.memory_space<semaphore_mem>>) {add = true}
        %dma_start3A_331 = arith.constant 8 : i32
        %dma_start3A_332 = arith.constant 1024 : i32
        %dma_start3A_333 = tpu.memref_slice %arg23[%dma_start3A_332] : memref<2048xf32, #tpu.memory_space<vmem>> -> memref<128xf32, #tpu.memory_space<vmem>>
        %dma_start3A_334 = arith.constant 0 : i32
        %dma_start3A_335 = tpu.memref_slice %arg25[%dma_start3A_331, %dma_start3A_334] : memref<16x128xi32, #tpu.memory_space<vmem>> -> memref<1x128xi32, #tpu.memory_space<vmem>>
        %dma_start3A_336 = tpu.memref_squeeze %dma_start3A_335 : memref<1x128xi32, #tpu.memory_space<vmem>> -> memref<128xi32, #tpu.memory_space<vmem>>
        %dma_start3A_337 = arith.constant 0 : i32
        %dma_start3A_338 = tpu.memref_slice %arg26[%dma_start3A_337] : memref<100000xf32, #tpu.memory_space<vmem_shared>> -> memref<100000xf32, #tpu.memory_space<vmem_shared>>
        tpu.enqueue_indirect_dma source(%dma_start3A_333 : memref<128xf32, #tpu.memory_space<vmem>>) target(%dma_start3A_338 : memref<100000xf32, #tpu.memory_space<vmem_shared>>) offsets(%dma_start3A_336 : memref<128xi32, #tpu.memory_space<vmem>>) semaphore(%arg30 : memref<!tpu.dma_semaphore, #tpu.memory_space<semaphore_mem>>) {add = true}
        %dma_start3A_339 = arith.constant 9 : i32
        %dma_start3A_340 = arith.constant 1152 : i32
        %dma_start3A_341 = tpu.memref_slice %arg23[%dma_start3A_340] : memref<2048xf32, #tpu.memory_space<vmem>> -> memref<128xf32, #tpu.memory_space<vmem>>
        %dma_start3A_342 = arith.constant 0 : i32
        %dma_start3A_343 = tpu.memref_slice %arg25[%dma_start3A_339, %dma_start3A_342] : memref<16x128xi32, #tpu.memory_space<vmem>> -> memref<1x128xi32, #tpu.memory_space<vmem>>
        %dma_start3A_344 = tpu.memref_squeeze %dma_start3A_343 : memref<1x128xi32, #tpu.memory_space<vmem>> -> memref<128xi32, #tpu.memory_space<vmem>>
        %dma_start3A_345 = arith.constant 0 : i32
        %dma_start3A_346 = tpu.memref_slice %arg26[%dma_start3A_345] : memref<100000xf32, #tpu.memory_space<vmem_shared>> -> memref<100000xf32, #tpu.memory_space<vmem_shared>>
        tpu.enqueue_indirect_dma source(%dma_start3A_341 : memref<128xf32, #tpu.memory_space<vmem>>) target(%dma_start3A_346 : memref<100000xf32, #tpu.memory_space<vmem_shared>>) offsets(%dma_start3A_344 : memref<128xi32, #tpu.memory_space<vmem>>) semaphore(%arg30 : memref<!tpu.dma_semaphore, #tpu.memory_space<semaphore_mem>>) {add = true}
        %dma_start3A_347 = arith.constant 10 : i32
        %dma_start3A_348 = arith.constant 1280 : i32
        %dma_start3A_349 = tpu.memref_slice %arg23[%dma_start3A_348] : memref<2048xf32, #tpu.memory_space<vmem>> -> memref<128xf32, #tpu.memory_space<vmem>>
        %dma_start3A_350 = arith.constant 0 : i32
        %dma_start3A_351 = tpu.memref_slice %arg25[%dma_start3A_347, %dma_start3A_350] : memref<16x128xi32, #tpu.memory_space<vmem>> -> memref<1x128xi32, #tpu.memory_space<vmem>>
        %dma_start3A_352 = tpu.memref_squeeze %dma_start3A_351 : memref<1x128xi32, #tpu.memory_space<vmem>> -> memref<128xi32, #tpu.memory_space<vmem>>
        %dma_start3A_353 = arith.constant 0 : i32
        %dma_start3A_354 = tpu.memref_slice %arg26[%dma_start3A_353] : memref<100000xf32, #tpu.memory_space<vmem_shared>> -> memref<100000xf32, #tpu.memory_space<vmem_shared>>
        tpu.enqueue_indirect_dma source(%dma_start3A_349 : memref<128xf32, #tpu.memory_space<vmem>>) target(%dma_start3A_354 : memref<100000xf32, #tpu.memory_space<vmem_shared>>) offsets(%dma_start3A_352 : memref<128xi32, #tpu.memory_space<vmem>>) semaphore(%arg30 : memref<!tpu.dma_semaphore, #tpu.memory_space<semaphore_mem>>) {add = true}
        %dma_start3A_355 = arith.constant 11 : i32
        %dma_start3A_356 = arith.constant 1408 : i32
        %dma_start3A_357 = tpu.memref_slice %arg23[%dma_start3A_356] : memref<2048xf32, #tpu.memory_space<vmem>> -> memref<128xf32, #tpu.memory_space<vmem>>
        %dma_start3A_358 = arith.constant 0 : i32
        %dma_start3A_359 = tpu.memref_slice %arg25[%dma_start3A_355, %dma_start3A_358] : memref<16x128xi32, #tpu.memory_space<vmem>> -> memref<1x128xi32, #tpu.memory_space<vmem>>
        %dma_start3A_360 = tpu.memref_squeeze %dma_start3A_359 : memref<1x128xi32, #tpu.memory_space<vmem>> -> memref<128xi32, #tpu.memory_space<vmem>>
        %dma_start3A_361 = arith.constant 0 : i32
        %dma_start3A_362 = tpu.memref_slice %arg26[%dma_start3A_361] : memref<100000xf32, #tpu.memory_space<vmem_shared>> -> memref<100000xf32, #tpu.memory_space<vmem_shared>>
        tpu.enqueue_indirect_dma source(%dma_start3A_357 : memref<128xf32, #tpu.memory_space<vmem>>) target(%dma_start3A_362 : memref<100000xf32, #tpu.memory_space<vmem_shared>>) offsets(%dma_start3A_360 : memref<128xi32, #tpu.memory_space<vmem>>) semaphore(%arg30 : memref<!tpu.dma_semaphore, #tpu.memory_space<semaphore_mem>>) {add = true}
        %dma_start3A_363 = arith.constant 12 : i32
        %dma_start3A_364 = arith.constant 1536 : i32
        %dma_start3A_365 = tpu.memref_slice %arg23[%dma_start3A_364] : memref<2048xf32, #tpu.memory_space<vmem>> -> memref<128xf32, #tpu.memory_space<vmem>>
        %dma_start3A_366 = arith.constant 0 : i32
        %dma_start3A_367 = tpu.memref_slice %arg25[%dma_start3A_363, %dma_start3A_366] : memref<16x128xi32, #tpu.memory_space<vmem>> -> memref<1x128xi32, #tpu.memory_space<vmem>>
        %dma_start3A_368 = tpu.memref_squeeze %dma_start3A_367 : memref<1x128xi32, #tpu.memory_space<vmem>> -> memref<128xi32, #tpu.memory_space<vmem>>
        %dma_start3A_369 = arith.constant 0 : i32
        %dma_start3A_370 = tpu.memref_slice %arg26[%dma_start3A_369] : memref<100000xf32, #tpu.memory_space<vmem_shared>> -> memref<100000xf32, #tpu.memory_space<vmem_shared>>
        tpu.enqueue_indirect_dma source(%dma_start3A_365 : memref<128xf32, #tpu.memory_space<vmem>>) target(%dma_start3A_370 : memref<100000xf32, #tpu.memory_space<vmem_shared>>) offsets(%dma_start3A_368 : memref<128xi32, #tpu.memory_space<vmem>>) semaphore(%arg30 : memref<!tpu.dma_semaphore, #tpu.memory_space<semaphore_mem>>) {add = true}
        %dma_start3A_371 = arith.constant 13 : i32
        %dma_start3A_372 = arith.constant 1664 : i32
        %dma_start3A_373 = tpu.memref_slice %arg23[%dma_start3A_372] : memref<2048xf32, #tpu.memory_space<vmem>> -> memref<128xf32, #tpu.memory_space<vmem>>
        %dma_start3A_374 = arith.constant 0 : i32
        %dma_start3A_375 = tpu.memref_slice %arg25[%dma_start3A_371, %dma_start3A_374] : memref<16x128xi32, #tpu.memory_space<vmem>> -> memref<1x128xi32, #tpu.memory_space<vmem>>
        %dma_start3A_376 = tpu.memref_squeeze %dma_start3A_375 : memref<1x128xi32, #tpu.memory_space<vmem>> -> memref<128xi32, #tpu.memory_space<vmem>>
        %dma_start3A_377 = arith.constant 0 : i32
        %dma_start3A_378 = tpu.memref_slice %arg26[%dma_start3A_377] : memref<100000xf32, #tpu.memory_space<vmem_shared>> -> memref<100000xf32, #tpu.memory_space<vmem_shared>>
        tpu.enqueue_indirect_dma source(%dma_start3A_373 : memref<128xf32, #tpu.memory_space<vmem>>) target(%dma_start3A_378 : memref<100000xf32, #tpu.memory_space<vmem_shared>>) offsets(%dma_start3A_376 : memref<128xi32, #tpu.memory_space<vmem>>) semaphore(%arg30 : memref<!tpu.dma_semaphore, #tpu.memory_space<semaphore_mem>>) {add = true}
        %dma_start3A_379 = arith.constant 14 : i32
        %dma_start3A_380 = arith.constant 1792 : i32
        %dma_start3A_381 = tpu.memref_slice %arg23[%dma_start3A_380] : memref<2048xf32, #tpu.memory_space<vmem>> -> memref<128xf32, #tpu.memory_space<vmem>>
        %dma_start3A_382 = arith.constant 0 : i32
        %dma_start3A_383 = tpu.memref_slice %arg25[%dma_start3A_379, %dma_start3A_382] : memref<16x128xi32, #tpu.memory_space<vmem>> -> memref<1x128xi32, #tpu.memory_space<vmem>>
        %dma_start3A_384 = tpu.memref_squeeze %dma_start3A_383 : memref<1x128xi32, #tpu.memory_space<vmem>> -> memref<128xi32, #tpu.memory_space<vmem>>
        %dma_start3A_385 = arith.constant 0 : i32
        %dma_start3A_386 = tpu.memref_slice %arg26[%dma_start3A_385] : memref<100000xf32, #tpu.memory_space<vmem_shared>> -> memref<100000xf32, #tpu.memory_space<vmem_shared>>
        tpu.enqueue_indirect_dma source(%dma_start3A_381 : memref<128xf32, #tpu.memory_space<vmem>>) target(%dma_start3A_386 : memref<100000xf32, #tpu.memory_space<vmem_shared>>) offsets(%dma_start3A_384 : memref<128xi32, #tpu.memory_space<vmem>>) semaphore(%arg30 : memref<!tpu.dma_semaphore, #tpu.memory_space<semaphore_mem>>) {add = true}
        %dma_start3A_387 = arith.constant 15 : i32
        %dma_start3A_388 = arith.constant 1920 : i32
        %dma_start3A_389 = tpu.memref_slice %arg23[%dma_start3A_388] : memref<2048xf32, #tpu.memory_space<vmem>> -> memref<128xf32, #tpu.memory_space<vmem>>
        %dma_start3A_390 = arith.constant 0 : i32
        %dma_start3A_391 = tpu.memref_slice %arg25[%dma_start3A_387, %dma_start3A_390] : memref<16x128xi32, #tpu.memory_space<vmem>> -> memref<1x128xi32, #tpu.memory_space<vmem>>
        %dma_start3A_392 = tpu.memref_squeeze %dma_start3A_391 : memref<1x128xi32, #tpu.memory_space<vmem>> -> memref<128xi32, #tpu.memory_space<vmem>>
        %dma_start3A_393 = arith.constant 0 : i32
        %dma_start3A_394 = tpu.memref_slice %arg26[%dma_start3A_393] : memref<100000xf32, #tpu.memory_space<vmem_shared>> -> memref<100000xf32, #tpu.memory_space<vmem_shared>>
        tpu.enqueue_indirect_dma source(%dma_start3A_389 : memref<128xf32, #tpu.memory_space<vmem>>) target(%dma_start3A_394 : memref<100000xf32, #tpu.memory_space<vmem_shared>>) offsets(%dma_start3A_392 : memref<128xi32, #tpu.memory_space<vmem>>) semaphore(%arg30 : memref<!tpu.dma_semaphore, #tpu.memory_space<semaphore_mem>>) {add = true}
      } else {
      }
    }
    %while3A_41 = arith.constant 1 : i32
    scf.for %while3A_57 = %while3A_39 to %while3A_35 step %while3A_41  : i32 {
      %mul3A_58 = arith.constant 2 : i32
      %mul3A_59 = arith.muli %mul3A_58, %while3A_57 : i32
      %add3A_60 = arith.constant 1 : i32
      %add3A_61 = arith.addi %mul3A_59, %add3A_60 : i32
      %mul3A_62 = arith.constant 2 : i32
      %mul3A_63 = arith.muli %mul3A_62, %while3A_57 : i32
      %add3A_64 = arith.constant 2 : i32
      %add3A_65 = arith.addi %mul3A_63, %add3A_64 : i32
      %lt3A_66 = arith.cmpi slt, %add3A_61, %add3A_7 : i32
      %convert_element_type3A_67 = arith.extui %lt3A_66 : i1 to i32
      %cond3A_68 = arith.constant 0 : i32
      %cond3A_69 = arith.cmpi ne, %convert_element_type3A_67, %cond3A_68 : i32
      scf.if %cond3A_69 {
        %add3A_235 = arith.addi %add3A_4, %add3A_61 : i32
        %mul3A_236 = arith.constant 16 : i32
        %mul3A_237 = arith.muli %add3A_235, %mul3A_236 : i32
        %dma_start3A_238 = arith.constant 0 : i32
        %dma_start3A_239 = tpu.memref_slice %arg5[%mul3A_237, %dma_start3A_238] : memref<50000x128xi32, #tpu.memory_space<hbm>> -> memref<16x128xi32, #tpu.memory_space<hbm>>
        %dma_start3A_240 = arith.constant 0 : i32
        %dma_start3A_241 = tpu.memref_slice %arg5[%mul3A_237, %dma_start3A_240] : memref<50000x128xi32, #tpu.memory_space<hbm>> -> memref<16x128xi32, #tpu.memory_space<hbm>>
        tpu.enqueue_dma source(%dma_start3A_241 : memref<16x128xi32, #tpu.memory_space<hbm>>) target(%arg15 : memref<16x128xi32, #tpu.memory_space<vmem>>) target_semaphore(%arg28 : memref<!tpu.dma_semaphore, #tpu.memory_space<semaphore_mem>>)
        %dma_start3A_242 = arith.constant 0 : i32
        %dma_start3A_243 = tpu.memref_slice %arg6[%mul3A_237, %dma_start3A_242] : memref<50000x128xi32, #tpu.memory_space<hbm>> -> memref<16x128xi32, #tpu.memory_space<hbm>>
        %dma_start3A_244 = arith.constant 0 : i32
        %dma_start3A_245 = tpu.memref_slice %arg6[%mul3A_237, %dma_start3A_244] : memref<50000x128xi32, #tpu.memory_space<hbm>> -> memref<16x128xi32, #tpu.memory_space<hbm>>
        tpu.enqueue_dma source(%dma_start3A_245 : memref<16x128xi32, #tpu.memory_space<hbm>>) target(%arg17 : memref<16x128xi32, #tpu.memory_space<vmem>>) target_semaphore(%arg28 : memref<!tpu.dma_semaphore, #tpu.memory_space<semaphore_mem>>)
        %dma_start3A_246 = arith.constant 0 : i32
        %dma_start3A_247 = tpu.memref_slice %arg7[%mul3A_237, %dma_start3A_246] : memref<50000x128xf32, #tpu.memory_space<hbm>> -> memref<16x128xf32, #tpu.memory_space<hbm>>
        %dma_start3A_248 = arith.constant 0 : i32
        %dma_start3A_249 = tpu.memref_slice %arg7[%mul3A_237, %dma_start3A_248] : memref<50000x128xf32, #tpu.memory_space<hbm>> -> memref<16x128xf32, #tpu.memory_space<hbm>>
        tpu.enqueue_dma source(%dma_start3A_249 : memref<16x128xf32, #tpu.memory_space<hbm>>) target(%arg19 : memref<16x128xf32, #tpu.memory_space<vmem>>) target_semaphore(%arg28 : memref<!tpu.dma_semaphore, #tpu.memory_space<semaphore_mem>>)
        %dma_start3A_250 = arith.constant 0 : i32
        %dma_start3A_251 = tpu.memref_slice %arg8[%mul3A_237, %dma_start3A_250] : memref<50000x128xf32, #tpu.memory_space<hbm>> -> memref<16x128xf32, #tpu.memory_space<hbm>>
        %dma_start3A_252 = arith.constant 0 : i32
        %dma_start3A_253 = tpu.memref_slice %arg8[%mul3A_237, %dma_start3A_252] : memref<50000x128xf32, #tpu.memory_space<hbm>> -> memref<16x128xf32, #tpu.memory_space<hbm>>
        tpu.enqueue_dma source(%dma_start3A_253 : memref<16x128xf32, #tpu.memory_space<hbm>>) target(%arg21 : memref<16x128xf32, #tpu.memory_space<vmem>>) target_semaphore(%arg28 : memref<!tpu.dma_semaphore, #tpu.memory_space<semaphore_mem>>)
      } else {
      }
      %dma_wait3A = arith.constant 0 : i32
      %dma_wait3A_70 = arith.constant 0 : i32
      %dma_wait3A_71 = tpu.memref_slice %arg5[%dma_wait3A, %dma_wait3A_70] : memref<50000x128xi32, #tpu.memory_space<hbm>> -> memref<16x128xi32, #tpu.memory_space<hbm>>
      %dma_wait3A_72 = arith.constant 0 : i32
      %dma_wait3A_73 = arith.constant 0 : i32
      %dma_wait3A_74 = tpu.memref_slice %arg5[%dma_wait3A_72, %dma_wait3A_73] : memref<50000x128xi32, #tpu.memory_space<hbm>> -> memref<16x128xi32, #tpu.memory_space<hbm>>
      tpu.wait_dma2 semaphore(%arg27 : memref<!tpu.dma_semaphore, #tpu.memory_space<semaphore_mem>>) src(%dma_wait3A_74 : memref<16x128xi32, #tpu.memory_space<hbm>>) dst(%arg14 : memref<16x128xi32, #tpu.memory_space<vmem>>)
      %dma_wait3A_75 = arith.constant 0 : i32
      %dma_wait3A_76 = arith.constant 0 : i32
      %dma_wait3A_77 = tpu.memref_slice %arg6[%dma_wait3A_75, %dma_wait3A_76] : memref<50000x128xi32, #tpu.memory_space<hbm>> -> memref<16x128xi32, #tpu.memory_space<hbm>>
      %dma_wait3A_78 = arith.constant 0 : i32
      %dma_wait3A_79 = arith.constant 0 : i32
      %dma_wait3A_80 = tpu.memref_slice %arg6[%dma_wait3A_78, %dma_wait3A_79] : memref<50000x128xi32, #tpu.memory_space<hbm>> -> memref<16x128xi32, #tpu.memory_space<hbm>>
      tpu.wait_dma2 semaphore(%arg27 : memref<!tpu.dma_semaphore, #tpu.memory_space<semaphore_mem>>) src(%dma_wait3A_80 : memref<16x128xi32, #tpu.memory_space<hbm>>) dst(%arg16 : memref<16x128xi32, #tpu.memory_space<vmem>>)
      %dma_wait3A_81 = arith.constant 0 : i32
      %dma_wait3A_82 = arith.constant 0 : i32
      %dma_wait3A_83 = tpu.memref_slice %arg7[%dma_wait3A_81, %dma_wait3A_82] : memref<50000x128xf32, #tpu.memory_space<hbm>> -> memref<16x128xf32, #tpu.memory_space<hbm>>
      %dma_wait3A_84 = arith.constant 0 : i32
      %dma_wait3A_85 = arith.constant 0 : i32
      %dma_wait3A_86 = tpu.memref_slice %arg7[%dma_wait3A_84, %dma_wait3A_85] : memref<50000x128xf32, #tpu.memory_space<hbm>> -> memref<16x128xf32, #tpu.memory_space<hbm>>
      tpu.wait_dma2 semaphore(%arg27 : memref<!tpu.dma_semaphore, #tpu.memory_space<semaphore_mem>>) src(%dma_wait3A_86 : memref<16x128xf32, #tpu.memory_space<hbm>>) dst(%arg18 : memref<16x128xf32, #tpu.memory_space<vmem>>)
      %dma_wait3A_87 = arith.constant 0 : i32
      %dma_wait3A_88 = arith.constant 0 : i32
      %dma_wait3A_89 = tpu.memref_slice %arg8[%dma_wait3A_87, %dma_wait3A_88] : memref<50000x128xf32, #tpu.memory_space<hbm>> -> memref<16x128xf32, #tpu.memory_space<hbm>>
      %dma_wait3A_90 = arith.constant 0 : i32
      %dma_wait3A_91 = arith.constant 0 : i32
      %dma_wait3A_92 = tpu.memref_slice %arg8[%dma_wait3A_90, %dma_wait3A_91] : memref<50000x128xf32, #tpu.memory_space<hbm>> -> memref<16x128xf32, #tpu.memory_space<hbm>>
      tpu.wait_dma2 semaphore(%arg27 : memref<!tpu.dma_semaphore, #tpu.memory_space<semaphore_mem>>) src(%dma_wait3A_92 : memref<16x128xf32, #tpu.memory_space<hbm>>) dst(%arg20 : memref<16x128xf32, #tpu.memory_space<vmem>>)
      %gt3A_93 = arith.constant 0 : i32
      %gt3A_94 = arith.cmpi sgt, %while3A_57, %gt3A_93 : i32
      %convert_element_type3A_95 = arith.extui %gt3A_94 : i1 to i32
      %cond3A_96 = arith.constant 0 : i32
      %cond3A_97 = arith.cmpi ne, %convert_element_type3A_95, %cond3A_96 : i32
      scf.if %cond3A_97 {
        %dma_wait3A_235 = arith.constant 0 : i32
        %dma_wait3A_236 = arith.constant 0 : i32
        %dma_wait3A_237 = tpu.memref_slice %arg22[%dma_wait3A_236] : memref<2048xf32, #tpu.memory_space<vmem>> -> memref<128xf32, #tpu.memory_space<vmem>>
        %dma_wait3A_238 = arith.constant 0 : i32
        %dma_wait3A_239 = tpu.memref_slice %arg24[%dma_wait3A_235, %dma_wait3A_238] : memref<16x128xi32, #tpu.memory_space<vmem>> -> memref<1x128xi32, #tpu.memory_space<vmem>>
        %dma_wait3A_240 = tpu.memref_squeeze %dma_wait3A_239 : memref<1x128xi32, #tpu.memory_space<vmem>> -> memref<128xi32, #tpu.memory_space<vmem>>
        %dma_wait3A_241 = arith.constant 0 : i32
        %dma_wait3A_242 = tpu.memref_slice %arg26[%dma_wait3A_241] : memref<100000xf32, #tpu.memory_space<vmem_shared>> -> memref<100000xf32, #tpu.memory_space<vmem_shared>>
        tpu.wait_indirect_dma semaphore(%arg29 : memref<!tpu.dma_semaphore, #tpu.memory_space<semaphore_mem>>) src(%dma_wait3A_237 : memref<128xf32, #tpu.memory_space<vmem>>) dst(%dma_wait3A_242 : memref<100000xf32, #tpu.memory_space<vmem_shared>>)
        %dma_wait3A_243 = arith.constant 1 : i32
        %dma_wait3A_244 = arith.constant 128 : i32
        %dma_wait3A_245 = tpu.memref_slice %arg22[%dma_wait3A_244] : memref<2048xf32, #tpu.memory_space<vmem>> -> memref<128xf32, #tpu.memory_space<vmem>>
        %dma_wait3A_246 = arith.constant 0 : i32
        %dma_wait3A_247 = tpu.memref_slice %arg24[%dma_wait3A_243, %dma_wait3A_246] : memref<16x128xi32, #tpu.memory_space<vmem>> -> memref<1x128xi32, #tpu.memory_space<vmem>>
        %dma_wait3A_248 = tpu.memref_squeeze %dma_wait3A_247 : memref<1x128xi32, #tpu.memory_space<vmem>> -> memref<128xi32, #tpu.memory_space<vmem>>
        %dma_wait3A_249 = arith.constant 0 : i32
        %dma_wait3A_250 = tpu.memref_slice %arg26[%dma_wait3A_249] : memref<100000xf32, #tpu.memory_space<vmem_shared>> -> memref<100000xf32, #tpu.memory_space<vmem_shared>>
        tpu.wait_indirect_dma semaphore(%arg29 : memref<!tpu.dma_semaphore, #tpu.memory_space<semaphore_mem>>) src(%dma_wait3A_245 : memref<128xf32, #tpu.memory_space<vmem>>) dst(%dma_wait3A_250 : memref<100000xf32, #tpu.memory_space<vmem_shared>>)
        %dma_wait3A_251 = arith.constant 2 : i32
        %dma_wait3A_252 = arith.constant 256 : i32
        %dma_wait3A_253 = tpu.memref_slice %arg22[%dma_wait3A_252] : memref<2048xf32, #tpu.memory_space<vmem>> -> memref<128xf32, #tpu.memory_space<vmem>>
        %dma_wait3A_254 = arith.constant 0 : i32
        %dma_wait3A_255 = tpu.memref_slice %arg24[%dma_wait3A_251, %dma_wait3A_254] : memref<16x128xi32, #tpu.memory_space<vmem>> -> memref<1x128xi32, #tpu.memory_space<vmem>>
        %dma_wait3A_256 = tpu.memref_squeeze %dma_wait3A_255 : memref<1x128xi32, #tpu.memory_space<vmem>> -> memref<128xi32, #tpu.memory_space<vmem>>
        %dma_wait3A_257 = arith.constant 0 : i32
        %dma_wait3A_258 = tpu.memref_slice %arg26[%dma_wait3A_257] : memref<100000xf32, #tpu.memory_space<vmem_shared>> -> memref<100000xf32, #tpu.memory_space<vmem_shared>>
        tpu.wait_indirect_dma semaphore(%arg29 : memref<!tpu.dma_semaphore, #tpu.memory_space<semaphore_mem>>) src(%dma_wait3A_253 : memref<128xf32, #tpu.memory_space<vmem>>) dst(%dma_wait3A_258 : memref<100000xf32, #tpu.memory_space<vmem_shared>>)
        %dma_wait3A_259 = arith.constant 3 : i32
        %dma_wait3A_260 = arith.constant 384 : i32
        %dma_wait3A_261 = tpu.memref_slice %arg22[%dma_wait3A_260] : memref<2048xf32, #tpu.memory_space<vmem>> -> memref<128xf32, #tpu.memory_space<vmem>>
        %dma_wait3A_262 = arith.constant 0 : i32
        %dma_wait3A_263 = tpu.memref_slice %arg24[%dma_wait3A_259, %dma_wait3A_262] : memref<16x128xi32, #tpu.memory_space<vmem>> -> memref<1x128xi32, #tpu.memory_space<vmem>>
        %dma_wait3A_264 = tpu.memref_squeeze %dma_wait3A_263 : memref<1x128xi32, #tpu.memory_space<vmem>> -> memref<128xi32, #tpu.memory_space<vmem>>
        %dma_wait3A_265 = arith.constant 0 : i32
        %dma_wait3A_266 = tpu.memref_slice %arg26[%dma_wait3A_265] : memref<100000xf32, #tpu.memory_space<vmem_shared>> -> memref<100000xf32, #tpu.memory_space<vmem_shared>>
        tpu.wait_indirect_dma semaphore(%arg29 : memref<!tpu.dma_semaphore, #tpu.memory_space<semaphore_mem>>) src(%dma_wait3A_261 : memref<128xf32, #tpu.memory_space<vmem>>) dst(%dma_wait3A_266 : memref<100000xf32, #tpu.memory_space<vmem_shared>>)
        %dma_wait3A_267 = arith.constant 4 : i32
        %dma_wait3A_268 = arith.constant 512 : i32
        %dma_wait3A_269 = tpu.memref_slice %arg22[%dma_wait3A_268] : memref<2048xf32, #tpu.memory_space<vmem>> -> memref<128xf32, #tpu.memory_space<vmem>>
        %dma_wait3A_270 = arith.constant 0 : i32
        %dma_wait3A_271 = tpu.memref_slice %arg24[%dma_wait3A_267, %dma_wait3A_270] : memref<16x128xi32, #tpu.memory_space<vmem>> -> memref<1x128xi32, #tpu.memory_space<vmem>>
        %dma_wait3A_272 = tpu.memref_squeeze %dma_wait3A_271 : memref<1x128xi32, #tpu.memory_space<vmem>> -> memref<128xi32, #tpu.memory_space<vmem>>
        %dma_wait3A_273 = arith.constant 0 : i32
        %dma_wait3A_274 = tpu.memref_slice %arg26[%dma_wait3A_273] : memref<100000xf32, #tpu.memory_space<vmem_shared>> -> memref<100000xf32, #tpu.memory_space<vmem_shared>>
        tpu.wait_indirect_dma semaphore(%arg29 : memref<!tpu.dma_semaphore, #tpu.memory_space<semaphore_mem>>) src(%dma_wait3A_269 : memref<128xf32, #tpu.memory_space<vmem>>) dst(%dma_wait3A_274 : memref<100000xf32, #tpu.memory_space<vmem_shared>>)
        %dma_wait3A_275 = arith.constant 5 : i32
        %dma_wait3A_276 = arith.constant 640 : i32
        %dma_wait3A_277 = tpu.memref_slice %arg22[%dma_wait3A_276] : memref<2048xf32, #tpu.memory_space<vmem>> -> memref<128xf32, #tpu.memory_space<vmem>>
        %dma_wait3A_278 = arith.constant 0 : i32
        %dma_wait3A_279 = tpu.memref_slice %arg24[%dma_wait3A_275, %dma_wait3A_278] : memref<16x128xi32, #tpu.memory_space<vmem>> -> memref<1x128xi32, #tpu.memory_space<vmem>>
        %dma_wait3A_280 = tpu.memref_squeeze %dma_wait3A_279 : memref<1x128xi32, #tpu.memory_space<vmem>> -> memref<128xi32, #tpu.memory_space<vmem>>
        %dma_wait3A_281 = arith.constant 0 : i32
        %dma_wait3A_282 = tpu.memref_slice %arg26[%dma_wait3A_281] : memref<100000xf32, #tpu.memory_space<vmem_shared>> -> memref<100000xf32, #tpu.memory_space<vmem_shared>>
        tpu.wait_indirect_dma semaphore(%arg29 : memref<!tpu.dma_semaphore, #tpu.memory_space<semaphore_mem>>) src(%dma_wait3A_277 : memref<128xf32, #tpu.memory_space<vmem>>) dst(%dma_wait3A_282 : memref<100000xf32, #tpu.memory_space<vmem_shared>>)
        %dma_wait3A_283 = arith.constant 6 : i32
        %dma_wait3A_284 = arith.constant 768 : i32
        %dma_wait3A_285 = tpu.memref_slice %arg22[%dma_wait3A_284] : memref<2048xf32, #tpu.memory_space<vmem>> -> memref<128xf32, #tpu.memory_space<vmem>>
        %dma_wait3A_286 = arith.constant 0 : i32
        %dma_wait3A_287 = tpu.memref_slice %arg24[%dma_wait3A_283, %dma_wait3A_286] : memref<16x128xi32, #tpu.memory_space<vmem>> -> memref<1x128xi32, #tpu.memory_space<vmem>>
        %dma_wait3A_288 = tpu.memref_squeeze %dma_wait3A_287 : memref<1x128xi32, #tpu.memory_space<vmem>> -> memref<128xi32, #tpu.memory_space<vmem>>
        %dma_wait3A_289 = arith.constant 0 : i32
        %dma_wait3A_290 = tpu.memref_slice %arg26[%dma_wait3A_289] : memref<100000xf32, #tpu.memory_space<vmem_shared>> -> memref<100000xf32, #tpu.memory_space<vmem_shared>>
        tpu.wait_indirect_dma semaphore(%arg29 : memref<!tpu.dma_semaphore, #tpu.memory_space<semaphore_mem>>) src(%dma_wait3A_285 : memref<128xf32, #tpu.memory_space<vmem>>) dst(%dma_wait3A_290 : memref<100000xf32, #tpu.memory_space<vmem_shared>>)
        %dma_wait3A_291 = arith.constant 7 : i32
        %dma_wait3A_292 = arith.constant 896 : i32
        %dma_wait3A_293 = tpu.memref_slice %arg22[%dma_wait3A_292] : memref<2048xf32, #tpu.memory_space<vmem>> -> memref<128xf32, #tpu.memory_space<vmem>>
        %dma_wait3A_294 = arith.constant 0 : i32
        %dma_wait3A_295 = tpu.memref_slice %arg24[%dma_wait3A_291, %dma_wait3A_294] : memref<16x128xi32, #tpu.memory_space<vmem>> -> memref<1x128xi32, #tpu.memory_space<vmem>>
        %dma_wait3A_296 = tpu.memref_squeeze %dma_wait3A_295 : memref<1x128xi32, #tpu.memory_space<vmem>> -> memref<128xi32, #tpu.memory_space<vmem>>
        %dma_wait3A_297 = arith.constant 0 : i32
        %dma_wait3A_298 = tpu.memref_slice %arg26[%dma_wait3A_297] : memref<100000xf32, #tpu.memory_space<vmem_shared>> -> memref<100000xf32, #tpu.memory_space<vmem_shared>>
        tpu.wait_indirect_dma semaphore(%arg29 : memref<!tpu.dma_semaphore, #tpu.memory_space<semaphore_mem>>) src(%dma_wait3A_293 : memref<128xf32, #tpu.memory_space<vmem>>) dst(%dma_wait3A_298 : memref<100000xf32, #tpu.memory_space<vmem_shared>>)
        %dma_wait3A_299 = arith.constant 8 : i32
        %dma_wait3A_300 = arith.constant 1024 : i32
        %dma_wait3A_301 = tpu.memref_slice %arg22[%dma_wait3A_300] : memref<2048xf32, #tpu.memory_space<vmem>> -> memref<128xf32, #tpu.memory_space<vmem>>
        %dma_wait3A_302 = arith.constant 0 : i32
        %dma_wait3A_303 = tpu.memref_slice %arg24[%dma_wait3A_299, %dma_wait3A_302] : memref<16x128xi32, #tpu.memory_space<vmem>> -> memref<1x128xi32, #tpu.memory_space<vmem>>
        %dma_wait3A_304 = tpu.memref_squeeze %dma_wait3A_303 : memref<1x128xi32, #tpu.memory_space<vmem>> -> memref<128xi32, #tpu.memory_space<vmem>>
        %dma_wait3A_305 = arith.constant 0 : i32
        %dma_wait3A_306 = tpu.memref_slice %arg26[%dma_wait3A_305] : memref<100000xf32, #tpu.memory_space<vmem_shared>> -> memref<100000xf32, #tpu.memory_space<vmem_shared>>
        tpu.wait_indirect_dma semaphore(%arg29 : memref<!tpu.dma_semaphore, #tpu.memory_space<semaphore_mem>>) src(%dma_wait3A_301 : memref<128xf32, #tpu.memory_space<vmem>>) dst(%dma_wait3A_306 : memref<100000xf32, #tpu.memory_space<vmem_shared>>)
        %dma_wait3A_307 = arith.constant 9 : i32
        %dma_wait3A_308 = arith.constant 1152 : i32
        %dma_wait3A_309 = tpu.memref_slice %arg22[%dma_wait3A_308] : memref<2048xf32, #tpu.memory_space<vmem>> -> memref<128xf32, #tpu.memory_space<vmem>>
        %dma_wait3A_310 = arith.constant 0 : i32
        %dma_wait3A_311 = tpu.memref_slice %arg24[%dma_wait3A_307, %dma_wait3A_310] : memref<16x128xi32, #tpu.memory_space<vmem>> -> memref<1x128xi32, #tpu.memory_space<vmem>>
        %dma_wait3A_312 = tpu.memref_squeeze %dma_wait3A_311 : memref<1x128xi32, #tpu.memory_space<vmem>> -> memref<128xi32, #tpu.memory_space<vmem>>
        %dma_wait3A_313 = arith.constant 0 : i32
        %dma_wait3A_314 = tpu.memref_slice %arg26[%dma_wait3A_313] : memref<100000xf32, #tpu.memory_space<vmem_shared>> -> memref<100000xf32, #tpu.memory_space<vmem_shared>>
        tpu.wait_indirect_dma semaphore(%arg29 : memref<!tpu.dma_semaphore, #tpu.memory_space<semaphore_mem>>) src(%dma_wait3A_309 : memref<128xf32, #tpu.memory_space<vmem>>) dst(%dma_wait3A_314 : memref<100000xf32, #tpu.memory_space<vmem_shared>>)
        %dma_wait3A_315 = arith.constant 10 : i32
        %dma_wait3A_316 = arith.constant 1280 : i32
        %dma_wait3A_317 = tpu.memref_slice %arg22[%dma_wait3A_316] : memref<2048xf32, #tpu.memory_space<vmem>> -> memref<128xf32, #tpu.memory_space<vmem>>
        %dma_wait3A_318 = arith.constant 0 : i32
        %dma_wait3A_319 = tpu.memref_slice %arg24[%dma_wait3A_315, %dma_wait3A_318] : memref<16x128xi32, #tpu.memory_space<vmem>> -> memref<1x128xi32, #tpu.memory_space<vmem>>
        %dma_wait3A_320 = tpu.memref_squeeze %dma_wait3A_319 : memref<1x128xi32, #tpu.memory_space<vmem>> -> memref<128xi32, #tpu.memory_space<vmem>>
        %dma_wait3A_321 = arith.constant 0 : i32
        %dma_wait3A_322 = tpu.memref_slice %arg26[%dma_wait3A_321] : memref<100000xf32, #tpu.memory_space<vmem_shared>> -> memref<100000xf32, #tpu.memory_space<vmem_shared>>
        tpu.wait_indirect_dma semaphore(%arg29 : memref<!tpu.dma_semaphore, #tpu.memory_space<semaphore_mem>>) src(%dma_wait3A_317 : memref<128xf32, #tpu.memory_space<vmem>>) dst(%dma_wait3A_322 : memref<100000xf32, #tpu.memory_space<vmem_shared>>)
        %dma_wait3A_323 = arith.constant 11 : i32
        %dma_wait3A_324 = arith.constant 1408 : i32
        %dma_wait3A_325 = tpu.memref_slice %arg22[%dma_wait3A_324] : memref<2048xf32, #tpu.memory_space<vmem>> -> memref<128xf32, #tpu.memory_space<vmem>>
        %dma_wait3A_326 = arith.constant 0 : i32
        %dma_wait3A_327 = tpu.memref_slice %arg24[%dma_wait3A_323, %dma_wait3A_326] : memref<16x128xi32, #tpu.memory_space<vmem>> -> memref<1x128xi32, #tpu.memory_space<vmem>>
        %dma_wait3A_328 = tpu.memref_squeeze %dma_wait3A_327 : memref<1x128xi32, #tpu.memory_space<vmem>> -> memref<128xi32, #tpu.memory_space<vmem>>
        %dma_wait3A_329 = arith.constant 0 : i32
        %dma_wait3A_330 = tpu.memref_slice %arg26[%dma_wait3A_329] : memref<100000xf32, #tpu.memory_space<vmem_shared>> -> memref<100000xf32, #tpu.memory_space<vmem_shared>>
        tpu.wait_indirect_dma semaphore(%arg29 : memref<!tpu.dma_semaphore, #tpu.memory_space<semaphore_mem>>) src(%dma_wait3A_325 : memref<128xf32, #tpu.memory_space<vmem>>) dst(%dma_wait3A_330 : memref<100000xf32, #tpu.memory_space<vmem_shared>>)
        %dma_wait3A_331 = arith.constant 12 : i32
        %dma_wait3A_332 = arith.constant 1536 : i32
        %dma_wait3A_333 = tpu.memref_slice %arg22[%dma_wait3A_332] : memref<2048xf32, #tpu.memory_space<vmem>> -> memref<128xf32, #tpu.memory_space<vmem>>
        %dma_wait3A_334 = arith.constant 0 : i32
        %dma_wait3A_335 = tpu.memref_slice %arg24[%dma_wait3A_331, %dma_wait3A_334] : memref<16x128xi32, #tpu.memory_space<vmem>> -> memref<1x128xi32, #tpu.memory_space<vmem>>
        %dma_wait3A_336 = tpu.memref_squeeze %dma_wait3A_335 : memref<1x128xi32, #tpu.memory_space<vmem>> -> memref<128xi32, #tpu.memory_space<vmem>>
        %dma_wait3A_337 = arith.constant 0 : i32
        %dma_wait3A_338 = tpu.memref_slice %arg26[%dma_wait3A_337] : memref<100000xf32, #tpu.memory_space<vmem_shared>> -> memref<100000xf32, #tpu.memory_space<vmem_shared>>
        tpu.wait_indirect_dma semaphore(%arg29 : memref<!tpu.dma_semaphore, #tpu.memory_space<semaphore_mem>>) src(%dma_wait3A_333 : memref<128xf32, #tpu.memory_space<vmem>>) dst(%dma_wait3A_338 : memref<100000xf32, #tpu.memory_space<vmem_shared>>)
        %dma_wait3A_339 = arith.constant 13 : i32
        %dma_wait3A_340 = arith.constant 1664 : i32
        %dma_wait3A_341 = tpu.memref_slice %arg22[%dma_wait3A_340] : memref<2048xf32, #tpu.memory_space<vmem>> -> memref<128xf32, #tpu.memory_space<vmem>>
        %dma_wait3A_342 = arith.constant 0 : i32
        %dma_wait3A_343 = tpu.memref_slice %arg24[%dma_wait3A_339, %dma_wait3A_342] : memref<16x128xi32, #tpu.memory_space<vmem>> -> memref<1x128xi32, #tpu.memory_space<vmem>>
        %dma_wait3A_344 = tpu.memref_squeeze %dma_wait3A_343 : memref<1x128xi32, #tpu.memory_space<vmem>> -> memref<128xi32, #tpu.memory_space<vmem>>
        %dma_wait3A_345 = arith.constant 0 : i32
        %dma_wait3A_346 = tpu.memref_slice %arg26[%dma_wait3A_345] : memref<100000xf32, #tpu.memory_space<vmem_shared>> -> memref<100000xf32, #tpu.memory_space<vmem_shared>>
        tpu.wait_indirect_dma semaphore(%arg29 : memref<!tpu.dma_semaphore, #tpu.memory_space<semaphore_mem>>) src(%dma_wait3A_341 : memref<128xf32, #tpu.memory_space<vmem>>) dst(%dma_wait3A_346 : memref<100000xf32, #tpu.memory_space<vmem_shared>>)
        %dma_wait3A_347 = arith.constant 14 : i32
        %dma_wait3A_348 = arith.constant 1792 : i32
        %dma_wait3A_349 = tpu.memref_slice %arg22[%dma_wait3A_348] : memref<2048xf32, #tpu.memory_space<vmem>> -> memref<128xf32, #tpu.memory_space<vmem>>
        %dma_wait3A_350 = arith.constant 0 : i32
        %dma_wait3A_351 = tpu.memref_slice %arg24[%dma_wait3A_347, %dma_wait3A_350] : memref<16x128xi32, #tpu.memory_space<vmem>> -> memref<1x128xi32, #tpu.memory_space<vmem>>
        %dma_wait3A_352 = tpu.memref_squeeze %dma_wait3A_351 : memref<1x128xi32, #tpu.memory_space<vmem>> -> memref<128xi32, #tpu.memory_space<vmem>>
        %dma_wait3A_353 = arith.constant 0 : i32
        %dma_wait3A_354 = tpu.memref_slice %arg26[%dma_wait3A_353] : memref<100000xf32, #tpu.memory_space<vmem_shared>> -> memref<100000xf32, #tpu.memory_space<vmem_shared>>
        tpu.wait_indirect_dma semaphore(%arg29 : memref<!tpu.dma_semaphore, #tpu.memory_space<semaphore_mem>>) src(%dma_wait3A_349 : memref<128xf32, #tpu.memory_space<vmem>>) dst(%dma_wait3A_354 : memref<100000xf32, #tpu.memory_space<vmem_shared>>)
        %dma_wait3A_355 = arith.constant 15 : i32
        %dma_wait3A_356 = arith.constant 1920 : i32
        %dma_wait3A_357 = tpu.memref_slice %arg22[%dma_wait3A_356] : memref<2048xf32, #tpu.memory_space<vmem>> -> memref<128xf32, #tpu.memory_space<vmem>>
        %dma_wait3A_358 = arith.constant 0 : i32
        %dma_wait3A_359 = tpu.memref_slice %arg24[%dma_wait3A_355, %dma_wait3A_358] : memref<16x128xi32, #tpu.memory_space<vmem>> -> memref<1x128xi32, #tpu.memory_space<vmem>>
        %dma_wait3A_360 = tpu.memref_squeeze %dma_wait3A_359 : memref<1x128xi32, #tpu.memory_space<vmem>> -> memref<128xi32, #tpu.memory_space<vmem>>
        %dma_wait3A_361 = arith.constant 0 : i32
        %dma_wait3A_362 = tpu.memref_slice %arg26[%dma_wait3A_361] : memref<100000xf32, #tpu.memory_space<vmem_shared>> -> memref<100000xf32, #tpu.memory_space<vmem_shared>>
        tpu.wait_indirect_dma semaphore(%arg29 : memref<!tpu.dma_semaphore, #tpu.memory_space<semaphore_mem>>) src(%dma_wait3A_357 : memref<128xf32, #tpu.memory_space<vmem>>) dst(%dma_wait3A_362 : memref<100000xf32, #tpu.memory_space<vmem_shared>>)
      } else {
      }
      %parallel_loop3A = arith.constant 0 : i32
      %parallel_loop3A_98 = arith.constant 128 : i32
      %parallel_loop3A_99 = arith.constant 1 : i32
      scf.for %parallel_loop3A_235 = %parallel_loop3A to %parallel_loop3A_98 step %parallel_loop3A_99  : i32 {
        %parallel_loop3A_236 = arith.constant 3 : i32
        %parallel_loop3A_237 = arith.shrui %parallel_loop3A_235, %parallel_loop3A_236 : i32
        %parallel_loop3A_238 = arith.constant 7 : i32
        %parallel_loop3A_239 = arith.andi %parallel_loop3A_235, %parallel_loop3A_238 : i32
        %parallel_loop3A_240 = arith.constant 16 : i32
        %parallel_loop3A_241 = arith.muli %parallel_loop3A_239, %parallel_loop3A_240 : i32
        %parallel_loop3A_242 = arith.index_cast %parallel_loop3A_237 : i32 to index
        %parallel_loop3A_243 = arith.index_cast %parallel_loop3A_241 : i32 to index
        %parallel_loop3A_244 = tpu.vector_load %arg14[%parallel_loop3A_242, %parallel_loop3A_243] {strides = array<i32>} : memref<16x128xi32, #tpu.memory_space<vmem>>, vector<16xi32>,
        %parallel_loop3A_245 = arith.index_cast %parallel_loop3A_237 : i32 to index
        %parallel_loop3A_246 = arith.index_cast %parallel_loop3A_241 : i32 to index
        %parallel_loop3A_247 = tpu.vector_load %arg16[%parallel_loop3A_245, %parallel_loop3A_246] {strides = array<i32>} : memref<16x128xi32, #tpu.memory_space<vmem>>, vector<16xi32>,
        %parallel_loop3A_248 = arith.constant 2 : i32
        %parallel_loop3A_249 = vector.broadcast %parallel_loop3A_248 : i32 to vector<16xi32>
        %parallel_loop3A_250 = arith.shrui %parallel_loop3A_244, %parallel_loop3A_249 : vector<16xi32>
        %parallel_loop3A_251 = tpu.vector_load_idx %arg11[%parallel_loop3A_250] : memref<25008xi32, #tpu.memory_space<vmem>>[vector<16xi32>], vector<16xi32>,
        %parallel_loop3A_252 = arith.constant 2 : i32
        %parallel_loop3A_253 = vector.broadcast %parallel_loop3A_252 : i32 to vector<16xi32>
        %parallel_loop3A_254 = arith.shrui %parallel_loop3A_247, %parallel_loop3A_253 : vector<16xi32>
        %parallel_loop3A_255 = tpu.vector_load_idx %arg11[%parallel_loop3A_254] : memref<25008xi32, #tpu.memory_space<vmem>>[vector<16xi32>], vector<16xi32>,
        %parallel_loop3A_256 = arith.constant 3 : i32
        %parallel_loop3A_257 = vector.broadcast %parallel_loop3A_256 : i32 to vector<16xi32>
        %parallel_loop3A_258 = arith.andi %parallel_loop3A_244, %parallel_loop3A_257 : vector<16xi32>
        %parallel_loop3A_259 = arith.constant 8 : i32
        %parallel_loop3A_260 = vector.broadcast %parallel_loop3A_259 : i32 to vector<16xi32>
        %parallel_loop3A_261 = arith.muli %parallel_loop3A_258, %parallel_loop3A_260 : vector<16xi32>
        %parallel_loop3A_262 = arith.shrui %parallel_loop3A_251, %parallel_loop3A_261 : vector<16xi32>
        %parallel_loop3A_263 = arith.constant 255 : i32
        %parallel_loop3A_264 = vector.broadcast %parallel_loop3A_263 : i32 to vector<16xi32>
        %parallel_loop3A_265 = arith.andi %parallel_loop3A_262, %parallel_loop3A_264 : vector<16xi32>
        %parallel_loop3A_266 = arith.constant 3 : i32
        %parallel_loop3A_267 = vector.broadcast %parallel_loop3A_266 : i32 to vector<16xi32>
        %parallel_loop3A_268 = arith.andi %parallel_loop3A_247, %parallel_loop3A_267 : vector<16xi32>
        %parallel_loop3A_269 = arith.constant 8 : i32
        %parallel_loop3A_270 = vector.broadcast %parallel_loop3A_269 : i32 to vector<16xi32>
        %parallel_loop3A_271 = arith.muli %parallel_loop3A_268, %parallel_loop3A_270 : vector<16xi32>
        %parallel_loop3A_272 = arith.shrui %parallel_loop3A_255, %parallel_loop3A_271 : vector<16xi32>
        %parallel_loop3A_273 = arith.constant 255 : i32
        %parallel_loop3A_274 = vector.broadcast %parallel_loop3A_273 : i32 to vector<16xi32>
        %parallel_loop3A_275 = arith.andi %parallel_loop3A_272, %parallel_loop3A_274 : vector<16xi32>
        %parallel_loop3A_276 = arith.constant 92 : i32
        %parallel_loop3A_277 = vector.broadcast %parallel_loop3A_276 : i32 to vector<16xi32>
        %parallel_loop3A_278 = arith.muli %parallel_loop3A_277, %parallel_loop3A_275 : vector<16xi32>
        %parallel_loop3A_279 = arith.addi %parallel_loop3A_265, %parallel_loop3A_278 : vector<16xi32>
        %parallel_loop3A_280 = arith.constant 3 : i32
        %parallel_loop3A_281 = vector.broadcast %parallel_loop3A_280 : i32 to vector<16xi32>
        %parallel_loop3A_282 = arith.muli %parallel_loop3A_279, %parallel_loop3A_281 : vector<16xi32>
        %parallel_loop3A_283 = arith.index_cast %parallel_loop3A_237 : i32 to index
        %parallel_loop3A_284 = arith.index_cast %parallel_loop3A_241 : i32 to index
        %parallel_loop3A_285 = tpu.vector_load %arg18[%parallel_loop3A_283, %parallel_loop3A_284] {strides = array<i32>} : memref<16x128xf32, #tpu.memory_space<vmem>>, vector<16xf32>,
        %parallel_loop3A_286 = arith.constant 0.000000e+00 : f32
        %parallel_loop3A_287 = vector.broadcast %parallel_loop3A_286 : f32 to vector<16xf32>
        %parallel_loop3A_288 = arith.subf %parallel_loop3A_287, %parallel_loop3A_285 : vector<16xf32>
        %parallel_loop3A_289 = tpu.vector_load_idx %arg12[%parallel_loop3A_282] : memref<25952xf32, #tpu.memory_space<vmem>>[vector<16xi32>], vector<16xf32>,
        %parallel_loop3A_290 = tpu.vector_load_idx %arg13[%parallel_loop3A_282] : memref<25952xf32, #tpu.memory_space<vmem>>[vector<16xi32>], vector<16xf32>,
        %parallel_loop3A_291 = arith.mulf %parallel_loop3A_290, %parallel_loop3A_288 : vector<16xf32>
        %parallel_loop3A_292 = math.exp %parallel_loop3A_291 : vector<16xf32>
        %parallel_loop3A_293 = arith.mulf %parallel_loop3A_289, %parallel_loop3A_292 : vector<16xf32>
        %parallel_loop3A_294 = arith.constant 1 : i32
        %parallel_loop3A_295 = vector.broadcast %parallel_loop3A_294 : i32 to vector<16xi32>
        %parallel_loop3A_296 = arith.addi %parallel_loop3A_282, %parallel_loop3A_295 : vector<16xi32>
        %parallel_loop3A_297 = tpu.vector_load_idx %arg12[%parallel_loop3A_296] : memref<25952xf32, #tpu.memory_space<vmem>>[vector<16xi32>], vector<16xf32>,
        %parallel_loop3A_298 = arith.constant 1 : i32
        %parallel_loop3A_299 = vector.broadcast %parallel_loop3A_298 : i32 to vector<16xi32>
        %parallel_loop3A_300 = arith.addi %parallel_loop3A_282, %parallel_loop3A_299 : vector<16xi32>
        %parallel_loop3A_301 = tpu.vector_load_idx %arg13[%parallel_loop3A_300] : memref<25952xf32, #tpu.memory_space<vmem>>[vector<16xi32>], vector<16xf32>,
        %parallel_loop3A_302 = arith.mulf %parallel_loop3A_301, %parallel_loop3A_288 : vector<16xf32>
        %parallel_loop3A_303 = math.exp %parallel_loop3A_302 : vector<16xf32>
        %parallel_loop3A_304 = arith.mulf %parallel_loop3A_297, %parallel_loop3A_303 : vector<16xf32>
        %parallel_loop3A_305 = arith.addf %parallel_loop3A_293, %parallel_loop3A_304 : vector<16xf32>
        %parallel_loop3A_306 = arith.constant 2 : i32
        %parallel_loop3A_307 = vector.broadcast %parallel_loop3A_306 : i32 to vector<16xi32>
        %parallel_loop3A_308 = arith.addi %parallel_loop3A_282, %parallel_loop3A_307 : vector<16xi32>
        %parallel_loop3A_309 = tpu.vector_load_idx %arg12[%parallel_loop3A_308] : memref<25952xf32, #tpu.memory_space<vmem>>[vector<16xi32>], vector<16xf32>,
        %parallel_loop3A_310 = arith.constant 2 : i32
        %parallel_loop3A_311 = vector.broadcast %parallel_loop3A_310 : i32 to vector<16xi32>
        %parallel_loop3A_312 = arith.addi %parallel_loop3A_282, %parallel_loop3A_311 : vector<16xi32>
        %parallel_loop3A_313 = tpu.vector_load_idx %arg13[%parallel_loop3A_312] : memref<25952xf32, #tpu.memory_space<vmem>>[vector<16xi32>], vector<16xf32>,
        %parallel_loop3A_314 = arith.mulf %parallel_loop3A_313, %parallel_loop3A_288 : vector<16xf32>
        %parallel_loop3A_315 = math.exp %parallel_loop3A_314 : vector<16xf32>
        %parallel_loop3A_316 = arith.mulf %parallel_loop3A_309, %parallel_loop3A_315 : vector<16xf32>
        %parallel_loop3A_317 = arith.addf %parallel_loop3A_305, %parallel_loop3A_316 : vector<16xf32>
        %parallel_loop3A_318 = arith.muli %parallel_loop3A_265, %parallel_loop3A_275 : vector<16xi32>
        %parallel_loop3A_319 = arith.sitofp %parallel_loop3A_318 : vector<16xi32> to vector<16xf32>
        %parallel_loop3A_320 = arith.index_cast %parallel_loop3A_237 : i32 to index
        %parallel_loop3A_321 = arith.index_cast %parallel_loop3A_241 : i32 to index
        %parallel_loop3A_322 = tpu.vector_load %arg24[%parallel_loop3A_320, %parallel_loop3A_321] {strides = array<i32>} : memref<16x128xi32, #tpu.memory_space<vmem>>, vector<16xi32>,
        tpu.vector_store %arg24[%parallel_loop3A_320, %parallel_loop3A_321], %parallel_loop3A_244 {strides = array<i32>} : memref<16x128xi32, #tpu.memory_space<vmem>>, vector<16xi32>,
        %parallel_loop3A_323 = arith.mulf %parallel_loop3A_319, %parallel_loop3A_317 : vector<16xf32>
        %parallel_loop3A_324 = arith.index_cast %parallel_loop3A_237 : i32 to index
        %parallel_loop3A_325 = arith.index_cast %parallel_loop3A_241 : i32 to index
        %parallel_loop3A_326 = tpu.vector_load %arg20[%parallel_loop3A_324, %parallel_loop3A_325] {strides = array<i32>} : memref<16x128xf32, #tpu.memory_space<vmem>>, vector<16xf32>,
        %parallel_loop3A_327 = arith.mulf %parallel_loop3A_323, %parallel_loop3A_326 : vector<16xf32>
        %parallel_loop3A_328 = arith.constant 0.264588594 : f32
        %parallel_loop3A_329 = vector.broadcast %parallel_loop3A_328 : f32 to vector<16xf32>
        %parallel_loop3A_330 = arith.mulf %parallel_loop3A_327, %parallel_loop3A_329 : vector<16xf32>
        %parallel_loop3A_331 = arith.divf %parallel_loop3A_330, %parallel_loop3A_285 : vector<16xf32>
        %parallel_loop3A_332 = arith.constant 16 : i32
        %parallel_loop3A_333 = arith.muli %parallel_loop3A_235, %parallel_loop3A_332 : i32
        %parallel_loop3A_334 = arith.index_cast %parallel_loop3A_333 : i32 to index
        %parallel_loop3A_335 = tpu.vector_load %arg22[%parallel_loop3A_334] {strides = array<i32>} : memref<2048xf32, #tpu.memory_space<vmem>>, vector<16xf32>,
        tpu.vector_store %arg22[%parallel_loop3A_334], %parallel_loop3A_331 {strides = array<i32>} : memref<2048xf32, #tpu.memory_space<vmem>>, vector<16xf32>,
      } {sc.loop_unroll_factor = 4 : i64, sc.parallel_access}
      %dma_start3A = arith.constant 0 : i32
      %dma_start3A_100 = arith.constant 0 : i32
      %dma_start3A_101 = tpu.memref_slice %arg22[%dma_start3A_100] : memref<2048xf32, #tpu.memory_space<vmem>> -> memref<128xf32, #tpu.memory_space<vmem>>
      %dma_start3A_102 = arith.constant 0 : i32
      %dma_start3A_103 = tpu.memref_slice %arg24[%dma_start3A, %dma_start3A_102] : memref<16x128xi32, #tpu.memory_space<vmem>> -> memref<1x128xi32, #tpu.memory_space<vmem>>
      %dma_start3A_104 = tpu.memref_squeeze %dma_start3A_103 : memref<1x128xi32, #tpu.memory_space<vmem>> -> memref<128xi32, #tpu.memory_space<vmem>>
      %dma_start3A_105 = arith.constant 0 : i32
      %dma_start3A_106 = tpu.memref_slice %arg26[%dma_start3A_105] : memref<100000xf32, #tpu.memory_space<vmem_shared>> -> memref<100000xf32, #tpu.memory_space<vmem_shared>>
      tpu.enqueue_indirect_dma source(%dma_start3A_101 : memref<128xf32, #tpu.memory_space<vmem>>) target(%dma_start3A_106 : memref<100000xf32, #tpu.memory_space<vmem_shared>>) offsets(%dma_start3A_104 : memref<128xi32, #tpu.memory_space<vmem>>) semaphore(%arg29 : memref<!tpu.dma_semaphore, #tpu.memory_space<semaphore_mem>>) {add = true}
      %dma_start3A_107 = arith.constant 1 : i32
      %dma_start3A_108 = arith.constant 128 : i32
      %dma_start3A_109 = tpu.memref_slice %arg22[%dma_start3A_108] : memref<2048xf32, #tpu.memory_space<vmem>> -> memref<128xf32, #tpu.memory_space<vmem>>
      %dma_start3A_110 = arith.constant 0 : i32
      %dma_start3A_111 = tpu.memref_slice %arg24[%dma_start3A_107, %dma_start3A_110] : memref<16x128xi32, #tpu.memory_space<vmem>> -> memref<1x128xi32, #tpu.memory_space<vmem>>
      %dma_start3A_112 = tpu.memref_squeeze %dma_start3A_111 : memref<1x128xi32, #tpu.memory_space<vmem>> -> memref<128xi32, #tpu.memory_space<vmem>>
      %dma_start3A_113 = arith.constant 0 : i32
      %dma_start3A_114 = tpu.memref_slice %arg26[%dma_start3A_113] : memref<100000xf32, #tpu.memory_space<vmem_shared>> -> memref<100000xf32, #tpu.memory_space<vmem_shared>>
      tpu.enqueue_indirect_dma source(%dma_start3A_109 : memref<128xf32, #tpu.memory_space<vmem>>) target(%dma_start3A_114 : memref<100000xf32, #tpu.memory_space<vmem_shared>>) offsets(%dma_start3A_112 : memref<128xi32, #tpu.memory_space<vmem>>) semaphore(%arg29 : memref<!tpu.dma_semaphore, #tpu.memory_space<semaphore_mem>>) {add = true}
      %dma_start3A_115 = arith.constant 2 : i32
      %dma_start3A_116 = arith.constant 256 : i32
      %dma_start3A_117 = tpu.memref_slice %arg22[%dma_start3A_116] : memref<2048xf32, #tpu.memory_space<vmem>> -> memref<128xf32, #tpu.memory_space<vmem>>
      %dma_start3A_118 = arith.constant 0 : i32
      %dma_start3A_119 = tpu.memref_slice %arg24[%dma_start3A_115, %dma_start3A_118] : memref<16x128xi32, #tpu.memory_space<vmem>> -> memref<1x128xi32, #tpu.memory_space<vmem>>
      %dma_start3A_120 = tpu.memref_squeeze %dma_start3A_119 : memref<1x128xi32, #tpu.memory_space<vmem>> -> memref<128xi32, #tpu.memory_space<vmem>>
      %dma_start3A_121 = arith.constant 0 : i32
      %dma_start3A_122 = tpu.memref_slice %arg26[%dma_start3A_121] : memref<100000xf32, #tpu.memory_space<vmem_shared>> -> memref<100000xf32, #tpu.memory_space<vmem_shared>>
      tpu.enqueue_indirect_dma source(%dma_start3A_117 : memref<128xf32, #tpu.memory_space<vmem>>) target(%dma_start3A_122 : memref<100000xf32, #tpu.memory_space<vmem_shared>>) offsets(%dma_start3A_120 : memref<128xi32, #tpu.memory_space<vmem>>) semaphore(%arg29 : memref<!tpu.dma_semaphore, #tpu.memory_space<semaphore_mem>>) {add = true}
      %dma_start3A_123 = arith.constant 3 : i32
      %dma_start3A_124 = arith.constant 384 : i32
      %dma_start3A_125 = tpu.memref_slice %arg22[%dma_start3A_124] : memref<2048xf32, #tpu.memory_space<vmem>> -> memref<128xf32, #tpu.memory_space<vmem>>
      %dma_start3A_126 = arith.constant 0 : i32
      %dma_start3A_127 = tpu.memref_slice %arg24[%dma_start3A_123, %dma_start3A_126] : memref<16x128xi32, #tpu.memory_space<vmem>> -> memref<1x128xi32, #tpu.memory_space<vmem>>
      %dma_start3A_128 = tpu.memref_squeeze %dma_start3A_127 : memref<1x128xi32, #tpu.memory_space<vmem>> -> memref<128xi32, #tpu.memory_space<vmem>>
      %dma_start3A_129 = arith.constant 0 : i32
      %dma_start3A_130 = tpu.memref_slice %arg26[%dma_start3A_129] : memref<100000xf32, #tpu.memory_space<vmem_shared>> -> memref<100000xf32, #tpu.memory_space<vmem_shared>>
      tpu.enqueue_indirect_dma source(%dma_start3A_125 : memref<128xf32, #tpu.memory_space<vmem>>) target(%dma_start3A_130 : memref<100000xf32, #tpu.memory_space<vmem_shared>>) offsets(%dma_start3A_128 : memref<128xi32, #tpu.memory_space<vmem>>) semaphore(%arg29 : memref<!tpu.dma_semaphore, #tpu.memory_space<semaphore_mem>>) {add = true}
      %dma_start3A_131 = arith.constant 4 : i32
      %dma_start3A_132 = arith.constant 512 : i32
      %dma_start3A_133 = tpu.memref_slice %arg22[%dma_start3A_132] : memref<2048xf32, #tpu.memory_space<vmem>> -> memref<128xf32, #tpu.memory_space<vmem>>
      %dma_start3A_134 = arith.constant 0 : i32
      %dma_start3A_135 = tpu.memref_slice %arg24[%dma_start3A_131, %dma_start3A_134] : memref<16x128xi32, #tpu.memory_space<vmem>> -> memref<1x128xi32, #tpu.memory_space<vmem>>
      %dma_start3A_136 = tpu.memref_squeeze %dma_start3A_135 : memref<1x128xi32, #tpu.memory_space<vmem>> -> memref<128xi32, #tpu.memory_space<vmem>>
      %dma_start3A_137 = arith.constant 0 : i32
      %dma_start3A_138 = tpu.memref_slice %arg26[%dma_start3A_137] : memref<100000xf32, #tpu.memory_space<vmem_shared>> -> memref<100000xf32, #tpu.memory_space<vmem_shared>>
      tpu.enqueue_indirect_dma source(%dma_start3A_133 : memref<128xf32, #tpu.memory_space<vmem>>) target(%dma_start3A_138 : memref<100000xf32, #tpu.memory_space<vmem_shared>>) offsets(%dma_start3A_136 : memref<128xi32, #tpu.memory_space<vmem>>) semaphore(%arg29 : memref<!tpu.dma_semaphore, #tpu.memory_space<semaphore_mem>>) {add = true}
      %dma_start3A_139 = arith.constant 5 : i32
      %dma_start3A_140 = arith.constant 640 : i32
      %dma_start3A_141 = tpu.memref_slice %arg22[%dma_start3A_140] : memref<2048xf32, #tpu.memory_space<vmem>> -> memref<128xf32, #tpu.memory_space<vmem>>
      %dma_start3A_142 = arith.constant 0 : i32
      %dma_start3A_143 = tpu.memref_slice %arg24[%dma_start3A_139, %dma_start3A_142] : memref<16x128xi32, #tpu.memory_space<vmem>> -> memref<1x128xi32, #tpu.memory_space<vmem>>
      %dma_start3A_144 = tpu.memref_squeeze %dma_start3A_143 : memref<1x128xi32, #tpu.memory_space<vmem>> -> memref<128xi32, #tpu.memory_space<vmem>>
      %dma_start3A_145 = arith.constant 0 : i32
      %dma_start3A_146 = tpu.memref_slice %arg26[%dma_start3A_145] : memref<100000xf32, #tpu.memory_space<vmem_shared>> -> memref<100000xf32, #tpu.memory_space<vmem_shared>>
      tpu.enqueue_indirect_dma source(%dma_start3A_141 : memref<128xf32, #tpu.memory_space<vmem>>) target(%dma_start3A_146 : memref<100000xf32, #tpu.memory_space<vmem_shared>>) offsets(%dma_start3A_144 : memref<128xi32, #tpu.memory_space<vmem>>) semaphore(%arg29 : memref<!tpu.dma_semaphore, #tpu.memory_space<semaphore_mem>>) {add = true}
      %dma_start3A_147 = arith.constant 6 : i32
      %dma_start3A_148 = arith.constant 768 : i32
      %dma_start3A_149 = tpu.memref_slice %arg22[%dma_start3A_148] : memref<2048xf32, #tpu.memory_space<vmem>> -> memref<128xf32, #tpu.memory_space<vmem>>
      %dma_start3A_150 = arith.constant 0 : i32
      %dma_start3A_151 = tpu.memref_slice %arg24[%dma_start3A_147, %dma_start3A_150] : memref<16x128xi32, #tpu.memory_space<vmem>> -> memref<1x128xi32, #tpu.memory_space<vmem>>
      %dma_start3A_152 = tpu.memref_squeeze %dma_start3A_151 : memref<1x128xi32, #tpu.memory_space<vmem>> -> memref<128xi32, #tpu.memory_space<vmem>>
      %dma_start3A_153 = arith.constant 0 : i32
      %dma_start3A_154 = tpu.memref_slice %arg26[%dma_start3A_153] : memref<100000xf32, #tpu.memory_space<vmem_shared>> -> memref<100000xf32, #tpu.memory_space<vmem_shared>>
      tpu.enqueue_indirect_dma source(%dma_start3A_149 : memref<128xf32, #tpu.memory_space<vmem>>) target(%dma_start3A_154 : memref<100000xf32, #tpu.memory_space<vmem_shared>>) offsets(%dma_start3A_152 : memref<128xi32, #tpu.memory_space<vmem>>) semaphore(%arg29 : memref<!tpu.dma_semaphore, #tpu.memory_space<semaphore_mem>>) {add = true}
      %dma_start3A_155 = arith.constant 7 : i32
      %dma_start3A_156 = arith.constant 896 : i32
      %dma_start3A_157 = tpu.memref_slice %arg22[%dma_start3A_156] : memref<2048xf32, #tpu.memory_space<vmem>> -> memref<128xf32, #tpu.memory_space<vmem>>
      %dma_start3A_158 = arith.constant 0 : i32
      %dma_start3A_159 = tpu.memref_slice %arg24[%dma_start3A_155, %dma_start3A_158] : memref<16x128xi32, #tpu.memory_space<vmem>> -> memref<1x128xi32, #tpu.memory_space<vmem>>
      %dma_start3A_160 = tpu.memref_squeeze %dma_start3A_159 : memref<1x128xi32, #tpu.memory_space<vmem>> -> memref<128xi32, #tpu.memory_space<vmem>>
      %dma_start3A_161 = arith.constant 0 : i32
      %dma_start3A_162 = tpu.memref_slice %arg26[%dma_start3A_161] : memref<100000xf32, #tpu.memory_space<vmem_shared>> -> memref<100000xf32, #tpu.memory_space<vmem_shared>>
      tpu.enqueue_indirect_dma source(%dma_start3A_157 : memref<128xf32, #tpu.memory_space<vmem>>) target(%dma_start3A_162 : memref<100000xf32, #tpu.memory_space<vmem_shared>>) offsets(%dma_start3A_160 : memref<128xi32, #tpu.memory_space<vmem>>) semaphore(%arg29 : memref<!tpu.dma_semaphore, #tpu.memory_space<semaphore_mem>>) {add = true}
      %dma_start3A_163 = arith.constant 8 : i32
      %dma_start3A_164 = arith.constant 1024 : i32
      %dma_start3A_165 = tpu.memref_slice %arg22[%dma_start3A_164] : memref<2048xf32, #tpu.memory_space<vmem>> -> memref<128xf32, #tpu.memory_space<vmem>>
      %dma_start3A_166 = arith.constant 0 : i32
      %dma_start3A_167 = tpu.memref_slice %arg24[%dma_start3A_163, %dma_start3A_166] : memref<16x128xi32, #tpu.memory_space<vmem>> -> memref<1x128xi32, #tpu.memory_space<vmem>>
      %dma_start3A_168 = tpu.memref_squeeze %dma_start3A_167 : memref<1x128xi32, #tpu.memory_space<vmem>> -> memref<128xi32, #tpu.memory_space<vmem>>
      %dma_start3A_169 = arith.constant 0 : i32
      %dma_start3A_170 = tpu.memref_slice %arg26[%dma_start3A_169] : memref<100000xf32, #tpu.memory_space<vmem_shared>> -> memref<100000xf32, #tpu.memory_space<vmem_shared>>
      tpu.enqueue_indirect_dma source(%dma_start3A_165 : memref<128xf32, #tpu.memory_space<vmem>>) target(%dma_start3A_170 : memref<100000xf32, #tpu.memory_space<vmem_shared>>) offsets(%dma_start3A_168 : memref<128xi32, #tpu.memory_space<vmem>>) semaphore(%arg29 : memref<!tpu.dma_semaphore, #tpu.memory_space<semaphore_mem>>) {add = true}
      %dma_start3A_171 = arith.constant 9 : i32
      %dma_start3A_172 = arith.constant 1152 : i32
      %dma_start3A_173 = tpu.memref_slice %arg22[%dma_start3A_172] : memref<2048xf32, #tpu.memory_space<vmem>> -> memref<128xf32, #tpu.memory_space<vmem>>
      %dma_start3A_174 = arith.constant 0 : i32
      %dma_start3A_175 = tpu.memref_slice %arg24[%dma_start3A_171, %dma_start3A_174] : memref<16x128xi32, #tpu.memory_space<vmem>> -> memref<1x128xi32, #tpu.memory_space<vmem>>
      %dma_start3A_176 = tpu.memref_squeeze %dma_start3A_175 : memref<1x128xi32, #tpu.memory_space<vmem>> -> memref<128xi32, #tpu.memory_space<vmem>>
      %dma_start3A_177 = arith.constant 0 : i32
      %dma_start3A_178 = tpu.memref_slice %arg26[%dma_start3A_177] : memref<100000xf32, #tpu.memory_space<vmem_shared>> -> memref<100000xf32, #tpu.memory_space<vmem_shared>>
      tpu.enqueue_indirect_dma source(%dma_start3A_173 : memref<128xf32, #tpu.memory_space<vmem>>) target(%dma_start3A_178 : memref<100000xf32, #tpu.memory_space<vmem_shared>>) offsets(%dma_start3A_176 : memref<128xi32, #tpu.memory_space<vmem>>) semaphore(%arg29 : memref<!tpu.dma_semaphore, #tpu.memory_space<semaphore_mem>>) {add = true}
      %dma_start3A_179 = arith.constant 10 : i32
      %dma_start3A_180 = arith.constant 1280 : i32
      %dma_start3A_181 = tpu.memref_slice %arg22[%dma_start3A_180] : memref<2048xf32, #tpu.memory_space<vmem>> -> memref<128xf32, #tpu.memory_space<vmem>>
      %dma_start3A_182 = arith.constant 0 : i32
      %dma_start3A_183 = tpu.memref_slice %arg24[%dma_start3A_179, %dma_start3A_182] : memref<16x128xi32, #tpu.memory_space<vmem>> -> memref<1x128xi32, #tpu.memory_space<vmem>>
      %dma_start3A_184 = tpu.memref_squeeze %dma_start3A_183 : memref<1x128xi32, #tpu.memory_space<vmem>> -> memref<128xi32, #tpu.memory_space<vmem>>
      %dma_start3A_185 = arith.constant 0 : i32
      %dma_start3A_186 = tpu.memref_slice %arg26[%dma_start3A_185] : memref<100000xf32, #tpu.memory_space<vmem_shared>> -> memref<100000xf32, #tpu.memory_space<vmem_shared>>
      tpu.enqueue_indirect_dma source(%dma_start3A_181 : memref<128xf32, #tpu.memory_space<vmem>>) target(%dma_start3A_186 : memref<100000xf32, #tpu.memory_space<vmem_shared>>) offsets(%dma_start3A_184 : memref<128xi32, #tpu.memory_space<vmem>>) semaphore(%arg29 : memref<!tpu.dma_semaphore, #tpu.memory_space<semaphore_mem>>) {add = true}
      %dma_start3A_187 = arith.constant 11 : i32
      %dma_start3A_188 = arith.constant 1408 : i32
      %dma_start3A_189 = tpu.memref_slice %arg22[%dma_start3A_188] : memref<2048xf32, #tpu.memory_space<vmem>> -> memref<128xf32, #tpu.memory_space<vmem>>
      %dma_start3A_190 = arith.constant 0 : i32
      %dma_start3A_191 = tpu.memref_slice %arg24[%dma_start3A_187, %dma_start3A_190] : memref<16x128xi32, #tpu.memory_space<vmem>> -> memref<1x128xi32, #tpu.memory_space<vmem>>
      %dma_start3A_192 = tpu.memref_squeeze %dma_start3A_191 : memref<1x128xi32, #tpu.memory_space<vmem>> -> memref<128xi32, #tpu.memory_space<vmem>>
      %dma_start3A_193 = arith.constant 0 : i32
      %dma_start3A_194 = tpu.memref_slice %arg26[%dma_start3A_193] : memref<100000xf32, #tpu.memory_space<vmem_shared>> -> memref<100000xf32, #tpu.memory_space<vmem_shared>>
      tpu.enqueue_indirect_dma source(%dma_start3A_189 : memref<128xf32, #tpu.memory_space<vmem>>) target(%dma_start3A_194 : memref<100000xf32, #tpu.memory_space<vmem_shared>>) offsets(%dma_start3A_192 : memref<128xi32, #tpu.memory_space<vmem>>) semaphore(%arg29 : memref<!tpu.dma_semaphore, #tpu.memory_space<semaphore_mem>>) {add = true}
      %dma_start3A_195 = arith.constant 12 : i32
      %dma_start3A_196 = arith.constant 1536 : i32
      %dma_start3A_197 = tpu.memref_slice %arg22[%dma_start3A_196] : memref<2048xf32, #tpu.memory_space<vmem>> -> memref<128xf32, #tpu.memory_space<vmem>>
      %dma_start3A_198 = arith.constant 0 : i32
      %dma_start3A_199 = tpu.memref_slice %arg24[%dma_start3A_195, %dma_start3A_198] : memref<16x128xi32, #tpu.memory_space<vmem>> -> memref<1x128xi32, #tpu.memory_space<vmem>>
      %dma_start3A_200 = tpu.memref_squeeze %dma_start3A_199 : memref<1x128xi32, #tpu.memory_space<vmem>> -> memref<128xi32, #tpu.memory_space<vmem>>
      %dma_start3A_201 = arith.constant 0 : i32
      %dma_start3A_202 = tpu.memref_slice %arg26[%dma_start3A_201] : memref<100000xf32, #tpu.memory_space<vmem_shared>> -> memref<100000xf32, #tpu.memory_space<vmem_shared>>
      tpu.enqueue_indirect_dma source(%dma_start3A_197 : memref<128xf32, #tpu.memory_space<vmem>>) target(%dma_start3A_202 : memref<100000xf32, #tpu.memory_space<vmem_shared>>) offsets(%dma_start3A_200 : memref<128xi32, #tpu.memory_space<vmem>>) semaphore(%arg29 : memref<!tpu.dma_semaphore, #tpu.memory_space<semaphore_mem>>) {add = true}
      %dma_start3A_203 = arith.constant 13 : i32
      %dma_start3A_204 = arith.constant 1664 : i32
      %dma_start3A_205 = tpu.memref_slice %arg22[%dma_start3A_204] : memref<2048xf32, #tpu.memory_space<vmem>> -> memref<128xf32, #tpu.memory_space<vmem>>
      %dma_start3A_206 = arith.constant 0 : i32
      %dma_start3A_207 = tpu.memref_slice %arg24[%dma_start3A_203, %dma_start3A_206] : memref<16x128xi32, #tpu.memory_space<vmem>> -> memref<1x128xi32, #tpu.memory_space<vmem>>
      %dma_start3A_208 = tpu.memref_squeeze %dma_start3A_207 : memref<1x128xi32, #tpu.memory_space<vmem>> -> memref<128xi32, #tpu.memory_space<vmem>>
      %dma_start3A_209 = arith.constant 0 : i32
      %dma_start3A_210 = tpu.memref_slice %arg26[%dma_start3A_209] : memref<100000xf32, #tpu.memory_space<vmem_shared>> -> memref<100000xf32, #tpu.memory_space<vmem_shared>>
      tpu.enqueue_indirect_dma source(%dma_start3A_205 : memref<128xf32, #tpu.memory_space<vmem>>) target(%dma_start3A_210 : memref<100000xf32, #tpu.memory_space<vmem_shared>>) offsets(%dma_start3A_208 : memref<128xi32, #tpu.memory_space<vmem>>) semaphore(%arg29 : memref<!tpu.dma_semaphore, #tpu.memory_space<semaphore_mem>>) {add = true}
      %dma_start3A_211 = arith.constant 14 : i32
      %dma_start3A_212 = arith.constant 1792 : i32
      %dma_start3A_213 = tpu.memref_slice %arg22[%dma_start3A_212] : memref<2048xf32, #tpu.memory_space<vmem>> -> memref<128xf32, #tpu.memory_space<vmem>>
      %dma_start3A_214 = arith.constant 0 : i32
      %dma_start3A_215 = tpu.memref_slice %arg24[%dma_start3A_211, %dma_start3A_214] : memref<16x128xi32, #tpu.memory_space<vmem>> -> memref<1x128xi32, #tpu.memory_space<vmem>>
      %dma_start3A_216 = tpu.memref_squeeze %dma_start3A_215 : memref<1x128xi32, #tpu.memory_space<vmem>> -> memref<128xi32, #tpu.memory_space<vmem>>
      %dma_start3A_217 = arith.constant 0 : i32
      %dma_start3A_218 = tpu.memref_slice %arg26[%dma_start3A_217] : memref<100000xf32, #tpu.memory_space<vmem_shared>> -> memref<100000xf32, #tpu.memory_space<vmem_shared>>
      tpu.enqueue_indirect_dma source(%dma_start3A_213 : memref<128xf32, #tpu.memory_space<vmem>>) target(%dma_start3A_218 : memref<100000xf32, #tpu.memory_space<vmem_shared>>) offsets(%dma_start3A_216 : memref<128xi32, #tpu.memory_space<vmem>>) semaphore(%arg29 : memref<!tpu.dma_semaphore, #tpu.memory_space<semaphore_mem>>) {add = true}
      %dma_start3A_219 = arith.constant 15 : i32
      %dma_start3A_220 = arith.constant 1920 : i32
      %dma_start3A_221 = tpu.memref_slice %arg22[%dma_start3A_220] : memref<2048xf32, #tpu.memory_space<vmem>> -> memref<128xf32, #tpu.memory_space<vmem>>
      %dma_start3A_222 = arith.constant 0 : i32
      %dma_start3A_223 = tpu.memref_slice %arg24[%dma_start3A_219, %dma_start3A_222] : memref<16x128xi32, #tpu.memory_space<vmem>> -> memref<1x128xi32, #tpu.memory_space<vmem>>
      %dma_start3A_224 = tpu.memref_squeeze %dma_start3A_223 : memref<1x128xi32, #tpu.memory_space<vmem>> -> memref<128xi32, #tpu.memory_space<vmem>>
      %dma_start3A_225 = arith.constant 0 : i32
      %dma_start3A_226 = tpu.memref_slice %arg26[%dma_start3A_225] : memref<100000xf32, #tpu.memory_space<vmem_shared>> -> memref<100000xf32, #tpu.memory_space<vmem_shared>>
      tpu.enqueue_indirect_dma source(%dma_start3A_221 : memref<128xf32, #tpu.memory_space<vmem>>) target(%dma_start3A_226 : memref<100000xf32, #tpu.memory_space<vmem_shared>>) offsets(%dma_start3A_224 : memref<128xi32, #tpu.memory_space<vmem>>) semaphore(%arg29 : memref<!tpu.dma_semaphore, #tpu.memory_space<semaphore_mem>>) {add = true}
      %lt3A_227 = arith.cmpi slt, %add3A_65, %add3A_7 : i32
      %convert_element_type3A_228 = arith.extui %lt3A_227 : i1 to i32
      %cond3A_229 = arith.constant 0 : i32
      %cond3A_230 = arith.cmpi ne, %convert_element_type3A_228, %cond3A_229 : i32
      scf.if %cond3A_230 {
        %add3A_235 = arith.addi %add3A_4, %add3A_65 : i32
        %mul3A_236 = arith.constant 16 : i32
        %mul3A_237 = arith.muli %add3A_235, %mul3A_236 : i32
        %dma_start3A_238 = arith.constant 0 : i32
        %dma_start3A_239 = tpu.memref_slice %arg5[%mul3A_237, %dma_start3A_238] : memref<50000x128xi32, #tpu.memory_space<hbm>> -> memref<16x128xi32, #tpu.memory_space<hbm>>
        %dma_start3A_240 = arith.constant 0 : i32
        %dma_start3A_241 = tpu.memref_slice %arg5[%mul3A_237, %dma_start3A_240] : memref<50000x128xi32, #tpu.memory_space<hbm>> -> memref<16x128xi32, #tpu.memory_space<hbm>>
        tpu.enqueue_dma source(%dma_start3A_241 : memref<16x128xi32, #tpu.memory_space<hbm>>) target(%arg14 : memref<16x128xi32, #tpu.memory_space<vmem>>) target_semaphore(%arg27 : memref<!tpu.dma_semaphore, #tpu.memory_space<semaphore_mem>>)
        %dma_start3A_242 = arith.constant 0 : i32
        %dma_start3A_243 = tpu.memref_slice %arg6[%mul3A_237, %dma_start3A_242] : memref<50000x128xi32, #tpu.memory_space<hbm>> -> memref<16x128xi32, #tpu.memory_space<hbm>>
        %dma_start3A_244 = arith.constant 0 : i32
        %dma_start3A_245 = tpu.memref_slice %arg6[%mul3A_237, %dma_start3A_244] : memref<50000x128xi32, #tpu.memory_space<hbm>> -> memref<16x128xi32, #tpu.memory_space<hbm>>
        tpu.enqueue_dma source(%dma_start3A_245 : memref<16x128xi32, #tpu.memory_space<hbm>>) target(%arg16 : memref<16x128xi32, #tpu.memory_space<vmem>>) target_semaphore(%arg27 : memref<!tpu.dma_semaphore, #tpu.memory_space<semaphore_mem>>)
        %dma_start3A_246 = arith.constant 0 : i32
        %dma_start3A_247 = tpu.memref_slice %arg7[%mul3A_237, %dma_start3A_246] : memref<50000x128xf32, #tpu.memory_space<hbm>> -> memref<16x128xf32, #tpu.memory_space<hbm>>
        %dma_start3A_248 = arith.constant 0 : i32
        %dma_start3A_249 = tpu.memref_slice %arg7[%mul3A_237, %dma_start3A_248] : memref<50000x128xf32, #tpu.memory_space<hbm>> -> memref<16x128xf32, #tpu.memory_space<hbm>>
        tpu.enqueue_dma source(%dma_start3A_249 : memref<16x128xf32, #tpu.memory_space<hbm>>) target(%arg18 : memref<16x128xf32, #tpu.memory_space<vmem>>) target_semaphore(%arg27 : memref<!tpu.dma_semaphore, #tpu.memory_space<semaphore_mem>>)
        %dma_start3A_250 = arith.constant 0 : i32
        %dma_start3A_251 = tpu.memref_slice %arg8[%mul3A_237, %dma_start3A_250] : memref<50000x128xf32, #tpu.memory_space<hbm>> -> memref<16x128xf32, #tpu.memory_space<hbm>>
        %dma_start3A_252 = arith.constant 0 : i32
        %dma_start3A_253 = tpu.memref_slice %arg8[%mul3A_237, %dma_start3A_252] : memref<50000x128xf32, #tpu.memory_space<hbm>> -> memref<16x128xf32, #tpu.memory_space<hbm>>
        tpu.enqueue_dma source(%dma_start3A_253 : memref<16x128xf32, #tpu.memory_space<hbm>>) target(%arg20 : memref<16x128xf32, #tpu.memory_space<vmem>>) target_semaphore(%arg27 : memref<!tpu.dma_semaphore, #tpu.memory_space<semaphore_mem>>)
      } else {
      }
      %lt3A_231 = arith.cmpi slt, %add3A_61, %add3A_7 : i32
      %convert_element_type3A_232 = arith.extui %lt3A_231 : i1 to i32
      %cond3A_233 = arith.constant 0 : i32
      %cond3A_234 = arith.cmpi ne, %convert_element_type3A_232, %cond3A_233 : i32
      scf.if %cond3A_234 {
        %dma_wait3A_235 = arith.constant 0 : i32
        %dma_wait3A_236 = arith.constant 0 : i32
        %dma_wait3A_237 = tpu.memref_slice %arg5[%dma_wait3A_235, %dma_wait3A_236] : memref<50000x128xi32, #tpu.memory_space<hbm>> -> memref<16x128xi32, #tpu.memory_space<hbm>>
        %dma_wait3A_238 = arith.constant 0 : i32
        %dma_wait3A_239 = arith.constant 0 : i32
        %dma_wait3A_240 = tpu.memref_slice %arg5[%dma_wait3A_238, %dma_wait3A_239] : memref<50000x128xi32, #tpu.memory_space<hbm>> -> memref<16x128xi32, #tpu.memory_space<hbm>>
        tpu.wait_dma2 semaphore(%arg28 : memref<!tpu.dma_semaphore, #tpu.memory_space<semaphore_mem>>) src(%dma_wait3A_240 : memref<16x128xi32, #tpu.memory_space<hbm>>) dst(%arg15 : memref<16x128xi32, #tpu.memory_space<vmem>>)
        %dma_wait3A_241 = arith.constant 0 : i32
        %dma_wait3A_242 = arith.constant 0 : i32
        %dma_wait3A_243 = tpu.memref_slice %arg6[%dma_wait3A_241, %dma_wait3A_242] : memref<50000x128xi32, #tpu.memory_space<hbm>> -> memref<16x128xi32, #tpu.memory_space<hbm>>
        %dma_wait3A_244 = arith.constant 0 : i32
        %dma_wait3A_245 = arith.constant 0 : i32
        %dma_wait3A_246 = tpu.memref_slice %arg6[%dma_wait3A_244, %dma_wait3A_245] : memref<50000x128xi32, #tpu.memory_space<hbm>> -> memref<16x128xi32, #tpu.memory_space<hbm>>
        tpu.wait_dma2 semaphore(%arg28 : memref<!tpu.dma_semaphore, #tpu.memory_space<semaphore_mem>>) src(%dma_wait3A_246 : memref<16x128xi32, #tpu.memory_space<hbm>>) dst(%arg17 : memref<16x128xi32, #tpu.memory_space<vmem>>)
        %dma_wait3A_247 = arith.constant 0 : i32
        %dma_wait3A_248 = arith.constant 0 : i32
        %dma_wait3A_249 = tpu.memref_slice %arg7[%dma_wait3A_247, %dma_wait3A_248] : memref<50000x128xf32, #tpu.memory_space<hbm>> -> memref<16x128xf32, #tpu.memory_space<hbm>>
        %dma_wait3A_250 = arith.constant 0 : i32
        %dma_wait3A_251 = arith.constant 0 : i32
        %dma_wait3A_252 = tpu.memref_slice %arg7[%dma_wait3A_250, %dma_wait3A_251] : memref<50000x128xf32, #tpu.memory_space<hbm>> -> memref<16x128xf32, #tpu.memory_space<hbm>>
        tpu.wait_dma2 semaphore(%arg28 : memref<!tpu.dma_semaphore, #tpu.memory_space<semaphore_mem>>) src(%dma_wait3A_252 : memref<16x128xf32, #tpu.memory_space<hbm>>) dst(%arg19 : memref<16x128xf32, #tpu.memory_space<vmem>>)
        %dma_wait3A_253 = arith.constant 0 : i32
        %dma_wait3A_254 = arith.constant 0 : i32
        %dma_wait3A_255 = tpu.memref_slice %arg8[%dma_wait3A_253, %dma_wait3A_254] : memref<50000x128xf32, #tpu.memory_space<hbm>> -> memref<16x128xf32, #tpu.memory_space<hbm>>
        %dma_wait3A_256 = arith.constant 0 : i32
        %dma_wait3A_257 = arith.constant 0 : i32
        %dma_wait3A_258 = tpu.memref_slice %arg8[%dma_wait3A_256, %dma_wait3A_257] : memref<50000x128xf32, #tpu.memory_space<hbm>> -> memref<16x128xf32, #tpu.memory_space<hbm>>
        tpu.wait_dma2 semaphore(%arg28 : memref<!tpu.dma_semaphore, #tpu.memory_space<semaphore_mem>>) src(%dma_wait3A_258 : memref<16x128xf32, #tpu.memory_space<hbm>>) dst(%arg21 : memref<16x128xf32, #tpu.memory_space<vmem>>)
        %gt3A_259 = arith.constant 0 : i32
        %gt3A_260 = arith.cmpi sgt, %while3A_57, %gt3A_259 : i32
        %convert_element_type3A_261 = arith.extui %gt3A_260 : i1 to i32
        %cond3A_262 = arith.constant 0 : i32
        %cond3A_263 = arith.cmpi ne, %convert_element_type3A_261, %cond3A_262 : i32
        scf.if %cond3A_263 {
          %dma_wait3A_395 = arith.constant 0 : i32
          %dma_wait3A_396 = arith.constant 0 : i32
          %dma_wait3A_397 = tpu.memref_slice %arg23[%dma_wait3A_396] : memref<2048xf32, #tpu.memory_space<vmem>> -> memref<128xf32, #tpu.memory_space<vmem>>
          %dma_wait3A_398 = arith.constant 0 : i32
          %dma_wait3A_399 = tpu.memref_slice %arg25[%dma_wait3A_395, %dma_wait3A_398] : memref<16x128xi32, #tpu.memory_space<vmem>> -> memref<1x128xi32, #tpu.memory_space<vmem>>
          %dma_wait3A_400 = tpu.memref_squeeze %dma_wait3A_399 : memref<1x128xi32, #tpu.memory_space<vmem>> -> memref<128xi32, #tpu.memory_space<vmem>>
          %dma_wait3A_401 = arith.constant 0 : i32
          %dma_wait3A_402 = tpu.memref_slice %arg26[%dma_wait3A_401] : memref<100000xf32, #tpu.memory_space<vmem_shared>> -> memref<100000xf32, #tpu.memory_space<vmem_shared>>
          tpu.wait_indirect_dma semaphore(%arg30 : memref<!tpu.dma_semaphore, #tpu.memory_space<semaphore_mem>>) src(%dma_wait3A_397 : memref<128xf32, #tpu.memory_space<vmem>>) dst(%dma_wait3A_402 : memref<100000xf32, #tpu.memory_space<vmem_shared>>)
          %dma_wait3A_403 = arith.constant 1 : i32
          %dma_wait3A_404 = arith.constant 128 : i32
          %dma_wait3A_405 = tpu.memref_slice %arg23[%dma_wait3A_404] : memref<2048xf32, #tpu.memory_space<vmem>> -> memref<128xf32, #tpu.memory_space<vmem>>
          %dma_wait3A_406 = arith.constant 0 : i32
          %dma_wait3A_407 = tpu.memref_slice %arg25[%dma_wait3A_403, %dma_wait3A_406] : memref<16x128xi32, #tpu.memory_space<vmem>> -> memref<1x128xi32, #tpu.memory_space<vmem>>
          %dma_wait3A_408 = tpu.memref_squeeze %dma_wait3A_407 : memref<1x128xi32, #tpu.memory_space<vmem>> -> memref<128xi32, #tpu.memory_space<vmem>>
          %dma_wait3A_409 = arith.constant 0 : i32
          %dma_wait3A_410 = tpu.memref_slice %arg26[%dma_wait3A_409] : memref<100000xf32, #tpu.memory_space<vmem_shared>> -> memref<100000xf32, #tpu.memory_space<vmem_shared>>
          tpu.wait_indirect_dma semaphore(%arg30 : memref<!tpu.dma_semaphore, #tpu.memory_space<semaphore_mem>>) src(%dma_wait3A_405 : memref<128xf32, #tpu.memory_space<vmem>>) dst(%dma_wait3A_410 : memref<100000xf32, #tpu.memory_space<vmem_shared>>)
          %dma_wait3A_411 = arith.constant 2 : i32
          %dma_wait3A_412 = arith.constant 256 : i32
          %dma_wait3A_413 = tpu.memref_slice %arg23[%dma_wait3A_412] : memref<2048xf32, #tpu.memory_space<vmem>> -> memref<128xf32, #tpu.memory_space<vmem>>
          %dma_wait3A_414 = arith.constant 0 : i32
          %dma_wait3A_415 = tpu.memref_slice %arg25[%dma_wait3A_411, %dma_wait3A_414] : memref<16x128xi32, #tpu.memory_space<vmem>> -> memref<1x128xi32, #tpu.memory_space<vmem>>
          %dma_wait3A_416 = tpu.memref_squeeze %dma_wait3A_415 : memref<1x128xi32, #tpu.memory_space<vmem>> -> memref<128xi32, #tpu.memory_space<vmem>>
          %dma_wait3A_417 = arith.constant 0 : i32
          %dma_wait3A_418 = tpu.memref_slice %arg26[%dma_wait3A_417] : memref<100000xf32, #tpu.memory_space<vmem_shared>> -> memref<100000xf32, #tpu.memory_space<vmem_shared>>
          tpu.wait_indirect_dma semaphore(%arg30 : memref<!tpu.dma_semaphore, #tpu.memory_space<semaphore_mem>>) src(%dma_wait3A_413 : memref<128xf32, #tpu.memory_space<vmem>>) dst(%dma_wait3A_418 : memref<100000xf32, #tpu.memory_space<vmem_shared>>)
          %dma_wait3A_419 = arith.constant 3 : i32
          %dma_wait3A_420 = arith.constant 384 : i32
          %dma_wait3A_421 = tpu.memref_slice %arg23[%dma_wait3A_420] : memref<2048xf32, #tpu.memory_space<vmem>> -> memref<128xf32, #tpu.memory_space<vmem>>
          %dma_wait3A_422 = arith.constant 0 : i32
          %dma_wait3A_423 = tpu.memref_slice %arg25[%dma_wait3A_419, %dma_wait3A_422] : memref<16x128xi32, #tpu.memory_space<vmem>> -> memref<1x128xi32, #tpu.memory_space<vmem>>
          %dma_wait3A_424 = tpu.memref_squeeze %dma_wait3A_423 : memref<1x128xi32, #tpu.memory_space<vmem>> -> memref<128xi32, #tpu.memory_space<vmem>>
          %dma_wait3A_425 = arith.constant 0 : i32
          %dma_wait3A_426 = tpu.memref_slice %arg26[%dma_wait3A_425] : memref<100000xf32, #tpu.memory_space<vmem_shared>> -> memref<100000xf32, #tpu.memory_space<vmem_shared>>
          tpu.wait_indirect_dma semaphore(%arg30 : memref<!tpu.dma_semaphore, #tpu.memory_space<semaphore_mem>>) src(%dma_wait3A_421 : memref<128xf32, #tpu.memory_space<vmem>>) dst(%dma_wait3A_426 : memref<100000xf32, #tpu.memory_space<vmem_shared>>)
          %dma_wait3A_427 = arith.constant 4 : i32
          %dma_wait3A_428 = arith.constant 512 : i32
          %dma_wait3A_429 = tpu.memref_slice %arg23[%dma_wait3A_428] : memref<2048xf32, #tpu.memory_space<vmem>> -> memref<128xf32, #tpu.memory_space<vmem>>
          %dma_wait3A_430 = arith.constant 0 : i32
          %dma_wait3A_431 = tpu.memref_slice %arg25[%dma_wait3A_427, %dma_wait3A_430] : memref<16x128xi32, #tpu.memory_space<vmem>> -> memref<1x128xi32, #tpu.memory_space<vmem>>
          %dma_wait3A_432 = tpu.memref_squeeze %dma_wait3A_431 : memref<1x128xi32, #tpu.memory_space<vmem>> -> memref<128xi32, #tpu.memory_space<vmem>>
          %dma_wait3A_433 = arith.constant 0 : i32
          %dma_wait3A_434 = tpu.memref_slice %arg26[%dma_wait3A_433] : memref<100000xf32, #tpu.memory_space<vmem_shared>> -> memref<100000xf32, #tpu.memory_space<vmem_shared>>
          tpu.wait_indirect_dma semaphore(%arg30 : memref<!tpu.dma_semaphore, #tpu.memory_space<semaphore_mem>>) src(%dma_wait3A_429 : memref<128xf32, #tpu.memory_space<vmem>>) dst(%dma_wait3A_434 : memref<100000xf32, #tpu.memory_space<vmem_shared>>)
          %dma_wait3A_435 = arith.constant 5 : i32
          %dma_wait3A_436 = arith.constant 640 : i32
          %dma_wait3A_437 = tpu.memref_slice %arg23[%dma_wait3A_436] : memref<2048xf32, #tpu.memory_space<vmem>> -> memref<128xf32, #tpu.memory_space<vmem>>
          %dma_wait3A_438 = arith.constant 0 : i32
          %dma_wait3A_439 = tpu.memref_slice %arg25[%dma_wait3A_435, %dma_wait3A_438] : memref<16x128xi32, #tpu.memory_space<vmem>> -> memref<1x128xi32, #tpu.memory_space<vmem>>
          %dma_wait3A_440 = tpu.memref_squeeze %dma_wait3A_439 : memref<1x128xi32, #tpu.memory_space<vmem>> -> memref<128xi32, #tpu.memory_space<vmem>>
          %dma_wait3A_441 = arith.constant 0 : i32
          %dma_wait3A_442 = tpu.memref_slice %arg26[%dma_wait3A_441] : memref<100000xf32, #tpu.memory_space<vmem_shared>> -> memref<100000xf32, #tpu.memory_space<vmem_shared>>
          tpu.wait_indirect_dma semaphore(%arg30 : memref<!tpu.dma_semaphore, #tpu.memory_space<semaphore_mem>>) src(%dma_wait3A_437 : memref<128xf32, #tpu.memory_space<vmem>>) dst(%dma_wait3A_442 : memref<100000xf32, #tpu.memory_space<vmem_shared>>)
          %dma_wait3A_443 = arith.constant 6 : i32
          %dma_wait3A_444 = arith.constant 768 : i32
          %dma_wait3A_445 = tpu.memref_slice %arg23[%dma_wait3A_444] : memref<2048xf32, #tpu.memory_space<vmem>> -> memref<128xf32, #tpu.memory_space<vmem>>
          %dma_wait3A_446 = arith.constant 0 : i32
          %dma_wait3A_447 = tpu.memref_slice %arg25[%dma_wait3A_443, %dma_wait3A_446] : memref<16x128xi32, #tpu.memory_space<vmem>> -> memref<1x128xi32, #tpu.memory_space<vmem>>
          %dma_wait3A_448 = tpu.memref_squeeze %dma_wait3A_447 : memref<1x128xi32, #tpu.memory_space<vmem>> -> memref<128xi32, #tpu.memory_space<vmem>>
          %dma_wait3A_449 = arith.constant 0 : i32
          %dma_wait3A_450 = tpu.memref_slice %arg26[%dma_wait3A_449] : memref<100000xf32, #tpu.memory_space<vmem_shared>> -> memref<100000xf32, #tpu.memory_space<vmem_shared>>
          tpu.wait_indirect_dma semaphore(%arg30 : memref<!tpu.dma_semaphore, #tpu.memory_space<semaphore_mem>>) src(%dma_wait3A_445 : memref<128xf32, #tpu.memory_space<vmem>>) dst(%dma_wait3A_450 : memref<100000xf32, #tpu.memory_space<vmem_shared>>)
          %dma_wait3A_451 = arith.constant 7 : i32
          %dma_wait3A_452 = arith.constant 896 : i32
          %dma_wait3A_453 = tpu.memref_slice %arg23[%dma_wait3A_452] : memref<2048xf32, #tpu.memory_space<vmem>> -> memref<128xf32, #tpu.memory_space<vmem>>
          %dma_wait3A_454 = arith.constant 0 : i32
          %dma_wait3A_455 = tpu.memref_slice %arg25[%dma_wait3A_451, %dma_wait3A_454] : memref<16x128xi32, #tpu.memory_space<vmem>> -> memref<1x128xi32, #tpu.memory_space<vmem>>
          %dma_wait3A_456 = tpu.memref_squeeze %dma_wait3A_455 : memref<1x128xi32, #tpu.memory_space<vmem>> -> memref<128xi32, #tpu.memory_space<vmem>>
          %dma_wait3A_457 = arith.constant 0 : i32
          %dma_wait3A_458 = tpu.memref_slice %arg26[%dma_wait3A_457] : memref<100000xf32, #tpu.memory_space<vmem_shared>> -> memref<100000xf32, #tpu.memory_space<vmem_shared>>
          tpu.wait_indirect_dma semaphore(%arg30 : memref<!tpu.dma_semaphore, #tpu.memory_space<semaphore_mem>>) src(%dma_wait3A_453 : memref<128xf32, #tpu.memory_space<vmem>>) dst(%dma_wait3A_458 : memref<100000xf32, #tpu.memory_space<vmem_shared>>)
          %dma_wait3A_459 = arith.constant 8 : i32
          %dma_wait3A_460 = arith.constant 1024 : i32
          %dma_wait3A_461 = tpu.memref_slice %arg23[%dma_wait3A_460] : memref<2048xf32, #tpu.memory_space<vmem>> -> memref<128xf32, #tpu.memory_space<vmem>>
          %dma_wait3A_462 = arith.constant 0 : i32
          %dma_wait3A_463 = tpu.memref_slice %arg25[%dma_wait3A_459, %dma_wait3A_462] : memref<16x128xi32, #tpu.memory_space<vmem>> -> memref<1x128xi32, #tpu.memory_space<vmem>>
          %dma_wait3A_464 = tpu.memref_squeeze %dma_wait3A_463 : memref<1x128xi32, #tpu.memory_space<vmem>> -> memref<128xi32, #tpu.memory_space<vmem>>
          %dma_wait3A_465 = arith.constant 0 : i32
          %dma_wait3A_466 = tpu.memref_slice %arg26[%dma_wait3A_465] : memref<100000xf32, #tpu.memory_space<vmem_shared>> -> memref<100000xf32, #tpu.memory_space<vmem_shared>>
          tpu.wait_indirect_dma semaphore(%arg30 : memref<!tpu.dma_semaphore, #tpu.memory_space<semaphore_mem>>) src(%dma_wait3A_461 : memref<128xf32, #tpu.memory_space<vmem>>) dst(%dma_wait3A_466 : memref<100000xf32, #tpu.memory_space<vmem_shared>>)
          %dma_wait3A_467 = arith.constant 9 : i32
          %dma_wait3A_468 = arith.constant 1152 : i32
          %dma_wait3A_469 = tpu.memref_slice %arg23[%dma_wait3A_468] : memref<2048xf32, #tpu.memory_space<vmem>> -> memref<128xf32, #tpu.memory_space<vmem>>
          %dma_wait3A_470 = arith.constant 0 : i32
          %dma_wait3A_471 = tpu.memref_slice %arg25[%dma_wait3A_467, %dma_wait3A_470] : memref<16x128xi32, #tpu.memory_space<vmem>> -> memref<1x128xi32, #tpu.memory_space<vmem>>
          %dma_wait3A_472 = tpu.memref_squeeze %dma_wait3A_471 : memref<1x128xi32, #tpu.memory_space<vmem>> -> memref<128xi32, #tpu.memory_space<vmem>>
          %dma_wait3A_473 = arith.constant 0 : i32
          %dma_wait3A_474 = tpu.memref_slice %arg26[%dma_wait3A_473] : memref<100000xf32, #tpu.memory_space<vmem_shared>> -> memref<100000xf32, #tpu.memory_space<vmem_shared>>
          tpu.wait_indirect_dma semaphore(%arg30 : memref<!tpu.dma_semaphore, #tpu.memory_space<semaphore_mem>>) src(%dma_wait3A_469 : memref<128xf32, #tpu.memory_space<vmem>>) dst(%dma_wait3A_474 : memref<100000xf32, #tpu.memory_space<vmem_shared>>)
          %dma_wait3A_475 = arith.constant 10 : i32
          %dma_wait3A_476 = arith.constant 1280 : i32
          %dma_wait3A_477 = tpu.memref_slice %arg23[%dma_wait3A_476] : memref<2048xf32, #tpu.memory_space<vmem>> -> memref<128xf32, #tpu.memory_space<vmem>>
          %dma_wait3A_478 = arith.constant 0 : i32
          %dma_wait3A_479 = tpu.memref_slice %arg25[%dma_wait3A_475, %dma_wait3A_478] : memref<16x128xi32, #tpu.memory_space<vmem>> -> memref<1x128xi32, #tpu.memory_space<vmem>>
          %dma_wait3A_480 = tpu.memref_squeeze %dma_wait3A_479 : memref<1x128xi32, #tpu.memory_space<vmem>> -> memref<128xi32, #tpu.memory_space<vmem>>
          %dma_wait3A_481 = arith.constant 0 : i32
          %dma_wait3A_482 = tpu.memref_slice %arg26[%dma_wait3A_481] : memref<100000xf32, #tpu.memory_space<vmem_shared>> -> memref<100000xf32, #tpu.memory_space<vmem_shared>>
          tpu.wait_indirect_dma semaphore(%arg30 : memref<!tpu.dma_semaphore, #tpu.memory_space<semaphore_mem>>) src(%dma_wait3A_477 : memref<128xf32, #tpu.memory_space<vmem>>) dst(%dma_wait3A_482 : memref<100000xf32, #tpu.memory_space<vmem_shared>>)
          %dma_wait3A_483 = arith.constant 11 : i32
          %dma_wait3A_484 = arith.constant 1408 : i32
          %dma_wait3A_485 = tpu.memref_slice %arg23[%dma_wait3A_484] : memref<2048xf32, #tpu.memory_space<vmem>> -> memref<128xf32, #tpu.memory_space<vmem>>
          %dma_wait3A_486 = arith.constant 0 : i32
          %dma_wait3A_487 = tpu.memref_slice %arg25[%dma_wait3A_483, %dma_wait3A_486] : memref<16x128xi32, #tpu.memory_space<vmem>> -> memref<1x128xi32, #tpu.memory_space<vmem>>
          %dma_wait3A_488 = tpu.memref_squeeze %dma_wait3A_487 : memref<1x128xi32, #tpu.memory_space<vmem>> -> memref<128xi32, #tpu.memory_space<vmem>>
          %dma_wait3A_489 = arith.constant 0 : i32
          %dma_wait3A_490 = tpu.memref_slice %arg26[%dma_wait3A_489] : memref<100000xf32, #tpu.memory_space<vmem_shared>> -> memref<100000xf32, #tpu.memory_space<vmem_shared>>
          tpu.wait_indirect_dma semaphore(%arg30 : memref<!tpu.dma_semaphore, #tpu.memory_space<semaphore_mem>>) src(%dma_wait3A_485 : memref<128xf32, #tpu.memory_space<vmem>>) dst(%dma_wait3A_490 : memref<100000xf32, #tpu.memory_space<vmem_shared>>)
          %dma_wait3A_491 = arith.constant 12 : i32
          %dma_wait3A_492 = arith.constant 1536 : i32
          %dma_wait3A_493 = tpu.memref_slice %arg23[%dma_wait3A_492] : memref<2048xf32, #tpu.memory_space<vmem>> -> memref<128xf32, #tpu.memory_space<vmem>>
          %dma_wait3A_494 = arith.constant 0 : i32
          %dma_wait3A_495 = tpu.memref_slice %arg25[%dma_wait3A_491, %dma_wait3A_494] : memref<16x128xi32, #tpu.memory_space<vmem>> -> memref<1x128xi32, #tpu.memory_space<vmem>>
          %dma_wait3A_496 = tpu.memref_squeeze %dma_wait3A_495 : memref<1x128xi32, #tpu.memory_space<vmem>> -> memref<128xi32, #tpu.memory_space<vmem>>
          %dma_wait3A_497 = arith.constant 0 : i32
          %dma_wait3A_498 = tpu.memref_slice %arg26[%dma_wait3A_497] : memref<100000xf32, #tpu.memory_space<vmem_shared>> -> memref<100000xf32, #tpu.memory_space<vmem_shared>>
          tpu.wait_indirect_dma semaphore(%arg30 : memref<!tpu.dma_semaphore, #tpu.memory_space<semaphore_mem>>) src(%dma_wait3A_493 : memref<128xf32, #tpu.memory_space<vmem>>) dst(%dma_wait3A_498 : memref<100000xf32, #tpu.memory_space<vmem_shared>>)
          %dma_wait3A_499 = arith.constant 13 : i32
          %dma_wait3A_500 = arith.constant 1664 : i32
          %dma_wait3A_501 = tpu.memref_slice %arg23[%dma_wait3A_500] : memref<2048xf32, #tpu.memory_space<vmem>> -> memref<128xf32, #tpu.memory_space<vmem>>
          %dma_wait3A_502 = arith.constant 0 : i32
          %dma_wait3A_503 = tpu.memref_slice %arg25[%dma_wait3A_499, %dma_wait3A_502] : memref<16x128xi32, #tpu.memory_space<vmem>> -> memref<1x128xi32, #tpu.memory_space<vmem>>
          %dma_wait3A_504 = tpu.memref_squeeze %dma_wait3A_503 : memref<1x128xi32, #tpu.memory_space<vmem>> -> memref<128xi32, #tpu.memory_space<vmem>>
          %dma_wait3A_505 = arith.constant 0 : i32
          %dma_wait3A_506 = tpu.memref_slice %arg26[%dma_wait3A_505] : memref<100000xf32, #tpu.memory_space<vmem_shared>> -> memref<100000xf32, #tpu.memory_space<vmem_shared>>
          tpu.wait_indirect_dma semaphore(%arg30 : memref<!tpu.dma_semaphore, #tpu.memory_space<semaphore_mem>>) src(%dma_wait3A_501 : memref<128xf32, #tpu.memory_space<vmem>>) dst(%dma_wait3A_506 : memref<100000xf32, #tpu.memory_space<vmem_shared>>)
          %dma_wait3A_507 = arith.constant 14 : i32
          %dma_wait3A_508 = arith.constant 1792 : i32
          %dma_wait3A_509 = tpu.memref_slice %arg23[%dma_wait3A_508] : memref<2048xf32, #tpu.memory_space<vmem>> -> memref<128xf32, #tpu.memory_space<vmem>>
          %dma_wait3A_510 = arith.constant 0 : i32
          %dma_wait3A_511 = tpu.memref_slice %arg25[%dma_wait3A_507, %dma_wait3A_510] : memref<16x128xi32, #tpu.memory_space<vmem>> -> memref<1x128xi32, #tpu.memory_space<vmem>>
          %dma_wait3A_512 = tpu.memref_squeeze %dma_wait3A_511 : memref<1x128xi32, #tpu.memory_space<vmem>> -> memref<128xi32, #tpu.memory_space<vmem>>
          %dma_wait3A_513 = arith.constant 0 : i32
          %dma_wait3A_514 = tpu.memref_slice %arg26[%dma_wait3A_513] : memref<100000xf32, #tpu.memory_space<vmem_shared>> -> memref<100000xf32, #tpu.memory_space<vmem_shared>>
          tpu.wait_indirect_dma semaphore(%arg30 : memref<!tpu.dma_semaphore, #tpu.memory_space<semaphore_mem>>) src(%dma_wait3A_509 : memref<128xf32, #tpu.memory_space<vmem>>) dst(%dma_wait3A_514 : memref<100000xf32, #tpu.memory_space<vmem_shared>>)
          %dma_wait3A_515 = arith.constant 15 : i32
          %dma_wait3A_516 = arith.constant 1920 : i32
          %dma_wait3A_517 = tpu.memref_slice %arg23[%dma_wait3A_516] : memref<2048xf32, #tpu.memory_space<vmem>> -> memref<128xf32, #tpu.memory_space<vmem>>
          %dma_wait3A_518 = arith.constant 0 : i32
          %dma_wait3A_519 = tpu.memref_slice %arg25[%dma_wait3A_515, %dma_wait3A_518] : memref<16x128xi32, #tpu.memory_space<vmem>> -> memref<1x128xi32, #tpu.memory_space<vmem>>
          %dma_wait3A_520 = tpu.memref_squeeze %dma_wait3A_519 : memref<1x128xi32, #tpu.memory_space<vmem>> -> memref<128xi32, #tpu.memory_space<vmem>>
          %dma_wait3A_521 = arith.constant 0 : i32
          %dma_wait3A_522 = tpu.memref_slice %arg26[%dma_wait3A_521] : memref<100000xf32, #tpu.memory_space<vmem_shared>> -> memref<100000xf32, #tpu.memory_space<vmem_shared>>
          tpu.wait_indirect_dma semaphore(%arg30 : memref<!tpu.dma_semaphore, #tpu.memory_space<semaphore_mem>>) src(%dma_wait3A_517 : memref<128xf32, #tpu.memory_space<vmem>>) dst(%dma_wait3A_522 : memref<100000xf32, #tpu.memory_space<vmem_shared>>)
        } else {
        }
        %parallel_loop3A_264 = arith.constant 0 : i32
        %parallel_loop3A_265 = arith.constant 128 : i32
        %parallel_loop3A_266 = arith.constant 1 : i32
        scf.for %parallel_loop3A_395 = %parallel_loop3A_264 to %parallel_loop3A_265 step %parallel_loop3A_266  : i32 {
          %parallel_loop3A_396 = arith.constant 3 : i32
          %parallel_loop3A_397 = arith.shrui %parallel_loop3A_395, %parallel_loop3A_396 : i32
          %parallel_loop3A_398 = arith.constant 7 : i32
          %parallel_loop3A_399 = arith.andi %parallel_loop3A_395, %parallel_loop3A_398 : i32
          %parallel_loop3A_400 = arith.constant 16 : i32
          %parallel_loop3A_401 = arith.muli %parallel_loop3A_399, %parallel_loop3A_400 : i32
          %parallel_loop3A_402 = arith.index_cast %parallel_loop3A_397 : i32 to index
          %parallel_loop3A_403 = arith.index_cast %parallel_loop3A_401 : i32 to index
          %parallel_loop3A_404 = tpu.vector_load %arg15[%parallel_loop3A_402, %parallel_loop3A_403] {strides = array<i32>} : memref<16x128xi32, #tpu.memory_space<vmem>>, vector<16xi32>,
          %parallel_loop3A_405 = arith.index_cast %parallel_loop3A_397 : i32 to index
          %parallel_loop3A_406 = arith.index_cast %parallel_loop3A_401 : i32 to index
          %parallel_loop3A_407 = tpu.vector_load %arg17[%parallel_loop3A_405, %parallel_loop3A_406] {strides = array<i32>} : memref<16x128xi32, #tpu.memory_space<vmem>>, vector<16xi32>,
          %parallel_loop3A_408 = arith.constant 2 : i32
          %parallel_loop3A_409 = vector.broadcast %parallel_loop3A_408 : i32 to vector<16xi32>
          %parallel_loop3A_410 = arith.shrui %parallel_loop3A_404, %parallel_loop3A_409 : vector<16xi32>
          %parallel_loop3A_411 = tpu.vector_load_idx %arg11[%parallel_loop3A_410] : memref<25008xi32, #tpu.memory_space<vmem>>[vector<16xi32>], vector<16xi32>,
          %parallel_loop3A_412 = arith.constant 2 : i32
          %parallel_loop3A_413 = vector.broadcast %parallel_loop3A_412 : i32 to vector<16xi32>
          %parallel_loop3A_414 = arith.shrui %parallel_loop3A_407, %parallel_loop3A_413 : vector<16xi32>
          %parallel_loop3A_415 = tpu.vector_load_idx %arg11[%parallel_loop3A_414] : memref<25008xi32, #tpu.memory_space<vmem>>[vector<16xi32>], vector<16xi32>,
          %parallel_loop3A_416 = arith.constant 3 : i32
          %parallel_loop3A_417 = vector.broadcast %parallel_loop3A_416 : i32 to vector<16xi32>
          %parallel_loop3A_418 = arith.andi %parallel_loop3A_404, %parallel_loop3A_417 : vector<16xi32>
          %parallel_loop3A_419 = arith.constant 8 : i32
          %parallel_loop3A_420 = vector.broadcast %parallel_loop3A_419 : i32 to vector<16xi32>
          %parallel_loop3A_421 = arith.muli %parallel_loop3A_418, %parallel_loop3A_420 : vector<16xi32>
          %parallel_loop3A_422 = arith.shrui %parallel_loop3A_411, %parallel_loop3A_421 : vector<16xi32>
          %parallel_loop3A_423 = arith.constant 255 : i32
          %parallel_loop3A_424 = vector.broadcast %parallel_loop3A_423 : i32 to vector<16xi32>
          %parallel_loop3A_425 = arith.andi %parallel_loop3A_422, %parallel_loop3A_424 : vector<16xi32>
          %parallel_loop3A_426 = arith.constant 3 : i32
          %parallel_loop3A_427 = vector.broadcast %parallel_loop3A_426 : i32 to vector<16xi32>
          %parallel_loop3A_428 = arith.andi %parallel_loop3A_407, %parallel_loop3A_427 : vector<16xi32>
          %parallel_loop3A_429 = arith.constant 8 : i32
          %parallel_loop3A_430 = vector.broadcast %parallel_loop3A_429 : i32 to vector<16xi32>
          %parallel_loop3A_431 = arith.muli %parallel_loop3A_428, %parallel_loop3A_430 : vector<16xi32>
          %parallel_loop3A_432 = arith.shrui %parallel_loop3A_415, %parallel_loop3A_431 : vector<16xi32>
          %parallel_loop3A_433 = arith.constant 255 : i32
          %parallel_loop3A_434 = vector.broadcast %parallel_loop3A_433 : i32 to vector<16xi32>
          %parallel_loop3A_435 = arith.andi %parallel_loop3A_432, %parallel_loop3A_434 : vector<16xi32>
          %parallel_loop3A_436 = arith.constant 92 : i32
          %parallel_loop3A_437 = vector.broadcast %parallel_loop3A_436 : i32 to vector<16xi32>
          %parallel_loop3A_438 = arith.muli %parallel_loop3A_437, %parallel_loop3A_435 : vector<16xi32>
          %parallel_loop3A_439 = arith.addi %parallel_loop3A_425, %parallel_loop3A_438 : vector<16xi32>
          %parallel_loop3A_440 = arith.constant 3 : i32
          %parallel_loop3A_441 = vector.broadcast %parallel_loop3A_440 : i32 to vector<16xi32>
          %parallel_loop3A_442 = arith.muli %parallel_loop3A_439, %parallel_loop3A_441 : vector<16xi32>
          %parallel_loop3A_443 = arith.index_cast %parallel_loop3A_397 : i32 to index
          %parallel_loop3A_444 = arith.index_cast %parallel_loop3A_401 : i32 to index
          %parallel_loop3A_445 = tpu.vector_load %arg19[%parallel_loop3A_443, %parallel_loop3A_444] {strides = array<i32>} : memref<16x128xf32, #tpu.memory_space<vmem>>, vector<16xf32>,
          %parallel_loop3A_446 = arith.constant 0.000000e+00 : f32
          %parallel_loop3A_447 = vector.broadcast %parallel_loop3A_446 : f32 to vector<16xf32>
          %parallel_loop3A_448 = arith.subf %parallel_loop3A_447, %parallel_loop3A_445 : vector<16xf32>
          %parallel_loop3A_449 = tpu.vector_load_idx %arg12[%parallel_loop3A_442] : memref<25952xf32, #tpu.memory_space<vmem>>[vector<16xi32>], vector<16xf32>,
          %parallel_loop3A_450 = tpu.vector_load_idx %arg13[%parallel_loop3A_442] : memref<25952xf32, #tpu.memory_space<vmem>>[vector<16xi32>], vector<16xf32>,
          %parallel_loop3A_451 = arith.mulf %parallel_loop3A_450, %parallel_loop3A_448 : vector<16xf32>
          %parallel_loop3A_452 = math.exp %parallel_loop3A_451 : vector<16xf32>
          %parallel_loop3A_453 = arith.mulf %parallel_loop3A_449, %parallel_loop3A_452 : vector<16xf32>
          %parallel_loop3A_454 = arith.constant 1 : i32
          %parallel_loop3A_455 = vector.broadcast %parallel_loop3A_454 : i32 to vector<16xi32>
          %parallel_loop3A_456 = arith.addi %parallel_loop3A_442, %parallel_loop3A_455 : vector<16xi32>
          %parallel_loop3A_457 = tpu.vector_load_idx %arg12[%parallel_loop3A_456] : memref<25952xf32, #tpu.memory_space<vmem>>[vector<16xi32>], vector<16xf32>,
          %parallel_loop3A_458 = arith.constant 1 : i32
          %parallel_loop3A_459 = vector.broadcast %parallel_loop3A_458 : i32 to vector<16xi32>
          %parallel_loop3A_460 = arith.addi %parallel_loop3A_442, %parallel_loop3A_459 : vector<16xi32>
          %parallel_loop3A_461 = tpu.vector_load_idx %arg13[%parallel_loop3A_460] : memref<25952xf32, #tpu.memory_space<vmem>>[vector<16xi32>], vector<16xf32>,
          %parallel_loop3A_462 = arith.mulf %parallel_loop3A_461, %parallel_loop3A_448 : vector<16xf32>
          %parallel_loop3A_463 = math.exp %parallel_loop3A_462 : vector<16xf32>
          %parallel_loop3A_464 = arith.mulf %parallel_loop3A_457, %parallel_loop3A_463 : vector<16xf32>
          %parallel_loop3A_465 = arith.addf %parallel_loop3A_453, %parallel_loop3A_464 : vector<16xf32>
          %parallel_loop3A_466 = arith.constant 2 : i32
          %parallel_loop3A_467 = vector.broadcast %parallel_loop3A_466 : i32 to vector<16xi32>
          %parallel_loop3A_468 = arith.addi %parallel_loop3A_442, %parallel_loop3A_467 : vector<16xi32>
          %parallel_loop3A_469 = tpu.vector_load_idx %arg12[%parallel_loop3A_468] : memref<25952xf32, #tpu.memory_space<vmem>>[vector<16xi32>], vector<16xf32>,
          %parallel_loop3A_470 = arith.constant 2 : i32
          %parallel_loop3A_471 = vector.broadcast %parallel_loop3A_470 : i32 to vector<16xi32>
          %parallel_loop3A_472 = arith.addi %parallel_loop3A_442, %parallel_loop3A_471 : vector<16xi32>
          %parallel_loop3A_473 = tpu.vector_load_idx %arg13[%parallel_loop3A_472] : memref<25952xf32, #tpu.memory_space<vmem>>[vector<16xi32>], vector<16xf32>,
          %parallel_loop3A_474 = arith.mulf %parallel_loop3A_473, %parallel_loop3A_448 : vector<16xf32>
          %parallel_loop3A_475 = math.exp %parallel_loop3A_474 : vector<16xf32>
          %parallel_loop3A_476 = arith.mulf %parallel_loop3A_469, %parallel_loop3A_475 : vector<16xf32>
          %parallel_loop3A_477 = arith.addf %parallel_loop3A_465, %parallel_loop3A_476 : vector<16xf32>
          %parallel_loop3A_478 = arith.muli %parallel_loop3A_425, %parallel_loop3A_435 : vector<16xi32>
          %parallel_loop3A_479 = arith.sitofp %parallel_loop3A_478 : vector<16xi32> to vector<16xf32>
          %parallel_loop3A_480 = arith.index_cast %parallel_loop3A_397 : i32 to index
          %parallel_loop3A_481 = arith.index_cast %parallel_loop3A_401 : i32 to index
          %parallel_loop3A_482 = tpu.vector_load %arg25[%parallel_loop3A_480, %parallel_loop3A_481] {strides = array<i32>} : memref<16x128xi32, #tpu.memory_space<vmem>>, vector<16xi32>,
          tpu.vector_store %arg25[%parallel_loop3A_480, %parallel_loop3A_481], %parallel_loop3A_404 {strides = array<i32>} : memref<16x128xi32, #tpu.memory_space<vmem>>, vector<16xi32>,
          %parallel_loop3A_483 = arith.mulf %parallel_loop3A_479, %parallel_loop3A_477 : vector<16xf32>
          %parallel_loop3A_484 = arith.index_cast %parallel_loop3A_397 : i32 to index
          %parallel_loop3A_485 = arith.index_cast %parallel_loop3A_401 : i32 to index
          %parallel_loop3A_486 = tpu.vector_load %arg21[%parallel_loop3A_484, %parallel_loop3A_485] {strides = array<i32>} : memref<16x128xf32, #tpu.memory_space<vmem>>, vector<16xf32>,
          %parallel_loop3A_487 = arith.mulf %parallel_loop3A_483, %parallel_loop3A_486 : vector<16xf32>
          %parallel_loop3A_488 = arith.constant 0.264588594 : f32
          %parallel_loop3A_489 = vector.broadcast %parallel_loop3A_488 : f32 to vector<16xf32>
          %parallel_loop3A_490 = arith.mulf %parallel_loop3A_487, %parallel_loop3A_489 : vector<16xf32>
          %parallel_loop3A_491 = arith.divf %parallel_loop3A_490, %parallel_loop3A_445 : vector<16xf32>
          %parallel_loop3A_492 = arith.constant 16 : i32
          %parallel_loop3A_493 = arith.muli %parallel_loop3A_395, %parallel_loop3A_492 : i32
          %parallel_loop3A_494 = arith.index_cast %parallel_loop3A_493 : i32 to index
          %parallel_loop3A_495 = tpu.vector_load %arg23[%parallel_loop3A_494] {strides = array<i32>} : memref<2048xf32, #tpu.memory_space<vmem>>, vector<16xf32>,
          tpu.vector_store %arg23[%parallel_loop3A_494], %parallel_loop3A_491 {strides = array<i32>} : memref<2048xf32, #tpu.memory_space<vmem>>, vector<16xf32>,
        } {sc.loop_unroll_factor = 4 : i64, sc.parallel_access}
        %dma_start3A_267 = arith.constant 0 : i32
        %dma_start3A_268 = arith.constant 0 : i32
        %dma_start3A_269 = tpu.memref_slice %arg23[%dma_start3A_268] : memref<2048xf32, #tpu.memory_space<vmem>> -> memref<128xf32, #tpu.memory_space<vmem>>
        %dma_start3A_270 = arith.constant 0 : i32
        %dma_start3A_271 = tpu.memref_slice %arg25[%dma_start3A_267, %dma_start3A_270] : memref<16x128xi32, #tpu.memory_space<vmem>> -> memref<1x128xi32, #tpu.memory_space<vmem>>
        %dma_start3A_272 = tpu.memref_squeeze %dma_start3A_271 : memref<1x128xi32, #tpu.memory_space<vmem>> -> memref<128xi32, #tpu.memory_space<vmem>>
        %dma_start3A_273 = arith.constant 0 : i32
        %dma_start3A_274 = tpu.memref_slice %arg26[%dma_start3A_273] : memref<100000xf32, #tpu.memory_space<vmem_shared>> -> memref<100000xf32, #tpu.memory_space<vmem_shared>>
        tpu.enqueue_indirect_dma source(%dma_start3A_269 : memref<128xf32, #tpu.memory_space<vmem>>) target(%dma_start3A_274 : memref<100000xf32, #tpu.memory_space<vmem_shared>>) offsets(%dma_start3A_272 : memref<128xi32, #tpu.memory_space<vmem>>) semaphore(%arg30 : memref<!tpu.dma_semaphore, #tpu.memory_space<semaphore_mem>>) {add = true}
        %dma_start3A_275 = arith.constant 1 : i32
        %dma_start3A_276 = arith.constant 128 : i32
        %dma_start3A_277 = tpu.memref_slice %arg23[%dma_start3A_276] : memref<2048xf32, #tpu.memory_space<vmem>> -> memref<128xf32, #tpu.memory_space<vmem>>
        %dma_start3A_278 = arith.constant 0 : i32
        %dma_start3A_279 = tpu.memref_slice %arg25[%dma_start3A_275, %dma_start3A_278] : memref<16x128xi32, #tpu.memory_space<vmem>> -> memref<1x128xi32, #tpu.memory_space<vmem>>
        %dma_start3A_280 = tpu.memref_squeeze %dma_start3A_279 : memref<1x128xi32, #tpu.memory_space<vmem>> -> memref<128xi32, #tpu.memory_space<vmem>>
        %dma_start3A_281 = arith.constant 0 : i32
        %dma_start3A_282 = tpu.memref_slice %arg26[%dma_start3A_281] : memref<100000xf32, #tpu.memory_space<vmem_shared>> -> memref<100000xf32, #tpu.memory_space<vmem_shared>>
        tpu.enqueue_indirect_dma source(%dma_start3A_277 : memref<128xf32, #tpu.memory_space<vmem>>) target(%dma_start3A_282 : memref<100000xf32, #tpu.memory_space<vmem_shared>>) offsets(%dma_start3A_280 : memref<128xi32, #tpu.memory_space<vmem>>) semaphore(%arg30 : memref<!tpu.dma_semaphore, #tpu.memory_space<semaphore_mem>>) {add = true}
        %dma_start3A_283 = arith.constant 2 : i32
        %dma_start3A_284 = arith.constant 256 : i32
        %dma_start3A_285 = tpu.memref_slice %arg23[%dma_start3A_284] : memref<2048xf32, #tpu.memory_space<vmem>> -> memref<128xf32, #tpu.memory_space<vmem>>
        %dma_start3A_286 = arith.constant 0 : i32
        %dma_start3A_287 = tpu.memref_slice %arg25[%dma_start3A_283, %dma_start3A_286] : memref<16x128xi32, #tpu.memory_space<vmem>> -> memref<1x128xi32, #tpu.memory_space<vmem>>
        %dma_start3A_288 = tpu.memref_squeeze %dma_start3A_287 : memref<1x128xi32, #tpu.memory_space<vmem>> -> memref<128xi32, #tpu.memory_space<vmem>>
        %dma_start3A_289 = arith.constant 0 : i32
        %dma_start3A_290 = tpu.memref_slice %arg26[%dma_start3A_289] : memref<100000xf32, #tpu.memory_space<vmem_shared>> -> memref<100000xf32, #tpu.memory_space<vmem_shared>>
        tpu.enqueue_indirect_dma source(%dma_start3A_285 : memref<128xf32, #tpu.memory_space<vmem>>) target(%dma_start3A_290 : memref<100000xf32, #tpu.memory_space<vmem_shared>>) offsets(%dma_start3A_288 : memref<128xi32, #tpu.memory_space<vmem>>) semaphore(%arg30 : memref<!tpu.dma_semaphore, #tpu.memory_space<semaphore_mem>>) {add = true}
        %dma_start3A_291 = arith.constant 3 : i32
        %dma_start3A_292 = arith.constant 384 : i32
        %dma_start3A_293 = tpu.memref_slice %arg23[%dma_start3A_292] : memref<2048xf32, #tpu.memory_space<vmem>> -> memref<128xf32, #tpu.memory_space<vmem>>
        %dma_start3A_294 = arith.constant 0 : i32
        %dma_start3A_295 = tpu.memref_slice %arg25[%dma_start3A_291, %dma_start3A_294] : memref<16x128xi32, #tpu.memory_space<vmem>> -> memref<1x128xi32, #tpu.memory_space<vmem>>
        %dma_start3A_296 = tpu.memref_squeeze %dma_start3A_295 : memref<1x128xi32, #tpu.memory_space<vmem>> -> memref<128xi32, #tpu.memory_space<vmem>>
        %dma_start3A_297 = arith.constant 0 : i32
        %dma_start3A_298 = tpu.memref_slice %arg26[%dma_start3A_297] : memref<100000xf32, #tpu.memory_space<vmem_shared>> -> memref<100000xf32, #tpu.memory_space<vmem_shared>>
        tpu.enqueue_indirect_dma source(%dma_start3A_293 : memref<128xf32, #tpu.memory_space<vmem>>) target(%dma_start3A_298 : memref<100000xf32, #tpu.memory_space<vmem_shared>>) offsets(%dma_start3A_296 : memref<128xi32, #tpu.memory_space<vmem>>) semaphore(%arg30 : memref<!tpu.dma_semaphore, #tpu.memory_space<semaphore_mem>>) {add = true}
        %dma_start3A_299 = arith.constant 4 : i32
        %dma_start3A_300 = arith.constant 512 : i32
        %dma_start3A_301 = tpu.memref_slice %arg23[%dma_start3A_300] : memref<2048xf32, #tpu.memory_space<vmem>> -> memref<128xf32, #tpu.memory_space<vmem>>
        %dma_start3A_302 = arith.constant 0 : i32
        %dma_start3A_303 = tpu.memref_slice %arg25[%dma_start3A_299, %dma_start3A_302] : memref<16x128xi32, #tpu.memory_space<vmem>> -> memref<1x128xi32, #tpu.memory_space<vmem>>
        %dma_start3A_304 = tpu.memref_squeeze %dma_start3A_303 : memref<1x128xi32, #tpu.memory_space<vmem>> -> memref<128xi32, #tpu.memory_space<vmem>>
        %dma_start3A_305 = arith.constant 0 : i32
        %dma_start3A_306 = tpu.memref_slice %arg26[%dma_start3A_305] : memref<100000xf32, #tpu.memory_space<vmem_shared>> -> memref<100000xf32, #tpu.memory_space<vmem_shared>>
        tpu.enqueue_indirect_dma source(%dma_start3A_301 : memref<128xf32, #tpu.memory_space<vmem>>) target(%dma_start3A_306 : memref<100000xf32, #tpu.memory_space<vmem_shared>>) offsets(%dma_start3A_304 : memref<128xi32, #tpu.memory_space<vmem>>) semaphore(%arg30 : memref<!tpu.dma_semaphore, #tpu.memory_space<semaphore_mem>>) {add = true}
        %dma_start3A_307 = arith.constant 5 : i32
        %dma_start3A_308 = arith.constant 640 : i32
        %dma_start3A_309 = tpu.memref_slice %arg23[%dma_start3A_308] : memref<2048xf32, #tpu.memory_space<vmem>> -> memref<128xf32, #tpu.memory_space<vmem>>
        %dma_start3A_310 = arith.constant 0 : i32
        %dma_start3A_311 = tpu.memref_slice %arg25[%dma_start3A_307, %dma_start3A_310] : memref<16x128xi32, #tpu.memory_space<vmem>> -> memref<1x128xi32, #tpu.memory_space<vmem>>
        %dma_start3A_312 = tpu.memref_squeeze %dma_start3A_311 : memref<1x128xi32, #tpu.memory_space<vmem>> -> memref<128xi32, #tpu.memory_space<vmem>>
        %dma_start3A_313 = arith.constant 0 : i32
        %dma_start3A_314 = tpu.memref_slice %arg26[%dma_start3A_313] : memref<100000xf32, #tpu.memory_space<vmem_shared>> -> memref<100000xf32, #tpu.memory_space<vmem_shared>>
        tpu.enqueue_indirect_dma source(%dma_start3A_309 : memref<128xf32, #tpu.memory_space<vmem>>) target(%dma_start3A_314 : memref<100000xf32, #tpu.memory_space<vmem_shared>>) offsets(%dma_start3A_312 : memref<128xi32, #tpu.memory_space<vmem>>) semaphore(%arg30 : memref<!tpu.dma_semaphore, #tpu.memory_space<semaphore_mem>>) {add = true}
        %dma_start3A_315 = arith.constant 6 : i32
        %dma_start3A_316 = arith.constant 768 : i32
        %dma_start3A_317 = tpu.memref_slice %arg23[%dma_start3A_316] : memref<2048xf32, #tpu.memory_space<vmem>> -> memref<128xf32, #tpu.memory_space<vmem>>
        %dma_start3A_318 = arith.constant 0 : i32
        %dma_start3A_319 = tpu.memref_slice %arg25[%dma_start3A_315, %dma_start3A_318] : memref<16x128xi32, #tpu.memory_space<vmem>> -> memref<1x128xi32, #tpu.memory_space<vmem>>
        %dma_start3A_320 = tpu.memref_squeeze %dma_start3A_319 : memref<1x128xi32, #tpu.memory_space<vmem>> -> memref<128xi32, #tpu.memory_space<vmem>>
        %dma_start3A_321 = arith.constant 0 : i32
        %dma_start3A_322 = tpu.memref_slice %arg26[%dma_start3A_321] : memref<100000xf32, #tpu.memory_space<vmem_shared>> -> memref<100000xf32, #tpu.memory_space<vmem_shared>>
        tpu.enqueue_indirect_dma source(%dma_start3A_317 : memref<128xf32, #tpu.memory_space<vmem>>) target(%dma_start3A_322 : memref<100000xf32, #tpu.memory_space<vmem_shared>>) offsets(%dma_start3A_320 : memref<128xi32, #tpu.memory_space<vmem>>) semaphore(%arg30 : memref<!tpu.dma_semaphore, #tpu.memory_space<semaphore_mem>>) {add = true}
        %dma_start3A_323 = arith.constant 7 : i32
        %dma_start3A_324 = arith.constant 896 : i32
        %dma_start3A_325 = tpu.memref_slice %arg23[%dma_start3A_324] : memref<2048xf32, #tpu.memory_space<vmem>> -> memref<128xf32, #tpu.memory_space<vmem>>
        %dma_start3A_326 = arith.constant 0 : i32
        %dma_start3A_327 = tpu.memref_slice %arg25[%dma_start3A_323, %dma_start3A_326] : memref<16x128xi32, #tpu.memory_space<vmem>> -> memref<1x128xi32, #tpu.memory_space<vmem>>
        %dma_start3A_328 = tpu.memref_squeeze %dma_start3A_327 : memref<1x128xi32, #tpu.memory_space<vmem>> -> memref<128xi32, #tpu.memory_space<vmem>>
        %dma_start3A_329 = arith.constant 0 : i32
        %dma_start3A_330 = tpu.memref_slice %arg26[%dma_start3A_329] : memref<100000xf32, #tpu.memory_space<vmem_shared>> -> memref<100000xf32, #tpu.memory_space<vmem_shared>>
        tpu.enqueue_indirect_dma source(%dma_start3A_325 : memref<128xf32, #tpu.memory_space<vmem>>) target(%dma_start3A_330 : memref<100000xf32, #tpu.memory_space<vmem_shared>>) offsets(%dma_start3A_328 : memref<128xi32, #tpu.memory_space<vmem>>) semaphore(%arg30 : memref<!tpu.dma_semaphore, #tpu.memory_space<semaphore_mem>>) {add = true}
        %dma_start3A_331 = arith.constant 8 : i32
        %dma_start3A_332 = arith.constant 1024 : i32
        %dma_start3A_333 = tpu.memref_slice %arg23[%dma_start3A_332] : memref<2048xf32, #tpu.memory_space<vmem>> -> memref<128xf32, #tpu.memory_space<vmem>>
        %dma_start3A_334 = arith.constant 0 : i32
        %dma_start3A_335 = tpu.memref_slice %arg25[%dma_start3A_331, %dma_start3A_334] : memref<16x128xi32, #tpu.memory_space<vmem>> -> memref<1x128xi32, #tpu.memory_space<vmem>>
        %dma_start3A_336 = tpu.memref_squeeze %dma_start3A_335 : memref<1x128xi32, #tpu.memory_space<vmem>> -> memref<128xi32, #tpu.memory_space<vmem>>
        %dma_start3A_337 = arith.constant 0 : i32
        %dma_start3A_338 = tpu.memref_slice %arg26[%dma_start3A_337] : memref<100000xf32, #tpu.memory_space<vmem_shared>> -> memref<100000xf32, #tpu.memory_space<vmem_shared>>
        tpu.enqueue_indirect_dma source(%dma_start3A_333 : memref<128xf32, #tpu.memory_space<vmem>>) target(%dma_start3A_338 : memref<100000xf32, #tpu.memory_space<vmem_shared>>) offsets(%dma_start3A_336 : memref<128xi32, #tpu.memory_space<vmem>>) semaphore(%arg30 : memref<!tpu.dma_semaphore, #tpu.memory_space<semaphore_mem>>) {add = true}
        %dma_start3A_339 = arith.constant 9 : i32
        %dma_start3A_340 = arith.constant 1152 : i32
        %dma_start3A_341 = tpu.memref_slice %arg23[%dma_start3A_340] : memref<2048xf32, #tpu.memory_space<vmem>> -> memref<128xf32, #tpu.memory_space<vmem>>
        %dma_start3A_342 = arith.constant 0 : i32
        %dma_start3A_343 = tpu.memref_slice %arg25[%dma_start3A_339, %dma_start3A_342] : memref<16x128xi32, #tpu.memory_space<vmem>> -> memref<1x128xi32, #tpu.memory_space<vmem>>
        %dma_start3A_344 = tpu.memref_squeeze %dma_start3A_343 : memref<1x128xi32, #tpu.memory_space<vmem>> -> memref<128xi32, #tpu.memory_space<vmem>>
        %dma_start3A_345 = arith.constant 0 : i32
        %dma_start3A_346 = tpu.memref_slice %arg26[%dma_start3A_345] : memref<100000xf32, #tpu.memory_space<vmem_shared>> -> memref<100000xf32, #tpu.memory_space<vmem_shared>>
        tpu.enqueue_indirect_dma source(%dma_start3A_341 : memref<128xf32, #tpu.memory_space<vmem>>) target(%dma_start3A_346 : memref<100000xf32, #tpu.memory_space<vmem_shared>>) offsets(%dma_start3A_344 : memref<128xi32, #tpu.memory_space<vmem>>) semaphore(%arg30 : memref<!tpu.dma_semaphore, #tpu.memory_space<semaphore_mem>>) {add = true}
        %dma_start3A_347 = arith.constant 10 : i32
        %dma_start3A_348 = arith.constant 1280 : i32
        %dma_start3A_349 = tpu.memref_slice %arg23[%dma_start3A_348] : memref<2048xf32, #tpu.memory_space<vmem>> -> memref<128xf32, #tpu.memory_space<vmem>>
        %dma_start3A_350 = arith.constant 0 : i32
        %dma_start3A_351 = tpu.memref_slice %arg25[%dma_start3A_347, %dma_start3A_350] : memref<16x128xi32, #tpu.memory_space<vmem>> -> memref<1x128xi32, #tpu.memory_space<vmem>>
        %dma_start3A_352 = tpu.memref_squeeze %dma_start3A_351 : memref<1x128xi32, #tpu.memory_space<vmem>> -> memref<128xi32, #tpu.memory_space<vmem>>
        %dma_start3A_353 = arith.constant 0 : i32
        %dma_start3A_354 = tpu.memref_slice %arg26[%dma_start3A_353] : memref<100000xf32, #tpu.memory_space<vmem_shared>> -> memref<100000xf32, #tpu.memory_space<vmem_shared>>
        tpu.enqueue_indirect_dma source(%dma_start3A_349 : memref<128xf32, #tpu.memory_space<vmem>>) target(%dma_start3A_354 : memref<100000xf32, #tpu.memory_space<vmem_shared>>) offsets(%dma_start3A_352 : memref<128xi32, #tpu.memory_space<vmem>>) semaphore(%arg30 : memref<!tpu.dma_semaphore, #tpu.memory_space<semaphore_mem>>) {add = true}
        %dma_start3A_355 = arith.constant 11 : i32
        %dma_start3A_356 = arith.constant 1408 : i32
        %dma_start3A_357 = tpu.memref_slice %arg23[%dma_start3A_356] : memref<2048xf32, #tpu.memory_space<vmem>> -> memref<128xf32, #tpu.memory_space<vmem>>
        %dma_start3A_358 = arith.constant 0 : i32
        %dma_start3A_359 = tpu.memref_slice %arg25[%dma_start3A_355, %dma_start3A_358] : memref<16x128xi32, #tpu.memory_space<vmem>> -> memref<1x128xi32, #tpu.memory_space<vmem>>
        %dma_start3A_360 = tpu.memref_squeeze %dma_start3A_359 : memref<1x128xi32, #tpu.memory_space<vmem>> -> memref<128xi32, #tpu.memory_space<vmem>>
        %dma_start3A_361 = arith.constant 0 : i32
        %dma_start3A_362 = tpu.memref_slice %arg26[%dma_start3A_361] : memref<100000xf32, #tpu.memory_space<vmem_shared>> -> memref<100000xf32, #tpu.memory_space<vmem_shared>>
        tpu.enqueue_indirect_dma source(%dma_start3A_357 : memref<128xf32, #tpu.memory_space<vmem>>) target(%dma_start3A_362 : memref<100000xf32, #tpu.memory_space<vmem_shared>>) offsets(%dma_start3A_360 : memref<128xi32, #tpu.memory_space<vmem>>) semaphore(%arg30 : memref<!tpu.dma_semaphore, #tpu.memory_space<semaphore_mem>>) {add = true}
        %dma_start3A_363 = arith.constant 12 : i32
        %dma_start3A_364 = arith.constant 1536 : i32
        %dma_start3A_365 = tpu.memref_slice %arg23[%dma_start3A_364] : memref<2048xf32, #tpu.memory_space<vmem>> -> memref<128xf32, #tpu.memory_space<vmem>>
        %dma_start3A_366 = arith.constant 0 : i32
        %dma_start3A_367 = tpu.memref_slice %arg25[%dma_start3A_363, %dma_start3A_366] : memref<16x128xi32, #tpu.memory_space<vmem>> -> memref<1x128xi32, #tpu.memory_space<vmem>>
        %dma_start3A_368 = tpu.memref_squeeze %dma_start3A_367 : memref<1x128xi32, #tpu.memory_space<vmem>> -> memref<128xi32, #tpu.memory_space<vmem>>
        %dma_start3A_369 = arith.constant 0 : i32
        %dma_start3A_370 = tpu.memref_slice %arg26[%dma_start3A_369] : memref<100000xf32, #tpu.memory_space<vmem_shared>> -> memref<100000xf32, #tpu.memory_space<vmem_shared>>
        tpu.enqueue_indirect_dma source(%dma_start3A_365 : memref<128xf32, #tpu.memory_space<vmem>>) target(%dma_start3A_370 : memref<100000xf32, #tpu.memory_space<vmem_shared>>) offsets(%dma_start3A_368 : memref<128xi32, #tpu.memory_space<vmem>>) semaphore(%arg30 : memref<!tpu.dma_semaphore, #tpu.memory_space<semaphore_mem>>) {add = true}
        %dma_start3A_371 = arith.constant 13 : i32
        %dma_start3A_372 = arith.constant 1664 : i32
        %dma_start3A_373 = tpu.memref_slice %arg23[%dma_start3A_372] : memref<2048xf32, #tpu.memory_space<vmem>> -> memref<128xf32, #tpu.memory_space<vmem>>
        %dma_start3A_374 = arith.constant 0 : i32
        %dma_start3A_375 = tpu.memref_slice %arg25[%dma_start3A_371, %dma_start3A_374] : memref<16x128xi32, #tpu.memory_space<vmem>> -> memref<1x128xi32, #tpu.memory_space<vmem>>
        %dma_start3A_376 = tpu.memref_squeeze %dma_start3A_375 : memref<1x128xi32, #tpu.memory_space<vmem>> -> memref<128xi32, #tpu.memory_space<vmem>>
        %dma_start3A_377 = arith.constant 0 : i32
        %dma_start3A_378 = tpu.memref_slice %arg26[%dma_start3A_377] : memref<100000xf32, #tpu.memory_space<vmem_shared>> -> memref<100000xf32, #tpu.memory_space<vmem_shared>>
        tpu.enqueue_indirect_dma source(%dma_start3A_373 : memref<128xf32, #tpu.memory_space<vmem>>) target(%dma_start3A_378 : memref<100000xf32, #tpu.memory_space<vmem_shared>>) offsets(%dma_start3A_376 : memref<128xi32, #tpu.memory_space<vmem>>) semaphore(%arg30 : memref<!tpu.dma_semaphore, #tpu.memory_space<semaphore_mem>>) {add = true}
        %dma_start3A_379 = arith.constant 14 : i32
        %dma_start3A_380 = arith.constant 1792 : i32
        %dma_start3A_381 = tpu.memref_slice %arg23[%dma_start3A_380] : memref<2048xf32, #tpu.memory_space<vmem>> -> memref<128xf32, #tpu.memory_space<vmem>>
        %dma_start3A_382 = arith.constant 0 : i32
        %dma_start3A_383 = tpu.memref_slice %arg25[%dma_start3A_379, %dma_start3A_382] : memref<16x128xi32, #tpu.memory_space<vmem>> -> memref<1x128xi32, #tpu.memory_space<vmem>>
        %dma_start3A_384 = tpu.memref_squeeze %dma_start3A_383 : memref<1x128xi32, #tpu.memory_space<vmem>> -> memref<128xi32, #tpu.memory_space<vmem>>
        %dma_start3A_385 = arith.constant 0 : i32
        %dma_start3A_386 = tpu.memref_slice %arg26[%dma_start3A_385] : memref<100000xf32, #tpu.memory_space<vmem_shared>> -> memref<100000xf32, #tpu.memory_space<vmem_shared>>
        tpu.enqueue_indirect_dma source(%dma_start3A_381 : memref<128xf32, #tpu.memory_space<vmem>>) target(%dma_start3A_386 : memref<100000xf32, #tpu.memory_space<vmem_shared>>) offsets(%dma_start3A_384 : memref<128xi32, #tpu.memory_space<vmem>>) semaphore(%arg30 : memref<!tpu.dma_semaphore, #tpu.memory_space<semaphore_mem>>) {add = true}
        %dma_start3A_387 = arith.constant 15 : i32
        %dma_start3A_388 = arith.constant 1920 : i32
        %dma_start3A_389 = tpu.memref_slice %arg23[%dma_start3A_388] : memref<2048xf32, #tpu.memory_space<vmem>> -> memref<128xf32, #tpu.memory_space<vmem>>
        %dma_start3A_390 = arith.constant 0 : i32
        %dma_start3A_391 = tpu.memref_slice %arg25[%dma_start3A_387, %dma_start3A_390] : memref<16x128xi32, #tpu.memory_space<vmem>> -> memref<1x128xi32, #tpu.memory_space<vmem>>
        %dma_start3A_392 = tpu.memref_squeeze %dma_start3A_391 : memref<1x128xi32, #tpu.memory_space<vmem>> -> memref<128xi32, #tpu.memory_space<vmem>>
        %dma_start3A_393 = arith.constant 0 : i32
        %dma_start3A_394 = tpu.memref_slice %arg26[%dma_start3A_393] : memref<100000xf32, #tpu.memory_space<vmem_shared>> -> memref<100000xf32, #tpu.memory_space<vmem_shared>>
        tpu.enqueue_indirect_dma source(%dma_start3A_389 : memref<128xf32, #tpu.memory_space<vmem>>) target(%dma_start3A_394 : memref<100000xf32, #tpu.memory_space<vmem_shared>>) offsets(%dma_start3A_392 : memref<128xi32, #tpu.memory_space<vmem>>) semaphore(%arg30 : memref<!tpu.dma_semaphore, #tpu.memory_space<semaphore_mem>>) {add = true}
      } else {
      }
    }
    %ge3A = arith.constant 1 : i32
    %ge3A_42 = arith.cmpi sge, %add3A_7, %ge3A : i32
    %convert_element_type3A_43 = arith.extui %ge3A_42 : i1 to i32
    %cond3A_44 = arith.constant 0 : i32
    %cond3A_45 = arith.cmpi ne, %convert_element_type3A_43, %cond3A_44 : i32
    scf.if %cond3A_45 {
      %dma_wait3A = arith.constant 0 : i32
      %dma_wait3A_57 = arith.constant 0 : i32
      %dma_wait3A_58 = tpu.memref_slice %arg22[%dma_wait3A_57] : memref<2048xf32, #tpu.memory_space<vmem>> -> memref<128xf32, #tpu.memory_space<vmem>>
      %dma_wait3A_59 = arith.constant 0 : i32
      %dma_wait3A_60 = tpu.memref_slice %arg24[%dma_wait3A, %dma_wait3A_59] : memref<16x128xi32, #tpu.memory_space<vmem>> -> memref<1x128xi32, #tpu.memory_space<vmem>>
      %dma_wait3A_61 = tpu.memref_squeeze %dma_wait3A_60 : memref<1x128xi32, #tpu.memory_space<vmem>> -> memref<128xi32, #tpu.memory_space<vmem>>
      %dma_wait3A_62 = arith.constant 0 : i32
      %dma_wait3A_63 = tpu.memref_slice %arg26[%dma_wait3A_62] : memref<100000xf32, #tpu.memory_space<vmem_shared>> -> memref<100000xf32, #tpu.memory_space<vmem_shared>>
      tpu.wait_indirect_dma semaphore(%arg29 : memref<!tpu.dma_semaphore, #tpu.memory_space<semaphore_mem>>) src(%dma_wait3A_58 : memref<128xf32, #tpu.memory_space<vmem>>) dst(%dma_wait3A_63 : memref<100000xf32, #tpu.memory_space<vmem_shared>>)
      %dma_wait3A_64 = arith.constant 1 : i32
      %dma_wait3A_65 = arith.constant 128 : i32
      %dma_wait3A_66 = tpu.memref_slice %arg22[%dma_wait3A_65] : memref<2048xf32, #tpu.memory_space<vmem>> -> memref<128xf32, #tpu.memory_space<vmem>>
      %dma_wait3A_67 = arith.constant 0 : i32
      %dma_wait3A_68 = tpu.memref_slice %arg24[%dma_wait3A_64, %dma_wait3A_67] : memref<16x128xi32, #tpu.memory_space<vmem>> -> memref<1x128xi32, #tpu.memory_space<vmem>>
      %dma_wait3A_69 = tpu.memref_squeeze %dma_wait3A_68 : memref<1x128xi32, #tpu.memory_space<vmem>> -> memref<128xi32, #tpu.memory_space<vmem>>
      %dma_wait3A_70 = arith.constant 0 : i32
      %dma_wait3A_71 = tpu.memref_slice %arg26[%dma_wait3A_70] : memref<100000xf32, #tpu.memory_space<vmem_shared>> -> memref<100000xf32, #tpu.memory_space<vmem_shared>>
      tpu.wait_indirect_dma semaphore(%arg29 : memref<!tpu.dma_semaphore, #tpu.memory_space<semaphore_mem>>) src(%dma_wait3A_66 : memref<128xf32, #tpu.memory_space<vmem>>) dst(%dma_wait3A_71 : memref<100000xf32, #tpu.memory_space<vmem_shared>>)
      %dma_wait3A_72 = arith.constant 2 : i32
      %dma_wait3A_73 = arith.constant 256 : i32
      %dma_wait3A_74 = tpu.memref_slice %arg22[%dma_wait3A_73] : memref<2048xf32, #tpu.memory_space<vmem>> -> memref<128xf32, #tpu.memory_space<vmem>>
      %dma_wait3A_75 = arith.constant 0 : i32
      %dma_wait3A_76 = tpu.memref_slice %arg24[%dma_wait3A_72, %dma_wait3A_75] : memref<16x128xi32, #tpu.memory_space<vmem>> -> memref<1x128xi32, #tpu.memory_space<vmem>>
      %dma_wait3A_77 = tpu.memref_squeeze %dma_wait3A_76 : memref<1x128xi32, #tpu.memory_space<vmem>> -> memref<128xi32, #tpu.memory_space<vmem>>
      %dma_wait3A_78 = arith.constant 0 : i32
      %dma_wait3A_79 = tpu.memref_slice %arg26[%dma_wait3A_78] : memref<100000xf32, #tpu.memory_space<vmem_shared>> -> memref<100000xf32, #tpu.memory_space<vmem_shared>>
      tpu.wait_indirect_dma semaphore(%arg29 : memref<!tpu.dma_semaphore, #tpu.memory_space<semaphore_mem>>) src(%dma_wait3A_74 : memref<128xf32, #tpu.memory_space<vmem>>) dst(%dma_wait3A_79 : memref<100000xf32, #tpu.memory_space<vmem_shared>>)
      %dma_wait3A_80 = arith.constant 3 : i32
      %dma_wait3A_81 = arith.constant 384 : i32
      %dma_wait3A_82 = tpu.memref_slice %arg22[%dma_wait3A_81] : memref<2048xf32, #tpu.memory_space<vmem>> -> memref<128xf32, #tpu.memory_space<vmem>>
      %dma_wait3A_83 = arith.constant 0 : i32
      %dma_wait3A_84 = tpu.memref_slice %arg24[%dma_wait3A_80, %dma_wait3A_83] : memref<16x128xi32, #tpu.memory_space<vmem>> -> memref<1x128xi32, #tpu.memory_space<vmem>>
      %dma_wait3A_85 = tpu.memref_squeeze %dma_wait3A_84 : memref<1x128xi32, #tpu.memory_space<vmem>> -> memref<128xi32, #tpu.memory_space<vmem>>
      %dma_wait3A_86 = arith.constant 0 : i32
      %dma_wait3A_87 = tpu.memref_slice %arg26[%dma_wait3A_86] : memref<100000xf32, #tpu.memory_space<vmem_shared>> -> memref<100000xf32, #tpu.memory_space<vmem_shared>>
      tpu.wait_indirect_dma semaphore(%arg29 : memref<!tpu.dma_semaphore, #tpu.memory_space<semaphore_mem>>) src(%dma_wait3A_82 : memref<128xf32, #tpu.memory_space<vmem>>) dst(%dma_wait3A_87 : memref<100000xf32, #tpu.memory_space<vmem_shared>>)
      %dma_wait3A_88 = arith.constant 4 : i32
      %dma_wait3A_89 = arith.constant 512 : i32
      %dma_wait3A_90 = tpu.memref_slice %arg22[%dma_wait3A_89] : memref<2048xf32, #tpu.memory_space<vmem>> -> memref<128xf32, #tpu.memory_space<vmem>>
      %dma_wait3A_91 = arith.constant 0 : i32
      %dma_wait3A_92 = tpu.memref_slice %arg24[%dma_wait3A_88, %dma_wait3A_91] : memref<16x128xi32, #tpu.memory_space<vmem>> -> memref<1x128xi32, #tpu.memory_space<vmem>>
      %dma_wait3A_93 = tpu.memref_squeeze %dma_wait3A_92 : memref<1x128xi32, #tpu.memory_space<vmem>> -> memref<128xi32, #tpu.memory_space<vmem>>
      %dma_wait3A_94 = arith.constant 0 : i32
      %dma_wait3A_95 = tpu.memref_slice %arg26[%dma_wait3A_94] : memref<100000xf32, #tpu.memory_space<vmem_shared>> -> memref<100000xf32, #tpu.memory_space<vmem_shared>>
      tpu.wait_indirect_dma semaphore(%arg29 : memref<!tpu.dma_semaphore, #tpu.memory_space<semaphore_mem>>) src(%dma_wait3A_90 : memref<128xf32, #tpu.memory_space<vmem>>) dst(%dma_wait3A_95 : memref<100000xf32, #tpu.memory_space<vmem_shared>>)
      %dma_wait3A_96 = arith.constant 5 : i32
      %dma_wait3A_97 = arith.constant 640 : i32
      %dma_wait3A_98 = tpu.memref_slice %arg22[%dma_wait3A_97] : memref<2048xf32, #tpu.memory_space<vmem>> -> memref<128xf32, #tpu.memory_space<vmem>>
      %dma_wait3A_99 = arith.constant 0 : i32
      %dma_wait3A_100 = tpu.memref_slice %arg24[%dma_wait3A_96, %dma_wait3A_99] : memref<16x128xi32, #tpu.memory_space<vmem>> -> memref<1x128xi32, #tpu.memory_space<vmem>>
      %dma_wait3A_101 = tpu.memref_squeeze %dma_wait3A_100 : memref<1x128xi32, #tpu.memory_space<vmem>> -> memref<128xi32, #tpu.memory_space<vmem>>
      %dma_wait3A_102 = arith.constant 0 : i32
      %dma_wait3A_103 = tpu.memref_slice %arg26[%dma_wait3A_102] : memref<100000xf32, #tpu.memory_space<vmem_shared>> -> memref<100000xf32, #tpu.memory_space<vmem_shared>>
      tpu.wait_indirect_dma semaphore(%arg29 : memref<!tpu.dma_semaphore, #tpu.memory_space<semaphore_mem>>) src(%dma_wait3A_98 : memref<128xf32, #tpu.memory_space<vmem>>) dst(%dma_wait3A_103 : memref<100000xf32, #tpu.memory_space<vmem_shared>>)
      %dma_wait3A_104 = arith.constant 6 : i32
      %dma_wait3A_105 = arith.constant 768 : i32
      %dma_wait3A_106 = tpu.memref_slice %arg22[%dma_wait3A_105] : memref<2048xf32, #tpu.memory_space<vmem>> -> memref<128xf32, #tpu.memory_space<vmem>>
      %dma_wait3A_107 = arith.constant 0 : i32
      %dma_wait3A_108 = tpu.memref_slice %arg24[%dma_wait3A_104, %dma_wait3A_107] : memref<16x128xi32, #tpu.memory_space<vmem>> -> memref<1x128xi32, #tpu.memory_space<vmem>>
      %dma_wait3A_109 = tpu.memref_squeeze %dma_wait3A_108 : memref<1x128xi32, #tpu.memory_space<vmem>> -> memref<128xi32, #tpu.memory_space<vmem>>
      %dma_wait3A_110 = arith.constant 0 : i32
      %dma_wait3A_111 = tpu.memref_slice %arg26[%dma_wait3A_110] : memref<100000xf32, #tpu.memory_space<vmem_shared>> -> memref<100000xf32, #tpu.memory_space<vmem_shared>>
      tpu.wait_indirect_dma semaphore(%arg29 : memref<!tpu.dma_semaphore, #tpu.memory_space<semaphore_mem>>) src(%dma_wait3A_106 : memref<128xf32, #tpu.memory_space<vmem>>) dst(%dma_wait3A_111 : memref<100000xf32, #tpu.memory_space<vmem_shared>>)
      %dma_wait3A_112 = arith.constant 7 : i32
      %dma_wait3A_113 = arith.constant 896 : i32
      %dma_wait3A_114 = tpu.memref_slice %arg22[%dma_wait3A_113] : memref<2048xf32, #tpu.memory_space<vmem>> -> memref<128xf32, #tpu.memory_space<vmem>>
      %dma_wait3A_115 = arith.constant 0 : i32
      %dma_wait3A_116 = tpu.memref_slice %arg24[%dma_wait3A_112, %dma_wait3A_115] : memref<16x128xi32, #tpu.memory_space<vmem>> -> memref<1x128xi32, #tpu.memory_space<vmem>>
      %dma_wait3A_117 = tpu.memref_squeeze %dma_wait3A_116 : memref<1x128xi32, #tpu.memory_space<vmem>> -> memref<128xi32, #tpu.memory_space<vmem>>
      %dma_wait3A_118 = arith.constant 0 : i32
      %dma_wait3A_119 = tpu.memref_slice %arg26[%dma_wait3A_118] : memref<100000xf32, #tpu.memory_space<vmem_shared>> -> memref<100000xf32, #tpu.memory_space<vmem_shared>>
      tpu.wait_indirect_dma semaphore(%arg29 : memref<!tpu.dma_semaphore, #tpu.memory_space<semaphore_mem>>) src(%dma_wait3A_114 : memref<128xf32, #tpu.memory_space<vmem>>) dst(%dma_wait3A_119 : memref<100000xf32, #tpu.memory_space<vmem_shared>>)
      %dma_wait3A_120 = arith.constant 8 : i32
      %dma_wait3A_121 = arith.constant 1024 : i32
      %dma_wait3A_122 = tpu.memref_slice %arg22[%dma_wait3A_121] : memref<2048xf32, #tpu.memory_space<vmem>> -> memref<128xf32, #tpu.memory_space<vmem>>
      %dma_wait3A_123 = arith.constant 0 : i32
      %dma_wait3A_124 = tpu.memref_slice %arg24[%dma_wait3A_120, %dma_wait3A_123] : memref<16x128xi32, #tpu.memory_space<vmem>> -> memref<1x128xi32, #tpu.memory_space<vmem>>
      %dma_wait3A_125 = tpu.memref_squeeze %dma_wait3A_124 : memref<1x128xi32, #tpu.memory_space<vmem>> -> memref<128xi32, #tpu.memory_space<vmem>>
      %dma_wait3A_126 = arith.constant 0 : i32
      %dma_wait3A_127 = tpu.memref_slice %arg26[%dma_wait3A_126] : memref<100000xf32, #tpu.memory_space<vmem_shared>> -> memref<100000xf32, #tpu.memory_space<vmem_shared>>
      tpu.wait_indirect_dma semaphore(%arg29 : memref<!tpu.dma_semaphore, #tpu.memory_space<semaphore_mem>>) src(%dma_wait3A_122 : memref<128xf32, #tpu.memory_space<vmem>>) dst(%dma_wait3A_127 : memref<100000xf32, #tpu.memory_space<vmem_shared>>)
      %dma_wait3A_128 = arith.constant 9 : i32
      %dma_wait3A_129 = arith.constant 1152 : i32
      %dma_wait3A_130 = tpu.memref_slice %arg22[%dma_wait3A_129] : memref<2048xf32, #tpu.memory_space<vmem>> -> memref<128xf32, #tpu.memory_space<vmem>>
      %dma_wait3A_131 = arith.constant 0 : i32
      %dma_wait3A_132 = tpu.memref_slice %arg24[%dma_wait3A_128, %dma_wait3A_131] : memref<16x128xi32, #tpu.memory_space<vmem>> -> memref<1x128xi32, #tpu.memory_space<vmem>>
      %dma_wait3A_133 = tpu.memref_squeeze %dma_wait3A_132 : memref<1x128xi32, #tpu.memory_space<vmem>> -> memref<128xi32, #tpu.memory_space<vmem>>
      %dma_wait3A_134 = arith.constant 0 : i32
      %dma_wait3A_135 = tpu.memref_slice %arg26[%dma_wait3A_134] : memref<100000xf32, #tpu.memory_space<vmem_shared>> -> memref<100000xf32, #tpu.memory_space<vmem_shared>>
      tpu.wait_indirect_dma semaphore(%arg29 : memref<!tpu.dma_semaphore, #tpu.memory_space<semaphore_mem>>) src(%dma_wait3A_130 : memref<128xf32, #tpu.memory_space<vmem>>) dst(%dma_wait3A_135 : memref<100000xf32, #tpu.memory_space<vmem_shared>>)
      %dma_wait3A_136 = arith.constant 10 : i32
      %dma_wait3A_137 = arith.constant 1280 : i32
      %dma_wait3A_138 = tpu.memref_slice %arg22[%dma_wait3A_137] : memref<2048xf32, #tpu.memory_space<vmem>> -> memref<128xf32, #tpu.memory_space<vmem>>
      %dma_wait3A_139 = arith.constant 0 : i32
      %dma_wait3A_140 = tpu.memref_slice %arg24[%dma_wait3A_136, %dma_wait3A_139] : memref<16x128xi32, #tpu.memory_space<vmem>> -> memref<1x128xi32, #tpu.memory_space<vmem>>
      %dma_wait3A_141 = tpu.memref_squeeze %dma_wait3A_140 : memref<1x128xi32, #tpu.memory_space<vmem>> -> memref<128xi32, #tpu.memory_space<vmem>>
      %dma_wait3A_142 = arith.constant 0 : i32
      %dma_wait3A_143 = tpu.memref_slice %arg26[%dma_wait3A_142] : memref<100000xf32, #tpu.memory_space<vmem_shared>> -> memref<100000xf32, #tpu.memory_space<vmem_shared>>
      tpu.wait_indirect_dma semaphore(%arg29 : memref<!tpu.dma_semaphore, #tpu.memory_space<semaphore_mem>>) src(%dma_wait3A_138 : memref<128xf32, #tpu.memory_space<vmem>>) dst(%dma_wait3A_143 : memref<100000xf32, #tpu.memory_space<vmem_shared>>)
      %dma_wait3A_144 = arith.constant 11 : i32
      %dma_wait3A_145 = arith.constant 1408 : i32
      %dma_wait3A_146 = tpu.memref_slice %arg22[%dma_wait3A_145] : memref<2048xf32, #tpu.memory_space<vmem>> -> memref<128xf32, #tpu.memory_space<vmem>>
      %dma_wait3A_147 = arith.constant 0 : i32
      %dma_wait3A_148 = tpu.memref_slice %arg24[%dma_wait3A_144, %dma_wait3A_147] : memref<16x128xi32, #tpu.memory_space<vmem>> -> memref<1x128xi32, #tpu.memory_space<vmem>>
      %dma_wait3A_149 = tpu.memref_squeeze %dma_wait3A_148 : memref<1x128xi32, #tpu.memory_space<vmem>> -> memref<128xi32, #tpu.memory_space<vmem>>
      %dma_wait3A_150 = arith.constant 0 : i32
      %dma_wait3A_151 = tpu.memref_slice %arg26[%dma_wait3A_150] : memref<100000xf32, #tpu.memory_space<vmem_shared>> -> memref<100000xf32, #tpu.memory_space<vmem_shared>>
      tpu.wait_indirect_dma semaphore(%arg29 : memref<!tpu.dma_semaphore, #tpu.memory_space<semaphore_mem>>) src(%dma_wait3A_146 : memref<128xf32, #tpu.memory_space<vmem>>) dst(%dma_wait3A_151 : memref<100000xf32, #tpu.memory_space<vmem_shared>>)
      %dma_wait3A_152 = arith.constant 12 : i32
      %dma_wait3A_153 = arith.constant 1536 : i32
      %dma_wait3A_154 = tpu.memref_slice %arg22[%dma_wait3A_153] : memref<2048xf32, #tpu.memory_space<vmem>> -> memref<128xf32, #tpu.memory_space<vmem>>
      %dma_wait3A_155 = arith.constant 0 : i32
      %dma_wait3A_156 = tpu.memref_slice %arg24[%dma_wait3A_152, %dma_wait3A_155] : memref<16x128xi32, #tpu.memory_space<vmem>> -> memref<1x128xi32, #tpu.memory_space<vmem>>
      %dma_wait3A_157 = tpu.memref_squeeze %dma_wait3A_156 : memref<1x128xi32, #tpu.memory_space<vmem>> -> memref<128xi32, #tpu.memory_space<vmem>>
      %dma_wait3A_158 = arith.constant 0 : i32
      %dma_wait3A_159 = tpu.memref_slice %arg26[%dma_wait3A_158] : memref<100000xf32, #tpu.memory_space<vmem_shared>> -> memref<100000xf32, #tpu.memory_space<vmem_shared>>
      tpu.wait_indirect_dma semaphore(%arg29 : memref<!tpu.dma_semaphore, #tpu.memory_space<semaphore_mem>>) src(%dma_wait3A_154 : memref<128xf32, #tpu.memory_space<vmem>>) dst(%dma_wait3A_159 : memref<100000xf32, #tpu.memory_space<vmem_shared>>)
      %dma_wait3A_160 = arith.constant 13 : i32
      %dma_wait3A_161 = arith.constant 1664 : i32
      %dma_wait3A_162 = tpu.memref_slice %arg22[%dma_wait3A_161] : memref<2048xf32, #tpu.memory_space<vmem>> -> memref<128xf32, #tpu.memory_space<vmem>>
      %dma_wait3A_163 = arith.constant 0 : i32
      %dma_wait3A_164 = tpu.memref_slice %arg24[%dma_wait3A_160, %dma_wait3A_163] : memref<16x128xi32, #tpu.memory_space<vmem>> -> memref<1x128xi32, #tpu.memory_space<vmem>>
      %dma_wait3A_165 = tpu.memref_squeeze %dma_wait3A_164 : memref<1x128xi32, #tpu.memory_space<vmem>> -> memref<128xi32, #tpu.memory_space<vmem>>
      %dma_wait3A_166 = arith.constant 0 : i32
      %dma_wait3A_167 = tpu.memref_slice %arg26[%dma_wait3A_166] : memref<100000xf32, #tpu.memory_space<vmem_shared>> -> memref<100000xf32, #tpu.memory_space<vmem_shared>>
      tpu.wait_indirect_dma semaphore(%arg29 : memref<!tpu.dma_semaphore, #tpu.memory_space<semaphore_mem>>) src(%dma_wait3A_162 : memref<128xf32, #tpu.memory_space<vmem>>) dst(%dma_wait3A_167 : memref<100000xf32, #tpu.memory_space<vmem_shared>>)
      %dma_wait3A_168 = arith.constant 14 : i32
      %dma_wait3A_169 = arith.constant 1792 : i32
      %dma_wait3A_170 = tpu.memref_slice %arg22[%dma_wait3A_169] : memref<2048xf32, #tpu.memory_space<vmem>> -> memref<128xf32, #tpu.memory_space<vmem>>
      %dma_wait3A_171 = arith.constant 0 : i32
      %dma_wait3A_172 = tpu.memref_slice %arg24[%dma_wait3A_168, %dma_wait3A_171] : memref<16x128xi32, #tpu.memory_space<vmem>> -> memref<1x128xi32, #tpu.memory_space<vmem>>
      %dma_wait3A_173 = tpu.memref_squeeze %dma_wait3A_172 : memref<1x128xi32, #tpu.memory_space<vmem>> -> memref<128xi32, #tpu.memory_space<vmem>>
      %dma_wait3A_174 = arith.constant 0 : i32
      %dma_wait3A_175 = tpu.memref_slice %arg26[%dma_wait3A_174] : memref<100000xf32, #tpu.memory_space<vmem_shared>> -> memref<100000xf32, #tpu.memory_space<vmem_shared>>
      tpu.wait_indirect_dma semaphore(%arg29 : memref<!tpu.dma_semaphore, #tpu.memory_space<semaphore_mem>>) src(%dma_wait3A_170 : memref<128xf32, #tpu.memory_space<vmem>>) dst(%dma_wait3A_175 : memref<100000xf32, #tpu.memory_space<vmem_shared>>)
      %dma_wait3A_176 = arith.constant 15 : i32
      %dma_wait3A_177 = arith.constant 1920 : i32
      %dma_wait3A_178 = tpu.memref_slice %arg22[%dma_wait3A_177] : memref<2048xf32, #tpu.memory_space<vmem>> -> memref<128xf32, #tpu.memory_space<vmem>>
      %dma_wait3A_179 = arith.constant 0 : i32
      %dma_wait3A_180 = tpu.memref_slice %arg24[%dma_wait3A_176, %dma_wait3A_179] : memref<16x128xi32, #tpu.memory_space<vmem>> -> memref<1x128xi32, #tpu.memory_space<vmem>>
      %dma_wait3A_181 = tpu.memref_squeeze %dma_wait3A_180 : memref<1x128xi32, #tpu.memory_space<vmem>> -> memref<128xi32, #tpu.memory_space<vmem>>
      %dma_wait3A_182 = arith.constant 0 : i32
      %dma_wait3A_183 = tpu.memref_slice %arg26[%dma_wait3A_182] : memref<100000xf32, #tpu.memory_space<vmem_shared>> -> memref<100000xf32, #tpu.memory_space<vmem_shared>>
      tpu.wait_indirect_dma semaphore(%arg29 : memref<!tpu.dma_semaphore, #tpu.memory_space<semaphore_mem>>) src(%dma_wait3A_178 : memref<128xf32, #tpu.memory_space<vmem>>) dst(%dma_wait3A_183 : memref<100000xf32, #tpu.memory_space<vmem_shared>>)
    } else {
    }
    %ge3A_46 = arith.constant 2 : i32
    %ge3A_47 = arith.cmpi sge, %add3A_7, %ge3A_46 : i32
    %convert_element_type3A_48 = arith.extui %ge3A_47 : i1 to i32
    %cond3A_49 = arith.constant 0 : i32
    %cond3A_50 = arith.cmpi ne, %convert_element_type3A_48, %cond3A_49 : i32
    scf.if %cond3A_50 {
      %dma_wait3A = arith.constant 0 : i32
      %dma_wait3A_57 = arith.constant 0 : i32
      %dma_wait3A_58 = tpu.memref_slice %arg23[%dma_wait3A_57] : memref<2048xf32, #tpu.memory_space<vmem>> -> memref<128xf32, #tpu.memory_space<vmem>>
      %dma_wait3A_59 = arith.constant 0 : i32
      %dma_wait3A_60 = tpu.memref_slice %arg25[%dma_wait3A, %dma_wait3A_59] : memref<16x128xi32, #tpu.memory_space<vmem>> -> memref<1x128xi32, #tpu.memory_space<vmem>>
      %dma_wait3A_61 = tpu.memref_squeeze %dma_wait3A_60 : memref<1x128xi32, #tpu.memory_space<vmem>> -> memref<128xi32, #tpu.memory_space<vmem>>
      %dma_wait3A_62 = arith.constant 0 : i32
      %dma_wait3A_63 = tpu.memref_slice %arg26[%dma_wait3A_62] : memref<100000xf32, #tpu.memory_space<vmem_shared>> -> memref<100000xf32, #tpu.memory_space<vmem_shared>>
      tpu.wait_indirect_dma semaphore(%arg30 : memref<!tpu.dma_semaphore, #tpu.memory_space<semaphore_mem>>) src(%dma_wait3A_58 : memref<128xf32, #tpu.memory_space<vmem>>) dst(%dma_wait3A_63 : memref<100000xf32, #tpu.memory_space<vmem_shared>>)
      %dma_wait3A_64 = arith.constant 1 : i32
      %dma_wait3A_65 = arith.constant 128 : i32
      %dma_wait3A_66 = tpu.memref_slice %arg23[%dma_wait3A_65] : memref<2048xf32, #tpu.memory_space<vmem>> -> memref<128xf32, #tpu.memory_space<vmem>>
      %dma_wait3A_67 = arith.constant 0 : i32
      %dma_wait3A_68 = tpu.memref_slice %arg25[%dma_wait3A_64, %dma_wait3A_67] : memref<16x128xi32, #tpu.memory_space<vmem>> -> memref<1x128xi32, #tpu.memory_space<vmem>>
      %dma_wait3A_69 = tpu.memref_squeeze %dma_wait3A_68 : memref<1x128xi32, #tpu.memory_space<vmem>> -> memref<128xi32, #tpu.memory_space<vmem>>
      %dma_wait3A_70 = arith.constant 0 : i32
      %dma_wait3A_71 = tpu.memref_slice %arg26[%dma_wait3A_70] : memref<100000xf32, #tpu.memory_space<vmem_shared>> -> memref<100000xf32, #tpu.memory_space<vmem_shared>>
      tpu.wait_indirect_dma semaphore(%arg30 : memref<!tpu.dma_semaphore, #tpu.memory_space<semaphore_mem>>) src(%dma_wait3A_66 : memref<128xf32, #tpu.memory_space<vmem>>) dst(%dma_wait3A_71 : memref<100000xf32, #tpu.memory_space<vmem_shared>>)
      %dma_wait3A_72 = arith.constant 2 : i32
      %dma_wait3A_73 = arith.constant 256 : i32
      %dma_wait3A_74 = tpu.memref_slice %arg23[%dma_wait3A_73] : memref<2048xf32, #tpu.memory_space<vmem>> -> memref<128xf32, #tpu.memory_space<vmem>>
      %dma_wait3A_75 = arith.constant 0 : i32
      %dma_wait3A_76 = tpu.memref_slice %arg25[%dma_wait3A_72, %dma_wait3A_75] : memref<16x128xi32, #tpu.memory_space<vmem>> -> memref<1x128xi32, #tpu.memory_space<vmem>>
      %dma_wait3A_77 = tpu.memref_squeeze %dma_wait3A_76 : memref<1x128xi32, #tpu.memory_space<vmem>> -> memref<128xi32, #tpu.memory_space<vmem>>
      %dma_wait3A_78 = arith.constant 0 : i32
      %dma_wait3A_79 = tpu.memref_slice %arg26[%dma_wait3A_78] : memref<100000xf32, #tpu.memory_space<vmem_shared>> -> memref<100000xf32, #tpu.memory_space<vmem_shared>>
      tpu.wait_indirect_dma semaphore(%arg30 : memref<!tpu.dma_semaphore, #tpu.memory_space<semaphore_mem>>) src(%dma_wait3A_74 : memref<128xf32, #tpu.memory_space<vmem>>) dst(%dma_wait3A_79 : memref<100000xf32, #tpu.memory_space<vmem_shared>>)
      %dma_wait3A_80 = arith.constant 3 : i32
      %dma_wait3A_81 = arith.constant 384 : i32
      %dma_wait3A_82 = tpu.memref_slice %arg23[%dma_wait3A_81] : memref<2048xf32, #tpu.memory_space<vmem>> -> memref<128xf32, #tpu.memory_space<vmem>>
      %dma_wait3A_83 = arith.constant 0 : i32
      %dma_wait3A_84 = tpu.memref_slice %arg25[%dma_wait3A_80, %dma_wait3A_83] : memref<16x128xi32, #tpu.memory_space<vmem>> -> memref<1x128xi32, #tpu.memory_space<vmem>>
      %dma_wait3A_85 = tpu.memref_squeeze %dma_wait3A_84 : memref<1x128xi32, #tpu.memory_space<vmem>> -> memref<128xi32, #tpu.memory_space<vmem>>
      %dma_wait3A_86 = arith.constant 0 : i32
      %dma_wait3A_87 = tpu.memref_slice %arg26[%dma_wait3A_86] : memref<100000xf32, #tpu.memory_space<vmem_shared>> -> memref<100000xf32, #tpu.memory_space<vmem_shared>>
      tpu.wait_indirect_dma semaphore(%arg30 : memref<!tpu.dma_semaphore, #tpu.memory_space<semaphore_mem>>) src(%dma_wait3A_82 : memref<128xf32, #tpu.memory_space<vmem>>) dst(%dma_wait3A_87 : memref<100000xf32, #tpu.memory_space<vmem_shared>>)
      %dma_wait3A_88 = arith.constant 4 : i32
      %dma_wait3A_89 = arith.constant 512 : i32
      %dma_wait3A_90 = tpu.memref_slice %arg23[%dma_wait3A_89] : memref<2048xf32, #tpu.memory_space<vmem>> -> memref<128xf32, #tpu.memory_space<vmem>>
      %dma_wait3A_91 = arith.constant 0 : i32
      %dma_wait3A_92 = tpu.memref_slice %arg25[%dma_wait3A_88, %dma_wait3A_91] : memref<16x128xi32, #tpu.memory_space<vmem>> -> memref<1x128xi32, #tpu.memory_space<vmem>>
      %dma_wait3A_93 = tpu.memref_squeeze %dma_wait3A_92 : memref<1x128xi32, #tpu.memory_space<vmem>> -> memref<128xi32, #tpu.memory_space<vmem>>
      %dma_wait3A_94 = arith.constant 0 : i32
      %dma_wait3A_95 = tpu.memref_slice %arg26[%dma_wait3A_94] : memref<100000xf32, #tpu.memory_space<vmem_shared>> -> memref<100000xf32, #tpu.memory_space<vmem_shared>>
      tpu.wait_indirect_dma semaphore(%arg30 : memref<!tpu.dma_semaphore, #tpu.memory_space<semaphore_mem>>) src(%dma_wait3A_90 : memref<128xf32, #tpu.memory_space<vmem>>) dst(%dma_wait3A_95 : memref<100000xf32, #tpu.memory_space<vmem_shared>>)
      %dma_wait3A_96 = arith.constant 5 : i32
      %dma_wait3A_97 = arith.constant 640 : i32
      %dma_wait3A_98 = tpu.memref_slice %arg23[%dma_wait3A_97] : memref<2048xf32, #tpu.memory_space<vmem>> -> memref<128xf32, #tpu.memory_space<vmem>>
      %dma_wait3A_99 = arith.constant 0 : i32
      %dma_wait3A_100 = tpu.memref_slice %arg25[%dma_wait3A_96, %dma_wait3A_99] : memref<16x128xi32, #tpu.memory_space<vmem>> -> memref<1x128xi32, #tpu.memory_space<vmem>>
      %dma_wait3A_101 = tpu.memref_squeeze %dma_wait3A_100 : memref<1x128xi32, #tpu.memory_space<vmem>> -> memref<128xi32, #tpu.memory_space<vmem>>
      %dma_wait3A_102 = arith.constant 0 : i32
      %dma_wait3A_103 = tpu.memref_slice %arg26[%dma_wait3A_102] : memref<100000xf32, #tpu.memory_space<vmem_shared>> -> memref<100000xf32, #tpu.memory_space<vmem_shared>>
      tpu.wait_indirect_dma semaphore(%arg30 : memref<!tpu.dma_semaphore, #tpu.memory_space<semaphore_mem>>) src(%dma_wait3A_98 : memref<128xf32, #tpu.memory_space<vmem>>) dst(%dma_wait3A_103 : memref<100000xf32, #tpu.memory_space<vmem_shared>>)
      %dma_wait3A_104 = arith.constant 6 : i32
      %dma_wait3A_105 = arith.constant 768 : i32
      %dma_wait3A_106 = tpu.memref_slice %arg23[%dma_wait3A_105] : memref<2048xf32, #tpu.memory_space<vmem>> -> memref<128xf32, #tpu.memory_space<vmem>>
      %dma_wait3A_107 = arith.constant 0 : i32
      %dma_wait3A_108 = tpu.memref_slice %arg25[%dma_wait3A_104, %dma_wait3A_107] : memref<16x128xi32, #tpu.memory_space<vmem>> -> memref<1x128xi32, #tpu.memory_space<vmem>>
      %dma_wait3A_109 = tpu.memref_squeeze %dma_wait3A_108 : memref<1x128xi32, #tpu.memory_space<vmem>> -> memref<128xi32, #tpu.memory_space<vmem>>
      %dma_wait3A_110 = arith.constant 0 : i32
      %dma_wait3A_111 = tpu.memref_slice %arg26[%dma_wait3A_110] : memref<100000xf32, #tpu.memory_space<vmem_shared>> -> memref<100000xf32, #tpu.memory_space<vmem_shared>>
      tpu.wait_indirect_dma semaphore(%arg30 : memref<!tpu.dma_semaphore, #tpu.memory_space<semaphore_mem>>) src(%dma_wait3A_106 : memref<128xf32, #tpu.memory_space<vmem>>) dst(%dma_wait3A_111 : memref<100000xf32, #tpu.memory_space<vmem_shared>>)
      %dma_wait3A_112 = arith.constant 7 : i32
      %dma_wait3A_113 = arith.constant 896 : i32
      %dma_wait3A_114 = tpu.memref_slice %arg23[%dma_wait3A_113] : memref<2048xf32, #tpu.memory_space<vmem>> -> memref<128xf32, #tpu.memory_space<vmem>>
      %dma_wait3A_115 = arith.constant 0 : i32
      %dma_wait3A_116 = tpu.memref_slice %arg25[%dma_wait3A_112, %dma_wait3A_115] : memref<16x128xi32, #tpu.memory_space<vmem>> -> memref<1x128xi32, #tpu.memory_space<vmem>>
      %dma_wait3A_117 = tpu.memref_squeeze %dma_wait3A_116 : memref<1x128xi32, #tpu.memory_space<vmem>> -> memref<128xi32, #tpu.memory_space<vmem>>
      %dma_wait3A_118 = arith.constant 0 : i32
      %dma_wait3A_119 = tpu.memref_slice %arg26[%dma_wait3A_118] : memref<100000xf32, #tpu.memory_space<vmem_shared>> -> memref<100000xf32, #tpu.memory_space<vmem_shared>>
      tpu.wait_indirect_dma semaphore(%arg30 : memref<!tpu.dma_semaphore, #tpu.memory_space<semaphore_mem>>) src(%dma_wait3A_114 : memref<128xf32, #tpu.memory_space<vmem>>) dst(%dma_wait3A_119 : memref<100000xf32, #tpu.memory_space<vmem_shared>>)
      %dma_wait3A_120 = arith.constant 8 : i32
      %dma_wait3A_121 = arith.constant 1024 : i32
      %dma_wait3A_122 = tpu.memref_slice %arg23[%dma_wait3A_121] : memref<2048xf32, #tpu.memory_space<vmem>> -> memref<128xf32, #tpu.memory_space<vmem>>
      %dma_wait3A_123 = arith.constant 0 : i32
      %dma_wait3A_124 = tpu.memref_slice %arg25[%dma_wait3A_120, %dma_wait3A_123] : memref<16x128xi32, #tpu.memory_space<vmem>> -> memref<1x128xi32, #tpu.memory_space<vmem>>
      %dma_wait3A_125 = tpu.memref_squeeze %dma_wait3A_124 : memref<1x128xi32, #tpu.memory_space<vmem>> -> memref<128xi32, #tpu.memory_space<vmem>>
      %dma_wait3A_126 = arith.constant 0 : i32
      %dma_wait3A_127 = tpu.memref_slice %arg26[%dma_wait3A_126] : memref<100000xf32, #tpu.memory_space<vmem_shared>> -> memref<100000xf32, #tpu.memory_space<vmem_shared>>
      tpu.wait_indirect_dma semaphore(%arg30 : memref<!tpu.dma_semaphore, #tpu.memory_space<semaphore_mem>>) src(%dma_wait3A_122 : memref<128xf32, #tpu.memory_space<vmem>>) dst(%dma_wait3A_127 : memref<100000xf32, #tpu.memory_space<vmem_shared>>)
      %dma_wait3A_128 = arith.constant 9 : i32
      %dma_wait3A_129 = arith.constant 1152 : i32
      %dma_wait3A_130 = tpu.memref_slice %arg23[%dma_wait3A_129] : memref<2048xf32, #tpu.memory_space<vmem>> -> memref<128xf32, #tpu.memory_space<vmem>>
      %dma_wait3A_131 = arith.constant 0 : i32
      %dma_wait3A_132 = tpu.memref_slice %arg25[%dma_wait3A_128, %dma_wait3A_131] : memref<16x128xi32, #tpu.memory_space<vmem>> -> memref<1x128xi32, #tpu.memory_space<vmem>>
      %dma_wait3A_133 = tpu.memref_squeeze %dma_wait3A_132 : memref<1x128xi32, #tpu.memory_space<vmem>> -> memref<128xi32, #tpu.memory_space<vmem>>
      %dma_wait3A_134 = arith.constant 0 : i32
      %dma_wait3A_135 = tpu.memref_slice %arg26[%dma_wait3A_134] : memref<100000xf32, #tpu.memory_space<vmem_shared>> -> memref<100000xf32, #tpu.memory_space<vmem_shared>>
      tpu.wait_indirect_dma semaphore(%arg30 : memref<!tpu.dma_semaphore, #tpu.memory_space<semaphore_mem>>) src(%dma_wait3A_130 : memref<128xf32, #tpu.memory_space<vmem>>) dst(%dma_wait3A_135 : memref<100000xf32, #tpu.memory_space<vmem_shared>>)
      %dma_wait3A_136 = arith.constant 10 : i32
      %dma_wait3A_137 = arith.constant 1280 : i32
      %dma_wait3A_138 = tpu.memref_slice %arg23[%dma_wait3A_137] : memref<2048xf32, #tpu.memory_space<vmem>> -> memref<128xf32, #tpu.memory_space<vmem>>
      %dma_wait3A_139 = arith.constant 0 : i32
      %dma_wait3A_140 = tpu.memref_slice %arg25[%dma_wait3A_136, %dma_wait3A_139] : memref<16x128xi32, #tpu.memory_space<vmem>> -> memref<1x128xi32, #tpu.memory_space<vmem>>
      %dma_wait3A_141 = tpu.memref_squeeze %dma_wait3A_140 : memref<1x128xi32, #tpu.memory_space<vmem>> -> memref<128xi32, #tpu.memory_space<vmem>>
      %dma_wait3A_142 = arith.constant 0 : i32
      %dma_wait3A_143 = tpu.memref_slice %arg26[%dma_wait3A_142] : memref<100000xf32, #tpu.memory_space<vmem_shared>> -> memref<100000xf32, #tpu.memory_space<vmem_shared>>
      tpu.wait_indirect_dma semaphore(%arg30 : memref<!tpu.dma_semaphore, #tpu.memory_space<semaphore_mem>>) src(%dma_wait3A_138 : memref<128xf32, #tpu.memory_space<vmem>>) dst(%dma_wait3A_143 : memref<100000xf32, #tpu.memory_space<vmem_shared>>)
      %dma_wait3A_144 = arith.constant 11 : i32
      %dma_wait3A_145 = arith.constant 1408 : i32
      %dma_wait3A_146 = tpu.memref_slice %arg23[%dma_wait3A_145] : memref<2048xf32, #tpu.memory_space<vmem>> -> memref<128xf32, #tpu.memory_space<vmem>>
      %dma_wait3A_147 = arith.constant 0 : i32
      %dma_wait3A_148 = tpu.memref_slice %arg25[%dma_wait3A_144, %dma_wait3A_147] : memref<16x128xi32, #tpu.memory_space<vmem>> -> memref<1x128xi32, #tpu.memory_space<vmem>>
      %dma_wait3A_149 = tpu.memref_squeeze %dma_wait3A_148 : memref<1x128xi32, #tpu.memory_space<vmem>> -> memref<128xi32, #tpu.memory_space<vmem>>
      %dma_wait3A_150 = arith.constant 0 : i32
      %dma_wait3A_151 = tpu.memref_slice %arg26[%dma_wait3A_150] : memref<100000xf32, #tpu.memory_space<vmem_shared>> -> memref<100000xf32, #tpu.memory_space<vmem_shared>>
      tpu.wait_indirect_dma semaphore(%arg30 : memref<!tpu.dma_semaphore, #tpu.memory_space<semaphore_mem>>) src(%dma_wait3A_146 : memref<128xf32, #tpu.memory_space<vmem>>) dst(%dma_wait3A_151 : memref<100000xf32, #tpu.memory_space<vmem_shared>>)
      %dma_wait3A_152 = arith.constant 12 : i32
      %dma_wait3A_153 = arith.constant 1536 : i32
      %dma_wait3A_154 = tpu.memref_slice %arg23[%dma_wait3A_153] : memref<2048xf32, #tpu.memory_space<vmem>> -> memref<128xf32, #tpu.memory_space<vmem>>
      %dma_wait3A_155 = arith.constant 0 : i32
      %dma_wait3A_156 = tpu.memref_slice %arg25[%dma_wait3A_152, %dma_wait3A_155] : memref<16x128xi32, #tpu.memory_space<vmem>> -> memref<1x128xi32, #tpu.memory_space<vmem>>
      %dma_wait3A_157 = tpu.memref_squeeze %dma_wait3A_156 : memref<1x128xi32, #tpu.memory_space<vmem>> -> memref<128xi32, #tpu.memory_space<vmem>>
      %dma_wait3A_158 = arith.constant 0 : i32
      %dma_wait3A_159 = tpu.memref_slice %arg26[%dma_wait3A_158] : memref<100000xf32, #tpu.memory_space<vmem_shared>> -> memref<100000xf32, #tpu.memory_space<vmem_shared>>
      tpu.wait_indirect_dma semaphore(%arg30 : memref<!tpu.dma_semaphore, #tpu.memory_space<semaphore_mem>>) src(%dma_wait3A_154 : memref<128xf32, #tpu.memory_space<vmem>>) dst(%dma_wait3A_159 : memref<100000xf32, #tpu.memory_space<vmem_shared>>)
      %dma_wait3A_160 = arith.constant 13 : i32
      %dma_wait3A_161 = arith.constant 1664 : i32
      %dma_wait3A_162 = tpu.memref_slice %arg23[%dma_wait3A_161] : memref<2048xf32, #tpu.memory_space<vmem>> -> memref<128xf32, #tpu.memory_space<vmem>>
      %dma_wait3A_163 = arith.constant 0 : i32
      %dma_wait3A_164 = tpu.memref_slice %arg25[%dma_wait3A_160, %dma_wait3A_163] : memref<16x128xi32, #tpu.memory_space<vmem>> -> memref<1x128xi32, #tpu.memory_space<vmem>>
      %dma_wait3A_165 = tpu.memref_squeeze %dma_wait3A_164 : memref<1x128xi32, #tpu.memory_space<vmem>> -> memref<128xi32, #tpu.memory_space<vmem>>
      %dma_wait3A_166 = arith.constant 0 : i32
      %dma_wait3A_167 = tpu.memref_slice %arg26[%dma_wait3A_166] : memref<100000xf32, #tpu.memory_space<vmem_shared>> -> memref<100000xf32, #tpu.memory_space<vmem_shared>>
      tpu.wait_indirect_dma semaphore(%arg30 : memref<!tpu.dma_semaphore, #tpu.memory_space<semaphore_mem>>) src(%dma_wait3A_162 : memref<128xf32, #tpu.memory_space<vmem>>) dst(%dma_wait3A_167 : memref<100000xf32, #tpu.memory_space<vmem_shared>>)
      %dma_wait3A_168 = arith.constant 14 : i32
      %dma_wait3A_169 = arith.constant 1792 : i32
      %dma_wait3A_170 = tpu.memref_slice %arg23[%dma_wait3A_169] : memref<2048xf32, #tpu.memory_space<vmem>> -> memref<128xf32, #tpu.memory_space<vmem>>
      %dma_wait3A_171 = arith.constant 0 : i32
      %dma_wait3A_172 = tpu.memref_slice %arg25[%dma_wait3A_168, %dma_wait3A_171] : memref<16x128xi32, #tpu.memory_space<vmem>> -> memref<1x128xi32, #tpu.memory_space<vmem>>
      %dma_wait3A_173 = tpu.memref_squeeze %dma_wait3A_172 : memref<1x128xi32, #tpu.memory_space<vmem>> -> memref<128xi32, #tpu.memory_space<vmem>>
      %dma_wait3A_174 = arith.constant 0 : i32
      %dma_wait3A_175 = tpu.memref_slice %arg26[%dma_wait3A_174] : memref<100000xf32, #tpu.memory_space<vmem_shared>> -> memref<100000xf32, #tpu.memory_space<vmem_shared>>
      tpu.wait_indirect_dma semaphore(%arg30 : memref<!tpu.dma_semaphore, #tpu.memory_space<semaphore_mem>>) src(%dma_wait3A_170 : memref<128xf32, #tpu.memory_space<vmem>>) dst(%dma_wait3A_175 : memref<100000xf32, #tpu.memory_space<vmem_shared>>)
      %dma_wait3A_176 = arith.constant 15 : i32
      %dma_wait3A_177 = arith.constant 1920 : i32
      %dma_wait3A_178 = tpu.memref_slice %arg23[%dma_wait3A_177] : memref<2048xf32, #tpu.memory_space<vmem>> -> memref<128xf32, #tpu.memory_space<vmem>>
      %dma_wait3A_179 = arith.constant 0 : i32
      %dma_wait3A_180 = tpu.memref_slice %arg25[%dma_wait3A_176, %dma_wait3A_179] : memref<16x128xi32, #tpu.memory_space<vmem>> -> memref<1x128xi32, #tpu.memory_space<vmem>>
      %dma_wait3A_181 = tpu.memref_squeeze %dma_wait3A_180 : memref<1x128xi32, #tpu.memory_space<vmem>> -> memref<128xi32, #tpu.memory_space<vmem>>
      %dma_wait3A_182 = arith.constant 0 : i32
      %dma_wait3A_183 = tpu.memref_slice %arg26[%dma_wait3A_182] : memref<100000xf32, #tpu.memory_space<vmem_shared>> -> memref<100000xf32, #tpu.memory_space<vmem_shared>>
      tpu.wait_indirect_dma semaphore(%arg30 : memref<!tpu.dma_semaphore, #tpu.memory_space<semaphore_mem>>) src(%dma_wait3A_178 : memref<128xf32, #tpu.memory_space<vmem>>) dst(%dma_wait3A_183 : memref<100000xf32, #tpu.memory_space<vmem_shared>>)
    } else {
    }
    %barrier3A_51 = arith.constant 0 : index
    tpu.barrier barrier_id(%barrier3A_51)
    %eq3A_52 = arith.constant 0 : i32
    %eq3A_53 = arith.cmpi eq, %arg1, %eq3A_52 : i32
    %convert_element_type3A_54 = arith.extui %eq3A_53 : i1 to i32
    %cond3A_55 = arith.constant 0 : i32
    %cond3A_56 = arith.cmpi ne, %convert_element_type3A_54, %cond3A_55 : i32
    scf.if %cond3A_56 {
      "tpu.region"() ({
        %run_scoped3A = tpu.sem_alloc : memref<!tpu.dma_semaphore, #tpu.memory_space<semaphore_mem>>
        %dma_start3A = arith.constant 0 : i32
        %dma_start3A_57 = tpu.memref_slice %arg10[%arg0, %dma_start3A] : memref<2x100000xf32, #tpu.memory_space<hbm>> -> memref<1x100000xf32, #tpu.memory_space<hbm>>
        %dma_start3A_58 = tpu.memref_squeeze %dma_start3A_57 : memref<1x100000xf32, #tpu.memory_space<hbm>> -> memref<100000xf32, #tpu.memory_space<hbm>>
        tpu.enqueue_dma source(%arg26 : memref<100000xf32, #tpu.memory_space<vmem_shared>>) target(%dma_start3A_58 : memref<100000xf32, #tpu.memory_space<hbm>>) target_semaphore(%run_scoped3A : memref<!tpu.dma_semaphore, #tpu.memory_space<semaphore_mem>>)
        %dma_wait3A = arith.constant 0 : i32
        %dma_wait3A_59 = tpu.memref_slice %arg10[%arg0, %dma_wait3A] : memref<2x100000xf32, #tpu.memory_space<hbm>> -> memref<1x100000xf32, #tpu.memory_space<hbm>>
        %dma_wait3A_60 = tpu.memref_squeeze %dma_wait3A_59 : memref<1x100000xf32, #tpu.memory_space<hbm>> -> memref<100000xf32, #tpu.memory_space<hbm>>
        tpu.wait_dma2 semaphore(%run_scoped3A : memref<!tpu.dma_semaphore, #tpu.memory_space<semaphore_mem>>) src(%arg26 : memref<100000xf32, #tpu.memory_space<vmem_shared>>) dst(%dma_wait3A_60 : memref<100000xf32, #tpu.memory_space<hbm>>)
        tpu.yield
      }) : () -> ()
    } else {
    }
    return
  }
}

</mosaic_0001>

<sc_bundles>
// kernel: kernel.3.cloned.1.call-start
scs
__scs_entry_jumppad:
0x0: {  	(pc) =	sbr.rel $0x88, $3  }
0x1: {  	(tag) =	ssettag $0x0;
	lr =	simm.s32 $0x1  }
0x2: {  	[smem:$0x3F9A] =	sst lr;
	_ =	strace $0xD0000000  }
0x3: {  	_ = 	snop  }
0x4: {  	_ = 	snop  }
0x5: {  	_ = 	snop  }
0x6: {  	_ = 	snop  }
0x7: {  	_ = 	snop  }
__scs_overlays_trampoline_lowered:
0x8: {  	[smem:$0x3FA9] =	sst s0  }
0x9: {  	[smem:$0x3FAA] =	sst s1  }
0xa: {  	[smem:$0x3FAB] =	sst s2  }
0xb: {  	[smem:$0x3FAC] =	sst s3  }
0xc: {  	[smem:$0x3FAD] =	sst s4  }
0xd: {  	[smem:$0x3FAE] =	sst s5  }
0xe: {  	[smem:$0x3FAF] =	sst s6  }
0xf: {  	[smem:$0x3FB0] =	sst s7  }
0x10: {  	[smem:$0x3FB1] =	sst s8  }
0x11: {  	[smem:$0x3FB2] =	sst s9;
	s0 =	simm.s32 @!p0 $0x0  }
0x12: {  	s1 =	sld [smem:$0x3F98];
	s0 =	simm.s32 @p0 $0x1  }
0x13: {  	[smem:$0x3FB3] =	sst s0;
	s0 =	simm.s32 @!p1 $0x0  }
0x14: {  	s2 =	sld [smem:$0x3F97];
	s0 =	simm.s32 @p1 $0x1  }
0x15: {  	[smem:$0x3FB4] =	sst s0;
	s0 =	simm.s32 @!p2 $0x0  }
0x16: {  	s3 =	sld [smem:$0x3FDB];
	s0 =	simm.s32 @p2 $0x1  }
0x17: {  	s4 =	simm.s32 $0x1BF5;
	[smem:$0x3FB6] =	sst s0  }
0x18: {  	s0 =	sld [smem:$0x3F99];
	_ =	swait.ge [sflag:s4], $0x0  }
0x19: {  	s7 =	sld [smem:$0x3F9A]  }
0x1a: {  	s8 =	sadd.s32 $0xFFFFE003, lr  }
0x1b: {  	s9 =	sadd.s32 $0xFFFFFEF7, lr;
	s5 =	simm.s32 $0xFFFFFFFF;
	p2 =	slt.u32 s8, $0xFFFFF086  }
0x1c: {  	p1 =	slt.u32 s9, $0xF7A;
	s5 =	simm.s32 @!p2 $0x0  }
0x1d: {  	s5 =	simm.s32 @p1 $0x1;
	p0 =	seq.s32 s7, s2  }
0x1e: {  	s7 =	smul.u32 @!p0 $0xF7A, s2;
	p2 =	seq.s32 @!p0 s5, $0x0  }
0x1f: {  	s9 =	smul.u32 $0xF7A, s1;
	s8 =	simm.s32 @!p0 $0x1BF5;
	p2 =	por !p2, p0  }
0x20: {  	[sflag:s8] =	ssyncset.s32 @!p0 $0xFFFFF086;
	s6 =	sadd.s32 @!p0 s3, s7;
	s7 =	simm.s32 @!p0 $0x108  }
0x21: {  	s3 =	sadd.s32 s3, s9;
	s6 =	sadd.s32 @!p0 $0x88, s6;
	s7 =	simm.s32 @p2 $0x1082  }
0x22: {  	[simem:s7], [sflag:s8] =	dma.local @!p0 [hbm:s6], $0xF7A  }
0x23: {  	s9 =	sor.u32 $0xD0000000, s2;
	s6 =	simm.s32 $0x108;
	_ =	swait.ge @!p0 [sflag:s8], $0x0  }
0x24: {  	s3 =	sadd.s32 $0x88, s3;
	s6 =	simm.s32 @!p1 $0x1082;
	[sflag:s4] =	ssyncset.s32 $0xFFFFF086  }
0x25: {  	[simem:s6], [sflag:s4] =	dma.local [hbm:s3], $0xF7A  }
0x26: {  	[smem:$0x3F9A] =	sst s1;
	(tag) =	ssettag s2;
	_ =	strace s9  }
0x27: {  	s1 =	sld [smem:$0x3FAA]  }
0x28: {  	s2 =	sld [smem:$0x3FAB]  }
0x29: {  	s4 =	sld [smem:$0x3FAD]  }
0x2a: {  	p0 =	seq.s32 s5, $0x0;
	s5 =	sld [smem:$0x3FAE]  }
0x2b: {  	s6 =	sld [smem:$0x3FAF]  }
0x2c: {  	s7 =	sld [smem:$0x3FB0]  }
0x2d: {  	s3 =	simm.s32 $0x108;
	s8 =	sld [smem:$0x3FB1]  }
0x2e: {  	s3 =	simm.s32 @!p0 $0x1082;
	s9 =	sld [smem:$0x3FB2]  }
0x2f: {  	lr =	sadd.s32 s0, s3;
	s0 =	sld [smem:$0x3FA9]  }
0x30: {  	s3 =	sld [smem:$0x3FAC]  }
0x31: {  	[smem:$0x3FB5] =	sst s10  }
0x32: {  	s10 =	sld [smem:$0x3FB3];
	_ =	sdelay $0x3  }
0x33: {  	p0 =	seq.s32 s10, $0x1;
	s10 =	sld [smem:$0x3FB5];
	_ =	sdelay $0x3  }
0x34: {  	[smem:$0x3FB5] =	sst s10  }
0x35: {  	s10 =	sld [smem:$0x3FB4];
	_ =	sdelay $0x3  }
0x36: {  	p1 =	seq.s32 s10, $0x1;
	s10 =	sld [smem:$0x3FB5];
	_ =	sdelay $0x3  }
0x37: {  	[smem:$0x3FB5] =	sst s10  }
0x38: {  	s10 =	sld [smem:$0x3FB6]  }
0x39: {  	_ = 	snop;
	(pc) =	sbr.ind lr, $3  }
0x3a: {  	_ = 	snop  }
0x3b: {  	_ = 	snop  }
0x3c: {  	p2 =	seq.s32 s10, $0x1;
	s10 =	sld [smem:$0x3FB5]  }
0x3d: {  	_ =	shalt  }
0x3e: {  	_ =	shalt  }
0x3f: {  	_ =	shalt  }
0x40: {  	_ =	shalt  }
0x41: {  	_ =	shalt  }
0x42: {  	_ =	shalt  }
0x43: {  	_ =	shalt  }
0x44: {  	_ =	shalt  }
0x45: {  	_ =	shalt  }
0x46: {  	_ =	shalt  }
0x47: {  	_ =	shalt  }
0x48: {  	_ =	shalt  }
0x49: {  	_ =	shalt  }
0x4a: {  	_ =	shalt  }
0x4b: {  	_ =	shalt  }
0x4c: {  	_ =	shalt  }
0x4d: {  	_ =	shalt  }
0x4e: {  	_ =	shalt  }
0x4f: {  	_ =	shalt  }
0x50: {  	_ =	shalt  }
0x51: {  	_ =	shalt  }
0x52: {  	_ =	shalt  }
0x53: {  	_ =	shalt  }
0x54: {  	_ =	shalt  }
0x55: {  	_ =	shalt  }
0x56: {  	_ =	shalt  }
0x57: {  	_ =	shalt  }
0x58: {  	_ =	shalt  }
0x59: {  	_ =	shalt  }
0x5a: {  	_ =	shalt  }
0x5b: {  	_ =	shalt  }
0x5c: {  	_ =	shalt  }
0x5d: {  	_ =	shalt  }
0x5e: {  	_ =	shalt  }
0x5f: {  	_ =	shalt  }
0x60: {  	_ =	shalt  }
0x61: {  	_ =	shalt  }
0x62: {  	_ =	shalt  }
0x63: {  	_ =	shalt  }
0x64: {  	_ =	shalt  }
0x65: {  	_ =	shalt  }
0x66: {  	_ =	shalt  }
0x67: {  	_ =	shalt  }
0x68: {  	_ =	shalt  }
0x69: {  	_ =	shalt  }
0x6a: {  	_ =	shalt  }
0x6b: {  	_ =	shalt  }
0x6c: {  	_ =	shalt  }
0x6d: {  	_ =	shalt  }
0x6e: {  	_ =	shalt  }
0x6f: {  	_ =	shalt  }
0x70: {  	_ =	shalt  }
0x71: {  	_ =	shalt  }
0x72: {  	_ =	shalt  }
0x73: {  	_ =	shalt  }
0x74: {  	_ =	shalt  }
0x75: {  	_ =	shalt  }
0x76: {  	_ =	shalt  }
0x77: {  	_ =	shalt  }
0x78: {  	_ =	shalt  }
0x79: {  	_ =	shalt  }
0x7a: {  	_ =	shalt  }
0x7b: {  	_ =	shalt  }
0x7c: {  	_ =	shalt  }
0x7d: {  	_ =	shalt  }
0x7e: {  	_ =	shalt  }
0x7f: {  	_ =	shalt  }
0x80: {  	_ =	shalt  }
0x81: {  	_ =	shalt  }
0x82: {  	_ =	shalt  }
0x83: {  	_ =	shalt  }
0x84: {  	_ =	shalt  }
0x85: {  	_ =	shalt  }
0x86: {  	_ =	shalt  }
0x87: {  	_ =	shalt  }
.Lfunc_end0:
.L_simem_size_0:
called_computation_lowered:
.L_overlay_start_0:
0x88: {  	s2 =	sld [smem:$0x3FD9]  }
0x89: {  	s3 =	sld [smem:$0x3FFE];
	_ =	sdelay $0x1  }
0x8a: {  	s1 =	srdreg.scid  }
0x8b: {  	s0 =	sand.u32 $0x1, s1  }
0x8c: {  	s17 =	sshll.u32 s0, $0xA;
	s2 =	sadd.s32 s3, s2  }
0x8d: {  	s2 =	sadd.s32 s2, s17  }
0x8e: {  	[smem:$0x3FC1] =	sst s2  }
0x8f: {  	_ = 	snop  }
0x90: {  	s2 =	sld [smem:$0x3FC8]  }
0x91: {  	s18 =	sld [smem:$0x3FC7]  }
0x92: {  	s4 =	sld [smem:$0x3FC6]  }
0x93: {  	s5 =	sld [smem:$0x3FC5]  }
0x94: {  	s6 =	sld [smem:$0x3FD0];
	(tm) =	ssettm $0x1  }
0x95: {  	s7 =	sld [smem:$0x3FFB];
	_ =	sdelay $0x3  }
0x96: {  	_ =	strace s7  }
0x97: {  	s7 =	sld [smem:$0x3FFC];
	_ =	sdelay $0x3  }
0x98: {  	_ =	strace s7  }
0x99: {  	s7 =	sld [smem:$0x3FFD];
	_ =	sdelay $0x3  }
0x9a: {  	_ =	strace s7  }
0x9b: {  	_ =	strace $0x8FFFFFFF  }
0x9c: {  	s19 =	sld [smem:$0x3FDB];
	_ =	sdelay $0x1  }
0x9d: {  	s8 =	simm.s32 $_scs_section_size  }
0x9e: {  	s9 =	simm.s32 $_size__tile_overlayer_lowered;
	s10 =	simm.s32 $_tile_overlayer_lowered  }
0x9f: {  	s22 =	simm.s32 $0x1BFF;
	s21 =	sshll.u32 s10, $0x1;
	s7 =	sadd.s32 s8, s19  }
0xa0: {  	s11 =	simm.s32 $0x0;
	s20 =	sshll.u32 s9, $0x1;
	s9 =	sadd.s32 s21, s7  }
0xa1: {  	[timem:s11], [sflag:s22] =	dma.local [hbm:s9], s20  }
0xa2: {  	_ =	swait.ge [sflag:s22], s20  }
0xa3: {  	s8 =	ssub.s32 $0x0, s20;
	[sflag:s22] =	ssyncset.done $0x0  }
0xa4: {  	[sflag:s22] =	ssyncadd.s32 s8;
	_ =	sdelay $0x1  }
0xa5: {  	s23 =	simm.s32 $0x1B8B  }
0xa6: {  	_ =	swait.ge [sflag:s23], $0x1  }
0xa7: {  	[sflag:s23] =	ssyncset.done $0x0  }
0xa8: {  	s25 =	simm.s32 $0x1B8E;
	s24 =	sld [smem:$0x3FFE];
	[sflag:s23] =	ssyncadd.s32 $0xFFFFFFFF  }
0xa9: {  	s26 =	simm.s32 $execute0_lowered;
	[smem:$0x3FD2] =	sst s25  }
0xaa: {  	s9 =	sshll.u32 s26, $0x1;
	_ =	strace $0x80000046;
	[dreg:$0x1] =	wrdreg $0xFFFFFFFF  }
0xab: {  	s28 =	simm.s32 $_size_execute0_lowered;
	s7 =	sadd.s32 s7, s9;
	[dreg:$0x0] =	wrdreg $0x0  }
0xac: {  	s9 =	sshll.u32 s28, $0x1;
	[dreg:$0x2] =	wrdreg s7  }
0xad: {  	[dreg:$0x3] =	wrdreg s9  }
0xae: {  	[dreg:$0x4] =	wrdreg $0xC0  }
0xaf: {  	_ =	task [dreg:s11], $0x5FFFF  }
0xb0: {  	[dreg:$0x1] =	wrdreg $0xFFFFFFFF  }
0xb1: {  	[dreg:$0x0] =	wrdreg $0x60  }
0xb2: {  	[dreg:$0x2] =	wrdreg s24  }
0xb3: {  	[dreg:$0x3] =	wrdreg s2  }
0xb4: {  	[dreg:$0x4] =	wrdreg s18  }
0xb5: {  	[dreg:$0x5] =	wrdreg s4  }
0xb6: {  	[dreg:$0x6] =	wrdreg s5  }
0xb7: {  	[dreg:$0x7] =	wrdreg s6  }
0xb8: {  	[dreg:$0x8] =	wrdreg $0x18D000  }
0xb9: {  	[dreg:$0x9] =	wrdreg $0x9  }
0xba: {  	_ =	task.clear_ibuf [dreg:s11], $0xAFFFF;
	_ =	strace $0x90000046  }
0xbb: {  	s29 =	simm.s32 $0x9;
	_ =	strace $0x80000048  }
0xbc: {  	_ =	swait.ge [sflag:s29], $0x1  }
0xbd: {  	[sflag:s29] =	ssyncadd.s32 $0xFFFFFFFF  }
0xbe: {  	_ =	strace $0x90000048  }
0xbf: {  	_ =	sfence  }
0xc0: {  	s30 =	sld [smem:$0x0];
	_ =	sdelay $0x2  }
0xc1: {  	s31 =	sshll.u32 s1, $0xD;
	s1 =	sshrl.u32 s1, $0x2  }
0xc2: {  	s3 =	sand.u32 $0x4000, s31;
	s1 =	sadd.s32 s1, s30  }
0xc3: {  	s0 =	sor.u32 s3, s0;
	s1 =	sshll.u32 s1, $0x11  }
0xc4: {  	s0 =	sor.u32 s1, s0  }
0xc5: {  	s0 =	sadd.s32 $0x8F2B, s0  }
0xc6: {  	[sflag:s0] =	ssyncadd.remote.s32 $0x1  }
0xc7: {  	_ =	sfence.sel $0xFFFF  }
0xc8: {  	[dreg:$0x0] =	wrdreg $0xFFFFFFFF;
	(pc) =	sbr.abs _section_cstart, $3  }
0xc9: {  	[dreg:$0x1] =	wrdreg $0xFFFFFFFF  }
0xca: {  	_ =	task.clear_ibuf [dreg:s11], $0x2FFFF;
	_ =	strace $0x9FFFFFFF  }
0xcb: {  	(tm) =	ssettm $0x7FFFFFFF  }
tec
execute0_lowered:
.L_overlay_start_1:
0x0: {  	(tag) =	ssettag $0x1  }
0x1: {  	s12 =	rddreg [dreg:$0x0]  }
0x2: {  	s1 =	rddreg [dreg:$0x1]  }
0x3: {  	s3 =	rddreg [dreg:$0x2]  }
0x4: {  	s4 =	rddreg [dreg:$0x3]  }
0x5: {  	s5 =	rddreg [dreg:$0x4]  }
0x6: {  	s7 =	rddreg [dreg:$0x6];
	s8 =	simm.s32 $0x0  }
0x7: {  	s0 =	srdreg.scid;
	s2 =	stileid.u32;
	s20 =	simm.s32 $0x6200  }
0x8: {  	s21 =	simm.s32 $0xC780;
	s28 =	simm.s32 $0x1;
	s29 =	simm.s32 $0x80  }
0x9: {  	s14 =	simm.s32 $0x17480;
	s15 =	simm.s32 $0x2;
	[smem:$0x7FF] =	sst s8  }
0xa: {  	s0 =	sand.u32 $0x1, s0;
	s6 =	sshll.u32 s2, $0x1;
	s9 =	sadd.s32 $0x1C00, s12  }
0xb: {  	s22 =	sadd.s32 $0xE00, s12;
	_ =	strace $0x80000047;
	[dreg:$0x8] =	wrdreg s9  }
0xc: {  	s6 =	sor.u32 s0, s6;
	[dreg:$0x9] =	wrdreg s22;
	s10 =	sshll.u32 s0, $0x4  }
0xd: {  	s0 =	ssub.s32 $0x2, s0;
	s23 =	smul.u32 $0x61, s6;
	s11 =	smin.u32 s6, $0x15  }
0xe: {  	s10 =	sadd.s32 s10, s12;
	s13 =	sshrl.u32 s0, $0x1;
	p0 =	slt.u32 s6, $0x15  }
0xf: {  	s0 =	ssub.s32 s0, s13;
	s31 =	sadd.s32 $0x2A00, s10;
	s11 =	sadd.s32 s11, s23  }
0x10: {  	[dreg:$0xe] =	wrdreg s31;
	s0 =	smax.u32 s0, $0x1;
	s24 =	sshll.u32 s11, $0x8  }
0x11: {  	s12 =	simm.s32 $0x62;
	[dreg:$0xf] =	wrdreg s0;
	s25 =	sadd.s32 s1, s24  }
.Ltmp0:
0x12: {  	s26 =	sadd.s32 s3, s24;
	[dreg:$0xa] =	wrdreg s25;
	(pc) =	sbr.rel .LBB2_1-.Ltmp0, $4  }
0x13: {  	s12 =	simm.s32 @!p0 $0x61;
	s30 =	sadd.s32 s4, s24;
	[dreg:$0xb] =	wrdreg s26  }
0x14: {  	p0 =	sne.s32 s2, $0x0;
	s6 =	sadd.s32 s5, s24;
	[dreg:$0xc] =	wrdreg s30  }
0x15: {  	s16 =	simm.s32 $0x3;
	[dreg:$0xd] =	wrdreg s6;
	s6 =	sshrl.u32 @!p0 s7, $0x3  }
0x16: {  	s17 =	simm.s32 $0x4;
	s9 =	simm.s32 $0x0;
	[dreg:$0x10] =	wrdreg s6  }
.LBB2_9:
0x17: {  	_ =	swait.ge [sflag:s16], $0x80  }
0x18: {  	[sflag:s16] =	ssyncset.done $0x0  }
0x19: {  	[sflag:s16] =	ssyncadd.s32 $0xFFFFFF80  }
0x1a: {  	_ =	swait.ge [sflag:s16], $0x80  }
0x1b: {  	[sflag:s16] =	ssyncset.done $0x0  }
0x1c: {  	[sflag:s16] =	ssyncadd.s32 $0xFFFFFF80  }
0x1d: {  	_ =	swait.ge [sflag:s16], $0x80  }
0x1e: {  	[sflag:s16] =	ssyncset.done $0x0  }
0x1f: {  	[sflag:s16] =	ssyncadd.s32 $0xFFFFFF80  }
0x20: {  	_ =	swait.ge [sflag:s16], $0x80  }
0x21: {  	[sflag:s16] =	ssyncset.done $0x0  }
0x22: {  	[sflag:s16] =	ssyncadd.s32 $0xFFFFFF80  }
0x23: {  	_ =	swait.ge [sflag:s16], $0x80  }
0x24: {  	[sflag:s16] =	ssyncset.done $0x0  }
0x25: {  	[sflag:s16] =	ssyncadd.s32 $0xFFFFFF80  }
0x26: {  	_ =	swait.ge [sflag:s16], $0x80  }
0x27: {  	[sflag:s16] =	ssyncset.done $0x0  }
0x28: {  	[sflag:s16] =	ssyncadd.s32 $0xFFFFFF80  }
0x29: {  	_ =	swait.ge [sflag:s16], $0x80  }
0x2a: {  	[sflag:s16] =	ssyncset.done $0x0  }
0x2b: {  	[sflag:s16] =	ssyncadd.s32 $0xFFFFFF80  }
0x2c: {  	_ =	swait.ge [sflag:s16], $0x80  }
0x2d: {  	[sflag:s16] =	ssyncset.done $0x0  }
0x2e: {  	[sflag:s16] =	ssyncadd.s32 $0xFFFFFF80  }
0x2f: {  	_ =	swait.ge [sflag:s16], $0x80  }
0x30: {  	[sflag:s16] =	ssyncset.done $0x0  }
0x31: {  	[sflag:s16] =	ssyncadd.s32 $0xFFFFFF80  }
0x32: {  	_ =	swait.ge [sflag:s16], $0x80  }
0x33: {  	[sflag:s16] =	ssyncset.done $0x0  }
0x34: {  	[sflag:s16] =	ssyncadd.s32 $0xFFFFFF80  }
0x35: {  	_ =	swait.ge [sflag:s16], $0x80  }
0x36: {  	[sflag:s16] =	ssyncset.done $0x0  }
0x37: {  	[sflag:s16] =	ssyncadd.s32 $0xFFFFFF80  }
0x38: {  	_ =	swait.ge [sflag:s16], $0x80  }
0x39: {  	[sflag:s16] =	ssyncset.done $0x0  }
0x3a: {  	[sflag:s16] =	ssyncadd.s32 $0xFFFFFF80  }
0x3b: {  	_ =	swait.ge [sflag:s16], $0x80  }
0x3c: {  	[sflag:s16] =	ssyncset.done $0x0  }
0x3d: {  	[sflag:s16] =	ssyncadd.s32 $0xFFFFFF80  }
0x3e: {  	_ =	swait.ge [sflag:s16], $0x80  }
0x3f: {  	[sflag:s16] =	ssyncset.done $0x0  }
0x40: {  	[sflag:s16] =	ssyncadd.s32 $0xFFFFFF80  }
0x41: {  	_ =	swait.ge [sflag:s16], $0x80  }
0x42: {  	[sflag:s16] =	ssyncset.done $0x0  }
0x43: {  	[sflag:s16] =	ssyncadd.s32 $0xFFFFFF80  }
0x44: {  	_ =	swait.ge [sflag:s16], $0x80  }
0x45: {  	[sflag:s16] =	ssyncset.done $0x0  }
0x46: {  	[sflag:s16] =	ssyncadd.s32 $0xFFFFFF80  }
0x47: {  	_ =	swait.ge [sflag:s17], $0x80  }
0x48: {  	[sflag:s17] =	ssyncset.done $0x0  }
0x49: {  	[sflag:s17] =	ssyncadd.s32 $0xFFFFFF80  }
0x4a: {  	_ =	swait.ge [sflag:s17], $0x80  }
0x4b: {  	[sflag:s17] =	ssyncset.done $0x0  }
0x4c: {  	[sflag:s17] =	ssyncadd.s32 $0xFFFFFF80  }
0x4d: {  	_ =	swait.ge [sflag:s17], $0x80  }
0x4e: {  	[sflag:s17] =	ssyncset.done $0x0  }
0x4f: {  	[sflag:s17] =	ssyncadd.s32 $0xFFFFFF80  }
0x50: {  	_ =	swait.ge [sflag:s17], $0x80  }
0x51: {  	[sflag:s17] =	ssyncset.done $0x0  }
0x52: {  	[sflag:s17] =	ssyncadd.s32 $0xFFFFFF80  }
0x53: {  	_ =	swait.ge [sflag:s17], $0x80  }
0x54: {  	[sflag:s17] =	ssyncset.done $0x0  }
0x55: {  	[sflag:s17] =	ssyncadd.s32 $0xFFFFFF80  }
0x56: {  	_ =	swait.ge [sflag:s17], $0x80  }
0x57: {  	[sflag:s17] =	ssyncset.done $0x0  }
0x58: {  	[sflag:s17] =	ssyncadd.s32 $0xFFFFFF80  }
0x59: {  	_ =	swait.ge [sflag:s17], $0x80  }
0x5a: {  	[sflag:s17] =	ssyncset.done $0x0  }
0x5b: {  	[sflag:s17] =	ssyncadd.s32 $0xFFFFFF80  }
0x5c: {  	_ =	swait.ge [sflag:s17], $0x80  }
0x5d: {  	[sflag:s17] =	ssyncset.done $0x0  }
0x5e: {  	[sflag:s17] =	ssyncadd.s32 $0xFFFFFF80  }
0x5f: {  	_ =	swait.ge [sflag:s17], $0x80  }
0x60: {  	[sflag:s17] =	ssyncset.done $0x0  }
0x61: {  	[sflag:s17] =	ssyncadd.s32 $0xFFFFFF80  }
0x62: {  	_ =	swait.ge [sflag:s17], $0x80  }
0x63: {  	[sflag:s17] =	ssyncset.done $0x0  }
0x64: {  	[sflag:s17] =	ssyncadd.s32 $0xFFFFFF80  }
0x65: {  	_ =	swait.ge [sflag:s17], $0x80  }
0x66: {  	[sflag:s17] =	ssyncset.done $0x0  }
0x67: {  	[sflag:s17] =	ssyncadd.s32 $0xFFFFFF80  }
0x68: {  	_ =	swait.ge [sflag:s17], $0x80  }
0x69: {  	[sflag:s17] =	ssyncset.done $0x0  }
0x6a: {  	[sflag:s17] =	ssyncadd.s32 $0xFFFFFF80  }
0x6b: {  	_ =	swait.ge [sflag:s17], $0x80  }
0x6c: {  	[sflag:s17] =	ssyncset.done $0x0  }
0x6d: {  	[sflag:s17] =	ssyncadd.s32 $0xFFFFFF80  }
0x6e: {  	_ =	swait.ge [sflag:s17], $0x80  }
0x6f: {  	[sflag:s17] =	ssyncset.done $0x0  }
0x70: {  	[sflag:s17] =	ssyncadd.s32 $0xFFFFFF80  }
0x71: {  	_ =	swait.ge [sflag:s17], $0x80  }
0x72: {  	[sflag:s17] =	ssyncset.done $0x0  }
0x73: {  	[sflag:s17] =	ssyncadd.s32 $0xFFFFFF80  }
0x74: {  	_ =	swait.ge [sflag:s17], $0x80  }
0x75: {  	[sflag:s17] =	ssyncset.done $0x0  }
0x76: {  	[sflag:s17] =	ssyncadd.s32 $0xFFFFFF80  }
0x77: {  	[bflag:$0x0] =	sbarrier.arrive $0xFFFF  }
0x78: {  	s0 =	simm.s32 @!p0 $0x1;
	s2 =	simm.s32 @!p0 $0x20;
	s10 =	rddreg [dreg:$0xe]  }
0x79: {  	s6 =	simm.s32 @!p0 $0x10;
	s9 =	simm.s32 @!p0 $0x1C05;
	s13 =	rddreg [dreg:$0x10]  }
0x7a: {  	[hbm:s10@s2], [sflag:s9] =	dma.strided @!p0 [spmem:s13@s6], $0x30E0, s0, $0x10   }
0x7b: {  	s0 =	simm.s32 @!p0 $0x5  }
0x7c: {  	_ =	swait.ge @!p0 [sflag:s0], $0x30E0  }
0x7d: {  	s30 =	rddreg [dreg:$0x11]  }
0x7e: {  	s31 =	rddreg [dreg:$0xf];
	s9 =	sadd.s32 $0x1, s30  }
0x7f: {  	p1 =	sne.s32 s9, s31  }
.Ltmp1:
0x80: {  	_ = 	snop;
	(pc) =	sbr.rel @!p1 .LBB2_10-.Ltmp1, $3  }
0x81: {  	_ =	sdelay $0x1  }
0x82: {  	[sflag:s0] =	ssyncset.done @!p0 $0x0  }
0x83: {  	s6 =	smov.u32 s13;
	[sflag:s0] =	ssyncadd.s32 @!p0 $0xFFFFCF20  }
.LBB2_1:
0x84: {  	[dreg:$0x11] =	wrdreg s9  }
0x85: {  	s0 =	rddreg [dreg:$0x8];
	s2 =	simm.s32 $0x5  }
0x86: {  	[tilespmem:s8], [sflag:$0x5] =	stream.linear.gather [hbm4b:s0+s8], $0x6200, $0x38;
	[tilespmem:$0x1A570] =	vst v63  }
0x87: {  	_ =	swait.ge [sflag:s2], $0x6200  }
0x88: {  	[sflag:s2] =	ssyncset.done $0x0  }
0x89: {  	[sflag:s2] =	ssyncadd.s32 $0xFFFF9E00  }
0x8a: {  	s13 =	rddreg [dreg:$0x0]  }
0x8b: {  	[tilespmem:s20], [sflag:$0x5] =	stream.linear.gather [hbm4b:s13+s8], $0x6580, $0x38;
	[tilespmem:$0x1A570] =	vst v63  }
0x8c: {  	_ =	swait.ge [sflag:s2], $0x6580  }
0x8d: {  	[sflag:s2] =	ssyncset.done $0x0  }
0x8e: {  	s18 =	rddreg [dreg:$0x9];
	[sflag:s2] =	ssyncadd.s32 $0xFFFF9A80  }
0x8f: {  	[tilespmem:s21], [sflag:$0x5] =	stream.linear.gather [hbm4b:s18+s8], $0x6580, $0x38;
	[tilespmem:$0x1A570] =	vst v63  }
0x90: {  	_ =	swait.ge [sflag:s2], $0x6580  }
0x91: {  	[sflag:s2] =	ssyncset.done $0x0  }
0x92: {  	[sflag:s2] =	ssyncadd.s32 $0xFFFF9A80  }
0x93: {  	s0 =	simm.s32 @!p0 $0x1C05;
	s2 =	rddreg [dreg:$0x5]  }
0x94: {  	[spmem:s6], [sflag:s0] =	dma.local @!p0 [hbm:s2], $0x30E0  }
0x95: {  	s0 =	simm.s32 @!p0 $0x5  }
0x96: {  	_ =	swait.ge @!p0 [sflag:s0], $0x30E0  }
0x97: {  	[sflag:s0] =	ssyncset.done @!p0 $0x0  }
0x98: {  	[sflag:s0] =	ssyncadd.s32 @!p0 $0xFFFFCF20  }
0x99: {  	[bflag:$0x0] =	sbarrier.arrive $0xFFFF  }
0x9a: {  	s22 =	simm.s32 $0x12D00;
	s19 =	rddreg [dreg:$0xa]  }
0x9b: {  	[tilespmem:s22], [sflag:$0x1] =	stream.linear.gather [hbm4b:s19+s8], $0x800, $0x38;
	[tilespmem:$0x1A570] =	vst v63  }
0x9c: {  	s24 =	simm.s32 $0x13D00;
	s23 =	rddreg [dreg:$0xb]  }
0x9d: {  	[tilespmem:s24], [sflag:$0x1] =	stream.linear.gather [hbm4b:s23+s8], $0x800, $0x38;
	[tilespmem:$0x1A570] =	vst v63  }
.Ltmp2:
0x9e: {  	_ = 	snop;
	(pc) =	sbr.rel .LBB2_2-.Ltmp2, $4  }
0x9f: {  	s26 =	simm.s32 $0x14D00;
	s25 =	rddreg [dreg:$0xc]  }
0xa0: {  	[tilespmem:s26], [sflag:$0x1] =	stream.linear.gather [hbm4b:s25+s8], $0x800, $0x38;
	[tilespmem:$0x1A570] =	vst v63  }
0xa1: {  	s31 =	simm.s32 $0x15D00;
	s18 =	simm.s32 $0x0;
	s30 =	rddreg [dreg:$0xd]  }
0xa2: {  	[tilespmem:s31], [sflag:$0x1] =	stream.linear.gather [hbm4b:s30+s8], $0x800, $0x38;
	[tilespmem:$0x1A570] =	vst v63  }
.LBB2_8:
0xa3: {  	s18 =	sadd.s32 $0x1, s18  }
0xa4: {  	p1 =	sne.s32 s18, $0x31  }
.Ltmp3:
0xa5: {  	_ = 	snop;
	(pc) =	sbr.rel @!p1 .LBB2_9-.Ltmp3, $1  }
0xa6: {  	_ =	sdelay $0x3  }
.LBB2_2:
0xa7: {  	s0 =	sshllo.u32 s18, $0x1  }
0xa8: {  	p2 =	sge.u32 s0, s12  }
0xa9: {  	s0 =	sadd.s32 @!p2 s11, s0  }
0xaa: {  	s0 =	sshll.u32 @!p2 s0, $0x8  }
0xab: {  	s0 =	sand.u32 @!p2 $0x1FFFFF00, s0  }
0xac: {  	s6 =	simm.s32 @!p2 $0x0;
	s9 =	simm.s32 @!p2 $0x13500;
	s2 =	sadd.s32 @!p2 s1, s0  }
0xad: {  	[tilespmem:s9], [sflag:$0x2] =	stream.linear.gather @!p2 [hbm4b:s2+s6], $0x800, $0x38;
	[tilespmem:$0x1A570] =	vst v63  }
0xae: {  	s2 =	sadd.s32 @!p2 s3, s0;
	s9 =	simm.s32 @!p2 $0x14500  }
0xaf: {  	[tilespmem:s9], [sflag:$0x2] =	stream.linear.gather @!p2 [hbm4b:s2+s6], $0x800, $0x38;
	[tilespmem:$0x1A570] =	vst v63  }
0xb0: {  	s2 =	sadd.s32 @!p2 s4, s0;
	s9 =	simm.s32 @!p2 $0x15500  }
0xb1: {  	[tilespmem:s9], [sflag:$0x2] =	stream.linear.gather @!p2 [hbm4b:s2+s6], $0x800, $0x38;
	[tilespmem:$0x1A570] =	vst v63  }
0xb2: {  	s0 =	sadd.s32 @!p2 s5, s0;
	s2 =	simm.s32 @!p2 $0x16500  }
0xb3: {  	[tilespmem:s2], [sflag:$0x2] =	stream.linear.gather @!p2 [hbm4b:s0+s6], $0x800, $0x38;
	[tilespmem:$0x1A570] =	vst v63  }
0xb4: {  	_ =	swait.ge [sflag:s28], $0x800  }
0xb5: {  	[sflag:s28] =	ssyncset.done $0x0  }
0xb6: {  	[sflag:s28] =	ssyncadd.s32 $0xFFFFF800  }
0xb7: {  	_ =	swait.ge [sflag:s28], $0x800  }
0xb8: {  	[sflag:s28] =	ssyncset.done $0x0  }
0xb9: {  	[sflag:s28] =	ssyncadd.s32 $0xFFFFF800  }
0xba: {  	_ =	swait.ge [sflag:s28], $0x800  }
0xbb: {  	[sflag:s28] =	ssyncset.done $0x0  }
0xbc: {  	[sflag:s28] =	ssyncadd.s32 $0xFFFFF800  }
0xbd: {  	_ =	swait.ge [sflag:s28], $0x800  }
0xbe: {  	p1 =	seq.s32 s18, $0x0;
	[sflag:s28] =	ssyncset.done $0x0  }
0xbf: {  	s0 =	simm.s32 @!p1 $0x3;
	[sflag:s28] =	ssyncadd.s32 $0xFFFFF800  }
0xc0: {  	_ =	swait.ge @!p1 [sflag:s0], $0x80  }
0xc1: {  	[sflag:s0] =	ssyncset.done @!p1 $0x0  }
0xc2: {  	[sflag:s0] =	ssyncadd.s32 @!p1 $0xFFFFFF80  }
0xc3: {  	_ =	swait.ge @!p1 [sflag:s0], $0x80  }
0xc4: {  	[sflag:s0] =	ssyncset.done @!p1 $0x0  }
0xc5: {  	[sflag:s0] =	ssyncadd.s32 @!p1 $0xFFFFFF80  }
0xc6: {  	_ =	swait.ge @!p1 [sflag:s0], $0x80  }
0xc7: {  	[sflag:s0] =	ssyncset.done @!p1 $0x0  }
0xc8: {  	[sflag:s0] =	ssyncadd.s32 @!p1 $0xFFFFFF80  }
0xc9: {  	_ =	swait.ge @!p1 [sflag:s0], $0x80  }
0xca: {  	[sflag:s0] =	ssyncset.done @!p1 $0x0  }
0xcb: {  	[sflag:s0] =	ssyncadd.s32 @!p1 $0xFFFFFF80  }
0xcc: {  	_ =	swait.ge @!p1 [sflag:s0], $0x80  }
0xcd: {  	[sflag:s0] =	ssyncset.done @!p1 $0x0  }
0xce: {  	[sflag:s0] =	ssyncadd.s32 @!p1 $0xFFFFFF80  }
0xcf: {  	_ =	swait.ge @!p1 [sflag:s0], $0x80  }
0xd0: {  	[sflag:s0] =	ssyncset.done @!p1 $0x0  }
0xd1: {  	[sflag:s0] =	ssyncadd.s32 @!p1 $0xFFFFFF80  }
0xd2: {  	_ =	swait.ge @!p1 [sflag:s0], $0x80  }
0xd3: {  	[sflag:s0] =	ssyncset.done @!p1 $0x0  }
0xd4: {  	[sflag:s0] =	ssyncadd.s32 @!p1 $0xFFFFFF80  }
0xd5: {  	_ =	swait.ge @!p1 [sflag:s0], $0x80  }
0xd6: {  	[sflag:s0] =	ssyncset.done @!p1 $0x0  }
0xd7: {  	[sflag:s0] =	ssyncadd.s32 @!p1 $0xFFFFFF80  }
0xd8: {  	_ =	swait.ge @!p1 [sflag:s0], $0x80  }
0xd9: {  	[sflag:s0] =	ssyncset.done @!p1 $0x0  }
0xda: {  	[sflag:s0] =	ssyncadd.s32 @!p1 $0xFFFFFF80  }
0xdb: {  	_ =	swait.ge @!p1 [sflag:s0], $0x80  }
0xdc: {  	[sflag:s0] =	ssyncset.done @!p1 $0x0  }
0xdd: {  	[sflag:s0] =	ssyncadd.s32 @!p1 $0xFFFFFF80  }
0xde: {  	_ =	swait.ge @!p1 [sflag:s0], $0x80  }
0xdf: {  	[sflag:s0] =	ssyncset.done @!p1 $0x0  }
0xe0: {  	[sflag:s0] =	ssyncadd.s32 @!p1 $0xFFFFFF80  }
0xe1: {  	_ =	swait.ge @!p1 [sflag:s0], $0x80  }
0xe2: {  	[sflag:s0] =	ssyncset.done @!p1 $0x0  }
0xe3: {  	[sflag:s0] =	ssyncadd.s32 @!p1 $0xFFFFFF80  }
0xe4: {  	_ =	swait.ge @!p1 [sflag:s0], $0x80  }
0xe5: {  	[sflag:s0] =	ssyncset.done @!p1 $0x0  }
0xe6: {  	[sflag:s0] =	ssyncadd.s32 @!p1 $0xFFFFFF80  }
0xe7: {  	_ =	swait.ge @!p1 [sflag:s0], $0x80  }
0xe8: {  	[sflag:s0] =	ssyncset.done @!p1 $0x0  }
0xe9: {  	[sflag:s0] =	ssyncadd.s32 @!p1 $0xFFFFFF80  }
0xea: {  	_ =	swait.ge @!p1 [sflag:s0], $0x80  }
0xeb: {  	[sflag:s0] =	ssyncset.done @!p1 $0x0  }
0xec: {  	[sflag:s0] =	ssyncadd.s32 @!p1 $0xFFFFFF80  }
0xed: {  	s23 =	simm.s32 $0x0;
	s24 =	simm.s32 $0x30;
	_ =	swait.ge @!p1 [sflag:s0], $0x80  }
0xee: {  	s2 =	sand.u32 $0x780, s23;
	s6 =	sand.u32 $0x70, s24;
	[sflag:s0] =	ssyncset.done @!p1 $0x0  }
0xef: {  	s24 =	sor.u32 s2, s6;
	[sflag:s0] =	ssyncadd.s32 @!p1 $0xFFFFFF80  }
0xf0: {  	v0 =	vld [tilespmem:s24+$0x13D00];
	_ =	sdelay $0x1  }
0xf1: {  	v9 =	vld [tilespmem:s24+$0x12D00]  }
0xf2: {  	s26 =	simm.s32 $0x20  }
0xf3: {  	s6 =	sand.u32 $0x60, s26  }
0xf4: {  	s6 =	sor.u32 s2, s6;
	v1 =	vshrl.u32 v0, $0x2  }
0xf5: {  	s25 =	simm.s32 $0x10;
	v3 =	vld [tilespmem:s6+$0x13D00]  }
0xf6: {  	s22 =	simm.s32 $0x0;
	s0 =	sand.u32 $0x50, s25;
	v12 =	vld [tilespmem:s6+$0x12D00];
	v4 =	vshrl.u32 v9, $0x2  }
0xf7: {  	s23 =	sor.u32 s2, s0;
	v5 =	vld [tilespmem:s22+$0x13D00]  }
0xf8: {  	v2 =	vld [tilespmem:s23+$0x13D00]  }
0xf9: {  	v1 =	vld.idx.msk [tilespmem:v1+s8+$0x0], $0xffff  }
0xfa: {  	v8 =	vld [tilespmem:s22+$0x12D00]  }
0xfb: {  	v4 =	vld.idx.msk [tilespmem:v4+s8+$0x0], $0xffff  }
0xfc: {  	v0 =	vshll.u32 v0, $0x3;
	v7 =	vshrl.u32 v3, $0x2  }
0xfd: {  	v20 =	vld [tilespmem:s23+$0x12D00];
	v11 =	vshrl.u32 v5, $0x2;
	v0 =	vand.u32 $0x18, v0  }
0xfe: {  	v10 =	vshll.u32 v9, $0x3;
	v6 =	vshrl.u32 v2, $0x2;
	v0 =	vshrl.u32 v1, v0  }
0xff: {  	v14 =	vshrl.u32 v8, $0x2;
	v10 =	vand.u32 $0x18, v10;
	v0 =	vand.u32 $0xFF, v0  }
0x100: {  	v13 =	vld [tilespmem:s23+$0x14D00];
	v1 =	vshrl.u32 v12, $0x2;
	v4 =	vshrl.u32 v4, v10;
	v10 =	vmul.u32 $0x5C, v0  }
0x101: {  	v7 =	vld.idx.msk [tilespmem:v7+s8+$0x0], $0xffff;
	v4 =	vand.u32 $0xFF, v4  }
0x102: {  	v15 =	vshrl.u32 v20, $0x2;
	v11 =	vld.idx.msk [tilespmem:v11+s8+$0x0], $0xffff;
	v10 =	vadd.s32 v4, v10  }
0x103: {  	v6 =	vld.idx.msk [tilespmem:v6+s8+$0x0], $0xffff;
	v17 =	vmul.u32 $0x3, v10  }
0x104: {  	v14 =	vld.idx.msk [tilespmem:v14+s8+$0x0], $0xffff  }
0x105: {  	v16 =	vshll.u32 v12, $0x3;
	v19 =	vshll.u32 v8, $0x3;
	v1 =	vld.idx.msk [tilespmem:v1+s8+$0x0], $0xffff;
	v18 =	vadd.s32 $0x1, v17  }
0x106: {  	v5 =	vshll.u32 v5, $0x3;
	v3 =	vshll.u32 v3, $0x3;
	v2 =	vshll.u32 v2, $0x3  }
0x107: {  	(erf) = vrcp.f32 v13;
	v5 =	vand.u32 $0x18, v5;
	v2 =	vand.u32 $0x18, v2;
	v15 =	vld.idx.msk [tilespmem:v15+s8+$0x0], $0xffff  }
0x108: {  	v3 =	vand.u32 $0x18, v3;
	v2 =	vshrl.u32 v6, v2;
	v6 =	vand.u32 $0x18, v16;
	v16 =	vld [tilespmem:s24+$0x14D00]  }
0x109: {  	v24 =	vld [tilespmem:s6+$0x14D00];
	v5 =	vshrl.u32 v11, v5;
	v11 =	vand.u32 $0x18, v19;
	v21 =	vadd.s32 $0x2, v17  }
0x10a: {  	s10 =	simm.s32 $0x70;
	s9 =	simm.s32 $0x40;
	v3 =	vshrl.u32 v7, v3;
	v1 =	vshrl.u32 v1, v6;
	v6 =	vshrl.u32 v14, v11;
	v14 =	vld.idx.msk [tilespmem:v18+s21+$0x0], $0xffff  }
0x10b: {  	s30 =	simm.s32 $0x40;
	v26 =	vld [tilespmem:s22+$0x14D00];
	s0 =	sand.u32 $0x780, s9;
	s2 =	sand.u32 $0x70, s10;
	v5 =	vand.u32 $0xFF, v5;
	v3 =	vand.u32 $0xFF, v3;
	v10 =	vshll.u32 v20, $0x3  }
0x10c: {  	v39 =	vld [tilespmem:s30+$0x13D00];
	s2 =	sor.u32 s0, s2;
	v2 =	vand.u32 $0xFF, v2;
	v10 =	vand.u32 $0x18, v10;
	v11 =	vmul.u32 $0x5C, v5  }
0x10d: {  	v56 =	vld [tilespmem:s2+$0x14D00];
	v10 =	vshrl.u32 v15, v10;
	v15 =	vsub.f32 $0.0e+00, v16;
	v6 =	vand.u32 $0xFF, v6  }
0x10e: {  	v23 =	vand.u32 $0xFF, v10;
	v22 =	vand.u32 $0xFF, v1;
	v7 =	vld.idx.msk [tilespmem:v21+s21+$0x0], $0xffff;
	v11 =	vadd.s32 v6, v11  }
0x10f: {  	v1 =	vmul.u32 $0x5C, v2;
	v25 =	vld.idx.msk [tilespmem:v17+s21+$0x0], $0xffff;
	v19 =	vmul.u32 $0x3, v11;
	v10 =	vmul.f32 v14, v15  }
0x110: {  	(erf) = vrcp.f32 v16;
	v17 =	vld.idx.msk [tilespmem:v17+s20+$0x0], $0xffff;
	v5 =	vmul.u32 v6, v5;
	v11 =	vmul.u32 $0x5C, v3  }
0x111: {  	v18 =	vld.idx.msk [tilespmem:v18+s20+$0x0], $0xffff;
	v1 =	vadd.s32 v23, v1;
	v28 =	vadd.s32 $0x2, v19;
	v14 =	vmul.f32 $1.442695020e+00, v10  }
0x112: {  	v36 =	vcvt.s32.f32 v5;
	v5 =	vld [tilespmem:s2+$0x12D00];
	v11 =	vadd.s32 v22, v11;
	v27 =	vadd.s32 $0x1, v19  }
0x113: {  	v21 =	vld.idx.msk [tilespmem:v21+s20+$0x0], $0xffff;
	v11 =	vmul.u32 $0x3, v11;
	v7 =	vmul.f32 v7, v15;
	(erf) = vpow2.f32 v14  }
0x114: {  	v25 =	vmul.f32 v25, v15;
	v15 =	vsub.f32 $0.0e+00, v13;
	v13 =	vld [tilespmem:s2+$0x13D00];
	v10 =	vmul.u32 $0x3, v1  }
0x115: {  	v1 =	vmul.f32 $1.442695020e+00, v7;
	v7 =	vld.idx.msk [tilespmem:v19+s21+$0x0], $0xffff  }
0x116: {  	s13 =	simm.s32 $0x50;
	v31 =	vsub.f32 $0.0e+00, v26;
	v29 =	vld.idx.msk [tilespmem:v28+s21+$0x0], $0xffff;
	v14 =	vadd.s32 $0x1, v11  }
0x117: {  	s9 =	sand.u32 $0x50, s13;
	v2 =	vmul.u32 v23, v2;
	v43 =	vshrl.u32 v5, $0x2;
	v16 =	vld.idx.msk [tilespmem:v27+s21+$0x0], $0xffff;
	(erf) = vpow2.f32 v1  }
0x118: {  	s31 =	sor.u32 s0, s9;
	v44 =	vshll.u32 v5, $0x3;
	v33 =	vld.idx.msk [tilespmem:v27+s20+$0x0], $0xffff;
	v27 =	vmul.u32 v4, v0;
	v4 =	vmul.f32 $1.442695020e+00, v25  }
0x119: {  	s19 =	simm.s32 $0x60;
	v23 =	vld [tilespmem:s31+$0x13D00];
	v44 =	vand.u32 $0x18, v44;
	v35 =	vadd.s32 $0x2, v10;
	v49 =	vadd.s32 $0x1, v10;
	v1 =	vpop (erf)  }
0x11a: {  	s25 =	sand.u32 $0x60, s19;
	v38 =	vshrl.u32 v13, $0x2;
	v0 =	vmul.f32 v7, v31;
	v25 =	vpop (erf);
	(erf) = vrcp.f32 v26;
	v32 =	vld.idx.msk [tilespmem:v10+s21+$0x0], $0xffff  }
0x11b: {  	s19 =	sor.u32 s0, s25;
	v13 =	vshll.u32 v13, $0x3;
	(erf) = vpow2.f32 v4;
	v29 =	vmul.f32 v29, v31;
	v7 =	vld.idx.msk [tilespmem:v14+s21+$0x0], $0xffff  }
0x11c: {  	v6 =	vmul.f32 $1.442695020e+00, v0;
	v0 =	vmul.u32 v22, v3;
	v3 =	vcvt.s32.f32 v2;
	v22 =	vld [tilespmem:s19+$0x13D00];
	v2 =	vpop (erf)  }
0x11d: {  	v19 =	vld.idx.msk [tilespmem:v19+s20+$0x0], $0xffff;
	v13 =	vand.u32 $0x18, v13;
	v29 =	vmul.f32 $1.442695020e+00, v29;
	v34 =	vmul.f32 v2, v18  }
0x11e: {  	v30 =	vld.idx.msk [tilespmem:v11+s21+$0x0], $0xffff;
	v18 =	vmul.f32 v16, v31;
	v31 =	vcvt.s32.f32 v27;
	v27 =	vshrl.u32 v23, $0x2  }
0x11f: {  	v26 =	vsub.f32 $0.0e+00, v24;
	v4 =	vcvt.s32.f32 v0;
	v0 =	vld [tilespmem:s19+$0x12D00];
	v32 =	vmul.f32 v32, v15  }
0x120: {  	v2 =	vld [tilespmem:s31+$0x12D00];
	v37 =	vpop (erf);
	v16 =	vadd.s32 $0x2, v11;
	(erf) = vpow2.f32 v6;
	v23 =	vshll.u32 v23, $0x3  }
0x121: {  	v40 =	vshrl.u32 v22, $0x2;
	v6 =	vld [tilespmem:s30+$0x12D00];
	v45 =	vmul.f32 v7, v26;
	v22 =	vshll.u32 v22, $0x3  }
0x122: {  	v21 =	vmul.f32 v37, v21;
	v37 =	vld [tilespmem:s31+$0x14D00];
	(erf) = vpow2.f32 v29;
	v23 =	vand.u32 $0x18, v23  }
0x123: {  	v32 =	vmul.f32 $1.442695020e+00, v32;
	v22 =	vand.u32 $0x18, v22;
	v18 =	vmul.f32 $1.442695020e+00, v18;
	v48 =	vld.idx.msk [tilespmem:v27+s8+$0x0], $0xffff  }
0x124: {  	v46 =	vshrl.u32 v0, $0x2;
	v47 =	vshll.u32 v0, $0x3;
	v27 =	vmul.f32 v30, v26;
	v30 =	vld.idx.msk [tilespmem:v38+s8+$0x0], $0xffff  }
0x125: {  	v43 =	vld.idx.msk [tilespmem:v43+s8+$0x0], $0xffff;
	v54 =	vmul.f32 $1.442695020e+00, v45;
	v47 =	vand.u32 $0x18, v47;
	(erf) = vpow2.f32 v18  }
0x126: {  	v62 =	vld.idx.msk [tilespmem:v49+s21+$0x0], $0xffff;
	v18 =	vshrl.u32 v39, $0x2;
	v39 =	vshll.u32 v39, $0x3;
	v41 =	vshrl.u32 v2, $0x2  }
0x127: {  	v42 =	vshll.u32 v2, $0x3;
	v57 =	vshrl.u32 v6, $0x2;
	v58 =	vshll.u32 v6, $0x3;
	v40 =	vld.idx.msk [tilespmem:v40+s8+$0x0], $0xffff  }
0x128: {  	v63 =	vld.idx.msk [tilespmem:v35+s21+$0x0], $0xffff;
	v39 =	vand.u32 $0x18, v39;
	v29 =	vand.u32 $0x18, v42;
	v50 =	vmul.f32 $1.442695020e+00, v27;
	v27 =	vpop (erf)  }
0x129: {  	v28 =	vld.idx.msk [tilespmem:v28+s20+$0x0], $0xffff;
	(erf) = vrcp.f32 v37;
	v58 =	vand.u32 $0x18, v58;
	v59 =	vpop (erf);
	v13 =	vshrl.u32 v30, v13  }
0x12a: {  	v49 =	vld.idx.msk [tilespmem:v49+s20+$0x0], $0xffff;
	(erf) = vpow2.f32 v50;
	v23 =	vshrl.u32 v48, v23;
	v30 =	vpop (erf);
	v13 =	vand.u32 $0xFF, v13  }
0x12b: {  	v46 =	vld.idx.msk [tilespmem:v46+s8+$0x0], $0xffff;
	v30 =	vmul.f32 v30, v19;
	v19 =	vshrl.u32 v43, v44;
	v60 =	vmul.u32 $0x5C, v13  }
0x12c: {  	v7 =	vld [tilespmem:s19+$0x14D00];
	v22 =	vshrl.u32 v40, v22;
	(erf) = vpow2.f32 v54;
	v19 =	vand.u32 $0xFF, v19  }
0x12d: {  	v38 =	vld.idx.msk [tilespmem:v57+s8+$0x0], $0xffff;
	v57 =	vmul.f32 v62, v15;
	v15 =	vmul.f32 v63, v15;
	v43 =	vadd.s32 v19, v60  }
0x12e: {  	v41 =	vld.idx.msk [tilespmem:v41+s8+$0x0], $0xffff;
	v62 =	vsub.f32 $0.0e+00, v56;
	v13 =	vmul.u32 v19, v13;
	v19 =	vmul.u32 $0x3, v43  }
0x12f: {  	v61 =	vld.idx.msk [tilespmem:v18+s8+$0x0], $0xffff;
	v17 =	vmul.f32 v59, v17;
	(erf) = vpow2.f32 v32;
	v22 =	vand.u32 $0xFF, v22  }
0x130: {  	v63 =	vld.idx.msk [tilespmem:v11+s20+$0x0], $0xffff;
	v18 =	vpop (erf);
	v46 =	vshrl.u32 v46, v47;
	v11 =	vmul.u32 $0x5C, v22;
	v45 =	vadd.s32 $0x1, v19  }
0x131: {  	v50 =	vld [tilespmem:s30+$0x14D00];
	(erf) = vrcp.f32 v56;
	v28 =	vmul.f32 v18, v28;
	v51 =	vpop (erf);
	v18 =	vand.u32 $0xFF, v46  }
0x132: {  	v46 =	vand.u32 $0xFF, v23;
	v23 =	vld.idx.msk [tilespmem:v16+s21+$0x0], $0xffff;
	v33 =	vmul.f32 v51, v33;
	v48 =	vadd.s32 $0x2, v19  }
0x133: {  	v17 =	vadd.f32 v34, v17;
	v34 =	vld.idx.msk [tilespmem:v35+s20+$0x0], $0xffff;
	v55 =	vmul.u32 $0x5C, v46;
	v29 =	vshrl.u32 v41, v29  }
0x134: {  	[tilespmem:s22+$0x17D00] =	vst v8;
	v8 =	vadd.f32 v33, v30;
	v51 =	vand.u32 $0xFF, v29;
	v29 =	vld [tilespmem:s24+$0x15D00];
	v30 =	vshrl.u32 v61, v39  }
0x135: {  	v11 =	vadd.s32 v18, v11;
	v17 =	vadd.f32 v21, v17;
	v30 =	vand.u32 $0xFF, v30;
	v60 =	vld.idx.msk [tilespmem:v45+s21+$0x0], $0xffff  }
0x136: {  	v33 =	vld.idx.msk [tilespmem:v14+s20+$0x0], $0xffff;
	v8 =	vadd.f32 v28, v8;
	v28 =	vshrl.u32 v38, v58;
	v59 =	vmul.u32 $0x5C, v30  }
0x137: {  	v11 =	vmul.u32 $0x3, v11;
	v14 =	vmul.f32 $1.442695020e+00, v15;
	v47 =	vand.u32 $0xFF, v28;
	v61 =	vld.idx.msk [tilespmem:v48+s21+$0x0], $0xffff  }
0x138: {  	v39 =	vld [tilespmem:s22+$0x15D00];
	v17 =	vmul.f32 v31, v17;
	v21 =	vadd.s32 v47, v59;
	v36 =	vmul.f32 v36, v8  }
0x139: {  	v35 =	vld.idx.msk [tilespmem:v16+s20+$0x0], $0xffff;
	v8 =	vmul.f32 v23, v26;
	v23 =	vmul.f32 $1.442695020e+00, v57;
	v26 =	vmul.u32 $0x3, v21  }
0x13a: {  	v32 =	vadd.s32 v51, v55;
	(erf) = vpow2.f32 v14;
	v41 =	vld.idx.msk [tilespmem:v19+s21+$0x0], $0xffff;
	v15 =	vmul.f32 v60, v62  }
0x13b: {  	v57 =	vld.idx.msk [tilespmem:v10+s20+$0x0], $0xffff;
	v10 =	vmul.u32 $0x3, v32;
	v17 =	vmul.f32 v17, v29;
	(erf) = vpow2.f32 v23  }
0x13c: {  	v14 =	vsub.f32 $0.0e+00, v37;
	v29 =	vld [tilespmem:s23+$0x15D00];
	v56 =	vmul.f32 v61, v62;
	v15 =	vmul.f32 $1.442695020e+00, v15  }
0x13d: {  	v31 =	vld.idx.msk [tilespmem:v45+s20+$0x0], $0xffff;
	v58 =	vmul.f32 $1.442695020e+00, v8;
	v36 =	vmul.f32 v36, v39;
	v21 =	vadd.s32 $0x2, v26;
	v8 =	vpop (erf)  }
0x13e: {  	v28 =	vld.idx.msk [tilespmem:v48+s20+$0x0], $0xffff;
	v52 =	vadd.s32 $0x1, v26;
	v60 =	vpop (erf);
	v37 =	vmul.f32 $1.442695020e+00, v56;
	(erf) = vpow2.f32 v15  }
0x13f: {  	v40 =	vsub.f32 $0.0e+00, v50;
	v36 =	vmul.f32 $2.645885940e-01, v36;
	v59 =	vmul.f32 v41, v62;
	v61 =	vld.idx.msk [tilespmem:v26+s21+$0x0], $0xffff  }
0x140: {  	v16 =	vadd.s32 $0x1, v11;
	v23 =	vld [tilespmem:s6+$0x15D00];
	v62 =	vmul.f32 $2.645885940e-01, v17;
	v38 =	vpop (erf);
	(erf) = vpow2.f32 v37  }
0x141: {  	[tilespmem:s6+$0x17D00] =	vst v12;
	v12 =	vadd.s32 $0x2, v11;
	v43 =	vld.idx.msk [tilespmem:v10+s21+$0x0], $0xffff;
	v32 =	vmul.f32 v60, v63;
	v63 =	vpop (erf);
	(erf) = vpow2.f32 v58  }
0x142: {  	[tilespmem:s24+$0x17D00] =	vst v9;
	v46 =	vmul.u32 v51, v46;
	v39 =	vld.idx.msk [tilespmem:v21+s21+$0x0], $0xffff;
	v44 =	vmul.f32 $1.442695020e+00, v59;
	v9 =	vpop (erf);
	(erf) = vrcp.f32 v24  }
0x143: {  	v30 =	vmul.u32 v47, v30;
	v42 =	vld.idx.msk [tilespmem:v52+s21+$0x0], $0xffff;
	v25 =	vmul.f32 v62, v25;
	v41 =	vmul.f32 v63, v57;
	v45 =	vpop (erf)  }
0x144: {  	s26 =	sshll.u32 s18, $0x1;
	s25 =	simm.s32 $0x80;
	[tilespmem:s23+$0x17D00] =	vst v20;
	v17 =	vadd.s32 $0x2, v10;
	v20 =	vld.idx.msk [tilespmem:v52+s20+$0x0], $0xffff;
	v47 =	vmul.f32 v61, v40;
	v24 =	vmul.f32 v36, v27;
	v27 =	vpop (erf)  }
0x145: {  	s24 =	simm.s32 $0x100;
	s23 =	simm.s32 $0x4;
	s6 =	sadd.s32 $0x2, s26;
	v15 =	vsub.f32 $0.0e+00, v7;
	[tilespmem:s22+$0x16D30] =	vst v25;
	v37 =	vld.idx.msk [tilespmem:v11+s21+$0x0], $0xffff;
	(erf) = vrcp.f32 v50;
	v27 =	vmul.f32 v27, v49  }
.LBB2_3:
0x146: {  	s0 =	sadd.s32 $0x10, s25;
	s9 =	sadd.s32 $0x20, s25;
	s26 =	sadd.s32 $0x30, s25;
	v25 =	vmul.f32 $1.442695020e+00, v47;
	v36 =	vld.idx.msk [tilespmem:v16+s21+$0x0], $0xffff;
	v47 =	vmul.u32 v18, v22;
	v34 =	vmul.f32 v45, v34  }
0x147: {  	s10 =	sand.u32 $0x780, s25;
	v45 =	vcvt.s32.f32 v46;
	s0 =	sand.u32 $0x50, s0;
	s13 =	sand.u32 $0x70, s26;
	v18 =	vld.idx.msk [tilespmem:v19+s20+$0x0], $0xffff;
	(erf) = vpow2.f32 v44;
	v19 =	vpop (erf);
	v27 =	vadd.f32 v27, v41  }
0x148: {  	s26 =	sor.u32 s10, s0;
	s0 =	sand.u32 $0x60, s9;
	s9 =	sor.u32 s10, s13;
	v41 =	vld.idx.msk [tilespmem:v26+s20+$0x0], $0xffff;
	v22 =	vmul.f32 v19, v31;
	[tilespmem:s2+$0x17D00] =	vst v5;
	v5 =	vmul.f32 v38, v33  }
0x149: {  	s23 =	sadd.s32 $0x4, s23;
	v33 =	vmul.f32 v42, v40;
	v26 =	vcvt.s32.f32 v30;
	s0 =	sor.u32 s10, s0;
	v19 =	vld [tilespmem:s9+$0x13D00];
	v30 =	vpop (erf);
	v27 =	vadd.f32 v34, v27  }
0x14a: {  	p3 =	slt.u32 s23, $0x7C;
	v38 =	vcvt.s32.f32 v47;
	v34 =	vld [tilespmem:s26+$0x13D00];
	v31 =	vmul.f32 v30, v28;
	v28 =	vpop (erf)  }
0x14b: {  	v39 =	vmul.f32 v39, v40;
	v30 =	vadd.f32 v5, v32;
	v42 =	vld [tilespmem:s0+$0x13D00];
	v35 =	vmul.f32 v28, v35;
	v40 =	vpop (erf)  }
0x14c: {  	v28 =	vcvt.s32.f32 v13;
	v13 =	vmul.f32 v3, v27;
	v3 =	vmov v45;
	v32 =	vld [tilespmem:s26+$0x12D00]  }
0x14d: {  	v43 =	vmul.f32 v43, v14;
	v5 =	vld [tilespmem:s9+$0x12D00];
	(erf) = vpow2.f32 v25;
	v35 =	vadd.f32 v35, v30  }
0x14e: {  	v39 =	vmul.f32 $1.442695020e+00, v39;
	v33 =	vmul.f32 $1.442695020e+00, v33;
	v30 =	vld [tilespmem:s0+$0x12D00];
	v27 =	vpop (erf)  }
0x14f: {  	s24 =	sadd.s32 $0x100, s24;
	v44 =	vshrl.u32 v34, $0x2;
	v34 =	vshll.u32 v34, $0x3;
	v25 =	vld [tilespmem:s0+$0x14D00];
	v45 =	vmul.f32 v4, v35;
	v4 =	vmovc v38  }
0x150: {  	s10 =	sshra.s32 s24, $0x2;
	v13 =	vmul.f32 v13, v29;
	v46 =	vshrl.u32 v19, $0x2;
	v35 =	vld [tilespmem:s26+$0x14D00];
	v38 =	vshrl.u32 v42, $0x2;
	v47 =	vpop (erf)  }
0x151: {  	v29 =	vld [tilespmem:s10+$0x13D00];
	v48 =	vshrl.u32 v32, $0x2;
	v49 =	vshll.u32 v32, $0x3;
	v45 =	vmul.f32 v45, v23  }
0x152: {  	v53 =	vmul.f32 v36, v15;
	v50 =	vld [tilespmem:s10+$0x12D00];
	v51 =	vshrl.u32 v5, $0x2;
	v52 =	vshll.u32 v5, $0x3  }
0x153: {  	v13 =	vmul.f32 $2.645885940e-01, v13;
	v36 =	vshrl.u32 v30, $0x2;
	v54 =	vshll.u32 v30, $0x3;
	v21 =	vld.idx.msk [tilespmem:v21+s20+$0x0], $0xffff  }
0x154: {  	v37 =	vmul.f32 v37, v15;
	v23 =	vadd.s32 $0x1, v10;
	v44 =	vld.idx.msk [tilespmem:v44+s8+$0x0], $0xffff;
	[tilespmem:s30+$0x17D00] =	vst v6;
	(erf) = vpow2.f32 v39  }
0x155: {  	v55 =	vmul.f32 $2.645885940e-01, v45;
	v39 =	vand.u32 $0x18, v49;
	v46 =	vld.idx.msk [tilespmem:v46+s8+$0x0], $0xffff;
	(erf) = vpow2.f32 v33  }
0x156: {  	v56 =	vmul.f32 v13, v1;
	v33 =	vshrl.u32 v29, $0x2;
	v38 =	vld.idx.msk [tilespmem:v38+s8+$0x0], $0xffff;
	(erf) = vrcp.f32 v35;
	v45 =	vpop (erf)  }
0x157: {  	v13 =	vshrl.u32 v50, $0x2;
	v49 =	vshll.u32 v50, $0x3;
	v51 =	vld.idx.msk [tilespmem:v51+s8+$0x0], $0xffff;
	[tilespmem:s22+$0x16D00] =	vst v24;
	v24 =	vmul.f32 v55, v40;
	v6 =	vmovc v50  }
0x158: {  	v37 =	vmul.f32 $1.442695020e+00, v37;
	v42 =	vshll.u32 v42, $0x3;
	v1 =	vmovc v8;
	v29 =	vshll.u32 v29, $0x3;
	v40 =	vld.idx.msk [tilespmem:v36+s8+$0x0], $0xffff;
	[tilespmem:s22+$0x16D10] =	vst v56  }
0x159: {  	v19 =	vshll.u32 v19, $0x3;
	v8 =	vand.u32 $0x18, v34;
	v29 =	vand.u32 $0x18, v29;
	v48 =	vld.idx.msk [tilespmem:v48+s8+$0x0], $0xffff;
	[tilespmem:s22+$0x16D20] =	vst v24;
	s22 =	smov.u32 s30;
	s30 =	smov.u32 s10  }
0x15a: {  	v34 =	vmul.f32 $1.442695020e+00, v43;
	v24 =	vshrl.u32 v44, v8;
	v8 =	vand.u32 $0x18, v19;
	v36 =	vld [tilespmem:s30+$0x14D00]  }
0x15b: {  	v19 =	vand.u32 $0x18, v54;
	v8 =	vshrl.u32 v46, v8;
	v33 =	vld.idx.msk [tilespmem:v33+s8+$0x0], $0xffff;
	(erf) = vpow2.f32 v37  }
0x15c: {  	v41 =	vmul.f32 v45, v41;
	v8 =	vand.u32 $0xFF, v8;
	v37 =	vld.idx.msk [tilespmem:v13+s8+$0x0], $0xffff;
	v13 =	vand.u32 $0x18, v52  }
0x15d: {  	v42 =	vand.u32 $0x18, v42;
	v43 =	vmul.u32 $0x5C, v8;
	v13 =	vshrl.u32 v51, v13;
	v44 =	vld.idx.msk [tilespmem:v23+s21+$0x0], $0xffff;
	v45 =	vpop (erf)  }
0x15e: {  	v19 =	vshrl.u32 v40, v19;
	v13 =	vand.u32 $0xFF, v13;
	v21 =	vmul.f32 v45, v21;
	v40 =	vpop (erf)  }
0x15f: {  	v46 =	vmul.f32 v47, v18;
	v43 =	vadd.s32 v13, v43;
	v13 =	vmul.u32 v13, v8;
	v8 =	vpop (erf);
	v45 =	vld.idx.msk [tilespmem:v17+s21+$0x0], $0xffff  }
0x160: {  	v18 =	vand.u32 $0xFF, v19;
	v20 =	vmul.f32 v40, v20;
	v19 =	vmul.u32 $0x3, v43;
	v40 =	vld.idx.msk [tilespmem:v12+s21+$0x0], $0xffff  }
0x161: {  	v24 =	vand.u32 $0xFF, v24;
	v39 =	vshrl.u32 v48, v39;
	v43 =	vmul.f32 $1.442695020e+00, v53  }
0x162: {  	v20 =	vadd.f32 v20, v41;
	v47 =	vadd.s32 $0x1, v19;
	v48 =	vadd.s32 $0x2, v19  }
0x163: {  	v38 =	vshrl.u32 v38, v42;
	v50 =	vand.u32 $0xFF, v39;
	v39 =	vld [tilespmem:s2+$0x15D00];
	(erf) = vpow2.f32 v43;
	s2 =	smov.u32 s9  }
0x164: {  	v29 =	vshrl.u32 v33, v29;
	v33 =	vadd.f32 v22, v46;
	v41 =	vld [tilespmem:s22+$0x15D00];
	(erf) = vpow2.f32 v34;
	v42 =	vpop (erf)  }
0x165: {  	v22 =	vand.u32 $0xFF, v38;
	v43 =	vmul.f32 v44, v14;
	v34 =	vmul.u32 $0x5C, v24;
	v38 =	vld [tilespmem:s2+$0x14D00]  }
0x166: {  	v46 =	vand.u32 $0xFF, v29;
	v44 =	vand.u32 $0x18, v49;
	v20 =	vadd.f32 v21, v20;
	v29 =	vld.idx.msk [tilespmem:v19+s21+$0x0], $0xffff  }
0x167: {  	v31 =	vadd.f32 v31, v33;
	v21 =	vshrl.u32 v37, v44;
	v37 =	vmul.u32 $0x5C, v46;
	v44 =	vld.idx.msk [tilespmem:v47+s21+$0x0], $0xffff  }
0x168: {  	v14 =	vmul.f32 v45, v14;
	v49 =	vand.u32 $0xFF, v21;
	v51 =	vadd.s32 v50, v34;
	v52 =	vld.idx.msk [tilespmem:v48+s21+$0x0], $0xffff  }
0x169: {  	v20 =	vmul.f32 v26, v20;
	v21 =	vadd.s32 v49, v37;
	v34 =	vld.idx.msk [tilespmem:v17+s20+$0x0], $0xffff;
	v17 =	vmul.f32 v40, v15  }
0x16a: {  	v37 =	vmul.f32 $1.442695020e+00, v43;
	v26 =	vmul.u32 $0x3, v21;
	v33 =	vld.idx.msk [tilespmem:v16+s20+$0x0], $0xffff;
	v16 =	vmul.f32 v28, v31  }
0x16b: {  	v40 =	vmul.u32 $0x5C, v22;
	v15 =	vmul.f32 $1.442695020e+00, v14;
	v43 =	vsub.f32 $0.0e+00, v38;
	v45 =	vld.idx.msk [tilespmem:v11+s20+$0x0], $0xffff  }
0x16c: {  	v53 =	vadd.s32 $0x1, v26;
	v21 =	vadd.s32 $0x2, v26;
	(erf) = vrcp.f32 v38;
	v54 =	vld.idx.msk [tilespmem:v23+s20+$0x0], $0xffff;
	v38 =	vpop (erf)  }
0x16d: {  	v14 =	vsub.f32 $0.0e+00, v35;
	v11 =	vmul.f32 v44, v43;
	v31 =	vld.idx.msk [tilespmem:v47+s20+$0x0], $0xffff;
	v44 =	vpop (erf);
	(erf) = vpow2.f32 v15  }
0x16e: {  	v15 =	vsub.f32 $0.0e+00, v25;
	v23 =	vmul.f32 v52, v43;
	v28 =	vld.idx.msk [tilespmem:v48+s20+$0x0], $0xffff;
	(erf) = vpow2.f32 v37  }
0x16f: {  	v35 =	vadd.s32 v18, v40;
	v40 =	vmul.f32 $1.442695020e+00, v17;
	v37 =	vmul.f32 $1.442695020e+00, v11;
	v47 =	vld.idx.msk [tilespmem:v10+s20+$0x0], $0xffff  }
0x170: {  	v43 =	vmul.f32 v29, v43;
	v11 =	vmul.u32 $0x3, v35;
	v29 =	vmul.f32 $1.442695020e+00, v23;
	[tilespmem:s31+$0x17D00] =	vst v2;
	v23 =	vld [tilespmem:s19+$0x15D00];
	v2 =	vmovc v32  }
0x171: {  	v10 =	vmul.u32 $0x3, v51;
	v48 =	vld.idx.msk [tilespmem:v26+s21+$0x0], $0xffff;
	(erf) = vpow2.f32 v37;
	v37 =	vmul.f32 v16, v39  }
0x172: {  	v20 =	vmul.f32 v20, v41;
	v32 =	vmul.f32 v42, v45;
	v16 =	vadd.s32 $0x1, v11;
	v35 =	vld.idx.msk [tilespmem:v12+s20+$0x0], $0xffff  }
0x173: {  	v17 =	vadd.s32 $0x2, v10;
	(erf) = vpow2.f32 v29;
	v29 =	vld [tilespmem:s31+$0x15D00];
	[tilespmem:s19+$0x17D00] =	vst v0;
	v52 =	vmul.f32 $2.645885940e-01, v37;
	v0 =	vmovc v30;
	s31 =	smov.u32 s26;
	s19 =	smov.u32 s0  }
.Ltmp4:
0x174: {  	v20 =	vmul.f32 $2.645885940e-01, v20;
	v12 =	vadd.s32 $0x2, v11;
	v39 =	vld.idx.msk [tilespmem:v21+s21+$0x0], $0xffff;
	(erf) = vpow2.f32 v40;
	(pc) =	sbr.rel @p3 .LBB2_3-.Ltmp4, $4  }
0x175: {  	v40 =	vsub.f32 $0.0e+00, v36;
	v41 =	vmul.f32 v44, v47;
	v42 =	vld.idx.msk [tilespmem:v53+s21+$0x0], $0xffff;
	v51 =	vpop (erf);
	(erf) = vrcp.f32 v7  }
0x176: {  	v30 =	vmul.u32 v49, v46;
	v44 =	vmul.f32 $1.442695020e+00, v43;
	v49 =	vmul.f32 v52, v9;
	v37 =	vld.idx.msk [tilespmem:v11+s21+$0x0], $0xffff;
	v45 =	vpop (erf)  }
0x177: {  	v46 =	vmul.u32 v50, v24;
	v24 =	vmul.f32 v20, v27;
	v47 =	vmul.f32 v48, v40;
	v43 =	vld.idx.msk [tilespmem:v10+s21+$0x0], $0xffff;
	v9 =	vpop (erf)  }
0x178: {  	s25 =	sadd.s32 $0x40, s25;
	v7 =	vmovc v25;
	v20 =	vld.idx.msk [tilespmem:v53+s20+$0x0], $0xffff;
	(erf) = vrcp.f32 v36;
	v27 =	vmul.f32 v9, v54;
	[tilespmem:s22+$0x16D30] =	vst v49;
	v9 =	vmov v51  }
0x179: {  	_ =	sdelay $0x1  }
0x17a: {  	v25 =	vmul.f32 $1.442695020e+00, v47;
	v36 =	vadd.s32 $0x1, v10;
	v34 =	vmul.f32 v45, v34  }
0x17b: {  	v45 =	vcvt.s32.f32 v46;
	v39 =	vmul.f32 v39, v40  }
0x17c: {  	v58 =	vld.idx.msk [tilespmem:v16+s21+$0x0], $0xffff;
	(erf) = vpow2.f32 v44;
	v33 =	vmul.f32 v38, v33  }
0x17d: {  	v61 =	vld.idx.msk [tilespmem:v17+s21+$0x0], $0xffff;
	v59 =	vmul.f32 v42, v40;
	v39 =	vmul.f32 $1.442695020e+00, v39  }
0x17e: {  	v49 =	vld.idx.msk [tilespmem:v12+s21+$0x0], $0xffff;
	(erf) = vpow2.f32 v25;
	v37 =	vmul.f32 v37, v15  }
0x17f: {  	v60 =	vmul.f32 v43, v14;
	v62 =	vmul.f32 $1.442695020e+00, v59;
	v63 =	vld.idx.msk [tilespmem:v36+s21+$0x0], $0xffff  }
0x180: {  	(erf) = vpow2.f32 v39;
	v47 =	vmul.f32 $1.442695020e+00, v37  }
0x181: {  	v46 =	vmul.f32 v58, v15;
	(erf) = vpow2.f32 v62  }
0x182: {  	v48 =	vmul.f32 $1.442695020e+00, v60;
	v42 =	vmul.f32 v61, v14  }
0x183: {  	v55 =	vmul.f32 v49, v15;
	v39 =	vmul.f32 $1.442695020e+00, v46  }
0x184: {  	v50 =	vpop (erf);
	(erf) = vpow2.f32 v47;
	v51 =	vmul.f32 v63, v14  }
0x185: {  	v27 =	vadd.f32 v27, v41;
	v52 =	vpop (erf);
	v53 =	vmul.f32 $1.442695020e+00, v42;
	(erf) = vpow2.f32 v39  }
0x186: {  	v54 =	vpop (erf);
	(erf) = vpow2.f32 v48;
	v14 =	vmul.f32 $1.442695020e+00, v51  }
0x187: {  	v19 =	vld.idx.msk [tilespmem:v19+s20+$0x0], $0xffff;
	v27 =	vadd.f32 v34, v27;
	v37 =	vpop (erf);
	v15 =	vmul.f32 $1.442695020e+00, v55;
	(erf) = vpow2.f32 v53  }
0x188: {  	v21 =	vld.idx.msk [tilespmem:v21+s20+$0x0], $0xffff;
	v32 =	vadd.f32 v33, v32;
	v56 =	vmul.f32 v54, v35;
	v35 =	vpop (erf);
	(erf) = vpow2.f32 v14  }
0x189: {  	v18 =	vmul.u32 v18, v22;
	v38 =	vld.idx.msk [tilespmem:v10+s20+$0x0], $0xffff;
	v3 =	vmul.f32 v3, v27;
	v57 =	vpop (erf);
	(erf) = vpow2.f32 v15  }
0x18a: {  	v30 =	vcvt.s32.f32 v30;
	v13 =	vcvt.s32.f32 v13;
	v58 =	vld.idx.msk [tilespmem:v26+s20+$0x0], $0xffff;
	v32 =	vadd.f32 v56, v32;
	v60 =	vpop (erf)  }
0x18b: {  	v11 =	vld.idx.msk [tilespmem:v11+s20+$0x0], $0xffff;
	v18 =	vcvt.s32.f32 v18;
	v3 =	vmul.f32 v3, v29;
	v61 =	vpop (erf)  }
0x18c: {  	v59 =	vmul.f32 v50, v31;
	v62 =	vld.idx.msk [tilespmem:v16+s20+$0x0], $0xffff;
	v4 =	vmul.f32 v4, v32;
	v63 =	vpop (erf)  }
0x18d: {  	v25 =	vmul.f32 v52, v28;
	v34 =	vld.idx.msk [tilespmem:v36+s20+$0x0], $0xffff;
	v3 =	vmul.f32 $2.645885940e-01, v3;
	v36 =	vpop (erf)  }
0x18e: {  	v42 =	vld.idx.msk [tilespmem:v12+s20+$0x0], $0xffff;
	v4 =	vmul.f32 v4, v23;
	v14 =	vmul.f32 v57, v19;
	v39 =	vpop (erf)  }
0x18f: {  	v40 =	vld.idx.msk [tilespmem:v17+s20+$0x0], $0xffff;
	v22 =	vmul.f32 v60, v58;
	v15 =	vmul.f32 v63, v20;
	v41 =	vpop (erf)  }
0x190: {  	v4 =	vmul.f32 $2.645885940e-01, v4;
	v21 =	vmul.f32 v61, v21;
	v46 =	vadd.f32 v59, v14;
	v43 =	vpop (erf)  }
0x191: {  	v11 =	vmul.f32 v36, v11;
	v15 =	vadd.f32 v15, v22;
	v50 =	vmul.f32 v39, v62;
	v44 =	vpop (erf)  }
0x192: {  	[tilespmem:s2+$0x17D00] =	vst v5;
	v48 =	vld [tilespmem:s2+$0x15D00];
	v5 =	vadd.f32 v25, v46;
	v10 =	vmul.f32 v41, v38;
	v47 =	vmul.f32 v44, v34;
	v53 =	vpop (erf)  }
0x193: {  	v51 =	vld [tilespmem:s30+$0x15D00];
	(erf) = vrcp.f32 v7;
	v55 =	vadd.f32 v50, v11;
	v56 =	vmul.f32 v53, v42  }
0x194: {  	v58 =	vld [tilespmem:s19+$0x15D00];
	v49 =	vadd.f32 v21, v15;
	v52 =	vmul.f32 v43, v40;
	v10 =	vadd.f32 v47, v10  }
0x195: {  	[tilespmem:s30+$0x17D00] =	vst v6;
	v54 =	vld [tilespmem:s31+$0x15D00];
	v1 =	vmul.f32 v3, v1;
	v57 =	vmul.f32 v13, v5;
	v7 =	vadd.f32 v56, v55  }
0x196: {  	[tilespmem:s31+$0x17D00] =	vst v2;
	v4 =	vmul.f32 v4, v37;
	v6 =	vmul.f32 v30, v49;
	v2 =	vadd.f32 v52, v10  }
0x197: {  	v3 =	vmul.f32 v57, v48;
	v7 =	vmul.f32 v18, v7  }
0x198: {  	v6 =	vmul.f32 v6, v51;
	v2 =	vmul.f32 v45, v2  }
0x199: {  	[tilespmem:s22+$0x16D00] =	vst v24;
	v3 =	vmul.f32 $2.645885940e-01, v3;
	v5 =	vmul.f32 v7, v58  }
0x19a: {  	[tilespmem:s19+$0x17D00] =	vst v0;
	v59 =	vmul.f32 $2.645885940e-01, v6;
	v2 =	vmul.f32 v2, v54  }
0x19b: {  	[tilespmem:s22+$0x16D10] =	vst v1;
	v3 =	vmul.f32 v3, v9;
	v61 =	vmul.f32 $2.645885940e-01, v5  }
0x19c: {  	[tilespmem:s22+$0x16D20] =	vst v4;
	v60 =	vmul.f32 v59, v35;
	v62 =	vpop (erf);
	v2 =	vmul.f32 $2.645885940e-01, v2  }
0x19d: {  	[tilespmem:s30+$0x16D30] =	vst v3;
	v63 =	vmul.f32 v61, v62  }
0x19e: {  	[tilespmem:s30+$0x16D00] =	vst v60;
	v2 =	vmul.f32 v2, v8  }
0x19f: {  	[tilespmem:s30+$0x16D20] =	vst v63  }
0x1a0: {  	s0 =	simm.s32 $0x17D00;
	s22 =	simm.s32 $0x16D00;
	[tilespmem:s30+$0x16D10] =	vst v2  }
0x1a1: {  	[spmem:s7] =	stream.indirect.scatter.add.f32 [tilespmem:s22], [sflag:$0x3], $0x1, s0, s29, $0xb8;
	[tilespmem:$0x1A570] =	vst v63  }
0x1a2: {  	s23 =	simm.s32 $0x17D80;
	s24 =	simm.s32 $0x16D80  }
0x1a3: {  	[spmem:s7] =	stream.indirect.scatter.add.f32 [tilespmem:s24], [sflag:$0x3], $0x1, s23, s29, $0xb8;
	[tilespmem:$0x1A570] =	vst v63  }
0x1a4: {  	s25 =	simm.s32 $0x17E00;
	s26 =	simm.s32 $0x16E00  }
0x1a5: {  	[spmem:s7] =	stream.indirect.scatter.add.f32 [tilespmem:s26], [sflag:$0x3], $0x1, s25, s29, $0xb8;
	[tilespmem:$0x1A570] =	vst v63  }
0x1a6: {  	s31 =	simm.s32 $0x16E80;
	s30 =	simm.s32 $0x17E80  }
0x1a7: {  	[spmem:s7] =	stream.indirect.scatter.add.f32 [tilespmem:s31], [sflag:$0x3], $0x1, s30, s29, $0xb8;
	[tilespmem:$0x1A570] =	vst v63  }
0x1a8: {  	s9 =	simm.s32 $0x16F00;
	s2 =	simm.s32 $0x17F00  }
0x1a9: {  	[spmem:s7] =	stream.indirect.scatter.add.f32 [tilespmem:s9], [sflag:$0x3], $0x1, s2, s29, $0xb8;
	[tilespmem:$0x1A570] =	vst v63  }
0x1aa: {  	s10 =	simm.s32 $0x17F80;
	s13 =	simm.s32 $0x16F80  }
0x1ab: {  	[spmem:s7] =	stream.indirect.scatter.add.f32 [tilespmem:s13], [sflag:$0x3], $0x1, s10, s29, $0xb8;
	[tilespmem:$0x1A570] =	vst v63  }
0x1ac: {  	s19 =	simm.s32 $0x18000;
	s22 =	simm.s32 $0x17000  }
0x1ad: {  	[spmem:s7] =	stream.indirect.scatter.add.f32 [tilespmem:s22], [sflag:$0x3], $0x1, s19, s29, $0xb8;
	[tilespmem:$0x1A570] =	vst v63  }
0x1ae: {  	s23 =	simm.s32 $0x18080;
	s24 =	simm.s32 $0x17080  }
0x1af: {  	[spmem:s7] =	stream.indirect.scatter.add.f32 [tilespmem:s24], [sflag:$0x3], $0x1, s23, s29, $0xb8;
	[tilespmem:$0x1A570] =	vst v63  }
0x1b0: {  	s25 =	simm.s32 $0x18100;
	s26 =	simm.s32 $0x17100  }
0x1b1: {  	[spmem:s7] =	stream.indirect.scatter.add.f32 [tilespmem:s26], [sflag:$0x3], $0x1, s25, s29, $0xb8;
	[tilespmem:$0x1A570] =	vst v63  }
0x1b2: {  	s30 =	simm.s32 $0x18180;
	s31 =	simm.s32 $0x17180  }
0x1b3: {  	[spmem:s7] =	stream.indirect.scatter.add.f32 [tilespmem:s31], [sflag:$0x3], $0x1, s30, s29, $0xb8;
	[tilespmem:$0x1A570] =	vst v63  }
0x1b4: {  	s9 =	simm.s32 $0x18200;
	s10 =	simm.s32 $0x17200  }
0x1b5: {  	[spmem:s7] =	stream.indirect.scatter.add.f32 [tilespmem:s10], [sflag:$0x3], $0x1, s9, s29, $0xb8;
	[tilespmem:$0x1A570] =	vst v63  }
0x1b6: {  	s13 =	simm.s32 $0x18280;
	s19 =	simm.s32 $0x17280  }
0x1b7: {  	[spmem:s7] =	stream.indirect.scatter.add.f32 [tilespmem:s19], [sflag:$0x3], $0x1, s13, s29, $0xb8;
	[tilespmem:$0x1A570] =	vst v63  }
0x1b8: {  	p3 =	sge.u32 s6, s12;
	s22 =	simm.s32 $0x18300;
	s23 =	simm.s32 $0x17300  }
0x1b9: {  	[spmem:s7] =	stream.indirect.scatter.add.f32 [tilespmem:s23], [sflag:$0x3], $0x1, s22, s29, $0xb8;
	[tilespmem:$0x1A570] =	vst v63  }
0x1ba: {  	s0 =	sadd.s32 @!p3 s11, s6;
	s24 =	simm.s32 $0x18380;
	s25 =	simm.s32 $0x17380  }
0x1bb: {  	[spmem:s7] =	stream.indirect.scatter.add.f32 [tilespmem:s25], [sflag:$0x3], $0x1, s24, s29, $0xb8;
	[tilespmem:$0x1A570] =	vst v63  }
0x1bc: {  	s0 =	sshll.u32 @!p3 s0, $0x8;
	s26 =	simm.s32 $0x18400;
	s30 =	simm.s32 $0x17400  }
0x1bd: {  	[spmem:s7] =	stream.indirect.scatter.add.f32 [tilespmem:s30], [sflag:$0x3], $0x1, s26, s29, $0xb8;
	[tilespmem:$0x1A570] =	vst v63  }
0x1be: {  	s0 =	sand.u32 @!p3 $0x1FFFFF00, s0;
	s31 =	simm.s32 $0x18480  }
0x1bf: {  	[spmem:s7] =	stream.indirect.scatter.add.f32 [tilespmem:s14], [sflag:$0x3], $0x1, s31, s29, $0xb8;
	[tilespmem:$0x1A570] =	vst v63  }
0x1c0: {  	s6 =	simm.s32 @!p3 $0x0;
	s2 =	sadd.s32 @!p3 s1, s0;
	s9 =	simm.s32 @!p3 $0x12D00  }
0x1c1: {  	[tilespmem:s9], [sflag:$0x1] =	stream.linear.gather @!p3 [hbm4b:s2+s6], $0x800, $0x38;
	[tilespmem:$0x1A570] =	vst v63  }
0x1c2: {  	s2 =	sadd.s32 @!p3 s3, s0;
	s9 =	simm.s32 @!p3 $0x13D00  }
0x1c3: {  	[tilespmem:s9], [sflag:$0x1] =	stream.linear.gather @!p3 [hbm4b:s2+s6], $0x800, $0x38;
	[tilespmem:$0x1A570] =	vst v63  }
.Ltmp5:
0x1c4: {  	_ = 	snop;
	(pc) =	sbr.rel @p2 .LBB2_8-.Ltmp5, $4  }
0x1c5: {  	s2 =	sadd.s32 @!p3 s4, s0;
	s9 =	simm.s32 @!p3 $0x14D00  }
0x1c6: {  	[tilespmem:s9], [sflag:$0x1] =	stream.linear.gather @!p3 [hbm4b:s2+s6], $0x800, $0x38;
	[tilespmem:$0x1A570] =	vst v63  }
0x1c7: {  	s0 =	sadd.s32 @!p3 s5, s0;
	s2 =	simm.s32 @!p3 $0x15D00  }
0x1c8: {  	[tilespmem:s2], [sflag:$0x1] =	stream.linear.gather @!p3 [hbm4b:s0+s6], $0x800, $0x38;
	[tilespmem:$0x1A570] =	vst v63  }
0x1c9: {  	_ =	swait.ge [sflag:s15], $0x800  }
0x1ca: {  	[sflag:s15] =	ssyncset.done $0x0  }
0x1cb: {  	[sflag:s15] =	ssyncadd.s32 $0xFFFFF800  }
0x1cc: {  	_ =	swait.ge [sflag:s15], $0x800  }
0x1cd: {  	[sflag:s15] =	ssyncset.done $0x0  }
0x1ce: {  	[sflag:s15] =	ssyncadd.s32 $0xFFFFF800  }
0x1cf: {  	_ =	swait.ge [sflag:s15], $0x800  }
0x1d0: {  	[sflag:s15] =	ssyncset.done $0x0  }
0x1d1: {  	[sflag:s15] =	ssyncadd.s32 $0xFFFFF800  }
0x1d2: {  	_ =	swait.ge [sflag:s15], $0x800  }
0x1d3: {  	[sflag:s15] =	ssyncset.done $0x0  }
0x1d4: {  	s0 =	simm.s32 @!p1 $0x4;
	[sflag:s15] =	ssyncadd.s32 $0xFFFFF800  }
0x1d5: {  	_ =	swait.ge @!p1 [sflag:s0], $0x80  }
0x1d6: {  	[sflag:s0] =	ssyncset.done @!p1 $0x0  }
0x1d7: {  	[sflag:s0] =	ssyncadd.s32 @!p1 $0xFFFFFF80  }
0x1d8: {  	_ =	swait.ge @!p1 [sflag:s0], $0x80  }
0x1d9: {  	[sflag:s0] =	ssyncset.done @!p1 $0x0  }
0x1da: {  	[sflag:s0] =	ssyncadd.s32 @!p1 $0xFFFFFF80  }
0x1db: {  	_ =	swait.ge @!p1 [sflag:s0], $0x80  }
0x1dc: {  	[sflag:s0] =	ssyncset.done @!p1 $0x0  }
0x1dd: {  	[sflag:s0] =	ssyncadd.s32 @!p1 $0xFFFFFF80  }
0x1de: {  	_ =	swait.ge @!p1 [sflag:s0], $0x80  }
0x1df: {  	[sflag:s0] =	ssyncset.done @!p1 $0x0  }
0x1e0: {  	[sflag:s0] =	ssyncadd.s32 @!p1 $0xFFFFFF80  }
0x1e1: {  	_ =	swait.ge @!p1 [sflag:s0], $0x80  }
0x1e2: {  	[sflag:s0] =	ssyncset.done @!p1 $0x0  }
0x1e3: {  	[sflag:s0] =	ssyncadd.s32 @!p1 $0xFFFFFF80  }
0x1e4: {  	_ =	swait.ge @!p1 [sflag:s0], $0x80  }
0x1e5: {  	[sflag:s0] =	ssyncset.done @!p1 $0x0  }
0x1e6: {  	[sflag:s0] =	ssyncadd.s32 @!p1 $0xFFFFFF80  }
0x1e7: {  	_ =	swait.ge @!p1 [sflag:s0], $0x80  }
0x1e8: {  	[sflag:s0] =	ssyncset.done @!p1 $0x0  }
0x1e9: {  	[sflag:s0] =	ssyncadd.s32 @!p1 $0xFFFFFF80  }
0x1ea: {  	_ =	swait.ge @!p1 [sflag:s0], $0x80  }
0x1eb: {  	[sflag:s0] =	ssyncset.done @!p1 $0x0  }
0x1ec: {  	[sflag:s0] =	ssyncadd.s32 @!p1 $0xFFFFFF80  }
0x1ed: {  	_ =	swait.ge @!p1 [sflag:s0], $0x80  }
0x1ee: {  	[sflag:s0] =	ssyncset.done @!p1 $0x0  }
0x1ef: {  	[sflag:s0] =	ssyncadd.s32 @!p1 $0xFFFFFF80  }
0x1f0: {  	_ =	swait.ge @!p1 [sflag:s0], $0x80  }
0x1f1: {  	[sflag:s0] =	ssyncset.done @!p1 $0x0  }
0x1f2: {  	[sflag:s0] =	ssyncadd.s32 @!p1 $0xFFFFFF80  }
0x1f3: {  	_ =	swait.ge @!p1 [sflag:s0], $0x80  }
0x1f4: {  	[sflag:s0] =	ssyncset.done @!p1 $0x0  }
0x1f5: {  	[sflag:s0] =	ssyncadd.s32 @!p1 $0xFFFFFF80  }
0x1f6: {  	_ =	swait.ge @!p1 [sflag:s0], $0x80  }
0x1f7: {  	[sflag:s0] =	ssyncset.done @!p1 $0x0  }
0x1f8: {  	[sflag:s0] =	ssyncadd.s32 @!p1 $0xFFFFFF80  }
0x1f9: {  	_ =	swait.ge @!p1 [sflag:s0], $0x80  }
0x1fa: {  	[sflag:s0] =	ssyncset.done @!p1 $0x0  }
0x1fb: {  	[sflag:s0] =	ssyncadd.s32 @!p1 $0xFFFFFF80  }
0x1fc: {  	_ =	swait.ge @!p1 [sflag:s0], $0x80  }
0x1fd: {  	[sflag:s0] =	ssyncset.done @!p1 $0x0  }
0x1fe: {  	[sflag:s0] =	ssyncadd.s32 @!p1 $0xFFFFFF80  }
0x1ff: {  	_ =	swait.ge @!p1 [sflag:s0], $0x80  }
0x200: {  	[sflag:s0] =	ssyncset.done @!p1 $0x0  }
0x201: {  	[sflag:s0] =	ssyncadd.s32 @!p1 $0xFFFFFF80  }
0x202: {  	s2 =	simm.s32 $0x0;
	s6 =	simm.s32 $0x30;
	_ =	swait.ge @!p1 [sflag:s0], $0x80  }
0x203: {  	s2 =	sand.u32 $0x780, s2;
	s6 =	sand.u32 $0x70, s6;
	[sflag:s0] =	ssyncset.done @!p1 $0x0  }
0x204: {  	s24 =	sor.u32 s2, s6;
	[sflag:s0] =	ssyncadd.s32 @!p1 $0xFFFFFF80  }
0x205: {  	v0 =	vld [tilespmem:s24+$0x14500];
	_ =	sdelay $0x1  }
0x206: {  	v9 =	vld [tilespmem:s24+$0x13500]  }
0x207: {  	s10 =	simm.s32 $0x20  }
0x208: {  	s13 =	sand.u32 $0x60, s10  }
0x209: {  	s6 =	sor.u32 s2, s13;
	v1 =	vshrl.u32 v0, $0x2  }
0x20a: {  	s9 =	simm.s32 $0x10;
	v3 =	vld [tilespmem:s6+$0x14500]  }
0x20b: {  	s22 =	simm.s32 $0x0;
	s0 =	sand.u32 $0x50, s9;
	v12 =	vld [tilespmem:s6+$0x13500];
	v4 =	vshrl.u32 v9, $0x2  }
0x20c: {  	s23 =	sor.u32 s2, s0;
	v5 =	vld [tilespmem:s22+$0x14500]  }
0x20d: {  	v2 =	vld [tilespmem:s23+$0x14500]  }
0x20e: {  	v1 =	vld.idx.msk [tilespmem:v1+s8+$0x0], $0xffff  }
0x20f: {  	v8 =	vld [tilespmem:s22+$0x13500]  }
0x210: {  	v4 =	vld.idx.msk [tilespmem:v4+s8+$0x0], $0xffff  }
0x211: {  	v0 =	vshll.u32 v0, $0x3;
	v7 =	vshrl.u32 v3, $0x2  }
0x212: {  	v6 =	vshrl.u32 v2, $0x2;
	v0 =	vand.u32 $0x18, v0  }
0x213: {  	v20 =	vld [tilespmem:s23+$0x13500];
	v10 =	vshll.u32 v9, $0x3;
	v11 =	vshrl.u32 v5, $0x2;
	v0 =	vshrl.u32 v1, v0  }
0x214: {  	v14 =	vshrl.u32 v8, $0x2;
	v10 =	vand.u32 $0x18, v10;
	v0 =	vand.u32 $0xFF, v0  }
0x215: {  	v13 =	vld [tilespmem:s23+$0x15500];
	v1 =	vshrl.u32 v12, $0x2;
	v4 =	vshrl.u32 v4, v10;
	v10 =	vmul.u32 $0x5C, v0  }
0x216: {  	v7 =	vld.idx.msk [tilespmem:v7+s8+$0x0], $0xffff;
	v4 =	vand.u32 $0xFF, v4  }
0x217: {  	v6 =	vld.idx.msk [tilespmem:v6+s8+$0x0], $0xffff;
	v10 =	vadd.s32 v4, v10  }
0x218: {  	v15 =	vshrl.u32 v20, $0x2;
	v11 =	vld.idx.msk [tilespmem:v11+s8+$0x0], $0xffff;
	v17 =	vmul.u32 $0x3, v10  }
0x219: {  	v16 =	vshll.u32 v12, $0x3;
	v19 =	vshll.u32 v8, $0x3;
	v5 =	vshll.u32 v5, $0x3;
	v14 =	vld.idx.msk [tilespmem:v14+s8+$0x0], $0xffff  }
0x21a: {  	v3 =	vshll.u32 v3, $0x3;
	v2 =	vshll.u32 v2, $0x3;
	v1 =	vld.idx.msk [tilespmem:v1+s8+$0x0], $0xffff;
	v18 =	vadd.s32 $0x1, v17  }
0x21b: {  	v24 =	vld [tilespmem:s6+$0x15500];
	v5 =	vand.u32 $0x18, v5;
	v3 =	vand.u32 $0x18, v3;
	v2 =	vand.u32 $0x18, v2  }
0x21c: {  	v2 =	vshrl.u32 v6, v2;
	v6 =	vand.u32 $0x18, v16;
	v16 =	vld [tilespmem:s24+$0x15500];
	v21 =	vadd.s32 $0x2, v17  }
0x21d: {  	(erf) = vrcp.f32 v13;
	v15 =	vld.idx.msk [tilespmem:v15+s8+$0x0], $0xffff;
	v5 =	vshrl.u32 v11, v5;
	v3 =	vshrl.u32 v7, v3  }
0x21e: {  	v26 =	vld [tilespmem:s22+$0x15500];
	v11 =	vand.u32 $0x18, v19;
	v5 =	vand.u32 $0xFF, v5;
	v3 =	vand.u32 $0xFF, v3  }
0x21f: {  	s19 =	simm.s32 $0x40;
	s30 =	simm.s32 $0x40;
	s9 =	simm.s32 $0x50;
	v1 =	vshrl.u32 v1, v6;
	v6 =	vshrl.u32 v14, v11;
	v11 =	vmul.u32 $0x5C, v5;
	v14 =	vld.idx.msk [tilespmem:v18+s21+$0x0], $0xffff  }
0x220: {  	s0 =	sand.u32 $0x780, s19;
	s9 =	sand.u32 $0x50, s9;
	v39 =	vld [tilespmem:s30+$0x14500];
	v2 =	vand.u32 $0xFF, v2;
	v10 =	vshll.u32 v20, $0x3;
	v6 =	vand.u32 $0xFF, v6  }
0x221: {  	s31 =	sor.u32 s0, s9;
	v10 =	vand.u32 $0x18, v10;
	(erf) = vrcp.f32 v16;
	v7 =	vld.idx.msk [tilespmem:v21+s21+$0x0], $0xffff;
	v11 =	vadd.s32 v6, v11  }
0x222: {  	v38 =	vld [tilespmem:s31+$0x15500];
	v10 =	vshrl.u32 v15, v10;
	v15 =	vsub.f32 $0.0e+00, v16;
	v19 =	vmul.u32 $0x3, v11  }
0x223: {  	v22 =	vand.u32 $0xFF, v1;
	v1 =	vmul.u32 $0x5C, v2;
	v25 =	vld.idx.msk [tilespmem:v17+s21+$0x0], $0xffff;
	v5 =	vmul.u32 v6, v5  }
0x224: {  	s25 =	simm.s32 $0x70;
	v23 =	vand.u32 $0xFF, v10;
	v17 =	vld.idx.msk [tilespmem:v17+s20+$0x0], $0xffff;
	v11 =	vmul.u32 $0x5C, v3;
	v10 =	vmul.f32 v14, v15  }
0x225: {  	s2 =	sand.u32 $0x70, s25;
	v2 =	vmul.u32 v23, v2;
	v18 =	vld.idx.msk [tilespmem:v18+s20+$0x0], $0xffff;
	v1 =	vadd.s32 v23, v1;
	v37 =	vcvt.s32.f32 v5  }
0x226: {  	s2 =	sor.u32 s0, s2;
	v23 =	vld [tilespmem:s31+$0x14500];
	v11 =	vadd.s32 v22, v11;
	v7 =	vmul.f32 v7, v15;
	v14 =	vmul.f32 $1.442695020e+00, v10  }
0x227: {  	v5 =	vld [tilespmem:s2+$0x13500];
	v27 =	vadd.s32 $0x2, v19;
	v28 =	vadd.s32 $0x1, v19;
	v11 =	vmul.u32 $0x3, v11  }
0x228: {  	v10 =	vmul.u32 $0x3, v1;
	v1 =	vmul.f32 $1.442695020e+00, v7;
	v7 =	vld.idx.msk [tilespmem:v19+s21+$0x0], $0xffff;
	(erf) = vpow2.f32 v14  }
0x229: {  	v21 =	vld.idx.msk [tilespmem:v21+s20+$0x0], $0xffff;
	v14 =	vadd.s32 $0x1, v11  }
0x22a: {  	v25 =	vmul.f32 v25, v15;
	v15 =	vsub.f32 $0.0e+00, v13;
	v13 =	vld [tilespmem:s2+$0x14500];
	(erf) = vpow2.f32 v1  }
0x22b: {  	v31 =	vsub.f32 $0.0e+00, v26;
	v35 =	vsub.f32 $0.0e+00, v24;
	v33 =	vmul.u32 v4, v0;
	v19 =	vld.idx.msk [tilespmem:v19+s20+$0x0], $0xffff  }
0x22c: {  	s10 =	simm.s32 $0x60;
	v4 =	vmul.f32 $1.442695020e+00, v25;
	v55 =	vshrl.u32 v23, $0x2;
	v23 =	vshll.u32 v23, $0x3;
	v29 =	vld.idx.msk [tilespmem:v27+s21+$0x0], $0xffff  }
0x22d: {  	s26 =	sand.u32 $0x60, s10;
	v43 =	vshrl.u32 v5, $0x2;
	v44 =	vshll.u32 v5, $0x3;
	v16 =	vld.idx.msk [tilespmem:v28+s21+$0x0], $0xffff;
	v0 =	vmul.f32 v7, v31  }
0x22e: {  	s19 =	sor.u32 s0, s26;
	v23 =	vand.u32 $0x18, v23;
	v44 =	vand.u32 $0x18, v44;
	v36 =	vadd.s32 $0x2, v10;
	v1 =	vpop (erf);
	v7 =	vld.idx.msk [tilespmem:v14+s21+$0x0], $0xffff  }
0x22f: {  	v25 =	vpop (erf);
	(erf) = vrcp.f32 v26;
	v6 =	vmul.f32 $1.442695020e+00, v0;
	v0 =	vmul.u32 v22, v3;
	v22 =	vld [tilespmem:s19+$0x14500]  }
0x230: {  	v48 =	vadd.s32 $0x1, v10;
	v56 =	vshrl.u32 v13, $0x2;
	v32 =	vld.idx.msk [tilespmem:v10+s21+$0x0], $0xffff;
	(erf) = vpow2.f32 v4  }
0x231: {  	v28 =	vld.idx.msk [tilespmem:v28+s20+$0x0], $0xffff;
	v13 =	vshll.u32 v13, $0x3;
	v3 =	vcvt.s32.f32 v2;
	v4 =	vcvt.s32.f32 v0;
	v2 =	vpop (erf)  }
0x232: {  	v13 =	vand.u32 $0x18, v13;
	v0 =	vld [tilespmem:s19+$0x13500];
	v34 =	vmul.f32 v2, v18;
	v18 =	vmul.f32 v16, v31  }
0x233: {  	v30 =	vld.idx.msk [tilespmem:v11+s21+$0x0], $0xffff;
	v26 =	vpop (erf);
	v16 =	vadd.s32 $0x2, v11;
	(erf) = vpow2.f32 v6;
	v45 =	vmul.f32 v7, v35  }
0x234: {  	v2 =	vld [tilespmem:s31+$0x13500];
	v40 =	vshrl.u32 v22, $0x2;
	v21 =	vmul.f32 v26, v21;
	v26 =	vmul.f32 v29, v31  }
0x235: {  	v6 =	vld [tilespmem:s30+$0x13500];
	v22 =	vshll.u32 v22, $0x3;
	v29 =	vcvt.s32.f32 v33;
	v31 =	vmul.f32 v32, v15  }
0x236: {  	v32 =	vld.idx.msk [tilespmem:v55+s8+$0x0], $0xffff;
	v22 =	vand.u32 $0x18, v22;
	v18 =	vmul.f32 $1.442695020e+00, v18;
	v26 =	vmul.f32 $1.442695020e+00, v26  }
0x237: {  	v33 =	vld.idx.msk [tilespmem:v56+s8+$0x0], $0xffff;
	v46 =	vshrl.u32 v0, $0x2;
	v55 =	vmul.f32 $1.442695020e+00, v45;
	v31 =	vmul.f32 $1.442695020e+00, v31  }
0x238: {  	v27 =	vld.idx.msk [tilespmem:v27+s20+$0x0], $0xffff;
	v47 =	vshll.u32 v0, $0x3;
	(erf) = vpow2.f32 v26;
	v26 =	vmul.f32 v30, v35  }
0x239: {  	v47 =	vand.u32 $0x18, v47;
	v41 =	vshrl.u32 v2, $0x2;
	v42 =	vshll.u32 v2, $0x3;
	v40 =	vld.idx.msk [tilespmem:v40+s8+$0x0], $0xffff  }
0x23a: {  	v43 =	vld.idx.msk [tilespmem:v43+s8+$0x0], $0xffff;
	v57 =	vshrl.u32 v6, $0x2;
	v49 =	vshll.u32 v6, $0x3;
	v30 =	vand.u32 $0x18, v42  }
0x23b: {  	v62 =	vld.idx.msk [tilespmem:v48+s21+$0x0], $0xffff;
	(erf) = vpow2.f32 v18;
	v18 =	vshrl.u32 v39, $0x2;
	v39 =	vshll.u32 v39, $0x3  }
0x23c: {  	v63 =	vld.idx.msk [tilespmem:v36+s21+$0x0], $0xffff;
	v23 =	vshrl.u32 v32, v23;
	v13 =	vshrl.u32 v33, v13;
	v50 =	vmul.f32 $1.442695020e+00, v26;
	v26 =	vpop (erf)  }
0x23d: {  	v48 =	vld.idx.msk [tilespmem:v48+s20+$0x0], $0xffff;
	(erf) = vrcp.f32 v38;
	v39 =	vand.u32 $0x18, v39;
	v13 =	vand.u32 $0xFF, v13;
	v58 =	vpop (erf)  }
0x23e: {  	v46 =	vld.idx.msk [tilespmem:v46+s8+$0x0], $0xffff;
	v60 =	vmul.u32 $0x5C, v13;
	(erf) = vpow2.f32 v50;
	v22 =	vshrl.u32 v40, v22;
	v59 =	vpop (erf)  }
0x23f: {  	v41 =	vld.idx.msk [tilespmem:v41+s8+$0x0], $0xffff;
	(erf) = vpow2.f32 v55;
	v33 =	vmul.f32 v59, v19;
	v19 =	vshrl.u32 v43, v44  }
0x240: {  	v42 =	vld.idx.msk [tilespmem:v57+s8+$0x0], $0xffff;
	v17 =	vmul.f32 v58, v17;
	(erf) = vpow2.f32 v31;
	v19 =	vand.u32 $0xFF, v19  }
0x241: {  	v57 =	vld [tilespmem:s2+$0x15500];
	v22 =	vand.u32 $0xFF, v22;
	v58 =	vmul.f32 v62, v15;
	v43 =	vadd.s32 v19, v60  }
0x242: {  	v61 =	vld.idx.msk [tilespmem:v18+s8+$0x0], $0xffff;
	v15 =	vmul.f32 v63, v15;
	v13 =	vmul.u32 v19, v13;
	v19 =	vmul.u32 $0x3, v43  }
0x243: {  	v63 =	vld.idx.msk [tilespmem:v11+s20+$0x0], $0xffff;
	v46 =	vshrl.u32 v46, v47;
	v59 =	vand.u32 $0x18, v49;
	v11 =	vmul.u32 $0x5C, v22;
	v18 =	vpop (erf)  }
0x244: {  	v7 =	vld [tilespmem:s19+$0x15500];
	v17 =	vadd.f32 v34, v17;
	v27 =	vmul.f32 v18, v27;
	v43 =	vadd.s32 $0x1, v19  }
0x245: {  	v50 =	vld [tilespmem:s30+$0x15500];
	v51 =	vpop (erf);
	v18 =	vand.u32 $0xFF, v46;
	v30 =	vshrl.u32 v41, v30;
	v46 =	vand.u32 $0xFF, v23  }
0x246: {  	v23 =	vld.idx.msk [tilespmem:v16+s21+$0x0], $0xffff;
	v17 =	vadd.f32 v21, v17;
	v28 =	vmul.f32 v51, v28;
	v56 =	vadd.s32 $0x2, v19  }
0x247: {  	[tilespmem:s22+$0x18500] =	vst v8;
	(erf) = vrcp.f32 v57;
	v51 =	vand.u32 $0xFF, v30;
	v30 =	vld [tilespmem:s24+$0x16500];
	v31 =	vmul.u32 $0x5C, v46  }
0x248: {  	v11 =	vadd.s32 v18, v11;
	v8 =	vadd.f32 v28, v33;
	v28 =	vshrl.u32 v61, v39;
	v33 =	vld.idx.msk [tilespmem:v14+s20+$0x0], $0xffff  }
0x249: {  	v17 =	vmul.f32 v29, v17;
	v14 =	vmul.f32 $1.442695020e+00, v15;
	v47 =	vand.u32 $0xFF, v28;
	v61 =	vld.idx.msk [tilespmem:v43+s21+$0x0], $0xffff  }
0x24a: {  	v39 =	vld [tilespmem:s22+$0x16500];
	v8 =	vadd.f32 v27, v8;
	v27 =	vshrl.u32 v42, v59;
	v28 =	vmul.u32 $0x5C, v47  }
0x24b: {  	v29 =	vsub.f32 $0.0e+00, v57;
	v11 =	vmul.u32 $0x3, v11;
	v49 =	vand.u32 $0xFF, v27;
	v52 =	vld.idx.msk [tilespmem:v56+s21+$0x0], $0xffff  }
0x24c: {  	(erf) = vpow2.f32 v14;
	v60 =	vld.idx.msk [tilespmem:v19+s21+$0x0], $0xffff;
	v21 =	vadd.s32 v49, v28;
	v62 =	vmul.f32 v37, v8  }
0x24d: {  	v34 =	vld.idx.msk [tilespmem:v36+s20+$0x0], $0xffff;
	v8 =	vmul.f32 v23, v35;
	v23 =	vmul.f32 $1.442695020e+00, v58;
	v27 =	vmul.u32 $0x3, v21  }
0x24e: {  	v36 =	vld.idx.msk [tilespmem:v16+s20+$0x0], $0xffff;
	v44 =	vadd.s32 v51, v31;
	v17 =	vmul.f32 v17, v30;
	v15 =	vmul.f32 v61, v29  }
0x24f: {  	v57 =	vld.idx.msk [tilespmem:v10+s20+$0x0], $0xffff;
	v10 =	vmul.u32 $0x3, v44;
	(erf) = vpow2.f32 v23;
	v58 =	vmul.f32 $1.442695020e+00, v8  }
0x250: {  	v28 =	vld.idx.msk [tilespmem:v56+s20+$0x0], $0xffff;
	v56 =	vmul.f32 v52, v29;
	v15 =	vmul.f32 $1.442695020e+00, v15  }
0x251: {  	v31 =	vld.idx.msk [tilespmem:v43+s20+$0x0], $0xffff;
	v30 =	vmul.f32 v62, v39;
	v21 =	vadd.s32 $0x2, v27;
	v8 =	vpop (erf);
	v59 =	vmul.f32 v60, v29  }
0x252: {  	v37 =	vld.idx.msk [tilespmem:v11+s21+$0x0], $0xffff;
	v53 =	vadd.s32 $0x1, v27;
	v60 =	vpop (erf);
	v29 =	vmul.f32 $1.442695020e+00, v56;
	(erf) = vpow2.f32 v15  }
0x253: {  	v40 =	vsub.f32 $0.0e+00, v50;
	v46 =	vmul.u32 v51, v46;
	v62 =	vmul.f32 $2.645885940e-01, v17;
	v61 =	vld.idx.msk [tilespmem:v27+s21+$0x0], $0xffff  }
0x254: {  	v14 =	vsub.f32 $0.0e+00, v38;
	v23 =	vld [tilespmem:s6+$0x16500];
	v54 =	vmul.f32 $2.645885940e-01, v30;
	v38 =	vpop (erf);
	(erf) = vpow2.f32 v29  }
0x255: {  	[tilespmem:s24+$0x18500] =	vst v9;
	v16 =	vadd.s32 $0x1, v11;
	v43 =	vld.idx.msk [tilespmem:v10+s21+$0x0], $0xffff;
	v32 =	vmul.f32 v60, v63;
	v63 =	vpop (erf);
	(erf) = vpow2.f32 v58  }
0x256: {  	[tilespmem:s6+$0x18500] =	vst v12;
	v12 =	vadd.s32 $0x2, v11;
	v25 =	vmul.f32 v62, v25;
	v39 =	vld.idx.msk [tilespmem:v21+s21+$0x0], $0xffff;
	v9 =	vpop (erf);
	(erf) = vrcp.f32 v24  }
0x257: {  	[tilespmem:s23+$0x18500] =	vst v20;
	v17 =	vadd.s32 $0x2, v10;
	v44 =	vmul.f32 $1.442695020e+00, v59;
	v42 =	vld.idx.msk [tilespmem:v53+s21+$0x0], $0xffff;
	v41 =	vmul.f32 v63, v57;
	v45 =	vpop (erf)  }
0x258: {  	v30 =	vmul.u32 v49, v47;
	v20 =	vld.idx.msk [tilespmem:v53+s20+$0x0], $0xffff;
	v47 =	vmul.f32 v61, v40;
	v24 =	vmul.f32 v54, v26;
	v26 =	vpop (erf)  }
0x259: {  	s24 =	simm.s32 $0x80;
	s6 =	simm.s32 $0x4;
	[tilespmem:s22+$0x17530] =	vst v25;
	v15 =	vsub.f32 $0.0e+00, v7;
	v29 =	vld [tilespmem:s23+$0x16500];
	s23 =	simm.s32 $0x100;
	(erf) = vrcp.f32 v50;
	v26 =	vmul.f32 v26, v48  }
.LBB2_6:
0x25a: {  	s0 =	sadd.s32 $0x10, s24;
	s9 =	sadd.s32 $0x20, s24;
	s10 =	sadd.s32 $0x30, s24;
	v25 =	vmul.f32 $1.442695020e+00, v47;
	v35 =	vld.idx.msk [tilespmem:v16+s21+$0x0], $0xffff;
	v47 =	vmul.u32 v18, v22;
	v34 =	vmul.f32 v45, v34  }
0x25b: {  	s13 =	sand.u32 $0x780, s24;
	v45 =	vcvt.s32.f32 v46;
	s0 =	sand.u32 $0x50, s0;
	s10 =	sand.u32 $0x70, s10;
	v18 =	vld.idx.msk [tilespmem:v19+s20+$0x0], $0xffff;
	(erf) = vpow2.f32 v44;
	v19 =	vpop (erf);
	v26 =	vadd.f32 v26, v41  }
0x25c: {  	s25 =	sor.u32 s13, s0;
	s0 =	sand.u32 $0x60, s9;
	s9 =	sor.u32 s13, s10;
	v41 =	vld.idx.msk [tilespmem:v27+s20+$0x0], $0xffff;
	v22 =	vmul.f32 v19, v31;
	[tilespmem:s2+$0x18500] =	vst v5;
	v5 =	vmul.f32 v38, v33  }
0x25d: {  	s6 =	sadd.s32 $0x4, s6;
	v33 =	vmul.f32 v42, v40;
	v27 =	vcvt.s32.f32 v30;
	s0 =	sor.u32 s13, s0;
	v19 =	vld [tilespmem:s9+$0x14500];
	v30 =	vpop (erf);
	v26 =	vadd.f32 v34, v26  }
0x25e: {  	p1 =	slt.u32 s6, $0x7C;
	v38 =	vcvt.s32.f32 v47;
	v34 =	vld [tilespmem:s25+$0x14500];
	v31 =	vmul.f32 v30, v28;
	v28 =	vpop (erf)  }
0x25f: {  	v39 =	vmul.f32 v39, v40;
	v30 =	vadd.f32 v5, v32;
	v42 =	vld [tilespmem:s0+$0x14500];
	v36 =	vmul.f32 v28, v36;
	v40 =	vpop (erf)  }
0x260: {  	v28 =	vcvt.s32.f32 v13;
	v13 =	vmul.f32 v3, v26;
	v3 =	vmov v45;
	v32 =	vld [tilespmem:s25+$0x13500]  }
0x261: {  	v43 =	vmul.f32 v43, v14;
	v5 =	vld [tilespmem:s9+$0x13500];
	(erf) = vpow2.f32 v25;
	v36 =	vadd.f32 v36, v30  }
0x262: {  	v39 =	vmul.f32 $1.442695020e+00, v39;
	v33 =	vmul.f32 $1.442695020e+00, v33;
	v30 =	vld [tilespmem:s0+$0x13500];
	v26 =	vpop (erf)  }
0x263: {  	s23 =	sadd.s32 $0x100, s23;
	v44 =	vshrl.u32 v34, $0x2;
	v34 =	vshll.u32 v34, $0x3;
	v25 =	vld [tilespmem:s0+$0x15500];
	v45 =	vmul.f32 v4, v36;
	v4 =	vmovc v38  }
0x264: {  	s10 =	sshra.s32 s23, $0x2;
	v13 =	vmul.f32 v13, v29;
	v46 =	vshrl.u32 v19, $0x2;
	v36 =	vld [tilespmem:s25+$0x15500];
	v38 =	vshrl.u32 v42, $0x2;
	v47 =	vpop (erf)  }
0x265: {  	v29 =	vld [tilespmem:s10+$0x14500];
	v48 =	vshrl.u32 v32, $0x2;
	v49 =	vshll.u32 v32, $0x3;
	v45 =	vmul.f32 v45, v23  }
0x266: {  	v53 =	vmul.f32 v35, v15;
	v50 =	vld [tilespmem:s10+$0x13500];
	v51 =	vshrl.u32 v5, $0x2;
	v52 =	vshll.u32 v5, $0x3  }
0x267: {  	v13 =	vmul.f32 $2.645885940e-01, v13;
	v35 =	vshrl.u32 v30, $0x2;
	v54 =	vshll.u32 v30, $0x3;
	v21 =	vld.idx.msk [tilespmem:v21+s20+$0x0], $0xffff  }
0x268: {  	v37 =	vmul.f32 v37, v15;
	v23 =	vadd.s32 $0x1, v10;
	v44 =	vld.idx.msk [tilespmem:v44+s8+$0x0], $0xffff;
	[tilespmem:s30+$0x18500] =	vst v6;
	(erf) = vpow2.f32 v39  }
0x269: {  	v55 =	vmul.f32 $2.645885940e-01, v45;
	v39 =	vand.u32 $0x18, v49;
	v46 =	vld.idx.msk [tilespmem:v46+s8+$0x0], $0xffff;
	(erf) = vpow2.f32 v33  }
0x26a: {  	v56 =	vmul.f32 v13, v1;
	v33 =	vshrl.u32 v29, $0x2;
	v38 =	vld.idx.msk [tilespmem:v38+s8+$0x0], $0xffff;
	(erf) = vrcp.f32 v36;
	v45 =	vpop (erf)  }
0x26b: {  	v13 =	vshrl.u32 v50, $0x2;
	v49 =	vshll.u32 v50, $0x3;
	v51 =	vld.idx.msk [tilespmem:v51+s8+$0x0], $0xffff;
	[tilespmem:s22+$0x17500] =	vst v24;
	v24 =	vmul.f32 v55, v40;
	v6 =	vmovc v50  }
0x26c: {  	v37 =	vmul.f32 $1.442695020e+00, v37;
	v42 =	vshll.u32 v42, $0x3;
	v1 =	vmovc v8;
	v29 =	vshll.u32 v29, $0x3;
	v40 =	vld.idx.msk [tilespmem:v35+s8+$0x0], $0xffff;
	[tilespmem:s22+$0x17510] =	vst v56  }
0x26d: {  	v19 =	vshll.u32 v19, $0x3;
	v8 =	vand.u32 $0x18, v34;
	v29 =	vand.u32 $0x18, v29;
	v48 =	vld.idx.msk [tilespmem:v48+s8+$0x0], $0xffff;
	[tilespmem:s22+$0x17520] =	vst v24;
	s22 =	smov.u32 s30;
	s30 =	smov.u32 s10  }
0x26e: {  	v34 =	vmul.f32 $1.442695020e+00, v43;
	v24 =	vshrl.u32 v44, v8;
	v8 =	vand.u32 $0x18, v19;
	v35 =	vld [tilespmem:s30+$0x15500]  }
0x26f: {  	v19 =	vand.u32 $0x18, v54;
	v8 =	vshrl.u32 v46, v8;
	v33 =	vld.idx.msk [tilespmem:v33+s8+$0x0], $0xffff;
	(erf) = vpow2.f32 v37  }
0x270: {  	v41 =	vmul.f32 v45, v41;
	v8 =	vand.u32 $0xFF, v8;
	v37 =	vld.idx.msk [tilespmem:v13+s8+$0x0], $0xffff;
	v13 =	vand.u32 $0x18, v52  }
0x271: {  	v42 =	vand.u32 $0x18, v42;
	v43 =	vmul.u32 $0x5C, v8;
	v13 =	vshrl.u32 v51, v13;
	v44 =	vld.idx.msk [tilespmem:v23+s21+$0x0], $0xffff;
	v45 =	vpop (erf)  }
0x272: {  	v19 =	vshrl.u32 v40, v19;
	v13 =	vand.u32 $0xFF, v13;
	v21 =	vmul.f32 v45, v21;
	v40 =	vpop (erf)  }
0x273: {  	v46 =	vmul.f32 v47, v18;
	v43 =	vadd.s32 v13, v43;
	v13 =	vmul.u32 v13, v8;
	v8 =	vpop (erf);
	v45 =	vld.idx.msk [tilespmem:v17+s21+$0x0], $0xffff  }
0x274: {  	v18 =	vand.u32 $0xFF, v19;
	v20 =	vmul.f32 v40, v20;
	v19 =	vmul.u32 $0x3, v43;
	v40 =	vld.idx.msk [tilespmem:v12+s21+$0x0], $0xffff  }
0x275: {  	v24 =	vand.u32 $0xFF, v24;
	v39 =	vshrl.u32 v48, v39;
	v43 =	vmul.f32 $1.442695020e+00, v53  }
0x276: {  	v20 =	vadd.f32 v20, v41;
	v47 =	vadd.s32 $0x1, v19;
	v48 =	vadd.s32 $0x2, v19  }
0x277: {  	v38 =	vshrl.u32 v38, v42;
	v50 =	vand.u32 $0xFF, v39;
	v39 =	vld [tilespmem:s2+$0x16500];
	(erf) = vpow2.f32 v43;
	s2 =	smov.u32 s9  }
0x278: {  	v29 =	vshrl.u32 v33, v29;
	v33 =	vadd.f32 v22, v46;
	v41 =	vld [tilespmem:s22+$0x16500];
	(erf) = vpow2.f32 v34;
	v42 =	vpop (erf)  }
0x279: {  	v22 =	vand.u32 $0xFF, v38;
	v43 =	vmul.f32 v44, v14;
	v34 =	vmul.u32 $0x5C, v24;
	v38 =	vld [tilespmem:s2+$0x15500]  }
0x27a: {  	v46 =	vand.u32 $0xFF, v29;
	v44 =	vand.u32 $0x18, v49;
	v20 =	vadd.f32 v21, v20;
	v29 =	vld.idx.msk [tilespmem:v19+s21+$0x0], $0xffff  }
0x27b: {  	v31 =	vadd.f32 v31, v33;
	v21 =	vshrl.u32 v37, v44;
	v37 =	vmul.u32 $0x5C, v46;
	v44 =	vld.idx.msk [tilespmem:v47+s21+$0x0], $0xffff  }
0x27c: {  	v14 =	vmul.f32 v45, v14;
	v49 =	vand.u32 $0xFF, v21;
	v51 =	vadd.s32 v50, v34;
	v52 =	vld.idx.msk [tilespmem:v48+s21+$0x0], $0xffff  }
0x27d: {  	v20 =	vmul.f32 v27, v20;
	v21 =	vadd.s32 v49, v37;
	v34 =	vld.idx.msk [tilespmem:v17+s20+$0x0], $0xffff;
	v17 =	vmul.f32 v40, v15  }
0x27e: {  	v37 =	vmul.f32 $1.442695020e+00, v43;
	v27 =	vmul.u32 $0x3, v21;
	v33 =	vld.idx.msk [tilespmem:v16+s20+$0x0], $0xffff;
	v16 =	vmul.f32 v28, v31  }
0x27f: {  	v40 =	vmul.u32 $0x5C, v22;
	v15 =	vmul.f32 $1.442695020e+00, v14;
	v43 =	vsub.f32 $0.0e+00, v38;
	v45 =	vld.idx.msk [tilespmem:v11+s20+$0x0], $0xffff  }
0x280: {  	v53 =	vadd.s32 $0x1, v27;
	v21 =	vadd.s32 $0x2, v27;
	(erf) = vrcp.f32 v38;
	v54 =	vld.idx.msk [tilespmem:v23+s20+$0x0], $0xffff;
	v38 =	vpop (erf)  }
0x281: {  	v14 =	vsub.f32 $0.0e+00, v36;
	v11 =	vmul.f32 v44, v43;
	v31 =	vld.idx.msk [tilespmem:v47+s20+$0x0], $0xffff;
	v44 =	vpop (erf);
	(erf) = vpow2.f32 v15  }
0x282: {  	v15 =	vsub.f32 $0.0e+00, v25;
	v23 =	vmul.f32 v52, v43;
	v28 =	vld.idx.msk [tilespmem:v48+s20+$0x0], $0xffff;
	(erf) = vpow2.f32 v37  }
0x283: {  	v36 =	vadd.s32 v18, v40;
	v40 =	vmul.f32 $1.442695020e+00, v17;
	v37 =	vmul.f32 $1.442695020e+00, v11;
	v47 =	vld.idx.msk [tilespmem:v10+s20+$0x0], $0xffff  }
0x284: {  	v43 =	vmul.f32 v29, v43;
	v11 =	vmul.u32 $0x3, v36;
	v29 =	vmul.f32 $1.442695020e+00, v23;
	[tilespmem:s31+$0x18500] =	vst v2;
	v23 =	vld [tilespmem:s19+$0x16500];
	v2 =	vmovc v32  }
0x285: {  	v10 =	vmul.u32 $0x3, v51;
	v48 =	vld.idx.msk [tilespmem:v27+s21+$0x0], $0xffff;
	(erf) = vpow2.f32 v37;
	v37 =	vmul.f32 v16, v39  }
0x286: {  	v20 =	vmul.f32 v20, v41;
	v32 =	vmul.f32 v42, v45;
	v16 =	vadd.s32 $0x1, v11;
	v36 =	vld.idx.msk [tilespmem:v12+s20+$0x0], $0xffff  }
0x287: {  	v17 =	vadd.s32 $0x2, v10;
	(erf) = vpow2.f32 v29;
	v29 =	vld [tilespmem:s31+$0x16500];
	[tilespmem:s19+$0x18500] =	vst v0;
	v52 =	vmul.f32 $2.645885940e-01, v37;
	v0 =	vmovc v30;
	s31 =	smov.u32 s25;
	s19 =	smov.u32 s0  }
.Ltmp6:
0x288: {  	v20 =	vmul.f32 $2.645885940e-01, v20;
	v12 =	vadd.s32 $0x2, v11;
	v39 =	vld.idx.msk [tilespmem:v21+s21+$0x0], $0xffff;
	(erf) = vpow2.f32 v40;
	(pc) =	sbr.rel @p1 .LBB2_6-.Ltmp6, $4  }
0x289: {  	v40 =	vsub.f32 $0.0e+00, v35;
	v41 =	vmul.f32 v44, v47;
	v42 =	vld.idx.msk [tilespmem:v53+s21+$0x0], $0xffff;
	v51 =	vpop (erf);
	(erf) = vrcp.f32 v7  }
0x28a: {  	v30 =	vmul.u32 v49, v46;
	v44 =	vmul.f32 $1.442695020e+00, v43;
	v49 =	vmul.f32 v52, v9;
	v37 =	vld.idx.msk [tilespmem:v11+s21+$0x0], $0xffff;
	v45 =	vpop (erf)  }
0x28b: {  	v46 =	vmul.u32 v50, v24;
	v24 =	vmul.f32 v20, v26;
	v47 =	vmul.f32 v48, v40;
	v43 =	vld.idx.msk [tilespmem:v10+s21+$0x0], $0xffff;
	v9 =	vpop (erf)  }
0x28c: {  	s24 =	sadd.s32 $0x40, s24;
	v7 =	vmovc v25;
	v20 =	vld.idx.msk [tilespmem:v53+s20+$0x0], $0xffff;
	(erf) = vrcp.f32 v35;
	v26 =	vmul.f32 v9, v54;
	[tilespmem:s22+$0x17530] =	vst v49;
	v9 =	vmov v51  }
0x28d: {  	_ =	sdelay $0x1  }
0x28e: {  	v25 =	vmul.f32 $1.442695020e+00, v47;
	v35 =	vadd.s32 $0x1, v10;
	v34 =	vmul.f32 v45, v34  }
0x28f: {  	v45 =	vcvt.s32.f32 v46;
	v39 =	vmul.f32 v39, v40  }
0x290: {  	v58 =	vld.idx.msk [tilespmem:v16+s21+$0x0], $0xffff;
	(erf) = vpow2.f32 v44;
	v33 =	vmul.f32 v38, v33  }
0x291: {  	v61 =	vld.idx.msk [tilespmem:v17+s21+$0x0], $0xffff;
	v59 =	vmul.f32 v42, v40;
	v39 =	vmul.f32 $1.442695020e+00, v39  }
0x292: {  	v49 =	vld.idx.msk [tilespmem:v12+s21+$0x0], $0xffff;
	(erf) = vpow2.f32 v25;
	v37 =	vmul.f32 v37, v15  }
0x293: {  	v60 =	vmul.f32 v43, v14;
	v62 =	vmul.f32 $1.442695020e+00, v59;
	v63 =	vld.idx.msk [tilespmem:v35+s21+$0x0], $0xffff  }
0x294: {  	(erf) = vpow2.f32 v39;
	v47 =	vmul.f32 $1.442695020e+00, v37  }
0x295: {  	v46 =	vmul.f32 v58, v15;
	(erf) = vpow2.f32 v62  }
0x296: {  	v48 =	vmul.f32 $1.442695020e+00, v60;
	v42 =	vmul.f32 v61, v14  }
0x297: {  	v55 =	vmul.f32 v49, v15;
	v39 =	vmul.f32 $1.442695020e+00, v46  }
0x298: {  	v50 =	vpop (erf);
	(erf) = vpow2.f32 v47;
	v51 =	vmul.f32 v63, v14  }
0x299: {  	v26 =	vadd.f32 v26, v41;
	v52 =	vpop (erf);
	v53 =	vmul.f32 $1.442695020e+00, v42;
	(erf) = vpow2.f32 v39  }
0x29a: {  	v54 =	vpop (erf);
	(erf) = vpow2.f32 v48;
	v14 =	vmul.f32 $1.442695020e+00, v51  }
0x29b: {  	v19 =	vld.idx.msk [tilespmem:v19+s20+$0x0], $0xffff;
	v26 =	vadd.f32 v34, v26;
	v37 =	vpop (erf);
	v15 =	vmul.f32 $1.442695020e+00, v55;
	(erf) = vpow2.f32 v53  }
0x29c: {  	v21 =	vld.idx.msk [tilespmem:v21+s20+$0x0], $0xffff;
	v32 =	vadd.f32 v33, v32;
	v56 =	vmul.f32 v54, v36;
	v36 =	vpop (erf);
	(erf) = vpow2.f32 v14  }
0x29d: {  	v18 =	vmul.u32 v18, v22;
	v38 =	vld.idx.msk [tilespmem:v10+s20+$0x0], $0xffff;
	v3 =	vmul.f32 v3, v26;
	v57 =	vpop (erf);
	(erf) = vpow2.f32 v15  }
0x29e: {  	v30 =	vcvt.s32.f32 v30;
	v13 =	vcvt.s32.f32 v13;
	v58 =	vld.idx.msk [tilespmem:v27+s20+$0x0], $0xffff;
	v32 =	vadd.f32 v56, v32;
	v60 =	vpop (erf)  }
0x29f: {  	v11 =	vld.idx.msk [tilespmem:v11+s20+$0x0], $0xffff;
	v18 =	vcvt.s32.f32 v18;
	v3 =	vmul.f32 v3, v29;
	v61 =	vpop (erf)  }
0x2a0: {  	v59 =	vmul.f32 v50, v31;
	v62 =	vld.idx.msk [tilespmem:v16+s20+$0x0], $0xffff;
	v4 =	vmul.f32 v4, v32;
	v63 =	vpop (erf)  }
0x2a1: {  	v25 =	vmul.f32 v52, v28;
	v34 =	vld.idx.msk [tilespmem:v35+s20+$0x0], $0xffff;
	v3 =	vmul.f32 $2.645885940e-01, v3;
	v35 =	vpop (erf)  }
0x2a2: {  	v42 =	vld.idx.msk [tilespmem:v12+s20+$0x0], $0xffff;
	v4 =	vmul.f32 v4, v23;
	v14 =	vmul.f32 v57, v19;
	v39 =	vpop (erf)  }
0x2a3: {  	v40 =	vld.idx.msk [tilespmem:v17+s20+$0x0], $0xffff;
	v22 =	vmul.f32 v60, v58;
	v15 =	vmul.f32 v63, v20;
	v41 =	vpop (erf)  }
0x2a4: {  	v4 =	vmul.f32 $2.645885940e-01, v4;
	v21 =	vmul.f32 v61, v21;
	v46 =	vadd.f32 v59, v14;
	v43 =	vpop (erf)  }
0x2a5: {  	v11 =	vmul.f32 v35, v11;
	v15 =	vadd.f32 v15, v22;
	v50 =	vmul.f32 v39, v62;
	v44 =	vpop (erf)  }
0x2a6: {  	[tilespmem:s2+$0x18500] =	vst v5;
	v48 =	vld [tilespmem:s2+$0x16500];
	v5 =	vadd.f32 v25, v46;
	v10 =	vmul.f32 v41, v38;
	v47 =	vmul.f32 v44, v34;
	v53 =	vpop (erf)  }
0x2a7: {  	v51 =	vld [tilespmem:s30+$0x16500];
	(erf) = vrcp.f32 v7;
	v55 =	vadd.f32 v50, v11;
	v56 =	vmul.f32 v53, v42  }
0x2a8: {  	v58 =	vld [tilespmem:s19+$0x16500];
	v49 =	vadd.f32 v21, v15;
	v52 =	vmul.f32 v43, v40;
	v10 =	vadd.f32 v47, v10  }
0x2a9: {  	[tilespmem:s30+$0x18500] =	vst v6;
	v54 =	vld [tilespmem:s31+$0x16500];
	v1 =	vmul.f32 v3, v1;
	v57 =	vmul.f32 v13, v5;
	v7 =	vadd.f32 v56, v55  }
0x2aa: {  	[tilespmem:s31+$0x18500] =	vst v2;
	v4 =	vmul.f32 v4, v37;
	v6 =	vmul.f32 v30, v49;
	v2 =	vadd.f32 v52, v10  }
0x2ab: {  	v3 =	vmul.f32 v57, v48;
	v7 =	vmul.f32 v18, v7  }
0x2ac: {  	v6 =	vmul.f32 v6, v51;
	v2 =	vmul.f32 v45, v2  }
0x2ad: {  	[tilespmem:s22+$0x17500] =	vst v24;
	v3 =	vmul.f32 $2.645885940e-01, v3;
	v5 =	vmul.f32 v7, v58  }
0x2ae: {  	[tilespmem:s19+$0x18500] =	vst v0;
	v59 =	vmul.f32 $2.645885940e-01, v6;
	v2 =	vmul.f32 v2, v54  }
0x2af: {  	[tilespmem:s22+$0x17510] =	vst v1;
	v3 =	vmul.f32 v3, v9;
	v61 =	vmul.f32 $2.645885940e-01, v5  }
0x2b0: {  	[tilespmem:s22+$0x17520] =	vst v4;
	v60 =	vmul.f32 v59, v36;
	v62 =	vpop (erf);
	v2 =	vmul.f32 $2.645885940e-01, v2  }
0x2b1: {  	[tilespmem:s30+$0x17530] =	vst v3;
	v63 =	vmul.f32 v61, v62  }
0x2b2: {  	[tilespmem:s30+$0x17500] =	vst v60;
	v2 =	vmul.f32 v2, v8  }
0x2b3: {  	[tilespmem:s30+$0x17520] =	vst v63  }
0x2b4: {  	s0 =	simm.s32 $0x18500;
	s22 =	simm.s32 $0x17500;
	[tilespmem:s30+$0x17510] =	vst v2  }
0x2b5: {  	[spmem:s7] =	stream.indirect.scatter.add.f32 [tilespmem:s22], [sflag:$0x4], $0x1, s0, s29, $0xb8;
	[tilespmem:$0x1A570] =	vst v63  }
0x2b6: {  	s23 =	simm.s32 $0x18580;
	s24 =	simm.s32 $0x17580  }
0x2b7: {  	[spmem:s7] =	stream.indirect.scatter.add.f32 [tilespmem:s24], [sflag:$0x4], $0x1, s23, s29, $0xb8;
	[tilespmem:$0x1A570] =	vst v63  }
0x2b8: {  	s25 =	simm.s32 $0x18600;
	s26 =	simm.s32 $0x17600  }
0x2b9: {  	[spmem:s7] =	stream.indirect.scatter.add.f32 [tilespmem:s26], [sflag:$0x4], $0x1, s25, s29, $0xb8;
	[tilespmem:$0x1A570] =	vst v63  }
0x2ba: {  	s31 =	simm.s32 $0x17680;
	s30 =	simm.s32 $0x18680  }
0x2bb: {  	[spmem:s7] =	stream.indirect.scatter.add.f32 [tilespmem:s31], [sflag:$0x4], $0x1, s30, s29, $0xb8;
	[tilespmem:$0x1A570] =	vst v63  }
0x2bc: {  	s6 =	simm.s32 $0x18700;
	s9 =	simm.s32 $0x17700  }
0x2bd: {  	[spmem:s7] =	stream.indirect.scatter.add.f32 [tilespmem:s9], [sflag:$0x4], $0x1, s6, s29, $0xb8;
	[tilespmem:$0x1A570] =	vst v63  }
0x2be: {  	s10 =	simm.s32 $0x18780;
	s13 =	simm.s32 $0x17780  }
0x2bf: {  	[spmem:s7] =	stream.indirect.scatter.add.f32 [tilespmem:s13], [sflag:$0x4], $0x1, s10, s29, $0xb8;
	[tilespmem:$0x1A570] =	vst v63  }
0x2c0: {  	s19 =	simm.s32 $0x18800;
	s22 =	simm.s32 $0x17800  }
0x2c1: {  	[spmem:s7] =	stream.indirect.scatter.add.f32 [tilespmem:s22], [sflag:$0x4], $0x1, s19, s29, $0xb8;
	[tilespmem:$0x1A570] =	vst v63  }
0x2c2: {  	s23 =	simm.s32 $0x18880;
	s24 =	simm.s32 $0x17880  }
0x2c3: {  	[spmem:s7] =	stream.indirect.scatter.add.f32 [tilespmem:s24], [sflag:$0x4], $0x1, s23, s29, $0xb8;
	[tilespmem:$0x1A570] =	vst v63  }
0x2c4: {  	s25 =	simm.s32 $0x18900;
	s26 =	simm.s32 $0x17900  }
0x2c5: {  	[spmem:s7] =	stream.indirect.scatter.add.f32 [tilespmem:s26], [sflag:$0x4], $0x1, s25, s29, $0xb8;
	[tilespmem:$0x1A570] =	vst v63  }
0x2c6: {  	s30 =	simm.s32 $0x18980;
	s31 =	simm.s32 $0x17980  }
0x2c7: {  	[spmem:s7] =	stream.indirect.scatter.add.f32 [tilespmem:s31], [sflag:$0x4], $0x1, s30, s29, $0xb8;
	[tilespmem:$0x1A570] =	vst v63  }
0x2c8: {  	s6 =	simm.s32 $0x18A00;
	s9 =	simm.s32 $0x17A00  }
0x2c9: {  	[spmem:s7] =	stream.indirect.scatter.add.f32 [tilespmem:s9], [sflag:$0x4], $0x1, s6, s29, $0xb8;
	[tilespmem:$0x1A570] =	vst v63  }
0x2ca: {  	s10 =	simm.s32 $0x18A80;
	s13 =	simm.s32 $0x17A80  }
0x2cb: {  	[spmem:s7] =	stream.indirect.scatter.add.f32 [tilespmem:s13], [sflag:$0x4], $0x1, s10, s29, $0xb8;
	[tilespmem:$0x1A570] =	vst v63  }
0x2cc: {  	s19 =	simm.s32 $0x18B00;
	s22 =	simm.s32 $0x17B00  }
0x2cd: {  	[spmem:s7] =	stream.indirect.scatter.add.f32 [tilespmem:s22], [sflag:$0x4], $0x1, s19, s29, $0xb8;
	[tilespmem:$0x1A570] =	vst v63  }
0x2ce: {  	s23 =	simm.s32 $0x18B80;
	s24 =	simm.s32 $0x17B80  }
0x2cf: {  	[spmem:s7] =	stream.indirect.scatter.add.f32 [tilespmem:s24], [sflag:$0x4], $0x1, s23, s29, $0xb8;
	[tilespmem:$0x1A570] =	vst v63  }
.Ltmp7:
0x2d0: {  	_ = 	snop;
	(pc) =	sbr.rel .LBB2_8-.Ltmp7, $4  }
0x2d1: {  	s25 =	simm.s32 $0x18C00;
	s26 =	simm.s32 $0x17C00  }
0x2d2: {  	[spmem:s7] =	stream.indirect.scatter.add.f32 [tilespmem:s26], [sflag:$0x4], $0x1, s25, s29, $0xb8;
	[tilespmem:$0x1A570] =	vst v63  }
0x2d3: {  	s30 =	simm.s32 $0x18C80;
	s31 =	simm.s32 $0x17C80  }
0x2d4: {  	[spmem:s7] =	stream.indirect.scatter.add.f32 [tilespmem:s31], [sflag:$0x4], $0x1, s30, s29, $0xb8;
	[tilespmem:$0x1A570] =	vst v63  }
.LBB2_10:
0x2d5: {  	_ =	sfence.sel $0x180000  }
0x2d6: {  	[bflag:$0x0] =	sbarrier.arrive $0xFFFF  }
0x2d7: {  	_ =	strace $0x90000047  }
0x2d8: {  	[bflag:$0x2] =	sbarrier.arrive $0xFFFF  }
0x2d9: {  	s0 =	rddreg [dreg:$0x7]  }
0x2da: {  	s0 =	sadd.s32 @!p0 $0x100000, s0  }
0x2db: {  	[sflag:s0] =	ssyncadd.tile.s32 @!p0 $0x1;
	_ =	shalt  }
.Lfunc_end2:
_tile_overlayer_lowered:
.L_overlay_start_2:
0x2dc: {  	(tag) =	ssettag $0x2  }
0x2dd: {  	s0 =	rddreg [dreg:$0x0];
	s2 =	stileid.u32  }
0x2de: {  	s1 =	rddreg [dreg:$0x1];
	p0 =	sne.s32 s2, $0x0  }
0x2df: {  	s3 =	rddreg [dreg:$0x2];
	[bflag:$0x3] =	sbarrier.arrive $0xFFFF;
	s2 =	simm.s32 @!p0 $0x1C05  }
0x2e0: {  	[timem:s3], [sflag:s2] =	dma.local @!p0 [hbm:s0], s1  }
0x2e1: {  	s0 =	simm.s32 @!p0 $0x5  }
0x2e2: {  	_ =	swait.ge @!p0 [sflag:s0], s1  }
0x2e3: {  	s1 =	ssub.s32 @!p0 $0x0, s1;
	[sflag:s0] =	ssyncset.done @!p0 $0x0  }
0x2e4: {  	[sflag:s0] =	ssyncadd.s32 @!p0 s1  }
0x2e5: {  	[bflag:$0x3] =	sbarrier.arrive $0xFFFF  }
0x2e6: {  	_ =	shalt  }

</sc_bundles>
